<compile_context>
chip_gen: v7x
topology: tpu7x:2x2x1
jax: 0.10.2.dev20260603
libtpu: 0.0.44.dev20260713+nightly
codegen_flags: <defaults>
</compile_context>

<pallas_src>
import functools

import jax
import jax.numpy as jnp
from jax import lax
from jax.experimental import pallas as pl
from jax.experimental.pallas import tpu as pltpu
from jax.experimental.pallas import tpu_sc as plsc

N = 10000
E = 320000
D = 128
H = 128
C = 64

NC = 2
NS = 16
NW = NC * NS
CH = 128
HCH = CH // 2
NCHUNK = E // CH
MAXC = -(-NCHUNK // NW)
PASS0 = 40
EPAD = MAXC * NW * CH
NSINK = N + 8
ROWS_PER_TILE = 624
TAIL_ROWS = N - NS * ROWS_PER_TILE
TAIL_OFF = NS * ROWS_PER_TILE

BR = 1000
GRID = N // BR


def _dot_t(a, w):
    return lax.dot_general(a, w, (((1,), (1,)), ((), ())),
                           preferred_element_type=jnp.float32)



_ROW = pl.BlockSpec((BR, H), lambda i: (i, 0))
_WSPEC = pl.BlockSpec((H, H), lambda i: (0, 0))
_PARTS = pl.BlockSpec((NC, BR, H), lambda i: (0, i, 0))
_SHP = jax.ShapeDtypeStruct((N, H), jnp.float32)


def _k0_body(beta_ref, x_ref, wp_ref, wq_ref, wu_ref,
             p_ref, q_ref, s_ref, t_ref):
    x = x_ref[...]
    q = _dot_t(x, wq_ref[...])
    p_ref[...] = _dot_t(x, wp_ref[...])
    q_ref[...] = q
    s_ref[...] = beta_ref[0, 0] * q
    t_ref[...] = _dot_t(q, wu_ref[...])


def _k0_call(x, W_p, W_q, W_u, beta2):
    return pl.pallas_call(
        _k0_body,
        grid=(GRID,),
        in_specs=[pl.BlockSpec(memory_space=pltpu.SMEM),
                  _ROW, _WSPEC, _WSPEC, _WSPEC],
        out_specs=[_ROW, _ROW, _ROW, _ROW],
        out_shape=[_SHP, _SHP, _SHP, _SHP],
    )(beta2, x, W_p, W_q, W_u)


def _kupd_body(st_ref, pa_ref, s_ref, w_ref, ns_ref, t_ref):
    m = pa_ref[0] + pa_ref[1]
    ns = st_ref[...] + jnp.maximum(m + s_ref[...], 0.0)
    ns_ref[...] = ns
    t_ref[...] = _dot_t(ns, w_ref[...])


def _kupd_call(state, parts, source, W):
    return pl.pallas_call(
        _kupd_body,
        grid=(GRID,),
        in_specs=[_ROW, _PARTS, _ROW, _WSPEC],
        out_specs=[_ROW, _ROW],
        out_shape=[_SHP, _SHP],
    )(state, parts, source, W)


def _kout_body(st_ref, pa_ref, s_ref, w_ref, b_ref, o_ref):
    m = pa_ref[0] + pa_ref[1]
    ns = st_ref[...] + jnp.maximum(m + s_ref[...], 0.0)
    o_ref[...] = _dot_t(ns, w_ref[...]) + b_ref[...]


def _kout_call(state, parts, source, W_pad, b_pad):
    return pl.pallas_call(
        _kout_body,
        grid=(GRID,),
        in_specs=[_ROW, _PARTS, _ROW, _WSPEC,
                  pl.BlockSpec((1, H), lambda i: (0, 0))],
        out_specs=_ROW,
        out_shape=jax.ShapeDtypeStruct((N, H), jnp.float32),
    )(state, parts, source, W_pad, b_pad)



_SC_MESH = plsc.VectorSubcoreMesh(core_axis_name="c", subcore_axis_name="s")


@functools.partial(
    pl.kernel,
    out_type=jax.ShapeDtypeStruct((NC, N, H), jnp.float32),
    mesh=_SC_MESH,
    scratch_types=[
        pltpu.VMEM((PASS0, CH), jnp.int32),
        pltpu.VMEM((PASS0, CH), jnp.int32),
        pltpu.VMEM((2 * CH, H), jnp.float32),
        pltpu.VMEM_SHARED((NSINK, H), jnp.float32),
        pltpu.SemaphoreType.DMA,
        pltpu.SemaphoreType.DMA,
        pltpu.SemaphoreType.DMA,
        pltpu.SemaphoreType.DMA,
    ],
)
def _segsum_sc(t_hbm, src_hbm, dst_hbm, zeros_hbm, out_hbm,
               srcs_v, dsts_v, ring, acc_sh, sem0, sem1, sem2, sem3):
    cid = lax.axis_index("c")
    sid = lax.axis_index("s")
    wid = sid * NC + cid
    r0 = sid * ROWS_PER_TILE
    sems = (sem0, sem1, sem2, sem3)

    pltpu.sync_copy(zeros_hbm.at[pl.ds(r0, ROWS_PER_TILE)],
                    acc_sh.at[pl.ds(r0, ROWS_PER_TILE)])

    @pl.when(sid == 0)
    def _():
        pltpu.sync_copy(zeros_hbm.at[pl.ds(TAIL_OFF, TAIL_ROWS)],
                        acc_sh.at[pl.ds(TAIL_OFF, TAIL_ROWS)])

    plsc.subcore_barrier()

    def gather_halves(k, half):
        for j in range(2):
            pltpu.async_copy(
                t_hbm.at[srcs_v.at[k, pl.ds(j * HCH, HCH)]],
                ring.at[pl.ds(half * CH + j * HCH, HCH)],
                sems[half * 2 + j])

    def wait_halves(k, half):
        for j in range(2):
            pltpu.make_async_copy(
                t_hbm.at[srcs_v.at[k, pl.ds(j * HCH, HCH)]],
                ring.at[pl.ds(half * CH + j * HCH, HCH)],
                sems[half * 2 + j]).wait()

    def run_pass(base, n):
        pltpu.sync_copy(src_hbm.at[pl.ds(base, n), pl.ds(wid * CH, CH)],
                        srcs_v.at[pl.ds(0, n)])
        pltpu.sync_copy(dst_hbm.at[pl.ds(base, n), pl.ds(wid * CH, CH)],
                        dsts_v.at[pl.ds(0, n)])

        gather_halves(0, 0)
        if n > 1:
            gather_halves(1, 1)

        def step(k, half):
            wait_halves(k, half)
            pltpu.sync_copy(ring.at[pl.ds(half * CH, CH)],
                            acc_sh.at[dsts_v.at[k]], add=True)

            @pl.when(k + 2 < n)
            def _():
                gather_halves(k + 2, half)

        def body(k, carry):
            @pl.when(k % 2 == 0)
            def _():
                step(k, 0)

            @pl.when(k % 2 == 1)
            def _():
                step(k, 1)

            return carry

        lax.fori_loop(0, n, body, 0)

    run_pass(0, PASS0)
    run_pass(PASS0, MAXC - PASS0)
    plsc.subcore_barrier()
    pltpu.sync_copy(acc_sh.at[pl.ds(r0, ROWS_PER_TILE)],
                    out_hbm.at[cid, pl.ds(r0, ROWS_PER_TILE)])

    @pl.when(sid == 0)
    def _():
        pltpu.sync_copy(acc_sh.at[pl.ds(TAIL_OFF, TAIL_ROWS)],
                        out_hbm.at[cid, pl.ds(TAIL_OFF, TAIL_ROWS)])



def kernel(x, edge_index, beta, W_p, W_q, W_up, W_down, W_out, b_out):
    pad_src = jnp.zeros((EPAD - E,), jnp.int32)
    pad_dst = jnp.full((EPAD - E,), N, jnp.int32)
    src = jnp.concatenate([edge_index[0], pad_src]).reshape(MAXC, NW * CH)
    dst = jnp.concatenate([edge_index[1], pad_dst]).reshape(MAXC, NW * CH)
    zeros = jnp.zeros((N, H), jnp.float32)
    beta2 = jnp.reshape(beta.astype(jnp.float32), (1, 1))

    p, q, source, t = _k0_call(x, W_p, W_q, W_up[0], beta2)
    parts = _segsum_sc(t, src, dst, zeros)
    p, t = _kupd_call(p, parts, source, W_down[0])
    parts = _segsum_sc(t, src, dst, zeros)
    q, t = _kupd_call(q, parts, source, W_up[1])
    parts = _segsum_sc(t, src, dst, zeros)
    p, t = _kupd_call(p, parts, source, W_down[1])
    parts = _segsum_sc(t, src, dst, zeros)

    W_pad = jnp.zeros((H, H), jnp.float32).at[:C].set(W_out)
    b_pad = jnp.zeros((1, H), jnp.float32).at[0, :C].set(b_out)
    out_pad = _kout_call(q, parts, source, W_pad, b_pad)
    return out_pad[:, :C]

# --- scband reference (transcript-rebuilt; emitter-appended) ---
"""Pipeline reference for scband-sgnn-source-64716567216296 (READ-ONLY COPY).

The authoritative reference and input builder live on the scoring server;
editing this copy changes nothing except your own understanding.
"""

import jax, jax.numpy as jnp
import numpy as np

N = 10000
E = 320000
D = 128
H = 128
C = 64
L = 2


def setup_inputs(seed: int = 0) -> dict:
    key = jax.random.key(seed)
    ks = jax.random.split(key, 10)
    x = jax.random.normal(ks[0], (N, D), dtype=jnp.float32)
    edge_index = jax.random.randint(ks[1], (2, E), 0, N, dtype=jnp.int32)
    sD = 1.0 / np.sqrt(D)
    sH = 1.0 / np.sqrt(H)
    beta = jnp.array(0.0, dtype=jnp.float32)
    W_p = jax.random.normal(ks[2], (H, D), dtype=jnp.float32) * sD
    W_q = jax.random.normal(ks[3], (H, D), dtype=jnp.float32) * sD
    W_up = jax.random.normal(ks[4], (L, H, H), dtype=jnp.float32) * sH
    W_down = jax.random.normal(ks[5], (L, H, H), dtype=jnp.float32) * sH
    W_out = jax.random.normal(ks[6], (C, H), dtype=jnp.float32) * sH
    b_out = jnp.zeros((C,), dtype=jnp.float32)
    return {"x": x, "edge_index": edge_index, "beta": beta, "W_p": W_p,
            "W_q": W_q, "W_up": W_up, "W_down": W_down, "W_out": W_out,
            "b_out": b_out}


def reference(x, edge_index, beta, W_p, W_q, W_up, W_down, W_out, b_out):
    # SGNN_source forward (dropout p=0.0 -> identity)
    p = x @ W_p.T
    q = x @ W_q.T
    source = beta * q
    src = edge_index[0]
    dst = edge_index[1]
    for l in range(L):
        # LACombinedUpSource: aggregate transformed q over edges, update p
        m = jax.ops.segment_sum((q @ W_up[l].T)[src], dst, num_segments=N)
        p = p + jax.nn.relu(m + source)
        # LACombinedDownSource: aggregate transformed p over edges, update q
        m = jax.ops.segment_sum((p @ W_down[l].T)[src], dst, num_segments=N)
        q = q + jax.nn.relu(m + source)
    out = q @ W_out.T + b_out
    return out

if __name__ == "__main__":
    import jax
    _d = setup_inputs()
    print(jax.jit(kernel)(*tuple(_d.values())))

</pallas_src>

<mosaic_0001>
#map = affine_map<(d0, d1) -> (0, 0)>
#map1 = affine_map<(d0, d1) -> (0, 0, 0)>
module attributes {stable_mosaic.version = 14 : i64} {
  func.func @_segsum_sc(%arg0: i32, %arg1: i32, %arg2: memref<10000x128xf32, #tpu.memory_space<hbm>>, %arg3: memref<79x4096xi32, #tpu.memory_space<hbm>>, %arg4: memref<79x4096xi32, #tpu.memory_space<hbm>>, %arg5: memref<10000x128xf32, #tpu.memory_space<hbm>>, %arg6: memref<2x10000x128xf32, #tpu.memory_space<hbm>>, %arg7: memref<40x128xi32, #tpu.memory_space<vmem>>, %arg8: memref<40x128xi32, #tpu.memory_space<vmem>>, %arg9: memref<256x128xf32, #tpu.memory_space<vmem>>, %arg10: memref<10008x128xf32, #tpu.memory_space<vmem_shared>>, %arg11: memref<!tpu.dma_semaphore, #tpu.memory_space<semaphore_mem>>, %arg12: memref<!tpu.dma_semaphore, #tpu.memory_space<semaphore_mem>>, %arg13: memref<!tpu.dma_semaphore, #tpu.memory_space<semaphore_mem>>, %arg14: memref<!tpu.dma_semaphore, #tpu.memory_space<semaphore_mem>>) attributes {dimension_semantics = [#tpu.dimension_semantics<core_parallel>, #tpu.dimension_semantics<subcore_parallel>], iteration_bounds = array<i64: 2, 16>, scalar_prefetch = 0 : i64, scratch_operands = 8 : i64, tpu.core_type = #tpu.core_type<sc_vector_subcore>, window_params = [{transform_indices = #map}, {transform_indices = #map}, {transform_indices = #map}, {transform_indices = #map}, {transform_indices = #map1}]} {
    %mul3A = arith.constant 2 : i32
    %mul3A_0 = arith.muli %arg1, %mul3A : i32
    %add3A = arith.addi %mul3A_0, %arg0 : i32
    %mul3A_1 = arith.constant 624 : i32
    %mul3A_2 = arith.muli %arg1, %mul3A_1 : i32
    "tpu.region"() ({
      %run_scoped3A = tpu.sem_alloc : memref<!tpu.dma_semaphore, #tpu.memory_space<semaphore_mem>>
      %dma_start3A_109 = arith.constant 0 : i32
      %dma_start3A_110 = tpu.memref_slice %arg10[%mul3A_2, %dma_start3A_109] : memref<10008x128xf32, #tpu.memory_space<vmem_shared>> -> memref<624x128xf32, #tpu.memory_space<vmem_shared>>
      %dma_start3A_111 = arith.constant 0 : i32
      %dma_start3A_112 = tpu.memref_slice %arg5[%mul3A_2, %dma_start3A_111] : memref<10000x128xf32, #tpu.memory_space<hbm>> -> memref<624x128xf32, #tpu.memory_space<hbm>>
      tpu.enqueue_dma source(%dma_start3A_112 : memref<624x128xf32, #tpu.memory_space<hbm>>) target(%dma_start3A_110 : memref<624x128xf32, #tpu.memory_space<vmem_shared>>) target_semaphore(%run_scoped3A : memref<!tpu.dma_semaphore, #tpu.memory_space<semaphore_mem>>)
      %dma_wait3A = arith.constant 0 : i32
      %dma_wait3A_113 = tpu.memref_slice %arg10[%mul3A_2, %dma_wait3A] : memref<10008x128xf32, #tpu.memory_space<vmem_shared>> -> memref<624x128xf32, #tpu.memory_space<vmem_shared>>
      %dma_wait3A_114 = arith.constant 0 : i32
      %dma_wait3A_115 = tpu.memref_slice %arg5[%mul3A_2, %dma_wait3A_114] : memref<10000x128xf32, #tpu.memory_space<hbm>> -> memref<624x128xf32, #tpu.memory_space<hbm>>
      tpu.wait_dma2 semaphore(%run_scoped3A : memref<!tpu.dma_semaphore, #tpu.memory_space<semaphore_mem>>) src(%dma_wait3A_115 : memref<624x128xf32, #tpu.memory_space<hbm>>) dst(%dma_wait3A_113 : memref<624x128xf32, #tpu.memory_space<vmem_shared>>)
      tpu.yield
    }) : () -> ()
    %eq3A = arith.constant 0 : i32
    %eq3A_3 = arith.cmpi eq, %arg1, %eq3A : i32
    %convert_element_type3A = arith.extui %eq3A_3 : i1 to i32
    %cond3A = arith.constant 0 : i32
    %cond3A_4 = arith.cmpi ne, %convert_element_type3A, %cond3A : i32
    scf.if %cond3A_4 {
      "tpu.region"() ({
        %run_scoped3A = tpu.sem_alloc : memref<!tpu.dma_semaphore, #tpu.memory_space<semaphore_mem>>
        %dma_start3A_109 = arith.constant 9984 : i32
        %dma_start3A_110 = arith.constant 0 : i32
        %dma_start3A_111 = tpu.memref_slice %arg10[%dma_start3A_109, %dma_start3A_110] : memref<10008x128xf32, #tpu.memory_space<vmem_shared>> -> memref<16x128xf32, #tpu.memory_space<vmem_shared>>
        %dma_start3A_112 = arith.constant 9984 : i32
        %dma_start3A_113 = arith.constant 0 : i32
        %dma_start3A_114 = tpu.memref_slice %arg5[%dma_start3A_112, %dma_start3A_113] : memref<10000x128xf32, #tpu.memory_space<hbm>> -> memref<16x128xf32, #tpu.memory_space<hbm>>
        tpu.enqueue_dma source(%dma_start3A_114 : memref<16x128xf32, #tpu.memory_space<hbm>>) target(%dma_start3A_111 : memref<16x128xf32, #tpu.memory_space<vmem_shared>>) target_semaphore(%run_scoped3A : memref<!tpu.dma_semaphore, #tpu.memory_space<semaphore_mem>>)
        %dma_wait3A = arith.constant 9984 : i32
        %dma_wait3A_115 = arith.constant 0 : i32
        %dma_wait3A_116 = tpu.memref_slice %arg10[%dma_wait3A, %dma_wait3A_115] : memref<10008x128xf32, #tpu.memory_space<vmem_shared>> -> memref<16x128xf32, #tpu.memory_space<vmem_shared>>
        %dma_wait3A_117 = arith.constant 9984 : i32
        %dma_wait3A_118 = arith.constant 0 : i32
        %dma_wait3A_119 = tpu.memref_slice %arg5[%dma_wait3A_117, %dma_wait3A_118] : memref<10000x128xf32, #tpu.memory_space<hbm>> -> memref<16x128xf32, #tpu.memory_space<hbm>>
        tpu.wait_dma2 semaphore(%run_scoped3A : memref<!tpu.dma_semaphore, #tpu.memory_space<semaphore_mem>>) src(%dma_wait3A_119 : memref<16x128xf32, #tpu.memory_space<hbm>>) dst(%dma_wait3A_116 : memref<16x128xf32, #tpu.memory_space<vmem_shared>>)
        tpu.yield
      }) : () -> ()
    } else {
    }
    %barrier3A = arith.constant 0 : index
    tpu.barrier barrier_id(%barrier3A)
    %mul3A_5 = arith.constant 128 : i32
    %mul3A_6 = arith.muli %add3A, %mul3A_5 : i32
    "tpu.region"() ({
      %run_scoped3A = tpu.sem_alloc : memref<!tpu.dma_semaphore, #tpu.memory_space<semaphore_mem>>
      %dma_start3A_109 = arith.constant 0 : i32
      %dma_start3A_110 = arith.constant 0 : i32
      %dma_start3A_111 = tpu.memref_slice %arg7[%dma_start3A_109, %dma_start3A_110] : memref<40x128xi32, #tpu.memory_space<vmem>> -> memref<40x128xi32, #tpu.memory_space<vmem>>
      %dma_start3A_112 = arith.constant 0 : i32
      %dma_start3A_113 = tpu.memref_slice %arg3[%dma_start3A_112, %mul3A_6] : memref<79x4096xi32, #tpu.memory_space<hbm>> -> memref<40x128xi32, #tpu.memory_space<hbm>>
      %dma_start3A_114 = arith.constant 0 : i32
      %dma_start3A_115 = arith.constant 0 : i32
      %dma_start3A_116 = tpu.memref_slice %arg7[%dma_start3A_114, %dma_start3A_115] : memref<40x128xi32, #tpu.memory_space<vmem>> -> memref<40x128xi32, #tpu.memory_space<vmem>>
      %dma_start3A_117 = arith.constant 0 : i32
      %dma_start3A_118 = tpu.memref_slice %arg3[%dma_start3A_117, %mul3A_6] : memref<79x4096xi32, #tpu.memory_space<hbm>> -> memref<40x128xi32, #tpu.memory_space<hbm>>
      tpu.enqueue_dma source(%dma_start3A_118 : memref<40x128xi32, #tpu.memory_space<hbm>>) target(%dma_start3A_116 : memref<40x128xi32, #tpu.memory_space<vmem>>) target_semaphore(%run_scoped3A : memref<!tpu.dma_semaphore, #tpu.memory_space<semaphore_mem>>)
      %dma_wait3A = arith.constant 0 : i32
      %dma_wait3A_119 = arith.constant 0 : i32
      %dma_wait3A_120 = tpu.memref_slice %arg7[%dma_wait3A, %dma_wait3A_119] : memref<40x128xi32, #tpu.memory_space<vmem>> -> memref<40x128xi32, #tpu.memory_space<vmem>>
      %dma_wait3A_121 = arith.constant 0 : i32
      %dma_wait3A_122 = tpu.memref_slice %arg3[%dma_wait3A_121, %mul3A_6] : memref<79x4096xi32, #tpu.memory_space<hbm>> -> memref<40x128xi32, #tpu.memory_space<hbm>>
      %dma_wait3A_123 = arith.constant 0 : i32
      %dma_wait3A_124 = arith.constant 0 : i32
      %dma_wait3A_125 = tpu.memref_slice %arg7[%dma_wait3A_123, %dma_wait3A_124] : memref<40x128xi32, #tpu.memory_space<vmem>> -> memref<40x128xi32, #tpu.memory_space<vmem>>
      %dma_wait3A_126 = arith.constant 0 : i32
      %dma_wait3A_127 = tpu.memref_slice %arg3[%dma_wait3A_126, %mul3A_6] : memref<79x4096xi32, #tpu.memory_space<hbm>> -> memref<40x128xi32, #tpu.memory_space<hbm>>
      tpu.wait_dma2 semaphore(%run_scoped3A : memref<!tpu.dma_semaphore, #tpu.memory_space<semaphore_mem>>) src(%dma_wait3A_127 : memref<40x128xi32, #tpu.memory_space<hbm>>) dst(%dma_wait3A_125 : memref<40x128xi32, #tpu.memory_space<vmem>>)
      tpu.yield
    }) : () -> ()
    %mul3A_7 = arith.constant 128 : i32
    %mul3A_8 = arith.muli %add3A, %mul3A_7 : i32
    "tpu.region"() ({
      %run_scoped3A = tpu.sem_alloc : memref<!tpu.dma_semaphore, #tpu.memory_space<semaphore_mem>>
      %dma_start3A_109 = arith.constant 0 : i32
      %dma_start3A_110 = arith.constant 0 : i32
      %dma_start3A_111 = tpu.memref_slice %arg8[%dma_start3A_109, %dma_start3A_110] : memref<40x128xi32, #tpu.memory_space<vmem>> -> memref<40x128xi32, #tpu.memory_space<vmem>>
      %dma_start3A_112 = arith.constant 0 : i32
      %dma_start3A_113 = tpu.memref_slice %arg4[%dma_start3A_112, %mul3A_8] : memref<79x4096xi32, #tpu.memory_space<hbm>> -> memref<40x128xi32, #tpu.memory_space<hbm>>
      %dma_start3A_114 = arith.constant 0 : i32
      %dma_start3A_115 = arith.constant 0 : i32
      %dma_start3A_116 = tpu.memref_slice %arg8[%dma_start3A_114, %dma_start3A_115] : memref<40x128xi32, #tpu.memory_space<vmem>> -> memref<40x128xi32, #tpu.memory_space<vmem>>
      %dma_start3A_117 = arith.constant 0 : i32
      %dma_start3A_118 = tpu.memref_slice %arg4[%dma_start3A_117, %mul3A_8] : memref<79x4096xi32, #tpu.memory_space<hbm>> -> memref<40x128xi32, #tpu.memory_space<hbm>>
      tpu.enqueue_dma source(%dma_start3A_118 : memref<40x128xi32, #tpu.memory_space<hbm>>) target(%dma_start3A_116 : memref<40x128xi32, #tpu.memory_space<vmem>>) target_semaphore(%run_scoped3A : memref<!tpu.dma_semaphore, #tpu.memory_space<semaphore_mem>>)
      %dma_wait3A = arith.constant 0 : i32
      %dma_wait3A_119 = arith.constant 0 : i32
      %dma_wait3A_120 = tpu.memref_slice %arg8[%dma_wait3A, %dma_wait3A_119] : memref<40x128xi32, #tpu.memory_space<vmem>> -> memref<40x128xi32, #tpu.memory_space<vmem>>
      %dma_wait3A_121 = arith.constant 0 : i32
      %dma_wait3A_122 = tpu.memref_slice %arg4[%dma_wait3A_121, %mul3A_8] : memref<79x4096xi32, #tpu.memory_space<hbm>> -> memref<40x128xi32, #tpu.memory_space<hbm>>
      %dma_wait3A_123 = arith.constant 0 : i32
      %dma_wait3A_124 = arith.constant 0 : i32
      %dma_wait3A_125 = tpu.memref_slice %arg8[%dma_wait3A_123, %dma_wait3A_124] : memref<40x128xi32, #tpu.memory_space<vmem>> -> memref<40x128xi32, #tpu.memory_space<vmem>>
      %dma_wait3A_126 = arith.constant 0 : i32
      %dma_wait3A_127 = tpu.memref_slice %arg4[%dma_wait3A_126, %mul3A_8] : memref<79x4096xi32, #tpu.memory_space<hbm>> -> memref<40x128xi32, #tpu.memory_space<hbm>>
      tpu.wait_dma2 semaphore(%run_scoped3A : memref<!tpu.dma_semaphore, #tpu.memory_space<semaphore_mem>>) src(%dma_wait3A_127 : memref<40x128xi32, #tpu.memory_space<hbm>>) dst(%dma_wait3A_125 : memref<40x128xi32, #tpu.memory_space<vmem>>)
      tpu.yield
    }) : () -> ()
    %dma_start3A = arith.constant 0 : i32
    %dma_start3A_9 = arith.constant 0 : i32
    %dma_start3A_10 = arith.constant 0 : i32
    %dma_start3A_11 = tpu.memref_slice %arg9[%dma_start3A_9, %dma_start3A_10] : memref<256x128xf32, #tpu.memory_space<vmem>> -> memref<64x128xf32, #tpu.memory_space<vmem>>
    %dma_start3A_12 = arith.constant 0 : i32
    %dma_start3A_13 = tpu.memref_slice %arg7[%dma_start3A, %dma_start3A_12] : memref<40x128xi32, #tpu.memory_space<vmem>> -> memref<1x64xi32, #tpu.memory_space<vmem>>
    %dma_start3A_14 = tpu.memref_squeeze %dma_start3A_13 : memref<1x64xi32, #tpu.memory_space<vmem>> -> memref<64xi32, #tpu.memory_space<vmem>>
    %dma_start3A_15 = arith.constant 0 : i32
    %dma_start3A_16 = arith.constant 0 : i32
    %dma_start3A_17 = tpu.memref_slice %arg2[%dma_start3A_15, %dma_start3A_16] : memref<10000x128xf32, #tpu.memory_space<hbm>> -> memref<10000x128xf32, #tpu.memory_space<hbm>>
    tpu.enqueue_indirect_dma source(%dma_start3A_17 : memref<10000x128xf32, #tpu.memory_space<hbm>>) target(%dma_start3A_11 : memref<64x128xf32, #tpu.memory_space<vmem>>) offsets(%dma_start3A_14 : memref<64xi32, #tpu.memory_space<vmem>>) semaphore(%arg11 : memref<!tpu.dma_semaphore, #tpu.memory_space<semaphore_mem>>)
    %dma_start3A_18 = arith.constant 0 : i32
    %dma_start3A_19 = arith.constant 64 : i32
    %dma_start3A_20 = arith.constant 0 : i32
    %dma_start3A_21 = tpu.memref_slice %arg9[%dma_start3A_19, %dma_start3A_20] : memref<256x128xf32, #tpu.memory_space<vmem>> -> memref<64x128xf32, #tpu.memory_space<vmem>>
    %dma_start3A_22 = arith.constant 64 : i32
    %dma_start3A_23 = tpu.memref_slice %arg7[%dma_start3A_18, %dma_start3A_22] : memref<40x128xi32, #tpu.memory_space<vmem>> -> memref<1x64xi32, #tpu.memory_space<vmem>>
    %dma_start3A_24 = tpu.memref_squeeze %dma_start3A_23 : memref<1x64xi32, #tpu.memory_space<vmem>> -> memref<64xi32, #tpu.memory_space<vmem>>
    %dma_start3A_25 = arith.constant 0 : i32
    %dma_start3A_26 = arith.constant 0 : i32
    %dma_start3A_27 = tpu.memref_slice %arg2[%dma_start3A_25, %dma_start3A_26] : memref<10000x128xf32, #tpu.memory_space<hbm>> -> memref<10000x128xf32, #tpu.memory_space<hbm>>
    tpu.enqueue_indirect_dma source(%dma_start3A_27 : memref<10000x128xf32, #tpu.memory_space<hbm>>) target(%dma_start3A_21 : memref<64x128xf32, #tpu.memory_space<vmem>>) offsets(%dma_start3A_24 : memref<64xi32, #tpu.memory_space<vmem>>) semaphore(%arg12 : memref<!tpu.dma_semaphore, #tpu.memory_space<semaphore_mem>>)
    %dma_start3A_28 = arith.constant 1 : i32
    %dma_start3A_29 = arith.constant 128 : i32
    %dma_start3A_30 = arith.constant 0 : i32
    %dma_start3A_31 = tpu.memref_slice %arg9[%dma_start3A_29, %dma_start3A_30] : memref<256x128xf32, #tpu.memory_space<vmem>> -> memref<64x128xf32, #tpu.memory_space<vmem>>
    %dma_start3A_32 = arith.constant 0 : i32
    %dma_start3A_33 = tpu.memref_slice %arg7[%dma_start3A_28, %dma_start3A_32] : memref<40x128xi32, #tpu.memory_space<vmem>> -> memref<1x64xi32, #tpu.memory_space<vmem>>
    %dma_start3A_34 = tpu.memref_squeeze %dma_start3A_33 : memref<1x64xi32, #tpu.memory_space<vmem>> -> memref<64xi32, #tpu.memory_space<vmem>>
    %dma_start3A_35 = arith.constant 0 : i32
    %dma_start3A_36 = arith.constant 0 : i32
    %dma_start3A_37 = tpu.memref_slice %arg2[%dma_start3A_35, %dma_start3A_36] : memref<10000x128xf32, #tpu.memory_space<hbm>> -> memref<10000x128xf32, #tpu.memory_space<hbm>>
    tpu.enqueue_indirect_dma source(%dma_start3A_37 : memref<10000x128xf32, #tpu.memory_space<hbm>>) target(%dma_start3A_31 : memref<64x128xf32, #tpu.memory_space<vmem>>) offsets(%dma_start3A_34 : memref<64xi32, #tpu.memory_space<vmem>>) semaphore(%arg13 : memref<!tpu.dma_semaphore, #tpu.memory_space<semaphore_mem>>)
    %dma_start3A_38 = arith.constant 1 : i32
    %dma_start3A_39 = arith.constant 192 : i32
    %dma_start3A_40 = arith.constant 0 : i32
    %dma_start3A_41 = tpu.memref_slice %arg9[%dma_start3A_39, %dma_start3A_40] : memref<256x128xf32, #tpu.memory_space<vmem>> -> memref<64x128xf32, #tpu.memory_space<vmem>>
    %dma_start3A_42 = arith.constant 64 : i32
    %dma_start3A_43 = tpu.memref_slice %arg7[%dma_start3A_38, %dma_start3A_42] : memref<40x128xi32, #tpu.memory_space<vmem>> -> memref<1x64xi32, #tpu.memory_space<vmem>>
    %dma_start3A_44 = tpu.memref_squeeze %dma_start3A_43 : memref<1x64xi32, #tpu.memory_space<vmem>> -> memref<64xi32, #tpu.memory_space<vmem>>
    %dma_start3A_45 = arith.constant 0 : i32
    %dma_start3A_46 = arith.constant 0 : i32
    %dma_start3A_47 = tpu.memref_slice %arg2[%dma_start3A_45, %dma_start3A_46] : memref<10000x128xf32, #tpu.memory_space<hbm>> -> memref<10000x128xf32, #tpu.memory_space<hbm>>
    tpu.enqueue_indirect_dma source(%dma_start3A_47 : memref<10000x128xf32, #tpu.memory_space<hbm>>) target(%dma_start3A_41 : memref<64x128xf32, #tpu.memory_space<vmem>>) offsets(%dma_start3A_44 : memref<64xi32, #tpu.memory_space<vmem>>) semaphore(%arg14 : memref<!tpu.dma_semaphore, #tpu.memory_space<semaphore_mem>>)
    %scan3A = arith.constant 0 : i32
    %scan3A_48 = arith.constant 0 : i32
    %scan3A_49 = arith.constant 40 : i32
    %scan3A_50 = arith.addi %scan3A_48, %scan3A_49 : i32
    %scan3A_51 = arith.constant 1 : i32
    scf.for %scan3A_109 = %scan3A_48 to %scan3A_50 step %scan3A_51  : i32 {
      %jit3A = arith.constant 2 : i32
      %eq3A_110 = arith.constant 0 : i32
      %eq3A_111 = arith.cmpi eq, %jit3A, %eq3A_110 : i32
      %jit3A_112 = arith.constant 1 : i32
      %select_n3A = arith.select %eq3A_111, %jit3A_112, %jit3A : i32
      %rem3A = arith.remsi %scan3A_109, %select_n3A : i32
      %ne3A = arith.constant 0 : i32
      %ne3A_113 = arith.cmpi ne, %rem3A, %ne3A : i32
      %lt3A = arith.constant 0 : i32
      %lt3A_114 = arith.cmpi slt, %rem3A, %lt3A : i32
      %lt3A_115 = arith.constant 0 : i32
      %lt3A_116 = arith.cmpi slt, %select_n3A, %lt3A_115 : i32
      %ne3A_117 = arith.xori %lt3A_114, %lt3A_116 : i1
      %and3A = arith.andi %ne3A_117, %ne3A_113 : i1
      %add3A_118 = arith.addi %rem3A, %select_n3A : i32
      %select_n3A_119 = arith.select %and3A, %add3A_118, %rem3A : i32
      %eq3A_120 = arith.constant 0 : i32
      %eq3A_121 = arith.cmpi eq, %select_n3A_119, %eq3A_120 : i32
      %convert_element_type3A_122 = arith.extui %eq3A_121 : i1 to i32
      %cond3A_123 = arith.constant 0 : i32
      %cond3A_124 = arith.cmpi ne, %convert_element_type3A_122, %cond3A_123 : i32
      scf.if %cond3A_124 {
        %dma_wait3A = arith.constant 0 : i32
        %dma_wait3A_146 = arith.constant 0 : i32
        %dma_wait3A_147 = tpu.memref_slice %arg9[%dma_wait3A, %dma_wait3A_146] : memref<256x128xf32, #tpu.memory_space<vmem>> -> memref<64x128xf32, #tpu.memory_space<vmem>>
        %dma_wait3A_148 = arith.constant 0 : i32
        %dma_wait3A_149 = tpu.memref_slice %arg7[%scan3A_109, %dma_wait3A_148] : memref<40x128xi32, #tpu.memory_space<vmem>> -> memref<1x64xi32, #tpu.memory_space<vmem>>
        %dma_wait3A_150 = tpu.memref_squeeze %dma_wait3A_149 : memref<1x64xi32, #tpu.memory_space<vmem>> -> memref<64xi32, #tpu.memory_space<vmem>>
        %dma_wait3A_151 = arith.constant 0 : i32
        %dma_wait3A_152 = arith.constant 0 : i32
        %dma_wait3A_153 = tpu.memref_slice %arg2[%dma_wait3A_151, %dma_wait3A_152] : memref<10000x128xf32, #tpu.memory_space<hbm>> -> memref<10000x128xf32, #tpu.memory_space<hbm>>
        tpu.wait_indirect_dma semaphore(%arg11 : memref<!tpu.dma_semaphore, #tpu.memory_space<semaphore_mem>>) src(%dma_wait3A_153 : memref<10000x128xf32, #tpu.memory_space<hbm>>) dst(%dma_wait3A_147 : memref<64x128xf32, #tpu.memory_space<vmem>>)
        %dma_wait3A_154 = arith.constant 64 : i32
        %dma_wait3A_155 = arith.constant 0 : i32
        %dma_wait3A_156 = tpu.memref_slice %arg9[%dma_wait3A_154, %dma_wait3A_155] : memref<256x128xf32, #tpu.memory_space<vmem>> -> memref<64x128xf32, #tpu.memory_space<vmem>>
        %dma_wait3A_157 = arith.constant 64 : i32
        %dma_wait3A_158 = tpu.memref_slice %arg7[%scan3A_109, %dma_wait3A_157] : memref<40x128xi32, #tpu.memory_space<vmem>> -> memref<1x64xi32, #tpu.memory_space<vmem>>
        %dma_wait3A_159 = tpu.memref_squeeze %dma_wait3A_158 : memref<1x64xi32, #tpu.memory_space<vmem>> -> memref<64xi32, #tpu.memory_space<vmem>>
        %dma_wait3A_160 = arith.constant 0 : i32
        %dma_wait3A_161 = arith.constant 0 : i32
        %dma_wait3A_162 = tpu.memref_slice %arg2[%dma_wait3A_160, %dma_wait3A_161] : memref<10000x128xf32, #tpu.memory_space<hbm>> -> memref<10000x128xf32, #tpu.memory_space<hbm>>
        tpu.wait_indirect_dma semaphore(%arg12 : memref<!tpu.dma_semaphore, #tpu.memory_space<semaphore_mem>>) src(%dma_wait3A_162 : memref<10000x128xf32, #tpu.memory_space<hbm>>) dst(%dma_wait3A_156 : memref<64x128xf32, #tpu.memory_space<vmem>>)
        "tpu.region"() ({
          %run_scoped3A = tpu.sem_alloc : memref<!tpu.dma_semaphore, #tpu.memory_space<semaphore_mem>>
          %dma_start3A_170 = arith.constant 0 : i32
          %dma_start3A_171 = arith.constant 0 : i32
          %dma_start3A_172 = tpu.memref_slice %arg9[%dma_start3A_170, %dma_start3A_171] : memref<256x128xf32, #tpu.memory_space<vmem>> -> memref<128x128xf32, #tpu.memory_space<vmem>>
          %dma_start3A_173 = arith.constant 0 : i32
          %dma_start3A_174 = tpu.memref_slice %arg8[%scan3A_109, %dma_start3A_173] : memref<40x128xi32, #tpu.memory_space<vmem>> -> memref<1x128xi32, #tpu.memory_space<vmem>>
          %dma_start3A_175 = tpu.memref_squeeze %dma_start3A_174 : memref<1x128xi32, #tpu.memory_space<vmem>> -> memref<128xi32, #tpu.memory_space<vmem>>
          %dma_start3A_176 = arith.constant 0 : i32
          %dma_start3A_177 = arith.constant 0 : i32
          %dma_start3A_178 = tpu.memref_slice %arg10[%dma_start3A_176, %dma_start3A_177] : memref<10008x128xf32, #tpu.memory_space<vmem_shared>> -> memref<10008x128xf32, #tpu.memory_space<vmem_shared>>
          tpu.enqueue_indirect_dma source(%dma_start3A_172 : memref<128x128xf32, #tpu.memory_space<vmem>>) target(%dma_start3A_178 : memref<10008x128xf32, #tpu.memory_space<vmem_shared>>) offsets(%dma_start3A_175 : memref<128xi32, #tpu.memory_space<vmem>>) semaphore(%run_scoped3A : memref<!tpu.dma_semaphore, #tpu.memory_space<semaphore_mem>>) {add = true}
          %dma_wait3A_179 = arith.constant 0 : i32
          %dma_wait3A_180 = arith.constant 0 : i32
          %dma_wait3A_181 = tpu.memref_slice %arg9[%dma_wait3A_179, %dma_wait3A_180] : memref<256x128xf32, #tpu.memory_space<vmem>> -> memref<128x128xf32, #tpu.memory_space<vmem>>
          %dma_wait3A_182 = arith.constant 0 : i32
          %dma_wait3A_183 = tpu.memref_slice %arg8[%scan3A_109, %dma_wait3A_182] : memref<40x128xi32, #tpu.memory_space<vmem>> -> memref<1x128xi32, #tpu.memory_space<vmem>>
          %dma_wait3A_184 = tpu.memref_squeeze %dma_wait3A_183 : memref<1x128xi32, #tpu.memory_space<vmem>> -> memref<128xi32, #tpu.memory_space<vmem>>
          %dma_wait3A_185 = arith.constant 0 : i32
          %dma_wait3A_186 = arith.constant 0 : i32
          %dma_wait3A_187 = tpu.memref_slice %arg10[%dma_wait3A_185, %dma_wait3A_186] : memref<10008x128xf32, #tpu.memory_space<vmem_shared>> -> memref<10008x128xf32, #tpu.memory_space<vmem_shared>>
          tpu.wait_indirect_dma semaphore(%run_scoped3A : memref<!tpu.dma_semaphore, #tpu.memory_space<semaphore_mem>>) src(%dma_wait3A_181 : memref<128x128xf32, #tpu.memory_space<vmem>>) dst(%dma_wait3A_187 : memref<10008x128xf32, #tpu.memory_space<vmem_shared>>)
          tpu.yield
        }) : () -> ()
        %add3A_163 = arith.constant 2 : i32
        %add3A_164 = arith.addi %scan3A_109, %add3A_163 : i32
        %lt3A_165 = arith.constant 40 : i32
        %lt3A_166 = arith.cmpi slt, %add3A_164, %lt3A_165 : i32
        %convert_element_type3A_167 = arith.extui %lt3A_166 : i1 to i32
        %cond3A_168 = arith.constant 0 : i32
        %cond3A_169 = arith.cmpi ne, %convert_element_type3A_167, %cond3A_168 : i32
        scf.if %cond3A_169 {
          %add3A_170 = arith.constant 2 : i32
          %add3A_171 = arith.addi %scan3A_109, %add3A_170 : i32
          %dma_start3A_172 = arith.constant 0 : i32
          %dma_start3A_173 = arith.constant 0 : i32
          %dma_start3A_174 = tpu.memref_slice %arg9[%dma_start3A_172, %dma_start3A_173] : memref<256x128xf32, #tpu.memory_space<vmem>> -> memref<64x128xf32, #tpu.memory_space<vmem>>
          %dma_start3A_175 = arith.constant 0 : i32
          %dma_start3A_176 = tpu.memref_slice %arg7[%add3A_171, %dma_start3A_175] : memref<40x128xi32, #tpu.memory_space<vmem>> -> memref<1x64xi32, #tpu.memory_space<vmem>>
          %dma_start3A_177 = tpu.memref_squeeze %dma_start3A_176 : memref<1x64xi32, #tpu.memory_space<vmem>> -> memref<64xi32, #tpu.memory_space<vmem>>
          %dma_start3A_178 = arith.constant 0 : i32
          %dma_start3A_179 = arith.constant 0 : i32
          %dma_start3A_180 = tpu.memref_slice %arg2[%dma_start3A_178, %dma_start3A_179] : memref<10000x128xf32, #tpu.memory_space<hbm>> -> memref<10000x128xf32, #tpu.memory_space<hbm>>
          tpu.enqueue_indirect_dma source(%dma_start3A_180 : memref<10000x128xf32, #tpu.memory_space<hbm>>) target(%dma_start3A_174 : memref<64x128xf32, #tpu.memory_space<vmem>>) offsets(%dma_start3A_177 : memref<64xi32, #tpu.memory_space<vmem>>) semaphore(%arg11 : memref<!tpu.dma_semaphore, #tpu.memory_space<semaphore_mem>>)
          %dma_start3A_181 = arith.constant 64 : i32
          %dma_start3A_182 = arith.constant 0 : i32
          %dma_start3A_183 = tpu.memref_slice %arg9[%dma_start3A_181, %dma_start3A_182] : memref<256x128xf32, #tpu.memory_space<vmem>> -> memref<64x128xf32, #tpu.memory_space<vmem>>
          %dma_start3A_184 = arith.constant 64 : i32
          %dma_start3A_185 = tpu.memref_slice %arg7[%add3A_171, %dma_start3A_184] : memref<40x128xi32, #tpu.memory_space<vmem>> -> memref<1x64xi32, #tpu.memory_space<vmem>>
          %dma_start3A_186 = tpu.memref_squeeze %dma_start3A_185 : memref<1x64xi32, #tpu.memory_space<vmem>> -> memref<64xi32, #tpu.memory_space<vmem>>
          %dma_start3A_187 = arith.constant 0 : i32
          %dma_start3A_188 = arith.constant 0 : i32
          %dma_start3A_189 = tpu.memref_slice %arg2[%dma_start3A_187, %dma_start3A_188] : memref<10000x128xf32, #tpu.memory_space<hbm>> -> memref<10000x128xf32, #tpu.memory_space<hbm>>
          tpu.enqueue_indirect_dma source(%dma_start3A_189 : memref<10000x128xf32, #tpu.memory_space<hbm>>) target(%dma_start3A_183 : memref<64x128xf32, #tpu.memory_space<vmem>>) offsets(%dma_start3A_186 : memref<64xi32, #tpu.memory_space<vmem>>) semaphore(%arg12 : memref<!tpu.dma_semaphore, #tpu.memory_space<semaphore_mem>>)
        } else {
        }
      } else {
      }
      %jit3A_125 = arith.constant 2 : i32
      %eq3A_126 = arith.constant 0 : i32
      %eq3A_127 = arith.cmpi eq, %jit3A_125, %eq3A_126 : i32
      %jit3A_128 = arith.constant 1 : i32
      %select_n3A_129 = arith.select %eq3A_127, %jit3A_128, %jit3A_125 : i32
      %rem3A_130 = arith.remsi %scan3A_109, %select_n3A_129 : i32
      %ne3A_131 = arith.constant 0 : i32
      %ne3A_132 = arith.cmpi ne, %rem3A_130, %ne3A_131 : i32
      %lt3A_133 = arith.constant 0 : i32
      %lt3A_134 = arith.cmpi slt, %rem3A_130, %lt3A_133 : i32
      %lt3A_135 = arith.constant 0 : i32
      %lt3A_136 = arith.cmpi slt, %select_n3A_129, %lt3A_135 : i32
      %ne3A_137 = arith.xori %lt3A_134, %lt3A_136 : i1
      %and3A_138 = arith.andi %ne3A_137, %ne3A_132 : i1
      %add3A_139 = arith.addi %rem3A_130, %select_n3A_129 : i32
      %select_n3A_140 = arith.select %and3A_138, %add3A_139, %rem3A_130 : i32
      %eq3A_141 = arith.constant 1 : i32
      %eq3A_142 = arith.cmpi eq, %select_n3A_140, %eq3A_141 : i32
      %convert_element_type3A_143 = arith.extui %eq3A_142 : i1 to i32
      %cond3A_144 = arith.constant 0 : i32
      %cond3A_145 = arith.cmpi ne, %convert_element_type3A_143, %cond3A_144 : i32
      scf.if %cond3A_145 {
        %dma_wait3A = arith.constant 128 : i32
        %dma_wait3A_146 = arith.constant 0 : i32
        %dma_wait3A_147 = tpu.memref_slice %arg9[%dma_wait3A, %dma_wait3A_146] : memref<256x128xf32, #tpu.memory_space<vmem>> -> memref<64x128xf32, #tpu.memory_space<vmem>>
        %dma_wait3A_148 = arith.constant 0 : i32
        %dma_wait3A_149 = tpu.memref_slice %arg7[%scan3A_109, %dma_wait3A_148] : memref<40x128xi32, #tpu.memory_space<vmem>> -> memref<1x64xi32, #tpu.memory_space<vmem>>
        %dma_wait3A_150 = tpu.memref_squeeze %dma_wait3A_149 : memref<1x64xi32, #tpu.memory_space<vmem>> -> memref<64xi32, #tpu.memory_space<vmem>>
        %dma_wait3A_151 = arith.constant 0 : i32
        %dma_wait3A_152 = arith.constant 0 : i32
        %dma_wait3A_153 = tpu.memref_slice %arg2[%dma_wait3A_151, %dma_wait3A_152] : memref<10000x128xf32, #tpu.memory_space<hbm>> -> memref<10000x128xf32, #tpu.memory_space<hbm>>
        tpu.wait_indirect_dma semaphore(%arg13 : memref<!tpu.dma_semaphore, #tpu.memory_space<semaphore_mem>>) src(%dma_wait3A_153 : memref<10000x128xf32, #tpu.memory_space<hbm>>) dst(%dma_wait3A_147 : memref<64x128xf32, #tpu.memory_space<vmem>>)
        %dma_wait3A_154 = arith.constant 192 : i32
        %dma_wait3A_155 = arith.constant 0 : i32
        %dma_wait3A_156 = tpu.memref_slice %arg9[%dma_wait3A_154, %dma_wait3A_155] : memref<256x128xf32, #tpu.memory_space<vmem>> -> memref<64x128xf32, #tpu.memory_space<vmem>>
        %dma_wait3A_157 = arith.constant 64 : i32
        %dma_wait3A_158 = tpu.memref_slice %arg7[%scan3A_109, %dma_wait3A_157] : memref<40x128xi32, #tpu.memory_space<vmem>> -> memref<1x64xi32, #tpu.memory_space<vmem>>
        %dma_wait3A_159 = tpu.memref_squeeze %dma_wait3A_158 : memref<1x64xi32, #tpu.memory_space<vmem>> -> memref<64xi32, #tpu.memory_space<vmem>>
        %dma_wait3A_160 = arith.constant 0 : i32
        %dma_wait3A_161 = arith.constant 0 : i32
        %dma_wait3A_162 = tpu.memref_slice %arg2[%dma_wait3A_160, %dma_wait3A_161] : memref<10000x128xf32, #tpu.memory_space<hbm>> -> memref<10000x128xf32, #tpu.memory_space<hbm>>
        tpu.wait_indirect_dma semaphore(%arg14 : memref<!tpu.dma_semaphore, #tpu.memory_space<semaphore_mem>>) src(%dma_wait3A_162 : memref<10000x128xf32, #tpu.memory_space<hbm>>) dst(%dma_wait3A_156 : memref<64x128xf32, #tpu.memory_space<vmem>>)
        "tpu.region"() ({
          %run_scoped3A = tpu.sem_alloc : memref<!tpu.dma_semaphore, #tpu.memory_space<semaphore_mem>>
          %dma_start3A_170 = arith.constant 128 : i32
          %dma_start3A_171 = arith.constant 0 : i32
          %dma_start3A_172 = tpu.memref_slice %arg9[%dma_start3A_170, %dma_start3A_171] : memref<256x128xf32, #tpu.memory_space<vmem>> -> memref<128x128xf32, #tpu.memory_space<vmem>>
          %dma_start3A_173 = arith.constant 0 : i32
          %dma_start3A_174 = tpu.memref_slice %arg8[%scan3A_109, %dma_start3A_173] : memref<40x128xi32, #tpu.memory_space<vmem>> -> memref<1x128xi32, #tpu.memory_space<vmem>>
          %dma_start3A_175 = tpu.memref_squeeze %dma_start3A_174 : memref<1x128xi32, #tpu.memory_space<vmem>> -> memref<128xi32, #tpu.memory_space<vmem>>
          %dma_start3A_176 = arith.constant 0 : i32
          %dma_start3A_177 = arith.constant 0 : i32
          %dma_start3A_178 = tpu.memref_slice %arg10[%dma_start3A_176, %dma_start3A_177] : memref<10008x128xf32, #tpu.memory_space<vmem_shared>> -> memref<10008x128xf32, #tpu.memory_space<vmem_shared>>
          tpu.enqueue_indirect_dma source(%dma_start3A_172 : memref<128x128xf32, #tpu.memory_space<vmem>>) target(%dma_start3A_178 : memref<10008x128xf32, #tpu.memory_space<vmem_shared>>) offsets(%dma_start3A_175 : memref<128xi32, #tpu.memory_space<vmem>>) semaphore(%run_scoped3A : memref<!tpu.dma_semaphore, #tpu.memory_space<semaphore_mem>>) {add = true}
          %dma_wait3A_179 = arith.constant 128 : i32
          %dma_wait3A_180 = arith.constant 0 : i32
          %dma_wait3A_181 = tpu.memref_slice %arg9[%dma_wait3A_179, %dma_wait3A_180] : memref<256x128xf32, #tpu.memory_space<vmem>> -> memref<128x128xf32, #tpu.memory_space<vmem>>
          %dma_wait3A_182 = arith.constant 0 : i32
          %dma_wait3A_183 = tpu.memref_slice %arg8[%scan3A_109, %dma_wait3A_182] : memref<40x128xi32, #tpu.memory_space<vmem>> -> memref<1x128xi32, #tpu.memory_space<vmem>>
          %dma_wait3A_184 = tpu.memref_squeeze %dma_wait3A_183 : memref<1x128xi32, #tpu.memory_space<vmem>> -> memref<128xi32, #tpu.memory_space<vmem>>
          %dma_wait3A_185 = arith.constant 0 : i32
          %dma_wait3A_186 = arith.constant 0 : i32
          %dma_wait3A_187 = tpu.memref_slice %arg10[%dma_wait3A_185, %dma_wait3A_186] : memref<10008x128xf32, #tpu.memory_space<vmem_shared>> -> memref<10008x128xf32, #tpu.memory_space<vmem_shared>>
          tpu.wait_indirect_dma semaphore(%run_scoped3A : memref<!tpu.dma_semaphore, #tpu.memory_space<semaphore_mem>>) src(%dma_wait3A_181 : memref<128x128xf32, #tpu.memory_space<vmem>>) dst(%dma_wait3A_187 : memref<10008x128xf32, #tpu.memory_space<vmem_shared>>)
          tpu.yield
        }) : () -> ()
        %add3A_163 = arith.constant 2 : i32
        %add3A_164 = arith.addi %scan3A_109, %add3A_163 : i32
        %lt3A_165 = arith.constant 40 : i32
        %lt3A_166 = arith.cmpi slt, %add3A_164, %lt3A_165 : i32
        %convert_element_type3A_167 = arith.extui %lt3A_166 : i1 to i32
        %cond3A_168 = arith.constant 0 : i32
        %cond3A_169 = arith.cmpi ne, %convert_element_type3A_167, %cond3A_168 : i32
        scf.if %cond3A_169 {
          %add3A_170 = arith.constant 2 : i32
          %add3A_171 = arith.addi %scan3A_109, %add3A_170 : i32
          %dma_start3A_172 = arith.constant 128 : i32
          %dma_start3A_173 = arith.constant 0 : i32
          %dma_start3A_174 = tpu.memref_slice %arg9[%dma_start3A_172, %dma_start3A_173] : memref<256x128xf32, #tpu.memory_space<vmem>> -> memref<64x128xf32, #tpu.memory_space<vmem>>
          %dma_start3A_175 = arith.constant 0 : i32
          %dma_start3A_176 = tpu.memref_slice %arg7[%add3A_171, %dma_start3A_175] : memref<40x128xi32, #tpu.memory_space<vmem>> -> memref<1x64xi32, #tpu.memory_space<vmem>>
          %dma_start3A_177 = tpu.memref_squeeze %dma_start3A_176 : memref<1x64xi32, #tpu.memory_space<vmem>> -> memref<64xi32, #tpu.memory_space<vmem>>
          %dma_start3A_178 = arith.constant 0 : i32
          %dma_start3A_179 = arith.constant 0 : i32
          %dma_start3A_180 = tpu.memref_slice %arg2[%dma_start3A_178, %dma_start3A_179] : memref<10000x128xf32, #tpu.memory_space<hbm>> -> memref<10000x128xf32, #tpu.memory_space<hbm>>
          tpu.enqueue_indirect_dma source(%dma_start3A_180 : memref<10000x128xf32, #tpu.memory_space<hbm>>) target(%dma_start3A_174 : memref<64x128xf32, #tpu.memory_space<vmem>>) offsets(%dma_start3A_177 : memref<64xi32, #tpu.memory_space<vmem>>) semaphore(%arg13 : memref<!tpu.dma_semaphore, #tpu.memory_space<semaphore_mem>>)
          %dma_start3A_181 = arith.constant 192 : i32
          %dma_start3A_182 = arith.constant 0 : i32
          %dma_start3A_183 = tpu.memref_slice %arg9[%dma_start3A_181, %dma_start3A_182] : memref<256x128xf32, #tpu.memory_space<vmem>> -> memref<64x128xf32, #tpu.memory_space<vmem>>
          %dma_start3A_184 = arith.constant 64 : i32
          %dma_start3A_185 = tpu.memref_slice %arg7[%add3A_171, %dma_start3A_184] : memref<40x128xi32, #tpu.memory_space<vmem>> -> memref<1x64xi32, #tpu.memory_space<vmem>>
          %dma_start3A_186 = tpu.memref_squeeze %dma_start3A_185 : memref<1x64xi32, #tpu.memory_space<vmem>> -> memref<64xi32, #tpu.memory_space<vmem>>
          %dma_start3A_187 = arith.constant 0 : i32
          %dma_start3A_188 = arith.constant 0 : i32
          %dma_start3A_189 = tpu.memref_slice %arg2[%dma_start3A_187, %dma_start3A_188] : memref<10000x128xf32, #tpu.memory_space<hbm>> -> memref<10000x128xf32, #tpu.memory_space<hbm>>
          tpu.enqueue_indirect_dma source(%dma_start3A_189 : memref<10000x128xf32, #tpu.memory_space<hbm>>) target(%dma_start3A_183 : memref<64x128xf32, #tpu.memory_space<vmem>>) offsets(%dma_start3A_186 : memref<64xi32, #tpu.memory_space<vmem>>) semaphore(%arg14 : memref<!tpu.dma_semaphore, #tpu.memory_space<semaphore_mem>>)
        } else {
        }
      } else {
      }
    }
    %scan3A_52 = arith.constant 40 : i32
    %mul3A_53 = arith.constant 128 : i32
    %mul3A_54 = arith.muli %add3A, %mul3A_53 : i32
    "tpu.region"() ({
      %run_scoped3A = tpu.sem_alloc : memref<!tpu.dma_semaphore, #tpu.memory_space<semaphore_mem>>
      %dma_start3A_109 = arith.constant 0 : i32
      %dma_start3A_110 = arith.constant 0 : i32
      %dma_start3A_111 = tpu.memref_slice %arg7[%dma_start3A_109, %dma_start3A_110] : memref<40x128xi32, #tpu.memory_space<vmem>> -> memref<39x128xi32, #tpu.memory_space<vmem>>
      %dma_start3A_112 = arith.constant 40 : i32
      %dma_start3A_113 = tpu.memref_slice %arg3[%dma_start3A_112, %mul3A_54] : memref<79x4096xi32, #tpu.memory_space<hbm>> -> memref<39x128xi32, #tpu.memory_space<hbm>>
      %dma_start3A_114 = arith.constant 0 : i32
      %dma_start3A_115 = arith.constant 0 : i32
      %dma_start3A_116 = tpu.memref_slice %arg7[%dma_start3A_114, %dma_start3A_115] : memref<40x128xi32, #tpu.memory_space<vmem>> -> memref<39x128xi32, #tpu.memory_space<vmem>>
      %dma_start3A_117 = arith.constant 40 : i32
      %dma_start3A_118 = tpu.memref_slice %arg3[%dma_start3A_117, %mul3A_54] : memref<79x4096xi32, #tpu.memory_space<hbm>> -> memref<39x128xi32, #tpu.memory_space<hbm>>
      tpu.enqueue_dma source(%dma_start3A_118 : memref<39x128xi32, #tpu.memory_space<hbm>>) target(%dma_start3A_116 : memref<39x128xi32, #tpu.memory_space<vmem>>) target_semaphore(%run_scoped3A : memref<!tpu.dma_semaphore, #tpu.memory_space<semaphore_mem>>)
      %dma_wait3A = arith.constant 0 : i32
      %dma_wait3A_119 = arith.constant 0 : i32
      %dma_wait3A_120 = tpu.memref_slice %arg7[%dma_wait3A, %dma_wait3A_119] : memref<40x128xi32, #tpu.memory_space<vmem>> -> memref<39x128xi32, #tpu.memory_space<vmem>>
      %dma_wait3A_121 = arith.constant 40 : i32
      %dma_wait3A_122 = tpu.memref_slice %arg3[%dma_wait3A_121, %mul3A_54] : memref<79x4096xi32, #tpu.memory_space<hbm>> -> memref<39x128xi32, #tpu.memory_space<hbm>>
      %dma_wait3A_123 = arith.constant 0 : i32
      %dma_wait3A_124 = arith.constant 0 : i32
      %dma_wait3A_125 = tpu.memref_slice %arg7[%dma_wait3A_123, %dma_wait3A_124] : memref<40x128xi32, #tpu.memory_space<vmem>> -> memref<39x128xi32, #tpu.memory_space<vmem>>
      %dma_wait3A_126 = arith.constant 40 : i32
      %dma_wait3A_127 = tpu.memref_slice %arg3[%dma_wait3A_126, %mul3A_54] : memref<79x4096xi32, #tpu.memory_space<hbm>> -> memref<39x128xi32, #tpu.memory_space<hbm>>
      tpu.wait_dma2 semaphore(%run_scoped3A : memref<!tpu.dma_semaphore, #tpu.memory_space<semaphore_mem>>) src(%dma_wait3A_127 : memref<39x128xi32, #tpu.memory_space<hbm>>) dst(%dma_wait3A_125 : memref<39x128xi32, #tpu.memory_space<vmem>>)
      tpu.yield
    }) : () -> ()
    %mul3A_55 = arith.constant 128 : i32
    %mul3A_56 = arith.muli %add3A, %mul3A_55 : i32
    "tpu.region"() ({
      %run_scoped3A = tpu.sem_alloc : memref<!tpu.dma_semaphore, #tpu.memory_space<semaphore_mem>>
      %dma_start3A_109 = arith.constant 0 : i32
      %dma_start3A_110 = arith.constant 0 : i32
      %dma_start3A_111 = tpu.memref_slice %arg8[%dma_start3A_109, %dma_start3A_110] : memref<40x128xi32, #tpu.memory_space<vmem>> -> memref<39x128xi32, #tpu.memory_space<vmem>>
      %dma_start3A_112 = arith.constant 40 : i32
      %dma_start3A_113 = tpu.memref_slice %arg4[%dma_start3A_112, %mul3A_56] : memref<79x4096xi32, #tpu.memory_space<hbm>> -> memref<39x128xi32, #tpu.memory_space<hbm>>
      %dma_start3A_114 = arith.constant 0 : i32
      %dma_start3A_115 = arith.constant 0 : i32
      %dma_start3A_116 = tpu.memref_slice %arg8[%dma_start3A_114, %dma_start3A_115] : memref<40x128xi32, #tpu.memory_space<vmem>> -> memref<39x128xi32, #tpu.memory_space<vmem>>
      %dma_start3A_117 = arith.constant 40 : i32
      %dma_start3A_118 = tpu.memref_slice %arg4[%dma_start3A_117, %mul3A_56] : memref<79x4096xi32, #tpu.memory_space<hbm>> -> memref<39x128xi32, #tpu.memory_space<hbm>>
      tpu.enqueue_dma source(%dma_start3A_118 : memref<39x128xi32, #tpu.memory_space<hbm>>) target(%dma_start3A_116 : memref<39x128xi32, #tpu.memory_space<vmem>>) target_semaphore(%run_scoped3A : memref<!tpu.dma_semaphore, #tpu.memory_space<semaphore_mem>>)
      %dma_wait3A = arith.constant 0 : i32
      %dma_wait3A_119 = arith.constant 0 : i32
      %dma_wait3A_120 = tpu.memref_slice %arg8[%dma_wait3A, %dma_wait3A_119] : memref<40x128xi32, #tpu.memory_space<vmem>> -> memref<39x128xi32, #tpu.memory_space<vmem>>
      %dma_wait3A_121 = arith.constant 40 : i32
      %dma_wait3A_122 = tpu.memref_slice %arg4[%dma_wait3A_121, %mul3A_56] : memref<79x4096xi32, #tpu.memory_space<hbm>> -> memref<39x128xi32, #tpu.memory_space<hbm>>
      %dma_wait3A_123 = arith.constant 0 : i32
      %dma_wait3A_124 = arith.constant 0 : i32
      %dma_wait3A_125 = tpu.memref_slice %arg8[%dma_wait3A_123, %dma_wait3A_124] : memref<40x128xi32, #tpu.memory_space<vmem>> -> memref<39x128xi32, #tpu.memory_space<vmem>>
      %dma_wait3A_126 = arith.constant 40 : i32
      %dma_wait3A_127 = tpu.memref_slice %arg4[%dma_wait3A_126, %mul3A_56] : memref<79x4096xi32, #tpu.memory_space<hbm>> -> memref<39x128xi32, #tpu.memory_space<hbm>>
      tpu.wait_dma2 semaphore(%run_scoped3A : memref<!tpu.dma_semaphore, #tpu.memory_space<semaphore_mem>>) src(%dma_wait3A_127 : memref<39x128xi32, #tpu.memory_space<hbm>>) dst(%dma_wait3A_125 : memref<39x128xi32, #tpu.memory_space<vmem>>)
      tpu.yield
    }) : () -> ()
    %dma_start3A_57 = arith.constant 0 : i32
    %dma_start3A_58 = arith.constant 0 : i32
    %dma_start3A_59 = arith.constant 0 : i32
    %dma_start3A_60 = tpu.memref_slice %arg9[%dma_start3A_58, %dma_start3A_59] : memref<256x128xf32, #tpu.memory_space<vmem>> -> memref<64x128xf32, #tpu.memory_space<vmem>>
    %dma_start3A_61 = arith.constant 0 : i32
    %dma_start3A_62 = tpu.memref_slice %arg7[%dma_start3A_57, %dma_start3A_61] : memref<40x128xi32, #tpu.memory_space<vmem>> -> memref<1x64xi32, #tpu.memory_space<vmem>>
    %dma_start3A_63 = tpu.memref_squeeze %dma_start3A_62 : memref<1x64xi32, #tpu.memory_space<vmem>> -> memref<64xi32, #tpu.memory_space<vmem>>
    %dma_start3A_64 = arith.constant 0 : i32
    %dma_start3A_65 = arith.constant 0 : i32
    %dma_start3A_66 = tpu.memref_slice %arg2[%dma_start3A_64, %dma_start3A_65] : memref<10000x128xf32, #tpu.memory_space<hbm>> -> memref<10000x128xf32, #tpu.memory_space<hbm>>
    tpu.enqueue_indirect_dma source(%dma_start3A_66 : memref<10000x128xf32, #tpu.memory_space<hbm>>) target(%dma_start3A_60 : memref<64x128xf32, #tpu.memory_space<vmem>>) offsets(%dma_start3A_63 : memref<64xi32, #tpu.memory_space<vmem>>) semaphore(%arg11 : memref<!tpu.dma_semaphore, #tpu.memory_space<semaphore_mem>>)
    %dma_start3A_67 = arith.constant 0 : i32
    %dma_start3A_68 = arith.constant 64 : i32
    %dma_start3A_69 = arith.constant 0 : i32
    %dma_start3A_70 = tpu.memref_slice %arg9[%dma_start3A_68, %dma_start3A_69] : memref<256x128xf32, #tpu.memory_space<vmem>> -> memref<64x128xf32, #tpu.memory_space<vmem>>
    %dma_start3A_71 = arith.constant 64 : i32
    %dma_start3A_72 = tpu.memref_slice %arg7[%dma_start3A_67, %dma_start3A_71] : memref<40x128xi32, #tpu.memory_space<vmem>> -> memref<1x64xi32, #tpu.memory_space<vmem>>
    %dma_start3A_73 = tpu.memref_squeeze %dma_start3A_72 : memref<1x64xi32, #tpu.memory_space<vmem>> -> memref<64xi32, #tpu.memory_space<vmem>>
    %dma_start3A_74 = arith.constant 0 : i32
    %dma_start3A_75 = arith.constant 0 : i32
    %dma_start3A_76 = tpu.memref_slice %arg2[%dma_start3A_74, %dma_start3A_75] : memref<10000x128xf32, #tpu.memory_space<hbm>> -> memref<10000x128xf32, #tpu.memory_space<hbm>>
    tpu.enqueue_indirect_dma source(%dma_start3A_76 : memref<10000x128xf32, #tpu.memory_space<hbm>>) target(%dma_start3A_70 : memref<64x128xf32, #tpu.memory_space<vmem>>) offsets(%dma_start3A_73 : memref<64xi32, #tpu.memory_space<vmem>>) semaphore(%arg12 : memref<!tpu.dma_semaphore, #tpu.memory_space<semaphore_mem>>)
    %dma_start3A_77 = arith.constant 1 : i32
    %dma_start3A_78 = arith.constant 128 : i32
    %dma_start3A_79 = arith.constant 0 : i32
    %dma_start3A_80 = tpu.memref_slice %arg9[%dma_start3A_78, %dma_start3A_79] : memref<256x128xf32, #tpu.memory_space<vmem>> -> memref<64x128xf32, #tpu.memory_space<vmem>>
    %dma_start3A_81 = arith.constant 0 : i32
    %dma_start3A_82 = tpu.memref_slice %arg7[%dma_start3A_77, %dma_start3A_81] : memref<40x128xi32, #tpu.memory_space<vmem>> -> memref<1x64xi32, #tpu.memory_space<vmem>>
    %dma_start3A_83 = tpu.memref_squeeze %dma_start3A_82 : memref<1x64xi32, #tpu.memory_space<vmem>> -> memref<64xi32, #tpu.memory_space<vmem>>
    %dma_start3A_84 = arith.constant 0 : i32
    %dma_start3A_85 = arith.constant 0 : i32
    %dma_start3A_86 = tpu.memref_slice %arg2[%dma_start3A_84, %dma_start3A_85] : memref<10000x128xf32, #tpu.memory_space<hbm>> -> memref<10000x128xf32, #tpu.memory_space<hbm>>
    tpu.enqueue_indirect_dma source(%dma_start3A_86 : memref<10000x128xf32, #tpu.memory_space<hbm>>) target(%dma_start3A_80 : memref<64x128xf32, #tpu.memory_space<vmem>>) offsets(%dma_start3A_83 : memref<64xi32, #tpu.memory_space<vmem>>) semaphore(%arg13 : memref<!tpu.dma_semaphore, #tpu.memory_space<semaphore_mem>>)
    %dma_start3A_87 = arith.constant 1 : i32
    %dma_start3A_88 = arith.constant 192 : i32
    %dma_start3A_89 = arith.constant 0 : i32
    %dma_start3A_90 = tpu.memref_slice %arg9[%dma_start3A_88, %dma_start3A_89] : memref<256x128xf32, #tpu.memory_space<vmem>> -> memref<64x128xf32, #tpu.memory_space<vmem>>
    %dma_start3A_91 = arith.constant 64 : i32
    %dma_start3A_92 = tpu.memref_slice %arg7[%dma_start3A_87, %dma_start3A_91] : memref<40x128xi32, #tpu.memory_space<vmem>> -> memref<1x64xi32, #tpu.memory_space<vmem>>
    %dma_start3A_93 = tpu.memref_squeeze %dma_start3A_92 : memref<1x64xi32, #tpu.memory_space<vmem>> -> memref<64xi32, #tpu.memory_space<vmem>>
    %dma_start3A_94 = arith.constant 0 : i32
    %dma_start3A_95 = arith.constant 0 : i32
    %dma_start3A_96 = tpu.memref_slice %arg2[%dma_start3A_94, %dma_start3A_95] : memref<10000x128xf32, #tpu.memory_space<hbm>> -> memref<10000x128xf32, #tpu.memory_space<hbm>>
    tpu.enqueue_indirect_dma source(%dma_start3A_96 : memref<10000x128xf32, #tpu.memory_space<hbm>>) target(%dma_start3A_90 : memref<64x128xf32, #tpu.memory_space<vmem>>) offsets(%dma_start3A_93 : memref<64xi32, #tpu.memory_space<vmem>>) semaphore(%arg14 : memref<!tpu.dma_semaphore, #tpu.memory_space<semaphore_mem>>)
    %scan3A_97 = arith.constant 0 : i32
    %scan3A_98 = arith.constant 0 : i32
    %scan3A_99 = arith.constant 39 : i32
    %scan3A_100 = arith.addi %scan3A_98, %scan3A_99 : i32
    %scan3A_101 = arith.constant 1 : i32
    scf.for %scan3A_109 = %scan3A_98 to %scan3A_100 step %scan3A_101  : i32 {
      %jit3A = arith.constant 2 : i32
      %eq3A_110 = arith.constant 0 : i32
      %eq3A_111 = arith.cmpi eq, %jit3A, %eq3A_110 : i32
      %jit3A_112 = arith.constant 1 : i32
      %select_n3A = arith.select %eq3A_111, %jit3A_112, %jit3A : i32
      %rem3A = arith.remsi %scan3A_109, %select_n3A : i32
      %ne3A = arith.constant 0 : i32
      %ne3A_113 = arith.cmpi ne, %rem3A, %ne3A : i32
      %lt3A = arith.constant 0 : i32
      %lt3A_114 = arith.cmpi slt, %rem3A, %lt3A : i32
      %lt3A_115 = arith.constant 0 : i32
      %lt3A_116 = arith.cmpi slt, %select_n3A, %lt3A_115 : i32
      %ne3A_117 = arith.xori %lt3A_114, %lt3A_116 : i1
      %and3A = arith.andi %ne3A_117, %ne3A_113 : i1
      %add3A_118 = arith.addi %rem3A, %select_n3A : i32
      %select_n3A_119 = arith.select %and3A, %add3A_118, %rem3A : i32
      %eq3A_120 = arith.constant 0 : i32
      %eq3A_121 = arith.cmpi eq, %select_n3A_119, %eq3A_120 : i32
      %convert_element_type3A_122 = arith.extui %eq3A_121 : i1 to i32
      %cond3A_123 = arith.constant 0 : i32
      %cond3A_124 = arith.cmpi ne, %convert_element_type3A_122, %cond3A_123 : i32
      scf.if %cond3A_124 {
        %dma_wait3A = arith.constant 0 : i32
        %dma_wait3A_146 = arith.constant 0 : i32
        %dma_wait3A_147 = tpu.memref_slice %arg9[%dma_wait3A, %dma_wait3A_146] : memref<256x128xf32, #tpu.memory_space<vmem>> -> memref<64x128xf32, #tpu.memory_space<vmem>>
        %dma_wait3A_148 = arith.constant 0 : i32
        %dma_wait3A_149 = tpu.memref_slice %arg7[%scan3A_109, %dma_wait3A_148] : memref<40x128xi32, #tpu.memory_space<vmem>> -> memref<1x64xi32, #tpu.memory_space<vmem>>
        %dma_wait3A_150 = tpu.memref_squeeze %dma_wait3A_149 : memref<1x64xi32, #tpu.memory_space<vmem>> -> memref<64xi32, #tpu.memory_space<vmem>>
        %dma_wait3A_151 = arith.constant 0 : i32
        %dma_wait3A_152 = arith.constant 0 : i32
        %dma_wait3A_153 = tpu.memref_slice %arg2[%dma_wait3A_151, %dma_wait3A_152] : memref<10000x128xf32, #tpu.memory_space<hbm>> -> memref<10000x128xf32, #tpu.memory_space<hbm>>
        tpu.wait_indirect_dma semaphore(%arg11 : memref<!tpu.dma_semaphore, #tpu.memory_space<semaphore_mem>>) src(%dma_wait3A_153 : memref<10000x128xf32, #tpu.memory_space<hbm>>) dst(%dma_wait3A_147 : memref<64x128xf32, #tpu.memory_space<vmem>>)
        %dma_wait3A_154 = arith.constant 64 : i32
        %dma_wait3A_155 = arith.constant 0 : i32
        %dma_wait3A_156 = tpu.memref_slice %arg9[%dma_wait3A_154, %dma_wait3A_155] : memref<256x128xf32, #tpu.memory_space<vmem>> -> memref<64x128xf32, #tpu.memory_space<vmem>>
        %dma_wait3A_157 = arith.constant 64 : i32
        %dma_wait3A_158 = tpu.memref_slice %arg7[%scan3A_109, %dma_wait3A_157] : memref<40x128xi32, #tpu.memory_space<vmem>> -> memref<1x64xi32, #tpu.memory_space<vmem>>
        %dma_wait3A_159 = tpu.memref_squeeze %dma_wait3A_158 : memref<1x64xi32, #tpu.memory_space<vmem>> -> memref<64xi32, #tpu.memory_space<vmem>>
        %dma_wait3A_160 = arith.constant 0 : i32
        %dma_wait3A_161 = arith.constant 0 : i32
        %dma_wait3A_162 = tpu.memref_slice %arg2[%dma_wait3A_160, %dma_wait3A_161] : memref<10000x128xf32, #tpu.memory_space<hbm>> -> memref<10000x128xf32, #tpu.memory_space<hbm>>
        tpu.wait_indirect_dma semaphore(%arg12 : memref<!tpu.dma_semaphore, #tpu.memory_space<semaphore_mem>>) src(%dma_wait3A_162 : memref<10000x128xf32, #tpu.memory_space<hbm>>) dst(%dma_wait3A_156 : memref<64x128xf32, #tpu.memory_space<vmem>>)
        "tpu.region"() ({
          %run_scoped3A = tpu.sem_alloc : memref<!tpu.dma_semaphore, #tpu.memory_space<semaphore_mem>>
          %dma_start3A_170 = arith.constant 0 : i32
          %dma_start3A_171 = arith.constant 0 : i32
          %dma_start3A_172 = tpu.memref_slice %arg9[%dma_start3A_170, %dma_start3A_171] : memref<256x128xf32, #tpu.memory_space<vmem>> -> memref<128x128xf32, #tpu.memory_space<vmem>>
          %dma_start3A_173 = arith.constant 0 : i32
          %dma_start3A_174 = tpu.memref_slice %arg8[%scan3A_109, %dma_start3A_173] : memref<40x128xi32, #tpu.memory_space<vmem>> -> memref<1x128xi32, #tpu.memory_space<vmem>>
          %dma_start3A_175 = tpu.memref_squeeze %dma_start3A_174 : memref<1x128xi32, #tpu.memory_space<vmem>> -> memref<128xi32, #tpu.memory_space<vmem>>
          %dma_start3A_176 = arith.constant 0 : i32
          %dma_start3A_177 = arith.constant 0 : i32
          %dma_start3A_178 = tpu.memref_slice %arg10[%dma_start3A_176, %dma_start3A_177] : memref<10008x128xf32, #tpu.memory_space<vmem_shared>> -> memref<10008x128xf32, #tpu.memory_space<vmem_shared>>
          tpu.enqueue_indirect_dma source(%dma_start3A_172 : memref<128x128xf32, #tpu.memory_space<vmem>>) target(%dma_start3A_178 : memref<10008x128xf32, #tpu.memory_space<vmem_shared>>) offsets(%dma_start3A_175 : memref<128xi32, #tpu.memory_space<vmem>>) semaphore(%run_scoped3A : memref<!tpu.dma_semaphore, #tpu.memory_space<semaphore_mem>>) {add = true}
          %dma_wait3A_179 = arith.constant 0 : i32
          %dma_wait3A_180 = arith.constant 0 : i32
          %dma_wait3A_181 = tpu.memref_slice %arg9[%dma_wait3A_179, %dma_wait3A_180] : memref<256x128xf32, #tpu.memory_space<vmem>> -> memref<128x128xf32, #tpu.memory_space<vmem>>
          %dma_wait3A_182 = arith.constant 0 : i32
          %dma_wait3A_183 = tpu.memref_slice %arg8[%scan3A_109, %dma_wait3A_182] : memref<40x128xi32, #tpu.memory_space<vmem>> -> memref<1x128xi32, #tpu.memory_space<vmem>>
          %dma_wait3A_184 = tpu.memref_squeeze %dma_wait3A_183 : memref<1x128xi32, #tpu.memory_space<vmem>> -> memref<128xi32, #tpu.memory_space<vmem>>
          %dma_wait3A_185 = arith.constant 0 : i32
          %dma_wait3A_186 = arith.constant 0 : i32
          %dma_wait3A_187 = tpu.memref_slice %arg10[%dma_wait3A_185, %dma_wait3A_186] : memref<10008x128xf32, #tpu.memory_space<vmem_shared>> -> memref<10008x128xf32, #tpu.memory_space<vmem_shared>>
          tpu.wait_indirect_dma semaphore(%run_scoped3A : memref<!tpu.dma_semaphore, #tpu.memory_space<semaphore_mem>>) src(%dma_wait3A_181 : memref<128x128xf32, #tpu.memory_space<vmem>>) dst(%dma_wait3A_187 : memref<10008x128xf32, #tpu.memory_space<vmem_shared>>)
          tpu.yield
        }) : () -> ()
        %add3A_163 = arith.constant 2 : i32
        %add3A_164 = arith.addi %scan3A_109, %add3A_163 : i32
        %lt3A_165 = arith.constant 39 : i32
        %lt3A_166 = arith.cmpi slt, %add3A_164, %lt3A_165 : i32
        %convert_element_type3A_167 = arith.extui %lt3A_166 : i1 to i32
        %cond3A_168 = arith.constant 0 : i32
        %cond3A_169 = arith.cmpi ne, %convert_element_type3A_167, %cond3A_168 : i32
        scf.if %cond3A_169 {
          %add3A_170 = arith.constant 2 : i32
          %add3A_171 = arith.addi %scan3A_109, %add3A_170 : i32
          %dma_start3A_172 = arith.constant 0 : i32
          %dma_start3A_173 = arith.constant 0 : i32
          %dma_start3A_174 = tpu.memref_slice %arg9[%dma_start3A_172, %dma_start3A_173] : memref<256x128xf32, #tpu.memory_space<vmem>> -> memref<64x128xf32, #tpu.memory_space<vmem>>
          %dma_start3A_175 = arith.constant 0 : i32
          %dma_start3A_176 = tpu.memref_slice %arg7[%add3A_171, %dma_start3A_175] : memref<40x128xi32, #tpu.memory_space<vmem>> -> memref<1x64xi32, #tpu.memory_space<vmem>>
          %dma_start3A_177 = tpu.memref_squeeze %dma_start3A_176 : memref<1x64xi32, #tpu.memory_space<vmem>> -> memref<64xi32, #tpu.memory_space<vmem>>
          %dma_start3A_178 = arith.constant 0 : i32
          %dma_start3A_179 = arith.constant 0 : i32
          %dma_start3A_180 = tpu.memref_slice %arg2[%dma_start3A_178, %dma_start3A_179] : memref<10000x128xf32, #tpu.memory_space<hbm>> -> memref<10000x128xf32, #tpu.memory_space<hbm>>
          tpu.enqueue_indirect_dma source(%dma_start3A_180 : memref<10000x128xf32, #tpu.memory_space<hbm>>) target(%dma_start3A_174 : memref<64x128xf32, #tpu.memory_space<vmem>>) offsets(%dma_start3A_177 : memref<64xi32, #tpu.memory_space<vmem>>) semaphore(%arg11 : memref<!tpu.dma_semaphore, #tpu.memory_space<semaphore_mem>>)
          %dma_start3A_181 = arith.constant 64 : i32
          %dma_start3A_182 = arith.constant 0 : i32
          %dma_start3A_183 = tpu.memref_slice %arg9[%dma_start3A_181, %dma_start3A_182] : memref<256x128xf32, #tpu.memory_space<vmem>> -> memref<64x128xf32, #tpu.memory_space<vmem>>
          %dma_start3A_184 = arith.constant 64 : i32
          %dma_start3A_185 = tpu.memref_slice %arg7[%add3A_171, %dma_start3A_184] : memref<40x128xi32, #tpu.memory_space<vmem>> -> memref<1x64xi32, #tpu.memory_space<vmem>>
          %dma_start3A_186 = tpu.memref_squeeze %dma_start3A_185 : memref<1x64xi32, #tpu.memory_space<vmem>> -> memref<64xi32, #tpu.memory_space<vmem>>
          %dma_start3A_187 = arith.constant 0 : i32
          %dma_start3A_188 = arith.constant 0 : i32
          %dma_start3A_189 = tpu.memref_slice %arg2[%dma_start3A_187, %dma_start3A_188] : memref<10000x128xf32, #tpu.memory_space<hbm>> -> memref<10000x128xf32, #tpu.memory_space<hbm>>
          tpu.enqueue_indirect_dma source(%dma_start3A_189 : memref<10000x128xf32, #tpu.memory_space<hbm>>) target(%dma_start3A_183 : memref<64x128xf32, #tpu.memory_space<vmem>>) offsets(%dma_start3A_186 : memref<64xi32, #tpu.memory_space<vmem>>) semaphore(%arg12 : memref<!tpu.dma_semaphore, #tpu.memory_space<semaphore_mem>>)
        } else {
        }
      } else {
      }
      %jit3A_125 = arith.constant 2 : i32
      %eq3A_126 = arith.constant 0 : i32
      %eq3A_127 = arith.cmpi eq, %jit3A_125, %eq3A_126 : i32
      %jit3A_128 = arith.constant 1 : i32
      %select_n3A_129 = arith.select %eq3A_127, %jit3A_128, %jit3A_125 : i32
      %rem3A_130 = arith.remsi %scan3A_109, %select_n3A_129 : i32
      %ne3A_131 = arith.constant 0 : i32
      %ne3A_132 = arith.cmpi ne, %rem3A_130, %ne3A_131 : i32
      %lt3A_133 = arith.constant 0 : i32
      %lt3A_134 = arith.cmpi slt, %rem3A_130, %lt3A_133 : i32
      %lt3A_135 = arith.constant 0 : i32
      %lt3A_136 = arith.cmpi slt, %select_n3A_129, %lt3A_135 : i32
      %ne3A_137 = arith.xori %lt3A_134, %lt3A_136 : i1
      %and3A_138 = arith.andi %ne3A_137, %ne3A_132 : i1
      %add3A_139 = arith.addi %rem3A_130, %select_n3A_129 : i32
      %select_n3A_140 = arith.select %and3A_138, %add3A_139, %rem3A_130 : i32
      %eq3A_141 = arith.constant 1 : i32
      %eq3A_142 = arith.cmpi eq, %select_n3A_140, %eq3A_141 : i32
      %convert_element_type3A_143 = arith.extui %eq3A_142 : i1 to i32
      %cond3A_144 = arith.constant 0 : i32
      %cond3A_145 = arith.cmpi ne, %convert_element_type3A_143, %cond3A_144 : i32
      scf.if %cond3A_145 {
        %dma_wait3A = arith.constant 128 : i32
        %dma_wait3A_146 = arith.constant 0 : i32
        %dma_wait3A_147 = tpu.memref_slice %arg9[%dma_wait3A, %dma_wait3A_146] : memref<256x128xf32, #tpu.memory_space<vmem>> -> memref<64x128xf32, #tpu.memory_space<vmem>>
        %dma_wait3A_148 = arith.constant 0 : i32
        %dma_wait3A_149 = tpu.memref_slice %arg7[%scan3A_109, %dma_wait3A_148] : memref<40x128xi32, #tpu.memory_space<vmem>> -> memref<1x64xi32, #tpu.memory_space<vmem>>
        %dma_wait3A_150 = tpu.memref_squeeze %dma_wait3A_149 : memref<1x64xi32, #tpu.memory_space<vmem>> -> memref<64xi32, #tpu.memory_space<vmem>>
        %dma_wait3A_151 = arith.constant 0 : i32
        %dma_wait3A_152 = arith.constant 0 : i32
        %dma_wait3A_153 = tpu.memref_slice %arg2[%dma_wait3A_151, %dma_wait3A_152] : memref<10000x128xf32, #tpu.memory_space<hbm>> -> memref<10000x128xf32, #tpu.memory_space<hbm>>
        tpu.wait_indirect_dma semaphore(%arg13 : memref<!tpu.dma_semaphore, #tpu.memory_space<semaphore_mem>>) src(%dma_wait3A_153 : memref<10000x128xf32, #tpu.memory_space<hbm>>) dst(%dma_wait3A_147 : memref<64x128xf32, #tpu.memory_space<vmem>>)
        %dma_wait3A_154 = arith.constant 192 : i32
        %dma_wait3A_155 = arith.constant 0 : i32
        %dma_wait3A_156 = tpu.memref_slice %arg9[%dma_wait3A_154, %dma_wait3A_155] : memref<256x128xf32, #tpu.memory_space<vmem>> -> memref<64x128xf32, #tpu.memory_space<vmem>>
        %dma_wait3A_157 = arith.constant 64 : i32
        %dma_wait3A_158 = tpu.memref_slice %arg7[%scan3A_109, %dma_wait3A_157] : memref<40x128xi32, #tpu.memory_space<vmem>> -> memref<1x64xi32, #tpu.memory_space<vmem>>
        %dma_wait3A_159 = tpu.memref_squeeze %dma_wait3A_158 : memref<1x64xi32, #tpu.memory_space<vmem>> -> memref<64xi32, #tpu.memory_space<vmem>>
        %dma_wait3A_160 = arith.constant 0 : i32
        %dma_wait3A_161 = arith.constant 0 : i32
        %dma_wait3A_162 = tpu.memref_slice %arg2[%dma_wait3A_160, %dma_wait3A_161] : memref<10000x128xf32, #tpu.memory_space<hbm>> -> memref<10000x128xf32, #tpu.memory_space<hbm>>
        tpu.wait_indirect_dma semaphore(%arg14 : memref<!tpu.dma_semaphore, #tpu.memory_space<semaphore_mem>>) src(%dma_wait3A_162 : memref<10000x128xf32, #tpu.memory_space<hbm>>) dst(%dma_wait3A_156 : memref<64x128xf32, #tpu.memory_space<vmem>>)
        "tpu.region"() ({
          %run_scoped3A = tpu.sem_alloc : memref<!tpu.dma_semaphore, #tpu.memory_space<semaphore_mem>>
          %dma_start3A_170 = arith.constant 128 : i32
          %dma_start3A_171 = arith.constant 0 : i32
          %dma_start3A_172 = tpu.memref_slice %arg9[%dma_start3A_170, %dma_start3A_171] : memref<256x128xf32, #tpu.memory_space<vmem>> -> memref<128x128xf32, #tpu.memory_space<vmem>>
          %dma_start3A_173 = arith.constant 0 : i32
          %dma_start3A_174 = tpu.memref_slice %arg8[%scan3A_109, %dma_start3A_173] : memref<40x128xi32, #tpu.memory_space<vmem>> -> memref<1x128xi32, #tpu.memory_space<vmem>>
          %dma_start3A_175 = tpu.memref_squeeze %dma_start3A_174 : memref<1x128xi32, #tpu.memory_space<vmem>> -> memref<128xi32, #tpu.memory_space<vmem>>
          %dma_start3A_176 = arith.constant 0 : i32
          %dma_start3A_177 = arith.constant 0 : i32
          %dma_start3A_178 = tpu.memref_slice %arg10[%dma_start3A_176, %dma_start3A_177] : memref<10008x128xf32, #tpu.memory_space<vmem_shared>> -> memref<10008x128xf32, #tpu.memory_space<vmem_shared>>
          tpu.enqueue_indirect_dma source(%dma_start3A_172 : memref<128x128xf32, #tpu.memory_space<vmem>>) target(%dma_start3A_178 : memref<10008x128xf32, #tpu.memory_space<vmem_shared>>) offsets(%dma_start3A_175 : memref<128xi32, #tpu.memory_space<vmem>>) semaphore(%run_scoped3A : memref<!tpu.dma_semaphore, #tpu.memory_space<semaphore_mem>>) {add = true}
          %dma_wait3A_179 = arith.constant 128 : i32
          %dma_wait3A_180 = arith.constant 0 : i32
          %dma_wait3A_181 = tpu.memref_slice %arg9[%dma_wait3A_179, %dma_wait3A_180] : memref<256x128xf32, #tpu.memory_space<vmem>> -> memref<128x128xf32, #tpu.memory_space<vmem>>
          %dma_wait3A_182 = arith.constant 0 : i32
          %dma_wait3A_183 = tpu.memref_slice %arg8[%scan3A_109, %dma_wait3A_182] : memref<40x128xi32, #tpu.memory_space<vmem>> -> memref<1x128xi32, #tpu.memory_space<vmem>>
          %dma_wait3A_184 = tpu.memref_squeeze %dma_wait3A_183 : memref<1x128xi32, #tpu.memory_space<vmem>> -> memref<128xi32, #tpu.memory_space<vmem>>
          %dma_wait3A_185 = arith.constant 0 : i32
          %dma_wait3A_186 = arith.constant 0 : i32
          %dma_wait3A_187 = tpu.memref_slice %arg10[%dma_wait3A_185, %dma_wait3A_186] : memref<10008x128xf32, #tpu.memory_space<vmem_shared>> -> memref<10008x128xf32, #tpu.memory_space<vmem_shared>>
          tpu.wait_indirect_dma semaphore(%run_scoped3A : memref<!tpu.dma_semaphore, #tpu.memory_space<semaphore_mem>>) src(%dma_wait3A_181 : memref<128x128xf32, #tpu.memory_space<vmem>>) dst(%dma_wait3A_187 : memref<10008x128xf32, #tpu.memory_space<vmem_shared>>)
          tpu.yield
        }) : () -> ()
        %add3A_163 = arith.constant 2 : i32
        %add3A_164 = arith.addi %scan3A_109, %add3A_163 : i32
        %lt3A_165 = arith.constant 39 : i32
        %lt3A_166 = arith.cmpi slt, %add3A_164, %lt3A_165 : i32
        %convert_element_type3A_167 = arith.extui %lt3A_166 : i1 to i32
        %cond3A_168 = arith.constant 0 : i32
        %cond3A_169 = arith.cmpi ne, %convert_element_type3A_167, %cond3A_168 : i32
        scf.if %cond3A_169 {
          %add3A_170 = arith.constant 2 : i32
          %add3A_171 = arith.addi %scan3A_109, %add3A_170 : i32
          %dma_start3A_172 = arith.constant 128 : i32
          %dma_start3A_173 = arith.constant 0 : i32
          %dma_start3A_174 = tpu.memref_slice %arg9[%dma_start3A_172, %dma_start3A_173] : memref<256x128xf32, #tpu.memory_space<vmem>> -> memref<64x128xf32, #tpu.memory_space<vmem>>
          %dma_start3A_175 = arith.constant 0 : i32
          %dma_start3A_176 = tpu.memref_slice %arg7[%add3A_171, %dma_start3A_175] : memref<40x128xi32, #tpu.memory_space<vmem>> -> memref<1x64xi32, #tpu.memory_space<vmem>>
          %dma_start3A_177 = tpu.memref_squeeze %dma_start3A_176 : memref<1x64xi32, #tpu.memory_space<vmem>> -> memref<64xi32, #tpu.memory_space<vmem>>
          %dma_start3A_178 = arith.constant 0 : i32
          %dma_start3A_179 = arith.constant 0 : i32
          %dma_start3A_180 = tpu.memref_slice %arg2[%dma_start3A_178, %dma_start3A_179] : memref<10000x128xf32, #tpu.memory_space<hbm>> -> memref<10000x128xf32, #tpu.memory_space<hbm>>
          tpu.enqueue_indirect_dma source(%dma_start3A_180 : memref<10000x128xf32, #tpu.memory_space<hbm>>) target(%dma_start3A_174 : memref<64x128xf32, #tpu.memory_space<vmem>>) offsets(%dma_start3A_177 : memref<64xi32, #tpu.memory_space<vmem>>) semaphore(%arg13 : memref<!tpu.dma_semaphore, #tpu.memory_space<semaphore_mem>>)
          %dma_start3A_181 = arith.constant 192 : i32
          %dma_start3A_182 = arith.constant 0 : i32
          %dma_start3A_183 = tpu.memref_slice %arg9[%dma_start3A_181, %dma_start3A_182] : memref<256x128xf32, #tpu.memory_space<vmem>> -> memref<64x128xf32, #tpu.memory_space<vmem>>
          %dma_start3A_184 = arith.constant 64 : i32
          %dma_start3A_185 = tpu.memref_slice %arg7[%add3A_171, %dma_start3A_184] : memref<40x128xi32, #tpu.memory_space<vmem>> -> memref<1x64xi32, #tpu.memory_space<vmem>>
          %dma_start3A_186 = tpu.memref_squeeze %dma_start3A_185 : memref<1x64xi32, #tpu.memory_space<vmem>> -> memref<64xi32, #tpu.memory_space<vmem>>
          %dma_start3A_187 = arith.constant 0 : i32
          %dma_start3A_188 = arith.constant 0 : i32
          %dma_start3A_189 = tpu.memref_slice %arg2[%dma_start3A_187, %dma_start3A_188] : memref<10000x128xf32, #tpu.memory_space<hbm>> -> memref<10000x128xf32, #tpu.memory_space<hbm>>
          tpu.enqueue_indirect_dma source(%dma_start3A_189 : memref<10000x128xf32, #tpu.memory_space<hbm>>) target(%dma_start3A_183 : memref<64x128xf32, #tpu.memory_space<vmem>>) offsets(%dma_start3A_186 : memref<64xi32, #tpu.memory_space<vmem>>) semaphore(%arg14 : memref<!tpu.dma_semaphore, #tpu.memory_space<semaphore_mem>>)
        } else {
        }
      } else {
      }
    }
    %scan3A_102 = arith.constant 39 : i32
    %barrier3A_103 = arith.constant 0 : index
    tpu.barrier barrier_id(%barrier3A_103)
    "tpu.region"() ({
      %run_scoped3A = tpu.sem_alloc : memref<!tpu.dma_semaphore, #tpu.memory_space<semaphore_mem>>
      %dma_start3A_109 = arith.constant 0 : i32
      %dma_start3A_110 = tpu.memref_slice %arg6[%arg0, %mul3A_2, %dma_start3A_109] : memref<2x10000x128xf32, #tpu.memory_space<hbm>> -> memref<1x624x128xf32, #tpu.memory_space<hbm>>
      %dma_start3A_111 = tpu.memref_squeeze %dma_start3A_110 : memref<1x624x128xf32, #tpu.memory_space<hbm>> -> memref<624x128xf32, #tpu.memory_space<hbm>>
      %dma_start3A_112 = arith.constant 0 : i32
      %dma_start3A_113 = tpu.memref_slice %arg10[%mul3A_2, %dma_start3A_112] : memref<10008x128xf32, #tpu.memory_space<vmem_shared>> -> memref<624x128xf32, #tpu.memory_space<vmem_shared>>
      tpu.enqueue_dma source(%dma_start3A_113 : memref<624x128xf32, #tpu.memory_space<vmem_shared>>) target(%dma_start3A_111 : memref<624x128xf32, #tpu.memory_space<hbm>>) target_semaphore(%run_scoped3A : memref<!tpu.dma_semaphore, #tpu.memory_space<semaphore_mem>>)
      %dma_wait3A = arith.constant 0 : i32
      %dma_wait3A_114 = tpu.memref_slice %arg6[%arg0, %mul3A_2, %dma_wait3A] : memref<2x10000x128xf32, #tpu.memory_space<hbm>> -> memref<1x624x128xf32, #tpu.memory_space<hbm>>
      %dma_wait3A_115 = tpu.memref_squeeze %dma_wait3A_114 : memref<1x624x128xf32, #tpu.memory_space<hbm>> -> memref<624x128xf32, #tpu.memory_space<hbm>>
      %dma_wait3A_116 = arith.constant 0 : i32
      %dma_wait3A_117 = tpu.memref_slice %arg10[%mul3A_2, %dma_wait3A_116] : memref<10008x128xf32, #tpu.memory_space<vmem_shared>> -> memref<624x128xf32, #tpu.memory_space<vmem_shared>>
      tpu.wait_dma2 semaphore(%run_scoped3A : memref<!tpu.dma_semaphore, #tpu.memory_space<semaphore_mem>>) src(%dma_wait3A_117 : memref<624x128xf32, #tpu.memory_space<vmem_shared>>) dst(%dma_wait3A_115 : memref<624x128xf32, #tpu.memory_space<hbm>>)
      tpu.yield
    }) : () -> ()
    %eq3A_104 = arith.constant 0 : i32
    %eq3A_105 = arith.cmpi eq, %arg1, %eq3A_104 : i32
    %convert_element_type3A_106 = arith.extui %eq3A_105 : i1 to i32
    %cond3A_107 = arith.constant 0 : i32
    %cond3A_108 = arith.cmpi ne, %convert_element_type3A_106, %cond3A_107 : i32
    scf.if %cond3A_108 {
      "tpu.region"() ({
        %run_scoped3A = tpu.sem_alloc : memref<!tpu.dma_semaphore, #tpu.memory_space<semaphore_mem>>
        %dma_start3A_109 = arith.constant 9984 : i32
        %dma_start3A_110 = arith.constant 0 : i32
        %dma_start3A_111 = tpu.memref_slice %arg6[%arg0, %dma_start3A_109, %dma_start3A_110] : memref<2x10000x128xf32, #tpu.memory_space<hbm>> -> memref<1x16x128xf32, #tpu.memory_space<hbm>>
        %dma_start3A_112 = tpu.memref_squeeze %dma_start3A_111 : memref<1x16x128xf32, #tpu.memory_space<hbm>> -> memref<16x128xf32, #tpu.memory_space<hbm>>
        %dma_start3A_113 = arith.constant 9984 : i32
        %dma_start3A_114 = arith.constant 0 : i32
        %dma_start3A_115 = tpu.memref_slice %arg10[%dma_start3A_113, %dma_start3A_114] : memref<10008x128xf32, #tpu.memory_space<vmem_shared>> -> memref<16x128xf32, #tpu.memory_space<vmem_shared>>
        tpu.enqueue_dma source(%dma_start3A_115 : memref<16x128xf32, #tpu.memory_space<vmem_shared>>) target(%dma_start3A_112 : memref<16x128xf32, #tpu.memory_space<hbm>>) target_semaphore(%run_scoped3A : memref<!tpu.dma_semaphore, #tpu.memory_space<semaphore_mem>>)
        %dma_wait3A = arith.constant 9984 : i32
        %dma_wait3A_116 = arith.constant 0 : i32
        %dma_wait3A_117 = tpu.memref_slice %arg6[%arg0, %dma_wait3A, %dma_wait3A_116] : memref<2x10000x128xf32, #tpu.memory_space<hbm>> -> memref<1x16x128xf32, #tpu.memory_space<hbm>>
        %dma_wait3A_118 = tpu.memref_squeeze %dma_wait3A_117 : memref<1x16x128xf32, #tpu.memory_space<hbm>> -> memref<16x128xf32, #tpu.memory_space<hbm>>
        %dma_wait3A_119 = arith.constant 9984 : i32
        %dma_wait3A_120 = arith.constant 0 : i32
        %dma_wait3A_121 = tpu.memref_slice %arg10[%dma_wait3A_119, %dma_wait3A_120] : memref<10008x128xf32, #tpu.memory_space<vmem_shared>> -> memref<16x128xf32, #tpu.memory_space<vmem_shared>>
        tpu.wait_dma2 semaphore(%run_scoped3A : memref<!tpu.dma_semaphore, #tpu.memory_space<semaphore_mem>>) src(%dma_wait3A_121 : memref<16x128xf32, #tpu.memory_space<vmem_shared>>) dst(%dma_wait3A_118 : memref<16x128xf32, #tpu.memory_space<hbm>>)
        tpu.yield
      }) : () -> ()
    } else {
    }
    return
  }
}

#map = affine_map<(d0, d1) -> (0, 0)>
#map1 = affine_map<(d0, d1) -> (0, 0, 0)>
module attributes {stable_mosaic.version = 14 : i64} {
  func.func @_segsum_sc(%arg0: i32, %arg1: i32, %arg2: memref<10000x128xf32, #tpu.memory_space<hbm>>, %arg3: memref<79x4096xi32, #tpu.memory_space<hbm>>, %arg4: memref<79x4096xi32, #tpu.memory_space<hbm>>, %arg5: memref<10000x128xf32, #tpu.memory_space<hbm>>, %arg6: memref<2x10000x128xf32, #tpu.memory_space<hbm>>, %arg7: memref<40x128xi32, #tpu.memory_space<vmem>>, %arg8: memref<40x128xi32, #tpu.memory_space<vmem>>, %arg9: memref<256x128xf32, #tpu.memory_space<vmem>>, %arg10: memref<10008x128xf32, #tpu.memory_space<vmem_shared>>, %arg11: memref<!tpu.dma_semaphore, #tpu.memory_space<semaphore_mem>>, %arg12: memref<!tpu.dma_semaphore, #tpu.memory_space<semaphore_mem>>, %arg13: memref<!tpu.dma_semaphore, #tpu.memory_space<semaphore_mem>>, %arg14: memref<!tpu.dma_semaphore, #tpu.memory_space<semaphore_mem>>) attributes {dimension_semantics = [#tpu.dimension_semantics<core_parallel>, #tpu.dimension_semantics<subcore_parallel>], iteration_bounds = array<i64: 2, 16>, scalar_prefetch = 0 : i64, scratch_operands = 8 : i64, tpu.core_type = #tpu.core_type<sc_vector_subcore>, window_params = [{transform_indices = #map}, {transform_indices = #map}, {transform_indices = #map}, {transform_indices = #map}, {transform_indices = #map1}]} {
    %mul3A = arith.constant 2 : i32
    %mul3A_0 = arith.muli %arg1, %mul3A : i32
    %add3A = arith.addi %mul3A_0, %arg0 : i32
    %mul3A_1 = arith.constant 624 : i32
    %mul3A_2 = arith.muli %arg1, %mul3A_1 : i32
    "tpu.region"() ({
      %run_scoped3A = tpu.sem_alloc : memref<!tpu.dma_semaphore, #tpu.memory_space<semaphore_mem>>
      %dma_start3A_109 = arith.constant 0 : i32
      %dma_start3A_110 = tpu.memref_slice %arg10[%mul3A_2, %dma_start3A_109] : memref<10008x128xf32, #tpu.memory_space<vmem_shared>> -> memref<624x128xf32, #tpu.memory_space<vmem_shared>>
      %dma_start3A_111 = arith.constant 0 : i32
      %dma_start3A_112 = tpu.memref_slice %arg5[%mul3A_2, %dma_start3A_111] : memref<10000x128xf32, #tpu.memory_space<hbm>> -> memref<624x128xf32, #tpu.memory_space<hbm>>
      tpu.enqueue_dma source(%dma_start3A_112 : memref<624x128xf32, #tpu.memory_space<hbm>>) target(%dma_start3A_110 : memref<624x128xf32, #tpu.memory_space<vmem_shared>>) target_semaphore(%run_scoped3A : memref<!tpu.dma_semaphore, #tpu.memory_space<semaphore_mem>>)
      %dma_wait3A = arith.constant 0 : i32
      %dma_wait3A_113 = tpu.memref_slice %arg10[%mul3A_2, %dma_wait3A] : memref<10008x128xf32, #tpu.memory_space<vmem_shared>> -> memref<624x128xf32, #tpu.memory_space<vmem_shared>>
      %dma_wait3A_114 = arith.constant 0 : i32
      %dma_wait3A_115 = tpu.memref_slice %arg5[%mul3A_2, %dma_wait3A_114] : memref<10000x128xf32, #tpu.memory_space<hbm>> -> memref<624x128xf32, #tpu.memory_space<hbm>>
      tpu.wait_dma2 semaphore(%run_scoped3A : memref<!tpu.dma_semaphore, #tpu.memory_space<semaphore_mem>>) src(%dma_wait3A_115 : memref<624x128xf32, #tpu.memory_space<hbm>>) dst(%dma_wait3A_113 : memref<624x128xf32, #tpu.memory_space<vmem_shared>>)
      tpu.yield
    }) : () -> ()
    %eq3A = arith.constant 0 : i32
    %eq3A_3 = arith.cmpi eq, %arg1, %eq3A : i32
    %convert_element_type3A = arith.extui %eq3A_3 : i1 to i32
    %cond3A = arith.constant 0 : i32
    %cond3A_4 = arith.cmpi ne, %convert_element_type3A, %cond3A : i32
    scf.if %cond3A_4 {
      "tpu.region"() ({
        %run_scoped3A = tpu.sem_alloc : memref<!tpu.dma_semaphore, #tpu.memory_space<semaphore_mem>>
        %dma_start3A_109 = arith.constant 9984 : i32
        %dma_start3A_110 = arith.constant 0 : i32
        %dma_start3A_111 = tpu.memref_slice %arg10[%dma_start3A_109, %dma_start3A_110] : memref<10008x128xf32, #tpu.memory_space<vmem_shared>> -> memref<16x128xf32, #tpu.memory_space<vmem_shared>>
        %dma_start3A_112 = arith.constant 9984 : i32
        %dma_start3A_113 = arith.constant 0 : i32
        %dma_start3A_114 = tpu.memref_slice %arg5[%dma_start3A_112, %dma_start3A_113] : memref<10000x128xf32, #tpu.memory_space<hbm>> -> memref<16x128xf32, #tpu.memory_space<hbm>>
        tpu.enqueue_dma source(%dma_start3A_114 : memref<16x128xf32, #tpu.memory_space<hbm>>) target(%dma_start3A_111 : memref<16x128xf32, #tpu.memory_space<vmem_shared>>) target_semaphore(%run_scoped3A : memref<!tpu.dma_semaphore, #tpu.memory_space<semaphore_mem>>)
        %dma_wait3A = arith.constant 9984 : i32
        %dma_wait3A_115 = arith.constant 0 : i32
        %dma_wait3A_116 = tpu.memref_slice %arg10[%dma_wait3A, %dma_wait3A_115] : memref<10008x128xf32, #tpu.memory_space<vmem_shared>> -> memref<16x128xf32, #tpu.memory_space<vmem_shared>>
        %dma_wait3A_117 = arith.constant 9984 : i32
        %dma_wait3A_118 = arith.constant 0 : i32
        %dma_wait3A_119 = tpu.memref_slice %arg5[%dma_wait3A_117, %dma_wait3A_118] : memref<10000x128xf32, #tpu.memory_space<hbm>> -> memref<16x128xf32, #tpu.memory_space<hbm>>
        tpu.wait_dma2 semaphore(%run_scoped3A : memref<!tpu.dma_semaphore, #tpu.memory_space<semaphore_mem>>) src(%dma_wait3A_119 : memref<16x128xf32, #tpu.memory_space<hbm>>) dst(%dma_wait3A_116 : memref<16x128xf32, #tpu.memory_space<vmem_shared>>)
        tpu.yield
      }) : () -> ()
    } else {
    }
    %barrier3A = arith.constant 0 : index
    tpu.barrier barrier_id(%barrier3A)
    %mul3A_5 = arith.constant 128 : i32
    %mul3A_6 = arith.muli %add3A, %mul3A_5 : i32
    "tpu.region"() ({
      %run_scoped3A = tpu.sem_alloc : memref<!tpu.dma_semaphore, #tpu.memory_space<semaphore_mem>>
      %dma_start3A_109 = arith.constant 0 : i32
      %dma_start3A_110 = arith.constant 0 : i32
      %dma_start3A_111 = tpu.memref_slice %arg7[%dma_start3A_109, %dma_start3A_110] : memref<40x128xi32, #tpu.memory_space<vmem>> -> memref<40x128xi32, #tpu.memory_space<vmem>>
      %dma_start3A_112 = arith.constant 0 : i32
      %dma_start3A_113 = tpu.memref_slice %arg3[%dma_start3A_112, %mul3A_6] : memref<79x4096xi32, #tpu.memory_space<hbm>> -> memref<40x128xi32, #tpu.memory_space<hbm>>
      %dma_start3A_114 = arith.constant 0 : i32
      %dma_start3A_115 = arith.constant 0 : i32
      %dma_start3A_116 = tpu.memref_slice %arg7[%dma_start3A_114, %dma_start3A_115] : memref<40x128xi32, #tpu.memory_space<vmem>> -> memref<40x128xi32, #tpu.memory_space<vmem>>
      %dma_start3A_117 = arith.constant 0 : i32
      %dma_start3A_118 = tpu.memref_slice %arg3[%dma_start3A_117, %mul3A_6] : memref<79x4096xi32, #tpu.memory_space<hbm>> -> memref<40x128xi32, #tpu.memory_space<hbm>>
      tpu.enqueue_dma source(%dma_start3A_118 : memref<40x128xi32, #tpu.memory_space<hbm>>) target(%dma_start3A_116 : memref<40x128xi32, #tpu.memory_space<vmem>>) target_semaphore(%run_scoped3A : memref<!tpu.dma_semaphore, #tpu.memory_space<semaphore_mem>>)
      %dma_wait3A = arith.constant 0 : i32
      %dma_wait3A_119 = arith.constant 0 : i32
      %dma_wait3A_120 = tpu.memref_slice %arg7[%dma_wait3A, %dma_wait3A_119] : memref<40x128xi32, #tpu.memory_space<vmem>> -> memref<40x128xi32, #tpu.memory_space<vmem>>
      %dma_wait3A_121 = arith.constant 0 : i32
      %dma_wait3A_122 = tpu.memref_slice %arg3[%dma_wait3A_121, %mul3A_6] : memref<79x4096xi32, #tpu.memory_space<hbm>> -> memref<40x128xi32, #tpu.memory_space<hbm>>
      %dma_wait3A_123 = arith.constant 0 : i32
      %dma_wait3A_124 = arith.constant 0 : i32
      %dma_wait3A_125 = tpu.memref_slice %arg7[%dma_wait3A_123, %dma_wait3A_124] : memref<40x128xi32, #tpu.memory_space<vmem>> -> memref<40x128xi32, #tpu.memory_space<vmem>>
      %dma_wait3A_126 = arith.constant 0 : i32
      %dma_wait3A_127 = tpu.memref_slice %arg3[%dma_wait3A_126, %mul3A_6] : memref<79x4096xi32, #tpu.memory_space<hbm>> -> memref<40x128xi32, #tpu.memory_space<hbm>>
      tpu.wait_dma2 semaphore(%run_scoped3A : memref<!tpu.dma_semaphore, #tpu.memory_space<semaphore_mem>>) src(%dma_wait3A_127 : memref<40x128xi32, #tpu.memory_space<hbm>>) dst(%dma_wait3A_125 : memref<40x128xi32, #tpu.memory_space<vmem>>)
      tpu.yield
    }) : () -> ()
    %mul3A_7 = arith.constant 128 : i32
    %mul3A_8 = arith.muli %add3A, %mul3A_7 : i32
    "tpu.region"() ({
      %run_scoped3A = tpu.sem_alloc : memref<!tpu.dma_semaphore, #tpu.memory_space<semaphore_mem>>
      %dma_start3A_109 = arith.constant 0 : i32
      %dma_start3A_110 = arith.constant 0 : i32
      %dma_start3A_111 = tpu.memref_slice %arg8[%dma_start3A_109, %dma_start3A_110] : memref<40x128xi32, #tpu.memory_space<vmem>> -> memref<40x128xi32, #tpu.memory_space<vmem>>
      %dma_start3A_112 = arith.constant 0 : i32
      %dma_start3A_113 = tpu.memref_slice %arg4[%dma_start3A_112, %mul3A_8] : memref<79x4096xi32, #tpu.memory_space<hbm>> -> memref<40x128xi32, #tpu.memory_space<hbm>>
      %dma_start3A_114 = arith.constant 0 : i32
      %dma_start3A_115 = arith.constant 0 : i32
      %dma_start3A_116 = tpu.memref_slice %arg8[%dma_start3A_114, %dma_start3A_115] : memref<40x128xi32, #tpu.memory_space<vmem>> -> memref<40x128xi32, #tpu.memory_space<vmem>>
      %dma_start3A_117 = arith.constant 0 : i32
      %dma_start3A_118 = tpu.memref_slice %arg4[%dma_start3A_117, %mul3A_8] : memref<79x4096xi32, #tpu.memory_space<hbm>> -> memref<40x128xi32, #tpu.memory_space<hbm>>
      tpu.enqueue_dma source(%dma_start3A_118 : memref<40x128xi32, #tpu.memory_space<hbm>>) target(%dma_start3A_116 : memref<40x128xi32, #tpu.memory_space<vmem>>) target_semaphore(%run_scoped3A : memref<!tpu.dma_semaphore, #tpu.memory_space<semaphore_mem>>)
      %dma_wait3A = arith.constant 0 : i32
      %dma_wait3A_119 = arith.constant 0 : i32
      %dma_wait3A_120 = tpu.memref_slice %arg8[%dma_wait3A, %dma_wait3A_119] : memref<40x128xi32, #tpu.memory_space<vmem>> -> memref<40x128xi32, #tpu.memory_space<vmem>>
      %dma_wait3A_121 = arith.constant 0 : i32
      %dma_wait3A_122 = tpu.memref_slice %arg4[%dma_wait3A_121, %mul3A_8] : memref<79x4096xi32, #tpu.memory_space<hbm>> -> memref<40x128xi32, #tpu.memory_space<hbm>>
      %dma_wait3A_123 = arith.constant 0 : i32
      %dma_wait3A_124 = arith.constant 0 : i32
      %dma_wait3A_125 = tpu.memref_slice %arg8[%dma_wait3A_123, %dma_wait3A_124] : memref<40x128xi32, #tpu.memory_space<vmem>> -> memref<40x128xi32, #tpu.memory_space<vmem>>
      %dma_wait3A_126 = arith.constant 0 : i32
      %dma_wait3A_127 = tpu.memref_slice %arg4[%dma_wait3A_126, %mul3A_8] : memref<79x4096xi32, #tpu.memory_space<hbm>> -> memref<40x128xi32, #tpu.memory_space<hbm>>
      tpu.wait_dma2 semaphore(%run_scoped3A : memref<!tpu.dma_semaphore, #tpu.memory_space<semaphore_mem>>) src(%dma_wait3A_127 : memref<40x128xi32, #tpu.memory_space<hbm>>) dst(%dma_wait3A_125 : memref<40x128xi32, #tpu.memory_space<vmem>>)
      tpu.yield
    }) : () -> ()
    %dma_start3A = arith.constant 0 : i32
    %dma_start3A_9 = arith.constant 0 : i32
    %dma_start3A_10 = arith.constant 0 : i32
    %dma_start3A_11 = tpu.memref_slice %arg9[%dma_start3A_9, %dma_start3A_10] : memref<256x128xf32, #tpu.memory_space<vmem>> -> memref<64x128xf32, #tpu.memory_space<vmem>>
    %dma_start3A_12 = arith.constant 0 : i32
    %dma_start3A_13 = tpu.memref_slice %arg7[%dma_start3A, %dma_start3A_12] : memref<40x128xi32, #tpu.memory_space<vmem>> -> memref<1x64xi32, #tpu.memory_space<vmem>>
    %dma_start3A_14 = tpu.memref_squeeze %dma_start3A_13 : memref<1x64xi32, #tpu.memory_space<vmem>> -> memref<64xi32, #tpu.memory_space<vmem>>
    %dma_start3A_15 = arith.constant 0 : i32
    %dma_start3A_16 = arith.constant 0 : i32
    %dma_start3A_17 = tpu.memref_slice %arg2[%dma_start3A_15, %dma_start3A_16] : memref<10000x128xf32, #tpu.memory_space<hbm>> -> memref<10000x128xf32, #tpu.memory_space<hbm>>
    tpu.enqueue_indirect_dma source(%dma_start3A_17 : memref<10000x128xf32, #tpu.memory_space<hbm>>) target(%dma_start3A_11 : memref<64x128xf32, #tpu.memory_space<vmem>>) offsets(%dma_start3A_14 : memref<64xi32, #tpu.memory_space<vmem>>) semaphore(%arg11 : memref<!tpu.dma_semaphore, #tpu.memory_space<semaphore_mem>>)
    %dma_start3A_18 = arith.constant 0 : i32
    %dma_start3A_19 = arith.constant 64 : i32
    %dma_start3A_20 = arith.constant 0 : i32
    %dma_start3A_21 = tpu.memref_slice %arg9[%dma_start3A_19, %dma_start3A_20] : memref<256x128xf32, #tpu.memory_space<vmem>> -> memref<64x128xf32, #tpu.memory_space<vmem>>
    %dma_start3A_22 = arith.constant 64 : i32
    %dma_start3A_23 = tpu.memref_slice %arg7[%dma_start3A_18, %dma_start3A_22] : memref<40x128xi32, #tpu.memory_space<vmem>> -> memref<1x64xi32, #tpu.memory_space<vmem>>
    %dma_start3A_24 = tpu.memref_squeeze %dma_start3A_23 : memref<1x64xi32, #tpu.memory_space<vmem>> -> memref<64xi32, #tpu.memory_space<vmem>>
    %dma_start3A_25 = arith.constant 0 : i32
    %dma_start3A_26 = arith.constant 0 : i32
    %dma_start3A_27 = tpu.memref_slice %arg2[%dma_start3A_25, %dma_start3A_26] : memref<10000x128xf32, #tpu.memory_space<hbm>> -> memref<10000x128xf32, #tpu.memory_space<hbm>>
    tpu.enqueue_indirect_dma source(%dma_start3A_27 : memref<10000x128xf32, #tpu.memory_space<hbm>>) target(%dma_start3A_21 : memref<64x128xf32, #tpu.memory_space<vmem>>) offsets(%dma_start3A_24 : memref<64xi32, #tpu.memory_space<vmem>>) semaphore(%arg12 : memref<!tpu.dma_semaphore, #tpu.memory_space<semaphore_mem>>)
    %dma_start3A_28 = arith.constant 1 : i32
    %dma_start3A_29 = arith.constant 128 : i32
    %dma_start3A_30 = arith.constant 0 : i32
    %dma_start3A_31 = tpu.memref_slice %arg9[%dma_start3A_29, %dma_start3A_30] : memref<256x128xf32, #tpu.memory_space<vmem>> -> memref<64x128xf32, #tpu.memory_space<vmem>>
    %dma_start3A_32 = arith.constant 0 : i32
    %dma_start3A_33 = tpu.memref_slice %arg7[%dma_start3A_28, %dma_start3A_32] : memref<40x128xi32, #tpu.memory_space<vmem>> -> memref<1x64xi32, #tpu.memory_space<vmem>>
    %dma_start3A_34 = tpu.memref_squeeze %dma_start3A_33 : memref<1x64xi32, #tpu.memory_space<vmem>> -> memref<64xi32, #tpu.memory_space<vmem>>
    %dma_start3A_35 = arith.constant 0 : i32
    %dma_start3A_36 = arith.constant 0 : i32
    %dma_start3A_37 = tpu.memref_slice %arg2[%dma_start3A_35, %dma_start3A_36] : memref<10000x128xf32, #tpu.memory_space<hbm>> -> memref<10000x128xf32, #tpu.memory_space<hbm>>
    tpu.enqueue_indirect_dma source(%dma_start3A_37 : memref<10000x128xf32, #tpu.memory_space<hbm>>) target(%dma_start3A_31 : memref<64x128xf32, #tpu.memory_space<vmem>>) offsets(%dma_start3A_34 : memref<64xi32, #tpu.memory_space<vmem>>) semaphore(%arg13 : memref<!tpu.dma_semaphore, #tpu.memory_space<semaphore_mem>>)
    %dma_start3A_38 = arith.constant 1 : i32
    %dma_start3A_39 = arith.constant 192 : i32
    %dma_start3A_40 = arith.constant 0 : i32
    %dma_start3A_41 = tpu.memref_slice %arg9[%dma_start3A_39, %dma_start3A_40] : memref<256x128xf32, #tpu.memory_space<vmem>> -> memref<64x128xf32, #tpu.memory_space<vmem>>
    %dma_start3A_42 = arith.constant 64 : i32
    %dma_start3A_43 = tpu.memref_slice %arg7[%dma_start3A_38, %dma_start3A_42] : memref<40x128xi32, #tpu.memory_space<vmem>> -> memref<1x64xi32, #tpu.memory_space<vmem>>
    %dma_start3A_44 = tpu.memref_squeeze %dma_start3A_43 : memref<1x64xi32, #tpu.memory_space<vmem>> -> memref<64xi32, #tpu.memory_space<vmem>>
    %dma_start3A_45 = arith.constant 0 : i32
    %dma_start3A_46 = arith.constant 0 : i32
    %dma_start3A_47 = tpu.memref_slice %arg2[%dma_start3A_45, %dma_start3A_46] : memref<10000x128xf32, #tpu.memory_space<hbm>> -> memref<10000x128xf32, #tpu.memory_space<hbm>>
    tpu.enqueue_indirect_dma source(%dma_start3A_47 : memref<10000x128xf32, #tpu.memory_space<hbm>>) target(%dma_start3A_41 : memref<64x128xf32, #tpu.memory_space<vmem>>) offsets(%dma_start3A_44 : memref<64xi32, #tpu.memory_space<vmem>>) semaphore(%arg14 : memref<!tpu.dma_semaphore, #tpu.memory_space<semaphore_mem>>)
    %scan3A = arith.constant 0 : i32
    %scan3A_48 = arith.constant 0 : i32
    %scan3A_49 = arith.constant 40 : i32
    %scan3A_50 = arith.addi %scan3A_48, %scan3A_49 : i32
    %scan3A_51 = arith.constant 1 : i32
    scf.for %scan3A_109 = %scan3A_48 to %scan3A_50 step %scan3A_51  : i32 {
      %jit3A = arith.constant 2 : i32
      %eq3A_110 = arith.constant 0 : i32
      %eq3A_111 = arith.cmpi eq, %jit3A, %eq3A_110 : i32
      %jit3A_112 = arith.constant 1 : i32
      %select_n3A = arith.select %eq3A_111, %jit3A_112, %jit3A : i32
      %rem3A = arith.remsi %scan3A_109, %select_n3A : i32
      %ne3A = arith.constant 0 : i32
      %ne3A_113 = arith.cmpi ne, %rem3A, %ne3A : i32
      %lt3A = arith.constant 0 : i32
      %lt3A_114 = arith.cmpi slt, %rem3A, %lt3A : i32
      %lt3A_115 = arith.constant 0 : i32
      %lt3A_116 = arith.cmpi slt, %select_n3A, %lt3A_115 : i32
      %ne3A_117 = arith.xori %lt3A_114, %lt3A_116 : i1
      %and3A = arith.andi %ne3A_117, %ne3A_113 : i1
      %add3A_118 = arith.addi %rem3A, %select_n3A : i32
      %select_n3A_119 = arith.select %and3A, %add3A_118, %rem3A : i32
      %eq3A_120 = arith.constant 0 : i32
      %eq3A_121 = arith.cmpi eq, %select_n3A_119, %eq3A_120 : i32
      %convert_element_type3A_122 = arith.extui %eq3A_121 : i1 to i32
      %cond3A_123 = arith.constant 0 : i32
      %cond3A_124 = arith.cmpi ne, %convert_element_type3A_122, %cond3A_123 : i32
      scf.if %cond3A_124 {
        %dma_wait3A = arith.constant 0 : i32
        %dma_wait3A_146 = arith.constant 0 : i32
        %dma_wait3A_147 = tpu.memref_slice %arg9[%dma_wait3A, %dma_wait3A_146] : memref<256x128xf32, #tpu.memory_space<vmem>> -> memref<64x128xf32, #tpu.memory_space<vmem>>
        %dma_wait3A_148 = arith.constant 0 : i32
        %dma_wait3A_149 = tpu.memref_slice %arg7[%scan3A_109, %dma_wait3A_148] : memref<40x128xi32, #tpu.memory_space<vmem>> -> memref<1x64xi32, #tpu.memory_space<vmem>>
        %dma_wait3A_150 = tpu.memref_squeeze %dma_wait3A_149 : memref<1x64xi32, #tpu.memory_space<vmem>> -> memref<64xi32, #tpu.memory_space<vmem>>
        %dma_wait3A_151 = arith.constant 0 : i32
        %dma_wait3A_152 = arith.constant 0 : i32
        %dma_wait3A_153 = tpu.memref_slice %arg2[%dma_wait3A_151, %dma_wait3A_152] : memref<10000x128xf32, #tpu.memory_space<hbm>> -> memref<10000x128xf32, #tpu.memory_space<hbm>>
        tpu.wait_indirect_dma semaphore(%arg11 : memref<!tpu.dma_semaphore, #tpu.memory_space<semaphore_mem>>) src(%dma_wait3A_153 : memref<10000x128xf32, #tpu.memory_space<hbm>>) dst(%dma_wait3A_147 : memref<64x128xf32, #tpu.memory_space<vmem>>)
        %dma_wait3A_154 = arith.constant 64 : i32
        %dma_wait3A_155 = arith.constant 0 : i32
        %dma_wait3A_156 = tpu.memref_slice %arg9[%dma_wait3A_154, %dma_wait3A_155] : memref<256x128xf32, #tpu.memory_space<vmem>> -> memref<64x128xf32, #tpu.memory_space<vmem>>
        %dma_wait3A_157 = arith.constant 64 : i32
        %dma_wait3A_158 = tpu.memref_slice %arg7[%scan3A_109, %dma_wait3A_157] : memref<40x128xi32, #tpu.memory_space<vmem>> -> memref<1x64xi32, #tpu.memory_space<vmem>>
        %dma_wait3A_159 = tpu.memref_squeeze %dma_wait3A_158 : memref<1x64xi32, #tpu.memory_space<vmem>> -> memref<64xi32, #tpu.memory_space<vmem>>
        %dma_wait3A_160 = arith.constant 0 : i32
        %dma_wait3A_161 = arith.constant 0 : i32
        %dma_wait3A_162 = tpu.memref_slice %arg2[%dma_wait3A_160, %dma_wait3A_161] : memref<10000x128xf32, #tpu.memory_space<hbm>> -> memref<10000x128xf32, #tpu.memory_space<hbm>>
        tpu.wait_indirect_dma semaphore(%arg12 : memref<!tpu.dma_semaphore, #tpu.memory_space<semaphore_mem>>) src(%dma_wait3A_162 : memref<10000x128xf32, #tpu.memory_space<hbm>>) dst(%dma_wait3A_156 : memref<64x128xf32, #tpu.memory_space<vmem>>)
        "tpu.region"() ({
          %run_scoped3A = tpu.sem_alloc : memref<!tpu.dma_semaphore, #tpu.memory_space<semaphore_mem>>
          %dma_start3A_170 = arith.constant 0 : i32
          %dma_start3A_171 = arith.constant 0 : i32
          %dma_start3A_172 = tpu.memref_slice %arg9[%dma_start3A_170, %dma_start3A_171] : memref<256x128xf32, #tpu.memory_space<vmem>> -> memref<128x128xf32, #tpu.memory_space<vmem>>
          %dma_start3A_173 = arith.constant 0 : i32
          %dma_start3A_174 = tpu.memref_slice %arg8[%scan3A_109, %dma_start3A_173] : memref<40x128xi32, #tpu.memory_space<vmem>> -> memref<1x128xi32, #tpu.memory_space<vmem>>
          %dma_start3A_175 = tpu.memref_squeeze %dma_start3A_174 : memref<1x128xi32, #tpu.memory_space<vmem>> -> memref<128xi32, #tpu.memory_space<vmem>>
          %dma_start3A_176 = arith.constant 0 : i32
          %dma_start3A_177 = arith.constant 0 : i32
          %dma_start3A_178 = tpu.memref_slice %arg10[%dma_start3A_176, %dma_start3A_177] : memref<10008x128xf32, #tpu.memory_space<vmem_shared>> -> memref<10008x128xf32, #tpu.memory_space<vmem_shared>>
          tpu.enqueue_indirect_dma source(%dma_start3A_172 : memref<128x128xf32, #tpu.memory_space<vmem>>) target(%dma_start3A_178 : memref<10008x128xf32, #tpu.memory_space<vmem_shared>>) offsets(%dma_start3A_175 : memref<128xi32, #tpu.memory_space<vmem>>) semaphore(%run_scoped3A : memref<!tpu.dma_semaphore, #tpu.memory_space<semaphore_mem>>) {add = true}
          %dma_wait3A_179 = arith.constant 0 : i32
          %dma_wait3A_180 = arith.constant 0 : i32
          %dma_wait3A_181 = tpu.memref_slice %arg9[%dma_wait3A_179, %dma_wait3A_180] : memref<256x128xf32, #tpu.memory_space<vmem>> -> memref<128x128xf32, #tpu.memory_space<vmem>>
          %dma_wait3A_182 = arith.constant 0 : i32
          %dma_wait3A_183 = tpu.memref_slice %arg8[%scan3A_109, %dma_wait3A_182] : memref<40x128xi32, #tpu.memory_space<vmem>> -> memref<1x128xi32, #tpu.memory_space<vmem>>
          %dma_wait3A_184 = tpu.memref_squeeze %dma_wait3A_183 : memref<1x128xi32, #tpu.memory_space<vmem>> -> memref<128xi32, #tpu.memory_space<vmem>>
          %dma_wait3A_185 = arith.constant 0 : i32
          %dma_wait3A_186 = arith.constant 0 : i32
          %dma_wait3A_187 = tpu.memref_slice %arg10[%dma_wait3A_185, %dma_wait3A_186] : memref<10008x128xf32, #tpu.memory_space<vmem_shared>> -> memref<10008x128xf32, #tpu.memory_space<vmem_shared>>
          tpu.wait_indirect_dma semaphore(%run_scoped3A : memref<!tpu.dma_semaphore, #tpu.memory_space<semaphore_mem>>) src(%dma_wait3A_181 : memref<128x128xf32, #tpu.memory_space<vmem>>) dst(%dma_wait3A_187 : memref<10008x128xf32, #tpu.memory_space<vmem_shared>>)
          tpu.yield
        }) : () -> ()
        %add3A_163 = arith.constant 2 : i32
        %add3A_164 = arith.addi %scan3A_109, %add3A_163 : i32
        %lt3A_165 = arith.constant 40 : i32
        %lt3A_166 = arith.cmpi slt, %add3A_164, %lt3A_165 : i32
        %convert_element_type3A_167 = arith.extui %lt3A_166 : i1 to i32
        %cond3A_168 = arith.constant 0 : i32
        %cond3A_169 = arith.cmpi ne, %convert_element_type3A_167, %cond3A_168 : i32
        scf.if %cond3A_169 {
          %add3A_170 = arith.constant 2 : i32
          %add3A_171 = arith.addi %scan3A_109, %add3A_170 : i32
          %dma_start3A_172 = arith.constant 0 : i32
          %dma_start3A_173 = arith.constant 0 : i32
          %dma_start3A_174 = tpu.memref_slice %arg9[%dma_start3A_172, %dma_start3A_173] : memref<256x128xf32, #tpu.memory_space<vmem>> -> memref<64x128xf32, #tpu.memory_space<vmem>>
          %dma_start3A_175 = arith.constant 0 : i32
          %dma_start3A_176 = tpu.memref_slice %arg7[%add3A_171, %dma_start3A_175] : memref<40x128xi32, #tpu.memory_space<vmem>> -> memref<1x64xi32, #tpu.memory_space<vmem>>
          %dma_start3A_177 = tpu.memref_squeeze %dma_start3A_176 : memref<1x64xi32, #tpu.memory_space<vmem>> -> memref<64xi32, #tpu.memory_space<vmem>>
          %dma_start3A_178 = arith.constant 0 : i32
          %dma_start3A_179 = arith.constant 0 : i32
          %dma_start3A_180 = tpu.memref_slice %arg2[%dma_start3A_178, %dma_start3A_179] : memref<10000x128xf32, #tpu.memory_space<hbm>> -> memref<10000x128xf32, #tpu.memory_space<hbm>>
          tpu.enqueue_indirect_dma source(%dma_start3A_180 : memref<10000x128xf32, #tpu.memory_space<hbm>>) target(%dma_start3A_174 : memref<64x128xf32, #tpu.memory_space<vmem>>) offsets(%dma_start3A_177 : memref<64xi32, #tpu.memory_space<vmem>>) semaphore(%arg11 : memref<!tpu.dma_semaphore, #tpu.memory_space<semaphore_mem>>)
          %dma_start3A_181 = arith.constant 64 : i32
          %dma_start3A_182 = arith.constant 0 : i32
          %dma_start3A_183 = tpu.memref_slice %arg9[%dma_start3A_181, %dma_start3A_182] : memref<256x128xf32, #tpu.memory_space<vmem>> -> memref<64x128xf32, #tpu.memory_space<vmem>>
          %dma_start3A_184 = arith.constant 64 : i32
          %dma_start3A_185 = tpu.memref_slice %arg7[%add3A_171, %dma_start3A_184] : memref<40x128xi32, #tpu.memory_space<vmem>> -> memref<1x64xi32, #tpu.memory_space<vmem>>
          %dma_start3A_186 = tpu.memref_squeeze %dma_start3A_185 : memref<1x64xi32, #tpu.memory_space<vmem>> -> memref<64xi32, #tpu.memory_space<vmem>>
          %dma_start3A_187 = arith.constant 0 : i32
          %dma_start3A_188 = arith.constant 0 : i32
          %dma_start3A_189 = tpu.memref_slice %arg2[%dma_start3A_187, %dma_start3A_188] : memref<10000x128xf32, #tpu.memory_space<hbm>> -> memref<10000x128xf32, #tpu.memory_space<hbm>>
          tpu.enqueue_indirect_dma source(%dma_start3A_189 : memref<10000x128xf32, #tpu.memory_space<hbm>>) target(%dma_start3A_183 : memref<64x128xf32, #tpu.memory_space<vmem>>) offsets(%dma_start3A_186 : memref<64xi32, #tpu.memory_space<vmem>>) semaphore(%arg12 : memref<!tpu.dma_semaphore, #tpu.memory_space<semaphore_mem>>)
        } else {
        }
      } else {
      }
      %jit3A_125 = arith.constant 2 : i32
      %eq3A_126 = arith.constant 0 : i32
      %eq3A_127 = arith.cmpi eq, %jit3A_125, %eq3A_126 : i32
      %jit3A_128 = arith.constant 1 : i32
      %select_n3A_129 = arith.select %eq3A_127, %jit3A_128, %jit3A_125 : i32
      %rem3A_130 = arith.remsi %scan3A_109, %select_n3A_129 : i32
      %ne3A_131 = arith.constant 0 : i32
      %ne3A_132 = arith.cmpi ne, %rem3A_130, %ne3A_131 : i32
      %lt3A_133 = arith.constant 0 : i32
      %lt3A_134 = arith.cmpi slt, %rem3A_130, %lt3A_133 : i32
      %lt3A_135 = arith.constant 0 : i32
      %lt3A_136 = arith.cmpi slt, %select_n3A_129, %lt3A_135 : i32
      %ne3A_137 = arith.xori %lt3A_134, %lt3A_136 : i1
      %and3A_138 = arith.andi %ne3A_137, %ne3A_132 : i1
      %add3A_139 = arith.addi %rem3A_130, %select_n3A_129 : i32
      %select_n3A_140 = arith.select %and3A_138, %add3A_139, %rem3A_130 : i32
      %eq3A_141 = arith.constant 1 : i32
      %eq3A_142 = arith.cmpi eq, %select_n3A_140, %eq3A_141 : i32
      %convert_element_type3A_143 = arith.extui %eq3A_142 : i1 to i32
      %cond3A_144 = arith.constant 0 : i32
      %cond3A_145 = arith.cmpi ne, %convert_element_type3A_143, %cond3A_144 : i32
      scf.if %cond3A_145 {
        %dma_wait3A = arith.constant 128 : i32
        %dma_wait3A_146 = arith.constant 0 : i32
        %dma_wait3A_147 = tpu.memref_slice %arg9[%dma_wait3A, %dma_wait3A_146] : memref<256x128xf32, #tpu.memory_space<vmem>> -> memref<64x128xf32, #tpu.memory_space<vmem>>
        %dma_wait3A_148 = arith.constant 0 : i32
        %dma_wait3A_149 = tpu.memref_slice %arg7[%scan3A_109, %dma_wait3A_148] : memref<40x128xi32, #tpu.memory_space<vmem>> -> memref<1x64xi32, #tpu.memory_space<vmem>>
        %dma_wait3A_150 = tpu.memref_squeeze %dma_wait3A_149 : memref<1x64xi32, #tpu.memory_space<vmem>> -> memref<64xi32, #tpu.memory_space<vmem>>
        %dma_wait3A_151 = arith.constant 0 : i32
        %dma_wait3A_152 = arith.constant 0 : i32
        %dma_wait3A_153 = tpu.memref_slice %arg2[%dma_wait3A_151, %dma_wait3A_152] : memref<10000x128xf32, #tpu.memory_space<hbm>> -> memref<10000x128xf32, #tpu.memory_space<hbm>>
        tpu.wait_indirect_dma semaphore(%arg13 : memref<!tpu.dma_semaphore, #tpu.memory_space<semaphore_mem>>) src(%dma_wait3A_153 : memref<10000x128xf32, #tpu.memory_space<hbm>>) dst(%dma_wait3A_147 : memref<64x128xf32, #tpu.memory_space<vmem>>)
        %dma_wait3A_154 = arith.constant 192 : i32
        %dma_wait3A_155 = arith.constant 0 : i32
        %dma_wait3A_156 = tpu.memref_slice %arg9[%dma_wait3A_154, %dma_wait3A_155] : memref<256x128xf32, #tpu.memory_space<vmem>> -> memref<64x128xf32, #tpu.memory_space<vmem>>
        %dma_wait3A_157 = arith.constant 64 : i32
        %dma_wait3A_158 = tpu.memref_slice %arg7[%scan3A_109, %dma_wait3A_157] : memref<40x128xi32, #tpu.memory_space<vmem>> -> memref<1x64xi32, #tpu.memory_space<vmem>>
        %dma_wait3A_159 = tpu.memref_squeeze %dma_wait3A_158 : memref<1x64xi32, #tpu.memory_space<vmem>> -> memref<64xi32, #tpu.memory_space<vmem>>
        %dma_wait3A_160 = arith.constant 0 : i32
        %dma_wait3A_161 = arith.constant 0 : i32
        %dma_wait3A_162 = tpu.memref_slice %arg2[%dma_wait3A_160, %dma_wait3A_161] : memref<10000x128xf32, #tpu.memory_space<hbm>> -> memref<10000x128xf32, #tpu.memory_space<hbm>>
        tpu.wait_indirect_dma semaphore(%arg14 : memref<!tpu.dma_semaphore, #tpu.memory_space<semaphore_mem>>) src(%dma_wait3A_162 : memref<10000x128xf32, #tpu.memory_space<hbm>>) dst(%dma_wait3A_156 : memref<64x128xf32, #tpu.memory_space<vmem>>)
        "tpu.region"() ({
          %run_scoped3A = tpu.sem_alloc : memref<!tpu.dma_semaphore, #tpu.memory_space<semaphore_mem>>
          %dma_start3A_170 = arith.constant 128 : i32
          %dma_start3A_171 = arith.constant 0 : i32
          %dma_start3A_172 = tpu.memref_slice %arg9[%dma_start3A_170, %dma_start3A_171] : memref<256x128xf32, #tpu.memory_space<vmem>> -> memref<128x128xf32, #tpu.memory_space<vmem>>
          %dma_start3A_173 = arith.constant 0 : i32
          %dma_start3A_174 = tpu.memref_slice %arg8[%scan3A_109, %dma_start3A_173] : memref<40x128xi32, #tpu.memory_space<vmem>> -> memref<1x128xi32, #tpu.memory_space<vmem>>
          %dma_start3A_175 = tpu.memref_squeeze %dma_start3A_174 : memref<1x128xi32, #tpu.memory_space<vmem>> -> memref<128xi32, #tpu.memory_space<vmem>>
          %dma_start3A_176 = arith.constant 0 : i32
          %dma_start3A_177 = arith.constant 0 : i32
          %dma_start3A_178 = tpu.memref_slice %arg10[%dma_start3A_176, %dma_start3A_177] : memref<10008x128xf32, #tpu.memory_space<vmem_shared>> -> memref<10008x128xf32, #tpu.memory_space<vmem_shared>>
          tpu.enqueue_indirect_dma source(%dma_start3A_172 : memref<128x128xf32, #tpu.memory_space<vmem>>) target(%dma_start3A_178 : memref<10008x128xf32, #tpu.memory_space<vmem_shared>>) offsets(%dma_start3A_175 : memref<128xi32, #tpu.memory_space<vmem>>) semaphore(%run_scoped3A : memref<!tpu.dma_semaphore, #tpu.memory_space<semaphore_mem>>) {add = true}
          %dma_wait3A_179 = arith.constant 128 : i32
          %dma_wait3A_180 = arith.constant 0 : i32
          %dma_wait3A_181 = tpu.memref_slice %arg9[%dma_wait3A_179, %dma_wait3A_180] : memref<256x128xf32, #tpu.memory_space<vmem>> -> memref<128x128xf32, #tpu.memory_space<vmem>>
          %dma_wait3A_182 = arith.constant 0 : i32
          %dma_wait3A_183 = tpu.memref_slice %arg8[%scan3A_109, %dma_wait3A_182] : memref<40x128xi32, #tpu.memory_space<vmem>> -> memref<1x128xi32, #tpu.memory_space<vmem>>
          %dma_wait3A_184 = tpu.memref_squeeze %dma_wait3A_183 : memref<1x128xi32, #tpu.memory_space<vmem>> -> memref<128xi32, #tpu.memory_space<vmem>>
          %dma_wait3A_185 = arith.constant 0 : i32
          %dma_wait3A_186 = arith.constant 0 : i32
          %dma_wait3A_187 = tpu.memref_slice %arg10[%dma_wait3A_185, %dma_wait3A_186] : memref<10008x128xf32, #tpu.memory_space<vmem_shared>> -> memref<10008x128xf32, #tpu.memory_space<vmem_shared>>
          tpu.wait_indirect_dma semaphore(%run_scoped3A : memref<!tpu.dma_semaphore, #tpu.memory_space<semaphore_mem>>) src(%dma_wait3A_181 : memref<128x128xf32, #tpu.memory_space<vmem>>) dst(%dma_wait3A_187 : memref<10008x128xf32, #tpu.memory_space<vmem_shared>>)
          tpu.yield
        }) : () -> ()
        %add3A_163 = arith.constant 2 : i32
        %add3A_164 = arith.addi %scan3A_109, %add3A_163 : i32
        %lt3A_165 = arith.constant 40 : i32
        %lt3A_166 = arith.cmpi slt, %add3A_164, %lt3A_165 : i32
        %convert_element_type3A_167 = arith.extui %lt3A_166 : i1 to i32
        %cond3A_168 = arith.constant 0 : i32
        %cond3A_169 = arith.cmpi ne, %convert_element_type3A_167, %cond3A_168 : i32
        scf.if %cond3A_169 {
          %add3A_170 = arith.constant 2 : i32
          %add3A_171 = arith.addi %scan3A_109, %add3A_170 : i32
          %dma_start3A_172 = arith.constant 128 : i32
          %dma_start3A_173 = arith.constant 0 : i32
          %dma_start3A_174 = tpu.memref_slice %arg9[%dma_start3A_172, %dma_start3A_173] : memref<256x128xf32, #tpu.memory_space<vmem>> -> memref<64x128xf32, #tpu.memory_space<vmem>>
          %dma_start3A_175 = arith.constant 0 : i32
          %dma_start3A_176 = tpu.memref_slice %arg7[%add3A_171, %dma_start3A_175] : memref<40x128xi32, #tpu.memory_space<vmem>> -> memref<1x64xi32, #tpu.memory_space<vmem>>
          %dma_start3A_177 = tpu.memref_squeeze %dma_start3A_176 : memref<1x64xi32, #tpu.memory_space<vmem>> -> memref<64xi32, #tpu.memory_space<vmem>>
          %dma_start3A_178 = arith.constant 0 : i32
          %dma_start3A_179 = arith.constant 0 : i32
          %dma_start3A_180 = tpu.memref_slice %arg2[%dma_start3A_178, %dma_start3A_179] : memref<10000x128xf32, #tpu.memory_space<hbm>> -> memref<10000x128xf32, #tpu.memory_space<hbm>>
          tpu.enqueue_indirect_dma source(%dma_start3A_180 : memref<10000x128xf32, #tpu.memory_space<hbm>>) target(%dma_start3A_174 : memref<64x128xf32, #tpu.memory_space<vmem>>) offsets(%dma_start3A_177 : memref<64xi32, #tpu.memory_space<vmem>>) semaphore(%arg13 : memref<!tpu.dma_semaphore, #tpu.memory_space<semaphore_mem>>)
          %dma_start3A_181 = arith.constant 192 : i32
          %dma_start3A_182 = arith.constant 0 : i32
          %dma_start3A_183 = tpu.memref_slice %arg9[%dma_start3A_181, %dma_start3A_182] : memref<256x128xf32, #tpu.memory_space<vmem>> -> memref<64x128xf32, #tpu.memory_space<vmem>>
          %dma_start3A_184 = arith.constant 64 : i32
          %dma_start3A_185 = tpu.memref_slice %arg7[%add3A_171, %dma_start3A_184] : memref<40x128xi32, #tpu.memory_space<vmem>> -> memref<1x64xi32, #tpu.memory_space<vmem>>
          %dma_start3A_186 = tpu.memref_squeeze %dma_start3A_185 : memref<1x64xi32, #tpu.memory_space<vmem>> -> memref<64xi32, #tpu.memory_space<vmem>>
          %dma_start3A_187 = arith.constant 0 : i32
          %dma_start3A_188 = arith.constant 0 : i32
          %dma_start3A_189 = tpu.memref_slice %arg2[%dma_start3A_187, %dma_start3A_188] : memref<10000x128xf32, #tpu.memory_space<hbm>> -> memref<10000x128xf32, #tpu.memory_space<hbm>>
          tpu.enqueue_indirect_dma source(%dma_start3A_189 : memref<10000x128xf32, #tpu.memory_space<hbm>>) target(%dma_start3A_183 : memref<64x128xf32, #tpu.memory_space<vmem>>) offsets(%dma_start3A_186 : memref<64xi32, #tpu.memory_space<vmem>>) semaphore(%arg14 : memref<!tpu.dma_semaphore, #tpu.memory_space<semaphore_mem>>)
        } else {
        }
      } else {
      }
    }
    %scan3A_52 = arith.constant 40 : i32
    %mul3A_53 = arith.constant 128 : i32
    %mul3A_54 = arith.muli %add3A, %mul3A_53 : i32
    "tpu.region"() ({
      %run_scoped3A = tpu.sem_alloc : memref<!tpu.dma_semaphore, #tpu.memory_space<semaphore_mem>>
      %dma_start3A_109 = arith.constant 0 : i32
      %dma_start3A_110 = arith.constant 0 : i32
      %dma_start3A_111 = tpu.memref_slice %arg7[%dma_start3A_109, %dma_start3A_110] : memref<40x128xi32, #tpu.memory_space<vmem>> -> memref<39x128xi32, #tpu.memory_space<vmem>>
      %dma_start3A_112 = arith.constant 40 : i32
      %dma_start3A_113 = tpu.memref_slice %arg3[%dma_start3A_112, %mul3A_54] : memref<79x4096xi32, #tpu.memory_space<hbm>> -> memref<39x128xi32, #tpu.memory_space<hbm>>
      %dma_start3A_114 = arith.constant 0 : i32
      %dma_start3A_115 = arith.constant 0 : i32
      %dma_start3A_116 = tpu.memref_slice %arg7[%dma_start3A_114, %dma_start3A_115] : memref<40x128xi32, #tpu.memory_space<vmem>> -> memref<39x128xi32, #tpu.memory_space<vmem>>
      %dma_start3A_117 = arith.constant 40 : i32
      %dma_start3A_118 = tpu.memref_slice %arg3[%dma_start3A_117, %mul3A_54] : memref<79x4096xi32, #tpu.memory_space<hbm>> -> memref<39x128xi32, #tpu.memory_space<hbm>>
      tpu.enqueue_dma source(%dma_start3A_118 : memref<39x128xi32, #tpu.memory_space<hbm>>) target(%dma_start3A_116 : memref<39x128xi32, #tpu.memory_space<vmem>>) target_semaphore(%run_scoped3A : memref<!tpu.dma_semaphore, #tpu.memory_space<semaphore_mem>>)
      %dma_wait3A = arith.constant 0 : i32
      %dma_wait3A_119 = arith.constant 0 : i32
      %dma_wait3A_120 = tpu.memref_slice %arg7[%dma_wait3A, %dma_wait3A_119] : memref<40x128xi32, #tpu.memory_space<vmem>> -> memref<39x128xi32, #tpu.memory_space<vmem>>
      %dma_wait3A_121 = arith.constant 40 : i32
      %dma_wait3A_122 = tpu.memref_slice %arg3[%dma_wait3A_121, %mul3A_54] : memref<79x4096xi32, #tpu.memory_space<hbm>> -> memref<39x128xi32, #tpu.memory_space<hbm>>
      %dma_wait3A_123 = arith.constant 0 : i32
      %dma_wait3A_124 = arith.constant 0 : i32
      %dma_wait3A_125 = tpu.memref_slice %arg7[%dma_wait3A_123, %dma_wait3A_124] : memref<40x128xi32, #tpu.memory_space<vmem>> -> memref<39x128xi32, #tpu.memory_space<vmem>>
      %dma_wait3A_126 = arith.constant 40 : i32
      %dma_wait3A_127 = tpu.memref_slice %arg3[%dma_wait3A_126, %mul3A_54] : memref<79x4096xi32, #tpu.memory_space<hbm>> -> memref<39x128xi32, #tpu.memory_space<hbm>>
      tpu.wait_dma2 semaphore(%run_scoped3A : memref<!tpu.dma_semaphore, #tpu.memory_space<semaphore_mem>>) src(%dma_wait3A_127 : memref<39x128xi32, #tpu.memory_space<hbm>>) dst(%dma_wait3A_125 : memref<39x128xi32, #tpu.memory_space<vmem>>)
      tpu.yield
    }) : () -> ()
    %mul3A_55 = arith.constant 128 : i32
    %mul3A_56 = arith.muli %add3A, %mul3A_55 : i32
    "tpu.region"() ({
      %run_scoped3A = tpu.sem_alloc : memref<!tpu.dma_semaphore, #tpu.memory_space<semaphore_mem>>
      %dma_start3A_109 = arith.constant 0 : i32
      %dma_start3A_110 = arith.constant 0 : i32
      %dma_start3A_111 = tpu.memref_slice %arg8[%dma_start3A_109, %dma_start3A_110] : memref<40x128xi32, #tpu.memory_space<vmem>> -> memref<39x128xi32, #tpu.memory_space<vmem>>
      %dma_start3A_112 = arith.constant 40 : i32
      %dma_start3A_113 = tpu.memref_slice %arg4[%dma_start3A_112, %mul3A_56] : memref<79x4096xi32, #tpu.memory_space<hbm>> -> memref<39x128xi32, #tpu.memory_space<hbm>>
      %dma_start3A_114 = arith.constant 0 : i32
      %dma_start3A_115 = arith.constant 0 : i32
      %dma_start3A_116 = tpu.memref_slice %arg8[%dma_start3A_114, %dma_start3A_115] : memref<40x128xi32, #tpu.memory_space<vmem>> -> memref<39x128xi32, #tpu.memory_space<vmem>>
      %dma_start3A_117 = arith.constant 40 : i32
      %dma_start3A_118 = tpu.memref_slice %arg4[%dma_start3A_117, %mul3A_56] : memref<79x4096xi32, #tpu.memory_space<hbm>> -> memref<39x128xi32, #tpu.memory_space<hbm>>
      tpu.enqueue_dma source(%dma_start3A_118 : memref<39x128xi32, #tpu.memory_space<hbm>>) target(%dma_start3A_116 : memref<39x128xi32, #tpu.memory_space<vmem>>) target_semaphore(%run_scoped3A : memref<!tpu.dma_semaphore, #tpu.memory_space<semaphore_mem>>)
      %dma_wait3A = arith.constant 0 : i32
      %dma_wait3A_119 = arith.constant 0 : i32
      %dma_wait3A_120 = tpu.memref_slice %arg8[%dma_wait3A, %dma_wait3A_119] : memref<40x128xi32, #tpu.memory_space<vmem>> -> memref<39x128xi32, #tpu.memory_space<vmem>>
      %dma_wait3A_121 = arith.constant 40 : i32
      %dma_wait3A_122 = tpu.memref_slice %arg4[%dma_wait3A_121, %mul3A_56] : memref<79x4096xi32, #tpu.memory_space<hbm>> -> memref<39x128xi32, #tpu.memory_space<hbm>>
      %dma_wait3A_123 = arith.constant 0 : i32
      %dma_wait3A_124 = arith.constant 0 : i32
      %dma_wait3A_125 = tpu.memref_slice %arg8[%dma_wait3A_123, %dma_wait3A_124] : memref<40x128xi32, #tpu.memory_space<vmem>> -> memref<39x128xi32, #tpu.memory_space<vmem>>
      %dma_wait3A_126 = arith.constant 40 : i32
      %dma_wait3A_127 = tpu.memref_slice %arg4[%dma_wait3A_126, %mul3A_56] : memref<79x4096xi32, #tpu.memory_space<hbm>> -> memref<39x128xi32, #tpu.memory_space<hbm>>
      tpu.wait_dma2 semaphore(%run_scoped3A : memref<!tpu.dma_semaphore, #tpu.memory_space<semaphore_mem>>) src(%dma_wait3A_127 : memref<39x128xi32, #tpu.memory_space<hbm>>) dst(%dma_wait3A_125 : memref<39x128xi32, #tpu.memory_space<vmem>>)
      tpu.yield
    }) : () -> ()
    %dma_start3A_57 = arith.constant 0 : i32
    %dma_start3A_58 = arith.constant 0 : i32
    %dma_start3A_59 = arith.constant 0 : i32
    %dma_start3A_60 = tpu.memref_slice %arg9[%dma_start3A_58, %dma_start3A_59] : memref<256x128xf32, #tpu.memory_space<vmem>> -> memref<64x128xf32, #tpu.memory_space<vmem>>
    %dma_start3A_61 = arith.constant 0 : i32
    %dma_start3A_62 = tpu.memref_slice %arg7[%dma_start3A_57, %dma_start3A_61] : memref<40x128xi32, #tpu.memory_space<vmem>> -> memref<1x64xi32, #tpu.memory_space<vmem>>
    %dma_start3A_63 = tpu.memref_squeeze %dma_start3A_62 : memref<1x64xi32, #tpu.memory_space<vmem>> -> memref<64xi32, #tpu.memory_space<vmem>>
    %dma_start3A_64 = arith.constant 0 : i32
    %dma_start3A_65 = arith.constant 0 : i32
    %dma_start3A_66 = tpu.memref_slice %arg2[%dma_start3A_64, %dma_start3A_65] : memref<10000x128xf32, #tpu.memory_space<hbm>> -> memref<10000x128xf32, #tpu.memory_space<hbm>>
    tpu.enqueue_indirect_dma source(%dma_start3A_66 : memref<10000x128xf32, #tpu.memory_space<hbm>>) target(%dma_start3A_60 : memref<64x128xf32, #tpu.memory_space<vmem>>) offsets(%dma_start3A_63 : memref<64xi32, #tpu.memory_space<vmem>>) semaphore(%arg11 : memref<!tpu.dma_semaphore, #tpu.memory_space<semaphore_mem>>)
    %dma_start3A_67 = arith.constant 0 : i32
    %dma_start3A_68 = arith.constant 64 : i32
    %dma_start3A_69 = arith.constant 0 : i32
    %dma_start3A_70 = tpu.memref_slice %arg9[%dma_start3A_68, %dma_start3A_69] : memref<256x128xf32, #tpu.memory_space<vmem>> -> memref<64x128xf32, #tpu.memory_space<vmem>>
    %dma_start3A_71 = arith.constant 64 : i32
    %dma_start3A_72 = tpu.memref_slice %arg7[%dma_start3A_67, %dma_start3A_71] : memref<40x128xi32, #tpu.memory_space<vmem>> -> memref<1x64xi32, #tpu.memory_space<vmem>>
    %dma_start3A_73 = tpu.memref_squeeze %dma_start3A_72 : memref<1x64xi32, #tpu.memory_space<vmem>> -> memref<64xi32, #tpu.memory_space<vmem>>
    %dma_start3A_74 = arith.constant 0 : i32
    %dma_start3A_75 = arith.constant 0 : i32
    %dma_start3A_76 = tpu.memref_slice %arg2[%dma_start3A_74, %dma_start3A_75] : memref<10000x128xf32, #tpu.memory_space<hbm>> -> memref<10000x128xf32, #tpu.memory_space<hbm>>
    tpu.enqueue_indirect_dma source(%dma_start3A_76 : memref<10000x128xf32, #tpu.memory_space<hbm>>) target(%dma_start3A_70 : memref<64x128xf32, #tpu.memory_space<vmem>>) offsets(%dma_start3A_73 : memref<64xi32, #tpu.memory_space<vmem>>) semaphore(%arg12 : memref<!tpu.dma_semaphore, #tpu.memory_space<semaphore_mem>>)
    %dma_start3A_77 = arith.constant 1 : i32
    %dma_start3A_78 = arith.constant 128 : i32
    %dma_start3A_79 = arith.constant 0 : i32
    %dma_start3A_80 = tpu.memref_slice %arg9[%dma_start3A_78, %dma_start3A_79] : memref<256x128xf32, #tpu.memory_space<vmem>> -> memref<64x128xf32, #tpu.memory_space<vmem>>
    %dma_start3A_81 = arith.constant 0 : i32
    %dma_start3A_82 = tpu.memref_slice %arg7[%dma_start3A_77, %dma_start3A_81] : memref<40x128xi32, #tpu.memory_space<vmem>> -> memref<1x64xi32, #tpu.memory_space<vmem>>
    %dma_start3A_83 = tpu.memref_squeeze %dma_start3A_82 : memref<1x64xi32, #tpu.memory_space<vmem>> -> memref<64xi32, #tpu.memory_space<vmem>>
    %dma_start3A_84 = arith.constant 0 : i32
    %dma_start3A_85 = arith.constant 0 : i32
    %dma_start3A_86 = tpu.memref_slice %arg2[%dma_start3A_84, %dma_start3A_85] : memref<10000x128xf32, #tpu.memory_space<hbm>> -> memref<10000x128xf32, #tpu.memory_space<hbm>>
    tpu.enqueue_indirect_dma source(%dma_start3A_86 : memref<10000x128xf32, #tpu.memory_space<hbm>>) target(%dma_start3A_80 : memref<64x128xf32, #tpu.memory_space<vmem>>) offsets(%dma_start3A_83 : memref<64xi32, #tpu.memory_space<vmem>>) semaphore(%arg13 : memref<!tpu.dma_semaphore, #tpu.memory_space<semaphore_mem>>)
    %dma_start3A_87 = arith.constant 1 : i32
    %dma_start3A_88 = arith.constant 192 : i32
    %dma_start3A_89 = arith.constant 0 : i32
    %dma_start3A_90 = tpu.memref_slice %arg9[%dma_start3A_88, %dma_start3A_89] : memref<256x128xf32, #tpu.memory_space<vmem>> -> memref<64x128xf32, #tpu.memory_space<vmem>>
    %dma_start3A_91 = arith.constant 64 : i32
    %dma_start3A_92 = tpu.memref_slice %arg7[%dma_start3A_87, %dma_start3A_91] : memref<40x128xi32, #tpu.memory_space<vmem>> -> memref<1x64xi32, #tpu.memory_space<vmem>>
    %dma_start3A_93 = tpu.memref_squeeze %dma_start3A_92 : memref<1x64xi32, #tpu.memory_space<vmem>> -> memref<64xi32, #tpu.memory_space<vmem>>
    %dma_start3A_94 = arith.constant 0 : i32
    %dma_start3A_95 = arith.constant 0 : i32
    %dma_start3A_96 = tpu.memref_slice %arg2[%dma_start3A_94, %dma_start3A_95] : memref<10000x128xf32, #tpu.memory_space<hbm>> -> memref<10000x128xf32, #tpu.memory_space<hbm>>
    tpu.enqueue_indirect_dma source(%dma_start3A_96 : memref<10000x128xf32, #tpu.memory_space<hbm>>) target(%dma_start3A_90 : memref<64x128xf32, #tpu.memory_space<vmem>>) offsets(%dma_start3A_93 : memref<64xi32, #tpu.memory_space<vmem>>) semaphore(%arg14 : memref<!tpu.dma_semaphore, #tpu.memory_space<semaphore_mem>>)
    %scan3A_97 = arith.constant 0 : i32
    %scan3A_98 = arith.constant 0 : i32
    %scan3A_99 = arith.constant 39 : i32
    %scan3A_100 = arith.addi %scan3A_98, %scan3A_99 : i32
    %scan3A_101 = arith.constant 1 : i32
    scf.for %scan3A_109 = %scan3A_98 to %scan3A_100 step %scan3A_101  : i32 {
      %jit3A = arith.constant 2 : i32
      %eq3A_110 = arith.constant 0 : i32
      %eq3A_111 = arith.cmpi eq, %jit3A, %eq3A_110 : i32
      %jit3A_112 = arith.constant 1 : i32
      %select_n3A = arith.select %eq3A_111, %jit3A_112, %jit3A : i32
      %rem3A = arith.remsi %scan3A_109, %select_n3A : i32
      %ne3A = arith.constant 0 : i32
      %ne3A_113 = arith.cmpi ne, %rem3A, %ne3A : i32
      %lt3A = arith.constant 0 : i32
      %lt3A_114 = arith.cmpi slt, %rem3A, %lt3A : i32
      %lt3A_115 = arith.constant 0 : i32
      %lt3A_116 = arith.cmpi slt, %select_n3A, %lt3A_115 : i32
      %ne3A_117 = arith.xori %lt3A_114, %lt3A_116 : i1
      %and3A = arith.andi %ne3A_117, %ne3A_113 : i1
      %add3A_118 = arith.addi %rem3A, %select_n3A : i32
      %select_n3A_119 = arith.select %and3A, %add3A_118, %rem3A : i32
      %eq3A_120 = arith.constant 0 : i32
      %eq3A_121 = arith.cmpi eq, %select_n3A_119, %eq3A_120 : i32
      %convert_element_type3A_122 = arith.extui %eq3A_121 : i1 to i32
      %cond3A_123 = arith.constant 0 : i32
      %cond3A_124 = arith.cmpi ne, %convert_element_type3A_122, %cond3A_123 : i32
      scf.if %cond3A_124 {
        %dma_wait3A = arith.constant 0 : i32
        %dma_wait3A_146 = arith.constant 0 : i32
        %dma_wait3A_147 = tpu.memref_slice %arg9[%dma_wait3A, %dma_wait3A_146] : memref<256x128xf32, #tpu.memory_space<vmem>> -> memref<64x128xf32, #tpu.memory_space<vmem>>
        %dma_wait3A_148 = arith.constant 0 : i32
        %dma_wait3A_149 = tpu.memref_slice %arg7[%scan3A_109, %dma_wait3A_148] : memref<40x128xi32, #tpu.memory_space<vmem>> -> memref<1x64xi32, #tpu.memory_space<vmem>>
        %dma_wait3A_150 = tpu.memref_squeeze %dma_wait3A_149 : memref<1x64xi32, #tpu.memory_space<vmem>> -> memref<64xi32, #tpu.memory_space<vmem>>
        %dma_wait3A_151 = arith.constant 0 : i32
        %dma_wait3A_152 = arith.constant 0 : i32
        %dma_wait3A_153 = tpu.memref_slice %arg2[%dma_wait3A_151, %dma_wait3A_152] : memref<10000x128xf32, #tpu.memory_space<hbm>> -> memref<10000x128xf32, #tpu.memory_space<hbm>>
        tpu.wait_indirect_dma semaphore(%arg11 : memref<!tpu.dma_semaphore, #tpu.memory_space<semaphore_mem>>) src(%dma_wait3A_153 : memref<10000x128xf32, #tpu.memory_space<hbm>>) dst(%dma_wait3A_147 : memref<64x128xf32, #tpu.memory_space<vmem>>)
        %dma_wait3A_154 = arith.constant 64 : i32
        %dma_wait3A_155 = arith.constant 0 : i32
        %dma_wait3A_156 = tpu.memref_slice %arg9[%dma_wait3A_154, %dma_wait3A_155] : memref<256x128xf32, #tpu.memory_space<vmem>> -> memref<64x128xf32, #tpu.memory_space<vmem>>
        %dma_wait3A_157 = arith.constant 64 : i32
        %dma_wait3A_158 = tpu.memref_slice %arg7[%scan3A_109, %dma_wait3A_157] : memref<40x128xi32, #tpu.memory_space<vmem>> -> memref<1x64xi32, #tpu.memory_space<vmem>>
        %dma_wait3A_159 = tpu.memref_squeeze %dma_wait3A_158 : memref<1x64xi32, #tpu.memory_space<vmem>> -> memref<64xi32, #tpu.memory_space<vmem>>
        %dma_wait3A_160 = arith.constant 0 : i32
        %dma_wait3A_161 = arith.constant 0 : i32
        %dma_wait3A_162 = tpu.memref_slice %arg2[%dma_wait3A_160, %dma_wait3A_161] : memref<10000x128xf32, #tpu.memory_space<hbm>> -> memref<10000x128xf32, #tpu.memory_space<hbm>>
        tpu.wait_indirect_dma semaphore(%arg12 : memref<!tpu.dma_semaphore, #tpu.memory_space<semaphore_mem>>) src(%dma_wait3A_162 : memref<10000x128xf32, #tpu.memory_space<hbm>>) dst(%dma_wait3A_156 : memref<64x128xf32, #tpu.memory_space<vmem>>)
        "tpu.region"() ({
          %run_scoped3A = tpu.sem_alloc : memref<!tpu.dma_semaphore, #tpu.memory_space<semaphore_mem>>
          %dma_start3A_170 = arith.constant 0 : i32
          %dma_start3A_171 = arith.constant 0 : i32
          %dma_start3A_172 = tpu.memref_slice %arg9[%dma_start3A_170, %dma_start3A_171] : memref<256x128xf32, #tpu.memory_space<vmem>> -> memref<128x128xf32, #tpu.memory_space<vmem>>
          %dma_start3A_173 = arith.constant 0 : i32
          %dma_start3A_174 = tpu.memref_slice %arg8[%scan3A_109, %dma_start3A_173] : memref<40x128xi32, #tpu.memory_space<vmem>> -> memref<1x128xi32, #tpu.memory_space<vmem>>
          %dma_start3A_175 = tpu.memref_squeeze %dma_start3A_174 : memref<1x128xi32, #tpu.memory_space<vmem>> -> memref<128xi32, #tpu.memory_space<vmem>>
          %dma_start3A_176 = arith.constant 0 : i32
          %dma_start3A_177 = arith.constant 0 : i32
          %dma_start3A_178 = tpu.memref_slice %arg10[%dma_start3A_176, %dma_start3A_177] : memref<10008x128xf32, #tpu.memory_space<vmem_shared>> -> memref<10008x128xf32, #tpu.memory_space<vmem_shared>>
          tpu.enqueue_indirect_dma source(%dma_start3A_172 : memref<128x128xf32, #tpu.memory_space<vmem>>) target(%dma_start3A_178 : memref<10008x128xf32, #tpu.memory_space<vmem_shared>>) offsets(%dma_start3A_175 : memref<128xi32, #tpu.memory_space<vmem>>) semaphore(%run_scoped3A : memref<!tpu.dma_semaphore, #tpu.memory_space<semaphore_mem>>) {add = true}
          %dma_wait3A_179 = arith.constant 0 : i32
          %dma_wait3A_180 = arith.constant 0 : i32
          %dma_wait3A_181 = tpu.memref_slice %arg9[%dma_wait3A_179, %dma_wait3A_180] : memref<256x128xf32, #tpu.memory_space<vmem>> -> memref<128x128xf32, #tpu.memory_space<vmem>>
          %dma_wait3A_182 = arith.constant 0 : i32
          %dma_wait3A_183 = tpu.memref_slice %arg8[%scan3A_109, %dma_wait3A_182] : memref<40x128xi32, #tpu.memory_space<vmem>> -> memref<1x128xi32, #tpu.memory_space<vmem>>
          %dma_wait3A_184 = tpu.memref_squeeze %dma_wait3A_183 : memref<1x128xi32, #tpu.memory_space<vmem>> -> memref<128xi32, #tpu.memory_space<vmem>>
          %dma_wait3A_185 = arith.constant 0 : i32
          %dma_wait3A_186 = arith.constant 0 : i32
          %dma_wait3A_187 = tpu.memref_slice %arg10[%dma_wait3A_185, %dma_wait3A_186] : memref<10008x128xf32, #tpu.memory_space<vmem_shared>> -> memref<10008x128xf32, #tpu.memory_space<vmem_shared>>
          tpu.wait_indirect_dma semaphore(%run_scoped3A : memref<!tpu.dma_semaphore, #tpu.memory_space<semaphore_mem>>) src(%dma_wait3A_181 : memref<128x128xf32, #tpu.memory_space<vmem>>) dst(%dma_wait3A_187 : memref<10008x128xf32, #tpu.memory_space<vmem_shared>>)
          tpu.yield
        }) : () -> ()
        %add3A_163 = arith.constant 2 : i32
        %add3A_164 = arith.addi %scan3A_109, %add3A_163 : i32
        %lt3A_165 = arith.constant 39 : i32
        %lt3A_166 = arith.cmpi slt, %add3A_164, %lt3A_165 : i32
        %convert_element_type3A_167 = arith.extui %lt3A_166 : i1 to i32
        %cond3A_168 = arith.constant 0 : i32
        %cond3A_169 = arith.cmpi ne, %convert_element_type3A_167, %cond3A_168 : i32
        scf.if %cond3A_169 {
          %add3A_170 = arith.constant 2 : i32
          %add3A_171 = arith.addi %scan3A_109, %add3A_170 : i32
          %dma_start3A_172 = arith.constant 0 : i32
          %dma_start3A_173 = arith.constant 0 : i32
          %dma_start3A_174 = tpu.memref_slice %arg9[%dma_start3A_172, %dma_start3A_173] : memref<256x128xf32, #tpu.memory_space<vmem>> -> memref<64x128xf32, #tpu.memory_space<vmem>>
          %dma_start3A_175 = arith.constant 0 : i32
          %dma_start3A_176 = tpu.memref_slice %arg7[%add3A_171, %dma_start3A_175] : memref<40x128xi32, #tpu.memory_space<vmem>> -> memref<1x64xi32, #tpu.memory_space<vmem>>
          %dma_start3A_177 = tpu.memref_squeeze %dma_start3A_176 : memref<1x64xi32, #tpu.memory_space<vmem>> -> memref<64xi32, #tpu.memory_space<vmem>>
          %dma_start3A_178 = arith.constant 0 : i32
          %dma_start3A_179 = arith.constant 0 : i32
          %dma_start3A_180 = tpu.memref_slice %arg2[%dma_start3A_178, %dma_start3A_179] : memref<10000x128xf32, #tpu.memory_space<hbm>> -> memref<10000x128xf32, #tpu.memory_space<hbm>>
          tpu.enqueue_indirect_dma source(%dma_start3A_180 : memref<10000x128xf32, #tpu.memory_space<hbm>>) target(%dma_start3A_174 : memref<64x128xf32, #tpu.memory_space<vmem>>) offsets(%dma_start3A_177 : memref<64xi32, #tpu.memory_space<vmem>>) semaphore(%arg11 : memref<!tpu.dma_semaphore, #tpu.memory_space<semaphore_mem>>)
          %dma_start3A_181 = arith.constant 64 : i32
          %dma_start3A_182 = arith.constant 0 : i32
          %dma_start3A_183 = tpu.memref_slice %arg9[%dma_start3A_181, %dma_start3A_182] : memref<256x128xf32, #tpu.memory_space<vmem>> -> memref<64x128xf32, #tpu.memory_space<vmem>>
          %dma_start3A_184 = arith.constant 64 : i32
          %dma_start3A_185 = tpu.memref_slice %arg7[%add3A_171, %dma_start3A_184] : memref<40x128xi32, #tpu.memory_space<vmem>> -> memref<1x64xi32, #tpu.memory_space<vmem>>
          %dma_start3A_186 = tpu.memref_squeeze %dma_start3A_185 : memref<1x64xi32, #tpu.memory_space<vmem>> -> memref<64xi32, #tpu.memory_space<vmem>>
          %dma_start3A_187 = arith.constant 0 : i32
          %dma_start3A_188 = arith.constant 0 : i32
          %dma_start3A_189 = tpu.memref_slice %arg2[%dma_start3A_187, %dma_start3A_188] : memref<10000x128xf32, #tpu.memory_space<hbm>> -> memref<10000x128xf32, #tpu.memory_space<hbm>>
          tpu.enqueue_indirect_dma source(%dma_start3A_189 : memref<10000x128xf32, #tpu.memory_space<hbm>>) target(%dma_start3A_183 : memref<64x128xf32, #tpu.memory_space<vmem>>) offsets(%dma_start3A_186 : memref<64xi32, #tpu.memory_space<vmem>>) semaphore(%arg12 : memref<!tpu.dma_semaphore, #tpu.memory_space<semaphore_mem>>)
        } else {
        }
      } else {
      }
      %jit3A_125 = arith.constant 2 : i32
      %eq3A_126 = arith.constant 0 : i32
      %eq3A_127 = arith.cmpi eq, %jit3A_125, %eq3A_126 : i32
      %jit3A_128 = arith.constant 1 : i32
      %select_n3A_129 = arith.select %eq3A_127, %jit3A_128, %jit3A_125 : i32
      %rem3A_130 = arith.remsi %scan3A_109, %select_n3A_129 : i32
      %ne3A_131 = arith.constant 0 : i32
      %ne3A_132 = arith.cmpi ne, %rem3A_130, %ne3A_131 : i32
      %lt3A_133 = arith.constant 0 : i32
      %lt3A_134 = arith.cmpi slt, %rem3A_130, %lt3A_133 : i32
      %lt3A_135 = arith.constant 0 : i32
      %lt3A_136 = arith.cmpi slt, %select_n3A_129, %lt3A_135 : i32
      %ne3A_137 = arith.xori %lt3A_134, %lt3A_136 : i1
      %and3A_138 = arith.andi %ne3A_137, %ne3A_132 : i1
      %add3A_139 = arith.addi %rem3A_130, %select_n3A_129 : i32
      %select_n3A_140 = arith.select %and3A_138, %add3A_139, %rem3A_130 : i32
      %eq3A_141 = arith.constant 1 : i32
      %eq3A_142 = arith.cmpi eq, %select_n3A_140, %eq3A_141 : i32
      %convert_element_type3A_143 = arith.extui %eq3A_142 : i1 to i32
      %cond3A_144 = arith.constant 0 : i32
      %cond3A_145 = arith.cmpi ne, %convert_element_type3A_143, %cond3A_144 : i32
      scf.if %cond3A_145 {
        %dma_wait3A = arith.constant 128 : i32
        %dma_wait3A_146 = arith.constant 0 : i32
        %dma_wait3A_147 = tpu.memref_slice %arg9[%dma_wait3A, %dma_wait3A_146] : memref<256x128xf32, #tpu.memory_space<vmem>> -> memref<64x128xf32, #tpu.memory_space<vmem>>
        %dma_wait3A_148 = arith.constant 0 : i32
        %dma_wait3A_149 = tpu.memref_slice %arg7[%scan3A_109, %dma_wait3A_148] : memref<40x128xi32, #tpu.memory_space<vmem>> -> memref<1x64xi32, #tpu.memory_space<vmem>>
        %dma_wait3A_150 = tpu.memref_squeeze %dma_wait3A_149 : memref<1x64xi32, #tpu.memory_space<vmem>> -> memref<64xi32, #tpu.memory_space<vmem>>
        %dma_wait3A_151 = arith.constant 0 : i32
        %dma_wait3A_152 = arith.constant 0 : i32
        %dma_wait3A_153 = tpu.memref_slice %arg2[%dma_wait3A_151, %dma_wait3A_152] : memref<10000x128xf32, #tpu.memory_space<hbm>> -> memref<10000x128xf32, #tpu.memory_space<hbm>>
        tpu.wait_indirect_dma semaphore(%arg13 : memref<!tpu.dma_semaphore, #tpu.memory_space<semaphore_mem>>) src(%dma_wait3A_153 : memref<10000x128xf32, #tpu.memory_space<hbm>>) dst(%dma_wait3A_147 : memref<64x128xf32, #tpu.memory_space<vmem>>)
        %dma_wait3A_154 = arith.constant 192 : i32
        %dma_wait3A_155 = arith.constant 0 : i32
        %dma_wait3A_156 = tpu.memref_slice %arg9[%dma_wait3A_154, %dma_wait3A_155] : memref<256x128xf32, #tpu.memory_space<vmem>> -> memref<64x128xf32, #tpu.memory_space<vmem>>
        %dma_wait3A_157 = arith.constant 64 : i32
        %dma_wait3A_158 = tpu.memref_slice %arg7[%scan3A_109, %dma_wait3A_157] : memref<40x128xi32, #tpu.memory_space<vmem>> -> memref<1x64xi32, #tpu.memory_space<vmem>>
        %dma_wait3A_159 = tpu.memref_squeeze %dma_wait3A_158 : memref<1x64xi32, #tpu.memory_space<vmem>> -> memref<64xi32, #tpu.memory_space<vmem>>
        %dma_wait3A_160 = arith.constant 0 : i32
        %dma_wait3A_161 = arith.constant 0 : i32
        %dma_wait3A_162 = tpu.memref_slice %arg2[%dma_wait3A_160, %dma_wait3A_161] : memref<10000x128xf32, #tpu.memory_space<hbm>> -> memref<10000x128xf32, #tpu.memory_space<hbm>>
        tpu.wait_indirect_dma semaphore(%arg14 : memref<!tpu.dma_semaphore, #tpu.memory_space<semaphore_mem>>) src(%dma_wait3A_162 : memref<10000x128xf32, #tpu.memory_space<hbm>>) dst(%dma_wait3A_156 : memref<64x128xf32, #tpu.memory_space<vmem>>)
        "tpu.region"() ({
          %run_scoped3A = tpu.sem_alloc : memref<!tpu.dma_semaphore, #tpu.memory_space<semaphore_mem>>
          %dma_start3A_170 = arith.constant 128 : i32
          %dma_start3A_171 = arith.constant 0 : i32
          %dma_start3A_172 = tpu.memref_slice %arg9[%dma_start3A_170, %dma_start3A_171] : memref<256x128xf32, #tpu.memory_space<vmem>> -> memref<128x128xf32, #tpu.memory_space<vmem>>
          %dma_start3A_173 = arith.constant 0 : i32
          %dma_start3A_174 = tpu.memref_slice %arg8[%scan3A_109, %dma_start3A_173] : memref<40x128xi32, #tpu.memory_space<vmem>> -> memref<1x128xi32, #tpu.memory_space<vmem>>
          %dma_start3A_175 = tpu.memref_squeeze %dma_start3A_174 : memref<1x128xi32, #tpu.memory_space<vmem>> -> memref<128xi32, #tpu.memory_space<vmem>>
          %dma_start3A_176 = arith.constant 0 : i32
          %dma_start3A_177 = arith.constant 0 : i32
          %dma_start3A_178 = tpu.memref_slice %arg10[%dma_start3A_176, %dma_start3A_177] : memref<10008x128xf32, #tpu.memory_space<vmem_shared>> -> memref<10008x128xf32, #tpu.memory_space<vmem_shared>>
          tpu.enqueue_indirect_dma source(%dma_start3A_172 : memref<128x128xf32, #tpu.memory_space<vmem>>) target(%dma_start3A_178 : memref<10008x128xf32, #tpu.memory_space<vmem_shared>>) offsets(%dma_start3A_175 : memref<128xi32, #tpu.memory_space<vmem>>) semaphore(%run_scoped3A : memref<!tpu.dma_semaphore, #tpu.memory_space<semaphore_mem>>) {add = true}
          %dma_wait3A_179 = arith.constant 128 : i32
          %dma_wait3A_180 = arith.constant 0 : i32
          %dma_wait3A_181 = tpu.memref_slice %arg9[%dma_wait3A_179, %dma_wait3A_180] : memref<256x128xf32, #tpu.memory_space<vmem>> -> memref<128x128xf32, #tpu.memory_space<vmem>>
          %dma_wait3A_182 = arith.constant 0 : i32
          %dma_wait3A_183 = tpu.memref_slice %arg8[%scan3A_109, %dma_wait3A_182] : memref<40x128xi32, #tpu.memory_space<vmem>> -> memref<1x128xi32, #tpu.memory_space<vmem>>
          %dma_wait3A_184 = tpu.memref_squeeze %dma_wait3A_183 : memref<1x128xi32, #tpu.memory_space<vmem>> -> memref<128xi32, #tpu.memory_space<vmem>>
          %dma_wait3A_185 = arith.constant 0 : i32
          %dma_wait3A_186 = arith.constant 0 : i32
          %dma_wait3A_187 = tpu.memref_slice %arg10[%dma_wait3A_185, %dma_wait3A_186] : memref<10008x128xf32, #tpu.memory_space<vmem_shared>> -> memref<10008x128xf32, #tpu.memory_space<vmem_shared>>
          tpu.wait_indirect_dma semaphore(%run_scoped3A : memref<!tpu.dma_semaphore, #tpu.memory_space<semaphore_mem>>) src(%dma_wait3A_181 : memref<128x128xf32, #tpu.memory_space<vmem>>) dst(%dma_wait3A_187 : memref<10008x128xf32, #tpu.memory_space<vmem_shared>>)
          tpu.yield
        }) : () -> ()
        %add3A_163 = arith.constant 2 : i32
        %add3A_164 = arith.addi %scan3A_109, %add3A_163 : i32
        %lt3A_165 = arith.constant 39 : i32
        %lt3A_166 = arith.cmpi slt, %add3A_164, %lt3A_165 : i32
        %convert_element_type3A_167 = arith.extui %lt3A_166 : i1 to i32
        %cond3A_168 = arith.constant 0 : i32
        %cond3A_169 = arith.cmpi ne, %convert_element_type3A_167, %cond3A_168 : i32
        scf.if %cond3A_169 {
          %add3A_170 = arith.constant 2 : i32
          %add3A_171 = arith.addi %scan3A_109, %add3A_170 : i32
          %dma_start3A_172 = arith.constant 128 : i32
          %dma_start3A_173 = arith.constant 0 : i32
          %dma_start3A_174 = tpu.memref_slice %arg9[%dma_start3A_172, %dma_start3A_173] : memref<256x128xf32, #tpu.memory_space<vmem>> -> memref<64x128xf32, #tpu.memory_space<vmem>>
          %dma_start3A_175 = arith.constant 0 : i32
          %dma_start3A_176 = tpu.memref_slice %arg7[%add3A_171, %dma_start3A_175] : memref<40x128xi32, #tpu.memory_space<vmem>> -> memref<1x64xi32, #tpu.memory_space<vmem>>
          %dma_start3A_177 = tpu.memref_squeeze %dma_start3A_176 : memref<1x64xi32, #tpu.memory_space<vmem>> -> memref<64xi32, #tpu.memory_space<vmem>>
          %dma_start3A_178 = arith.constant 0 : i32
          %dma_start3A_179 = arith.constant 0 : i32
          %dma_start3A_180 = tpu.memref_slice %arg2[%dma_start3A_178, %dma_start3A_179] : memref<10000x128xf32, #tpu.memory_space<hbm>> -> memref<10000x128xf32, #tpu.memory_space<hbm>>
          tpu.enqueue_indirect_dma source(%dma_start3A_180 : memref<10000x128xf32, #tpu.memory_space<hbm>>) target(%dma_start3A_174 : memref<64x128xf32, #tpu.memory_space<vmem>>) offsets(%dma_start3A_177 : memref<64xi32, #tpu.memory_space<vmem>>) semaphore(%arg13 : memref<!tpu.dma_semaphore, #tpu.memory_space<semaphore_mem>>)
          %dma_start3A_181 = arith.constant 192 : i32
          %dma_start3A_182 = arith.constant 0 : i32
          %dma_start3A_183 = tpu.memref_slice %arg9[%dma_start3A_181, %dma_start3A_182] : memref<256x128xf32, #tpu.memory_space<vmem>> -> memref<64x128xf32, #tpu.memory_space<vmem>>
          %dma_start3A_184 = arith.constant 64 : i32
          %dma_start3A_185 = tpu.memref_slice %arg7[%add3A_171, %dma_start3A_184] : memref<40x128xi32, #tpu.memory_space<vmem>> -> memref<1x64xi32, #tpu.memory_space<vmem>>
          %dma_start3A_186 = tpu.memref_squeeze %dma_start3A_185 : memref<1x64xi32, #tpu.memory_space<vmem>> -> memref<64xi32, #tpu.memory_space<vmem>>
          %dma_start3A_187 = arith.constant 0 : i32
          %dma_start3A_188 = arith.constant 0 : i32
          %dma_start3A_189 = tpu.memref_slice %arg2[%dma_start3A_187, %dma_start3A_188] : memref<10000x128xf32, #tpu.memory_space<hbm>> -> memref<10000x128xf32, #tpu.memory_space<hbm>>
          tpu.enqueue_indirect_dma source(%dma_start3A_189 : memref<10000x128xf32, #tpu.memory_space<hbm>>) target(%dma_start3A_183 : memref<64x128xf32, #tpu.memory_space<vmem>>) offsets(%dma_start3A_186 : memref<64xi32, #tpu.memory_space<vmem>>) semaphore(%arg14 : memref<!tpu.dma_semaphore, #tpu.memory_space<semaphore_mem>>)
        } else {
        }
      } else {
      }
    }
    %scan3A_102 = arith.constant 39 : i32
    %barrier3A_103 = arith.constant 0 : index
    tpu.barrier barrier_id(%barrier3A_103)
    "tpu.region"() ({
      %run_scoped3A = tpu.sem_alloc : memref<!tpu.dma_semaphore, #tpu.memory_space<semaphore_mem>>
      %dma_start3A_109 = arith.constant 0 : i32
      %dma_start3A_110 = tpu.memref_slice %arg6[%arg0, %mul3A_2, %dma_start3A_109] : memref<2x10000x128xf32, #tpu.memory_space<hbm>> -> memref<1x624x128xf32, #tpu.memory_space<hbm>>
      %dma_start3A_111 = tpu.memref_squeeze %dma_start3A_110 : memref<1x624x128xf32, #tpu.memory_space<hbm>> -> memref<624x128xf32, #tpu.memory_space<hbm>>
      %dma_start3A_112 = arith.constant 0 : i32
      %dma_start3A_113 = tpu.memref_slice %arg10[%mul3A_2, %dma_start3A_112] : memref<10008x128xf32, #tpu.memory_space<vmem_shared>> -> memref<624x128xf32, #tpu.memory_space<vmem_shared>>
      tpu.enqueue_dma source(%dma_start3A_113 : memref<624x128xf32, #tpu.memory_space<vmem_shared>>) target(%dma_start3A_111 : memref<624x128xf32, #tpu.memory_space<hbm>>) target_semaphore(%run_scoped3A : memref<!tpu.dma_semaphore, #tpu.memory_space<semaphore_mem>>)
      %dma_wait3A = arith.constant 0 : i32
      %dma_wait3A_114 = tpu.memref_slice %arg6[%arg0, %mul3A_2, %dma_wait3A] : memref<2x10000x128xf32, #tpu.memory_space<hbm>> -> memref<1x624x128xf32, #tpu.memory_space<hbm>>
      %dma_wait3A_115 = tpu.memref_squeeze %dma_wait3A_114 : memref<1x624x128xf32, #tpu.memory_space<hbm>> -> memref<624x128xf32, #tpu.memory_space<hbm>>
      %dma_wait3A_116 = arith.constant 0 : i32
      %dma_wait3A_117 = tpu.memref_slice %arg10[%mul3A_2, %dma_wait3A_116] : memref<10008x128xf32, #tpu.memory_space<vmem_shared>> -> memref<624x128xf32, #tpu.memory_space<vmem_shared>>
      tpu.wait_dma2 semaphore(%run_scoped3A : memref<!tpu.dma_semaphore, #tpu.memory_space<semaphore_mem>>) src(%dma_wait3A_117 : memref<624x128xf32, #tpu.memory_space<vmem_shared>>) dst(%dma_wait3A_115 : memref<624x128xf32, #tpu.memory_space<hbm>>)
      tpu.yield
    }) : () -> ()
    %eq3A_104 = arith.constant 0 : i32
    %eq3A_105 = arith.cmpi eq, %arg1, %eq3A_104 : i32
    %convert_element_type3A_106 = arith.extui %eq3A_105 : i1 to i32
    %cond3A_107 = arith.constant 0 : i32
    %cond3A_108 = arith.cmpi ne, %convert_element_type3A_106, %cond3A_107 : i32
    scf.if %cond3A_108 {
      "tpu.region"() ({
        %run_scoped3A = tpu.sem_alloc : memref<!tpu.dma_semaphore, #tpu.memory_space<semaphore_mem>>
        %dma_start3A_109 = arith.constant 9984 : i32
        %dma_start3A_110 = arith.constant 0 : i32
        %dma_start3A_111 = tpu.memref_slice %arg6[%arg0, %dma_start3A_109, %dma_start3A_110] : memref<2x10000x128xf32, #tpu.memory_space<hbm>> -> memref<1x16x128xf32, #tpu.memory_space<hbm>>
        %dma_start3A_112 = tpu.memref_squeeze %dma_start3A_111 : memref<1x16x128xf32, #tpu.memory_space<hbm>> -> memref<16x128xf32, #tpu.memory_space<hbm>>
        %dma_start3A_113 = arith.constant 9984 : i32
        %dma_start3A_114 = arith.constant 0 : i32
        %dma_start3A_115 = tpu.memref_slice %arg10[%dma_start3A_113, %dma_start3A_114] : memref<10008x128xf32, #tpu.memory_space<vmem_shared>> -> memref<16x128xf32, #tpu.memory_space<vmem_shared>>
        tpu.enqueue_dma source(%dma_start3A_115 : memref<16x128xf32, #tpu.memory_space<vmem_shared>>) target(%dma_start3A_112 : memref<16x128xf32, #tpu.memory_space<hbm>>) target_semaphore(%run_scoped3A : memref<!tpu.dma_semaphore, #tpu.memory_space<semaphore_mem>>)
        %dma_wait3A = arith.constant 9984 : i32
        %dma_wait3A_116 = arith.constant 0 : i32
        %dma_wait3A_117 = tpu.memref_slice %arg6[%arg0, %dma_wait3A, %dma_wait3A_116] : memref<2x10000x128xf32, #tpu.memory_space<hbm>> -> memref<1x16x128xf32, #tpu.memory_space<hbm>>
        %dma_wait3A_118 = tpu.memref_squeeze %dma_wait3A_117 : memref<1x16x128xf32, #tpu.memory_space<hbm>> -> memref<16x128xf32, #tpu.memory_space<hbm>>
        %dma_wait3A_119 = arith.constant 9984 : i32
        %dma_wait3A_120 = arith.constant 0 : i32
        %dma_wait3A_121 = tpu.memref_slice %arg10[%dma_wait3A_119, %dma_wait3A_120] : memref<10008x128xf32, #tpu.memory_space<vmem_shared>> -> memref<16x128xf32, #tpu.memory_space<vmem_shared>>
        tpu.wait_dma2 semaphore(%run_scoped3A : memref<!tpu.dma_semaphore, #tpu.memory_space<semaphore_mem>>) src(%dma_wait3A_121 : memref<16x128xf32, #tpu.memory_space<vmem_shared>>) dst(%dma_wait3A_118 : memref<16x128xf32, #tpu.memory_space<hbm>>)
        tpu.yield
      }) : () -> ()
    } else {
    }
    return
  }
}

#map = affine_map<(d0, d1) -> (0, 0)>
#map1 = affine_map<(d0, d1) -> (0, 0, 0)>
module attributes {stable_mosaic.version = 14 : i64} {
  func.func @_segsum_sc(%arg0: i32, %arg1: i32, %arg2: memref<10000x128xf32, #tpu.memory_space<hbm>>, %arg3: memref<79x4096xi32, #tpu.memory_space<hbm>>, %arg4: memref<79x4096xi32, #tpu.memory_space<hbm>>, %arg5: memref<10000x128xf32, #tpu.memory_space<hbm>>, %arg6: memref<2x10000x128xf32, #tpu.memory_space<hbm>>, %arg7: memref<40x128xi32, #tpu.memory_space<vmem>>, %arg8: memref<40x128xi32, #tpu.memory_space<vmem>>, %arg9: memref<256x128xf32, #tpu.memory_space<vmem>>, %arg10: memref<10008x128xf32, #tpu.memory_space<vmem_shared>>, %arg11: memref<!tpu.dma_semaphore, #tpu.memory_space<semaphore_mem>>, %arg12: memref<!tpu.dma_semaphore, #tpu.memory_space<semaphore_mem>>, %arg13: memref<!tpu.dma_semaphore, #tpu.memory_space<semaphore_mem>>, %arg14: memref<!tpu.dma_semaphore, #tpu.memory_space<semaphore_mem>>) attributes {dimension_semantics = [#tpu.dimension_semantics<core_parallel>, #tpu.dimension_semantics<subcore_parallel>], iteration_bounds = array<i64: 2, 16>, scalar_prefetch = 0 : i64, scratch_operands = 8 : i64, tpu.core_type = #tpu.core_type<sc_vector_subcore>, window_params = [{transform_indices = #map}, {transform_indices = #map}, {transform_indices = #map}, {transform_indices = #map}, {transform_indices = #map1}]} {
    %mul3A = arith.constant 2 : i32
    %mul3A_0 = arith.muli %arg1, %mul3A : i32
    %add3A = arith.addi %mul3A_0, %arg0 : i32
    %mul3A_1 = arith.constant 624 : i32
    %mul3A_2 = arith.muli %arg1, %mul3A_1 : i32
    "tpu.region"() ({
      %run_scoped3A = tpu.sem_alloc : memref<!tpu.dma_semaphore, #tpu.memory_space<semaphore_mem>>
      %dma_start3A_109 = arith.constant 0 : i32
      %dma_start3A_110 = tpu.memref_slice %arg10[%mul3A_2, %dma_start3A_109] : memref<10008x128xf32, #tpu.memory_space<vmem_shared>> -> memref<624x128xf32, #tpu.memory_space<vmem_shared>>
      %dma_start3A_111 = arith.constant 0 : i32
      %dma_start3A_112 = tpu.memref_slice %arg5[%mul3A_2, %dma_start3A_111] : memref<10000x128xf32, #tpu.memory_space<hbm>> -> memref<624x128xf32, #tpu.memory_space<hbm>>
      tpu.enqueue_dma source(%dma_start3A_112 : memref<624x128xf32, #tpu.memory_space<hbm>>) target(%dma_start3A_110 : memref<624x128xf32, #tpu.memory_space<vmem_shared>>) target_semaphore(%run_scoped3A : memref<!tpu.dma_semaphore, #tpu.memory_space<semaphore_mem>>)
      %dma_wait3A = arith.constant 0 : i32
      %dma_wait3A_113 = tpu.memref_slice %arg10[%mul3A_2, %dma_wait3A] : memref<10008x128xf32, #tpu.memory_space<vmem_shared>> -> memref<624x128xf32, #tpu.memory_space<vmem_shared>>
      %dma_wait3A_114 = arith.constant 0 : i32
      %dma_wait3A_115 = tpu.memref_slice %arg5[%mul3A_2, %dma_wait3A_114] : memref<10000x128xf32, #tpu.memory_space<hbm>> -> memref<624x128xf32, #tpu.memory_space<hbm>>
      tpu.wait_dma2 semaphore(%run_scoped3A : memref<!tpu.dma_semaphore, #tpu.memory_space<semaphore_mem>>) src(%dma_wait3A_115 : memref<624x128xf32, #tpu.memory_space<hbm>>) dst(%dma_wait3A_113 : memref<624x128xf32, #tpu.memory_space<vmem_shared>>)
      tpu.yield
    }) : () -> ()
    %eq3A = arith.constant 0 : i32
    %eq3A_3 = arith.cmpi eq, %arg1, %eq3A : i32
    %convert_element_type3A = arith.extui %eq3A_3 : i1 to i32
    %cond3A = arith.constant 0 : i32
    %cond3A_4 = arith.cmpi ne, %convert_element_type3A, %cond3A : i32
    scf.if %cond3A_4 {
      "tpu.region"() ({
        %run_scoped3A = tpu.sem_alloc : memref<!tpu.dma_semaphore, #tpu.memory_space<semaphore_mem>>
        %dma_start3A_109 = arith.constant 9984 : i32
        %dma_start3A_110 = arith.constant 0 : i32
        %dma_start3A_111 = tpu.memref_slice %arg10[%dma_start3A_109, %dma_start3A_110] : memref<10008x128xf32, #tpu.memory_space<vmem_shared>> -> memref<16x128xf32, #tpu.memory_space<vmem_shared>>
        %dma_start3A_112 = arith.constant 9984 : i32
        %dma_start3A_113 = arith.constant 0 : i32
        %dma_start3A_114 = tpu.memref_slice %arg5[%dma_start3A_112, %dma_start3A_113] : memref<10000x128xf32, #tpu.memory_space<hbm>> -> memref<16x128xf32, #tpu.memory_space<hbm>>
        tpu.enqueue_dma source(%dma_start3A_114 : memref<16x128xf32, #tpu.memory_space<hbm>>) target(%dma_start3A_111 : memref<16x128xf32, #tpu.memory_space<vmem_shared>>) target_semaphore(%run_scoped3A : memref<!tpu.dma_semaphore, #tpu.memory_space<semaphore_mem>>)
        %dma_wait3A = arith.constant 9984 : i32
        %dma_wait3A_115 = arith.constant 0 : i32
        %dma_wait3A_116 = tpu.memref_slice %arg10[%dma_wait3A, %dma_wait3A_115] : memref<10008x128xf32, #tpu.memory_space<vmem_shared>> -> memref<16x128xf32, #tpu.memory_space<vmem_shared>>
        %dma_wait3A_117 = arith.constant 9984 : i32
        %dma_wait3A_118 = arith.constant 0 : i32
        %dma_wait3A_119 = tpu.memref_slice %arg5[%dma_wait3A_117, %dma_wait3A_118] : memref<10000x128xf32, #tpu.memory_space<hbm>> -> memref<16x128xf32, #tpu.memory_space<hbm>>
        tpu.wait_dma2 semaphore(%run_scoped3A : memref<!tpu.dma_semaphore, #tpu.memory_space<semaphore_mem>>) src(%dma_wait3A_119 : memref<16x128xf32, #tpu.memory_space<hbm>>) dst(%dma_wait3A_116 : memref<16x128xf32, #tpu.memory_space<vmem_shared>>)
        tpu.yield
      }) : () -> ()
    } else {
    }
    %barrier3A = arith.constant 0 : index
    tpu.barrier barrier_id(%barrier3A)
    %mul3A_5 = arith.constant 128 : i32
    %mul3A_6 = arith.muli %add3A, %mul3A_5 : i32
    "tpu.region"() ({
      %run_scoped3A = tpu.sem_alloc : memref<!tpu.dma_semaphore, #tpu.memory_space<semaphore_mem>>
      %dma_start3A_109 = arith.constant 0 : i32
      %dma_start3A_110 = arith.constant 0 : i32
      %dma_start3A_111 = tpu.memref_slice %arg7[%dma_start3A_109, %dma_start3A_110] : memref<40x128xi32, #tpu.memory_space<vmem>> -> memref<40x128xi32, #tpu.memory_space<vmem>>
      %dma_start3A_112 = arith.constant 0 : i32
      %dma_start3A_113 = tpu.memref_slice %arg3[%dma_start3A_112, %mul3A_6] : memref<79x4096xi32, #tpu.memory_space<hbm>> -> memref<40x128xi32, #tpu.memory_space<hbm>>
      %dma_start3A_114 = arith.constant 0 : i32
      %dma_start3A_115 = arith.constant 0 : i32
      %dma_start3A_116 = tpu.memref_slice %arg7[%dma_start3A_114, %dma_start3A_115] : memref<40x128xi32, #tpu.memory_space<vmem>> -> memref<40x128xi32, #tpu.memory_space<vmem>>
      %dma_start3A_117 = arith.constant 0 : i32
      %dma_start3A_118 = tpu.memref_slice %arg3[%dma_start3A_117, %mul3A_6] : memref<79x4096xi32, #tpu.memory_space<hbm>> -> memref<40x128xi32, #tpu.memory_space<hbm>>
      tpu.enqueue_dma source(%dma_start3A_118 : memref<40x128xi32, #tpu.memory_space<hbm>>) target(%dma_start3A_116 : memref<40x128xi32, #tpu.memory_space<vmem>>) target_semaphore(%run_scoped3A : memref<!tpu.dma_semaphore, #tpu.memory_space<semaphore_mem>>)
      %dma_wait3A = arith.constant 0 : i32
      %dma_wait3A_119 = arith.constant 0 : i32
      %dma_wait3A_120 = tpu.memref_slice %arg7[%dma_wait3A, %dma_wait3A_119] : memref<40x128xi32, #tpu.memory_space<vmem>> -> memref<40x128xi32, #tpu.memory_space<vmem>>
      %dma_wait3A_121 = arith.constant 0 : i32
      %dma_wait3A_122 = tpu.memref_slice %arg3[%dma_wait3A_121, %mul3A_6] : memref<79x4096xi32, #tpu.memory_space<hbm>> -> memref<40x128xi32, #tpu.memory_space<hbm>>
      %dma_wait3A_123 = arith.constant 0 : i32
      %dma_wait3A_124 = arith.constant 0 : i32
      %dma_wait3A_125 = tpu.memref_slice %arg7[%dma_wait3A_123, %dma_wait3A_124] : memref<40x128xi32, #tpu.memory_space<vmem>> -> memref<40x128xi32, #tpu.memory_space<vmem>>
      %dma_wait3A_126 = arith.constant 0 : i32
      %dma_wait3A_127 = tpu.memref_slice %arg3[%dma_wait3A_126, %mul3A_6] : memref<79x4096xi32, #tpu.memory_space<hbm>> -> memref<40x128xi32, #tpu.memory_space<hbm>>
      tpu.wait_dma2 semaphore(%run_scoped3A : memref<!tpu.dma_semaphore, #tpu.memory_space<semaphore_mem>>) src(%dma_wait3A_127 : memref<40x128xi32, #tpu.memory_space<hbm>>) dst(%dma_wait3A_125 : memref<40x128xi32, #tpu.memory_space<vmem>>)
      tpu.yield
    }) : () -> ()
    %mul3A_7 = arith.constant 128 : i32
    %mul3A_8 = arith.muli %add3A, %mul3A_7 : i32
    "tpu.region"() ({
      %run_scoped3A = tpu.sem_alloc : memref<!tpu.dma_semaphore, #tpu.memory_space<semaphore_mem>>
      %dma_start3A_109 = arith.constant 0 : i32
      %dma_start3A_110 = arith.constant 0 : i32
      %dma_start3A_111 = tpu.memref_slice %arg8[%dma_start3A_109, %dma_start3A_110] : memref<40x128xi32, #tpu.memory_space<vmem>> -> memref<40x128xi32, #tpu.memory_space<vmem>>
      %dma_start3A_112 = arith.constant 0 : i32
      %dma_start3A_113 = tpu.memref_slice %arg4[%dma_start3A_112, %mul3A_8] : memref<79x4096xi32, #tpu.memory_space<hbm>> -> memref<40x128xi32, #tpu.memory_space<hbm>>
      %dma_start3A_114 = arith.constant 0 : i32
      %dma_start3A_115 = arith.constant 0 : i32
      %dma_start3A_116 = tpu.memref_slice %arg8[%dma_start3A_114, %dma_start3A_115] : memref<40x128xi32, #tpu.memory_space<vmem>> -> memref<40x128xi32, #tpu.memory_space<vmem>>
      %dma_start3A_117 = arith.constant 0 : i32
      %dma_start3A_118 = tpu.memref_slice %arg4[%dma_start3A_117, %mul3A_8] : memref<79x4096xi32, #tpu.memory_space<hbm>> -> memref<40x128xi32, #tpu.memory_space<hbm>>
      tpu.enqueue_dma source(%dma_start3A_118 : memref<40x128xi32, #tpu.memory_space<hbm>>) target(%dma_start3A_116 : memref<40x128xi32, #tpu.memory_space<vmem>>) target_semaphore(%run_scoped3A : memref<!tpu.dma_semaphore, #tpu.memory_space<semaphore_mem>>)
      %dma_wait3A = arith.constant 0 : i32
      %dma_wait3A_119 = arith.constant 0 : i32
      %dma_wait3A_120 = tpu.memref_slice %arg8[%dma_wait3A, %dma_wait3A_119] : memref<40x128xi32, #tpu.memory_space<vmem>> -> memref<40x128xi32, #tpu.memory_space<vmem>>
      %dma_wait3A_121 = arith.constant 0 : i32
      %dma_wait3A_122 = tpu.memref_slice %arg4[%dma_wait3A_121, %mul3A_8] : memref<79x4096xi32, #tpu.memory_space<hbm>> -> memref<40x128xi32, #tpu.memory_space<hbm>>
      %dma_wait3A_123 = arith.constant 0 : i32
      %dma_wait3A_124 = arith.constant 0 : i32
      %dma_wait3A_125 = tpu.memref_slice %arg8[%dma_wait3A_123, %dma_wait3A_124] : memref<40x128xi32, #tpu.memory_space<vmem>> -> memref<40x128xi32, #tpu.memory_space<vmem>>
      %dma_wait3A_126 = arith.constant 0 : i32
      %dma_wait3A_127 = tpu.memref_slice %arg4[%dma_wait3A_126, %mul3A_8] : memref<79x4096xi32, #tpu.memory_space<hbm>> -> memref<40x128xi32, #tpu.memory_space<hbm>>
      tpu.wait_dma2 semaphore(%run_scoped3A : memref<!tpu.dma_semaphore, #tpu.memory_space<semaphore_mem>>) src(%dma_wait3A_127 : memref<40x128xi32, #tpu.memory_space<hbm>>) dst(%dma_wait3A_125 : memref<40x128xi32, #tpu.memory_space<vmem>>)
      tpu.yield
    }) : () -> ()
    %dma_start3A = arith.constant 0 : i32
    %dma_start3A_9 = arith.constant 0 : i32
    %dma_start3A_10 = arith.constant 0 : i32
    %dma_start3A_11 = tpu.memref_slice %arg9[%dma_start3A_9, %dma_start3A_10] : memref<256x128xf32, #tpu.memory_space<vmem>> -> memref<64x128xf32, #tpu.memory_space<vmem>>
    %dma_start3A_12 = arith.constant 0 : i32
    %dma_start3A_13 = tpu.memref_slice %arg7[%dma_start3A, %dma_start3A_12] : memref<40x128xi32, #tpu.memory_space<vmem>> -> memref<1x64xi32, #tpu.memory_space<vmem>>
    %dma_start3A_14 = tpu.memref_squeeze %dma_start3A_13 : memref<1x64xi32, #tpu.memory_space<vmem>> -> memref<64xi32, #tpu.memory_space<vmem>>
    %dma_start3A_15 = arith.constant 0 : i32
    %dma_start3A_16 = arith.constant 0 : i32
    %dma_start3A_17 = tpu.memref_slice %arg2[%dma_start3A_15, %dma_start3A_16] : memref<10000x128xf32, #tpu.memory_space<hbm>> -> memref<10000x128xf32, #tpu.memory_space<hbm>>
    tpu.enqueue_indirect_dma source(%dma_start3A_17 : memref<10000x128xf32, #tpu.memory_space<hbm>>) target(%dma_start3A_11 : memref<64x128xf32, #tpu.memory_space<vmem>>) offsets(%dma_start3A_14 : memref<64xi32, #tpu.memory_space<vmem>>) semaphore(%arg11 : memref<!tpu.dma_semaphore, #tpu.memory_space<semaphore_mem>>)
    %dma_start3A_18 = arith.constant 0 : i32
    %dma_start3A_19 = arith.constant 64 : i32
    %dma_start3A_20 = arith.constant 0 : i32
    %dma_start3A_21 = tpu.memref_slice %arg9[%dma_start3A_19, %dma_start3A_20] : memref<256x128xf32, #tpu.memory_space<vmem>> -> memref<64x128xf32, #tpu.memory_space<vmem>>
    %dma_start3A_22 = arith.constant 64 : i32
    %dma_start3A_23 = tpu.memref_slice %arg7[%dma_start3A_18, %dma_start3A_22] : memref<40x128xi32, #tpu.memory_space<vmem>> -> memref<1x64xi32, #tpu.memory_space<vmem>>
    %dma_start3A_24 = tpu.memref_squeeze %dma_start3A_23 : memref<1x64xi32, #tpu.memory_space<vmem>> -> memref<64xi32, #tpu.memory_space<vmem>>
    %dma_start3A_25 = arith.constant 0 : i32
    %dma_start3A_26 = arith.constant 0 : i32
    %dma_start3A_27 = tpu.memref_slice %arg2[%dma_start3A_25, %dma_start3A_26] : memref<10000x128xf32, #tpu.memory_space<hbm>> -> memref<10000x128xf32, #tpu.memory_space<hbm>>
    tpu.enqueue_indirect_dma source(%dma_start3A_27 : memref<10000x128xf32, #tpu.memory_space<hbm>>) target(%dma_start3A_21 : memref<64x128xf32, #tpu.memory_space<vmem>>) offsets(%dma_start3A_24 : memref<64xi32, #tpu.memory_space<vmem>>) semaphore(%arg12 : memref<!tpu.dma_semaphore, #tpu.memory_space<semaphore_mem>>)
    %dma_start3A_28 = arith.constant 1 : i32
    %dma_start3A_29 = arith.constant 128 : i32
    %dma_start3A_30 = arith.constant 0 : i32
    %dma_start3A_31 = tpu.memref_slice %arg9[%dma_start3A_29, %dma_start3A_30] : memref<256x128xf32, #tpu.memory_space<vmem>> -> memref<64x128xf32, #tpu.memory_space<vmem>>
    %dma_start3A_32 = arith.constant 0 : i32
    %dma_start3A_33 = tpu.memref_slice %arg7[%dma_start3A_28, %dma_start3A_32] : memref<40x128xi32, #tpu.memory_space<vmem>> -> memref<1x64xi32, #tpu.memory_space<vmem>>
    %dma_start3A_34 = tpu.memref_squeeze %dma_start3A_33 : memref<1x64xi32, #tpu.memory_space<vmem>> -> memref<64xi32, #tpu.memory_space<vmem>>
    %dma_start3A_35 = arith.constant 0 : i32
    %dma_start3A_36 = arith.constant 0 : i32
    %dma_start3A_37 = tpu.memref_slice %arg2[%dma_start3A_35, %dma_start3A_36] : memref<10000x128xf32, #tpu.memory_space<hbm>> -> memref<10000x128xf32, #tpu.memory_space<hbm>>
    tpu.enqueue_indirect_dma source(%dma_start3A_37 : memref<10000x128xf32, #tpu.memory_space<hbm>>) target(%dma_start3A_31 : memref<64x128xf32, #tpu.memory_space<vmem>>) offsets(%dma_start3A_34 : memref<64xi32, #tpu.memory_space<vmem>>) semaphore(%arg13 : memref<!tpu.dma_semaphore, #tpu.memory_space<semaphore_mem>>)
    %dma_start3A_38 = arith.constant 1 : i32
    %dma_start3A_39 = arith.constant 192 : i32
    %dma_start3A_40 = arith.constant 0 : i32
    %dma_start3A_41 = tpu.memref_slice %arg9[%dma_start3A_39, %dma_start3A_40] : memref<256x128xf32, #tpu.memory_space<vmem>> -> memref<64x128xf32, #tpu.memory_space<vmem>>
    %dma_start3A_42 = arith.constant 64 : i32
    %dma_start3A_43 = tpu.memref_slice %arg7[%dma_start3A_38, %dma_start3A_42] : memref<40x128xi32, #tpu.memory_space<vmem>> -> memref<1x64xi32, #tpu.memory_space<vmem>>
    %dma_start3A_44 = tpu.memref_squeeze %dma_start3A_43 : memref<1x64xi32, #tpu.memory_space<vmem>> -> memref<64xi32, #tpu.memory_space<vmem>>
    %dma_start3A_45 = arith.constant 0 : i32
    %dma_start3A_46 = arith.constant 0 : i32
    %dma_start3A_47 = tpu.memref_slice %arg2[%dma_start3A_45, %dma_start3A_46] : memref<10000x128xf32, #tpu.memory_space<hbm>> -> memref<10000x128xf32, #tpu.memory_space<hbm>>
    tpu.enqueue_indirect_dma source(%dma_start3A_47 : memref<10000x128xf32, #tpu.memory_space<hbm>>) target(%dma_start3A_41 : memref<64x128xf32, #tpu.memory_space<vmem>>) offsets(%dma_start3A_44 : memref<64xi32, #tpu.memory_space<vmem>>) semaphore(%arg14 : memref<!tpu.dma_semaphore, #tpu.memory_space<semaphore_mem>>)
    %scan3A = arith.constant 0 : i32
    %scan3A_48 = arith.constant 0 : i32
    %scan3A_49 = arith.constant 40 : i32
    %scan3A_50 = arith.addi %scan3A_48, %scan3A_49 : i32
    %scan3A_51 = arith.constant 1 : i32
    scf.for %scan3A_109 = %scan3A_48 to %scan3A_50 step %scan3A_51  : i32 {
      %jit3A = arith.constant 2 : i32
      %eq3A_110 = arith.constant 0 : i32
      %eq3A_111 = arith.cmpi eq, %jit3A, %eq3A_110 : i32
      %jit3A_112 = arith.constant 1 : i32
      %select_n3A = arith.select %eq3A_111, %jit3A_112, %jit3A : i32
      %rem3A = arith.remsi %scan3A_109, %select_n3A : i32
      %ne3A = arith.constant 0 : i32
      %ne3A_113 = arith.cmpi ne, %rem3A, %ne3A : i32
      %lt3A = arith.constant 0 : i32
      %lt3A_114 = arith.cmpi slt, %rem3A, %lt3A : i32
      %lt3A_115 = arith.constant 0 : i32
      %lt3A_116 = arith.cmpi slt, %select_n3A, %lt3A_115 : i32
      %ne3A_117 = arith.xori %lt3A_114, %lt3A_116 : i1
      %and3A = arith.andi %ne3A_117, %ne3A_113 : i1
      %add3A_118 = arith.addi %rem3A, %select_n3A : i32
      %select_n3A_119 = arith.select %and3A, %add3A_118, %rem3A : i32
      %eq3A_120 = arith.constant 0 : i32
      %eq3A_121 = arith.cmpi eq, %select_n3A_119, %eq3A_120 : i32
      %convert_element_type3A_122 = arith.extui %eq3A_121 : i1 to i32
      %cond3A_123 = arith.constant 0 : i32
      %cond3A_124 = arith.cmpi ne, %convert_element_type3A_122, %cond3A_123 : i32
      scf.if %cond3A_124 {
        %dma_wait3A = arith.constant 0 : i32
        %dma_wait3A_146 = arith.constant 0 : i32
        %dma_wait3A_147 = tpu.memref_slice %arg9[%dma_wait3A, %dma_wait3A_146] : memref<256x128xf32, #tpu.memory_space<vmem>> -> memref<64x128xf32, #tpu.memory_space<vmem>>
        %dma_wait3A_148 = arith.constant 0 : i32
        %dma_wait3A_149 = tpu.memref_slice %arg7[%scan3A_109, %dma_wait3A_148] : memref<40x128xi32, #tpu.memory_space<vmem>> -> memref<1x64xi32, #tpu.memory_space<vmem>>
        %dma_wait3A_150 = tpu.memref_squeeze %dma_wait3A_149 : memref<1x64xi32, #tpu.memory_space<vmem>> -> memref<64xi32, #tpu.memory_space<vmem>>
        %dma_wait3A_151 = arith.constant 0 : i32
        %dma_wait3A_152 = arith.constant 0 : i32
        %dma_wait3A_153 = tpu.memref_slice %arg2[%dma_wait3A_151, %dma_wait3A_152] : memref<10000x128xf32, #tpu.memory_space<hbm>> -> memref<10000x128xf32, #tpu.memory_space<hbm>>
        tpu.wait_indirect_dma semaphore(%arg11 : memref<!tpu.dma_semaphore, #tpu.memory_space<semaphore_mem>>) src(%dma_wait3A_153 : memref<10000x128xf32, #tpu.memory_space<hbm>>) dst(%dma_wait3A_147 : memref<64x128xf32, #tpu.memory_space<vmem>>)
        %dma_wait3A_154 = arith.constant 64 : i32
        %dma_wait3A_155 = arith.constant 0 : i32
        %dma_wait3A_156 = tpu.memref_slice %arg9[%dma_wait3A_154, %dma_wait3A_155] : memref<256x128xf32, #tpu.memory_space<vmem>> -> memref<64x128xf32, #tpu.memory_space<vmem>>
        %dma_wait3A_157 = arith.constant 64 : i32
        %dma_wait3A_158 = tpu.memref_slice %arg7[%scan3A_109, %dma_wait3A_157] : memref<40x128xi32, #tpu.memory_space<vmem>> -> memref<1x64xi32, #tpu.memory_space<vmem>>
        %dma_wait3A_159 = tpu.memref_squeeze %dma_wait3A_158 : memref<1x64xi32, #tpu.memory_space<vmem>> -> memref<64xi32, #tpu.memory_space<vmem>>
        %dma_wait3A_160 = arith.constant 0 : i32
        %dma_wait3A_161 = arith.constant 0 : i32
        %dma_wait3A_162 = tpu.memref_slice %arg2[%dma_wait3A_160, %dma_wait3A_161] : memref<10000x128xf32, #tpu.memory_space<hbm>> -> memref<10000x128xf32, #tpu.memory_space<hbm>>
        tpu.wait_indirect_dma semaphore(%arg12 : memref<!tpu.dma_semaphore, #tpu.memory_space<semaphore_mem>>) src(%dma_wait3A_162 : memref<10000x128xf32, #tpu.memory_space<hbm>>) dst(%dma_wait3A_156 : memref<64x128xf32, #tpu.memory_space<vmem>>)
        "tpu.region"() ({
          %run_scoped3A = tpu.sem_alloc : memref<!tpu.dma_semaphore, #tpu.memory_space<semaphore_mem>>
          %dma_start3A_170 = arith.constant 0 : i32
          %dma_start3A_171 = arith.constant 0 : i32
          %dma_start3A_172 = tpu.memref_slice %arg9[%dma_start3A_170, %dma_start3A_171] : memref<256x128xf32, #tpu.memory_space<vmem>> -> memref<128x128xf32, #tpu.memory_space<vmem>>
          %dma_start3A_173 = arith.constant 0 : i32
          %dma_start3A_174 = tpu.memref_slice %arg8[%scan3A_109, %dma_start3A_173] : memref<40x128xi32, #tpu.memory_space<vmem>> -> memref<1x128xi32, #tpu.memory_space<vmem>>
          %dma_start3A_175 = tpu.memref_squeeze %dma_start3A_174 : memref<1x128xi32, #tpu.memory_space<vmem>> -> memref<128xi32, #tpu.memory_space<vmem>>
          %dma_start3A_176 = arith.constant 0 : i32
          %dma_start3A_177 = arith.constant 0 : i32
          %dma_start3A_178 = tpu.memref_slice %arg10[%dma_start3A_176, %dma_start3A_177] : memref<10008x128xf32, #tpu.memory_space<vmem_shared>> -> memref<10008x128xf32, #tpu.memory_space<vmem_shared>>
          tpu.enqueue_indirect_dma source(%dma_start3A_172 : memref<128x128xf32, #tpu.memory_space<vmem>>) target(%dma_start3A_178 : memref<10008x128xf32, #tpu.memory_space<vmem_shared>>) offsets(%dma_start3A_175 : memref<128xi32, #tpu.memory_space<vmem>>) semaphore(%run_scoped3A : memref<!tpu.dma_semaphore, #tpu.memory_space<semaphore_mem>>) {add = true}
          %dma_wait3A_179 = arith.constant 0 : i32
          %dma_wait3A_180 = arith.constant 0 : i32
          %dma_wait3A_181 = tpu.memref_slice %arg9[%dma_wait3A_179, %dma_wait3A_180] : memref<256x128xf32, #tpu.memory_space<vmem>> -> memref<128x128xf32, #tpu.memory_space<vmem>>
          %dma_wait3A_182 = arith.constant 0 : i32
          %dma_wait3A_183 = tpu.memref_slice %arg8[%scan3A_109, %dma_wait3A_182] : memref<40x128xi32, #tpu.memory_space<vmem>> -> memref<1x128xi32, #tpu.memory_space<vmem>>
          %dma_wait3A_184 = tpu.memref_squeeze %dma_wait3A_183 : memref<1x128xi32, #tpu.memory_space<vmem>> -> memref<128xi32, #tpu.memory_space<vmem>>
          %dma_wait3A_185 = arith.constant 0 : i32
          %dma_wait3A_186 = arith.constant 0 : i32
          %dma_wait3A_187 = tpu.memref_slice %arg10[%dma_wait3A_185, %dma_wait3A_186] : memref<10008x128xf32, #tpu.memory_space<vmem_shared>> -> memref<10008x128xf32, #tpu.memory_space<vmem_shared>>
          tpu.wait_indirect_dma semaphore(%run_scoped3A : memref<!tpu.dma_semaphore, #tpu.memory_space<semaphore_mem>>) src(%dma_wait3A_181 : memref<128x128xf32, #tpu.memory_space<vmem>>) dst(%dma_wait3A_187 : memref<10008x128xf32, #tpu.memory_space<vmem_shared>>)
          tpu.yield
        }) : () -> ()
        %add3A_163 = arith.constant 2 : i32
        %add3A_164 = arith.addi %scan3A_109, %add3A_163 : i32
        %lt3A_165 = arith.constant 40 : i32
        %lt3A_166 = arith.cmpi slt, %add3A_164, %lt3A_165 : i32
        %convert_element_type3A_167 = arith.extui %lt3A_166 : i1 to i32
        %cond3A_168 = arith.constant 0 : i32
        %cond3A_169 = arith.cmpi ne, %convert_element_type3A_167, %cond3A_168 : i32
        scf.if %cond3A_169 {
          %add3A_170 = arith.constant 2 : i32
          %add3A_171 = arith.addi %scan3A_109, %add3A_170 : i32
          %dma_start3A_172 = arith.constant 0 : i32
          %dma_start3A_173 = arith.constant 0 : i32
          %dma_start3A_174 = tpu.memref_slice %arg9[%dma_start3A_172, %dma_start3A_173] : memref<256x128xf32, #tpu.memory_space<vmem>> -> memref<64x128xf32, #tpu.memory_space<vmem>>
          %dma_start3A_175 = arith.constant 0 : i32
          %dma_start3A_176 = tpu.memref_slice %arg7[%add3A_171, %dma_start3A_175] : memref<40x128xi32, #tpu.memory_space<vmem>> -> memref<1x64xi32, #tpu.memory_space<vmem>>
          %dma_start3A_177 = tpu.memref_squeeze %dma_start3A_176 : memref<1x64xi32, #tpu.memory_space<vmem>> -> memref<64xi32, #tpu.memory_space<vmem>>
          %dma_start3A_178 = arith.constant 0 : i32
          %dma_start3A_179 = arith.constant 0 : i32
          %dma_start3A_180 = tpu.memref_slice %arg2[%dma_start3A_178, %dma_start3A_179] : memref<10000x128xf32, #tpu.memory_space<hbm>> -> memref<10000x128xf32, #tpu.memory_space<hbm>>
          tpu.enqueue_indirect_dma source(%dma_start3A_180 : memref<10000x128xf32, #tpu.memory_space<hbm>>) target(%dma_start3A_174 : memref<64x128xf32, #tpu.memory_space<vmem>>) offsets(%dma_start3A_177 : memref<64xi32, #tpu.memory_space<vmem>>) semaphore(%arg11 : memref<!tpu.dma_semaphore, #tpu.memory_space<semaphore_mem>>)
          %dma_start3A_181 = arith.constant 64 : i32
          %dma_start3A_182 = arith.constant 0 : i32
          %dma_start3A_183 = tpu.memref_slice %arg9[%dma_start3A_181, %dma_start3A_182] : memref<256x128xf32, #tpu.memory_space<vmem>> -> memref<64x128xf32, #tpu.memory_space<vmem>>
          %dma_start3A_184 = arith.constant 64 : i32
          %dma_start3A_185 = tpu.memref_slice %arg7[%add3A_171, %dma_start3A_184] : memref<40x128xi32, #tpu.memory_space<vmem>> -> memref<1x64xi32, #tpu.memory_space<vmem>>
          %dma_start3A_186 = tpu.memref_squeeze %dma_start3A_185 : memref<1x64xi32, #tpu.memory_space<vmem>> -> memref<64xi32, #tpu.memory_space<vmem>>
          %dma_start3A_187 = arith.constant 0 : i32
          %dma_start3A_188 = arith.constant 0 : i32
          %dma_start3A_189 = tpu.memref_slice %arg2[%dma_start3A_187, %dma_start3A_188] : memref<10000x128xf32, #tpu.memory_space<hbm>> -> memref<10000x128xf32, #tpu.memory_space<hbm>>
          tpu.enqueue_indirect_dma source(%dma_start3A_189 : memref<10000x128xf32, #tpu.memory_space<hbm>>) target(%dma_start3A_183 : memref<64x128xf32, #tpu.memory_space<vmem>>) offsets(%dma_start3A_186 : memref<64xi32, #tpu.memory_space<vmem>>) semaphore(%arg12 : memref<!tpu.dma_semaphore, #tpu.memory_space<semaphore_mem>>)
        } else {
        }
      } else {
      }
      %jit3A_125 = arith.constant 2 : i32
      %eq3A_126 = arith.constant 0 : i32
      %eq3A_127 = arith.cmpi eq, %jit3A_125, %eq3A_126 : i32
      %jit3A_128 = arith.constant 1 : i32
      %select_n3A_129 = arith.select %eq3A_127, %jit3A_128, %jit3A_125 : i32
      %rem3A_130 = arith.remsi %scan3A_109, %select_n3A_129 : i32
      %ne3A_131 = arith.constant 0 : i32
      %ne3A_132 = arith.cmpi ne, %rem3A_130, %ne3A_131 : i32
      %lt3A_133 = arith.constant 0 : i32
      %lt3A_134 = arith.cmpi slt, %rem3A_130, %lt3A_133 : i32
      %lt3A_135 = arith.constant 0 : i32
      %lt3A_136 = arith.cmpi slt, %select_n3A_129, %lt3A_135 : i32
      %ne3A_137 = arith.xori %lt3A_134, %lt3A_136 : i1
      %and3A_138 = arith.andi %ne3A_137, %ne3A_132 : i1
      %add3A_139 = arith.addi %rem3A_130, %select_n3A_129 : i32
      %select_n3A_140 = arith.select %and3A_138, %add3A_139, %rem3A_130 : i32
      %eq3A_141 = arith.constant 1 : i32
      %eq3A_142 = arith.cmpi eq, %select_n3A_140, %eq3A_141 : i32
      %convert_element_type3A_143 = arith.extui %eq3A_142 : i1 to i32
      %cond3A_144 = arith.constant 0 : i32
      %cond3A_145 = arith.cmpi ne, %convert_element_type3A_143, %cond3A_144 : i32
      scf.if %cond3A_145 {
        %dma_wait3A = arith.constant 128 : i32
        %dma_wait3A_146 = arith.constant 0 : i32
        %dma_wait3A_147 = tpu.memref_slice %arg9[%dma_wait3A, %dma_wait3A_146] : memref<256x128xf32, #tpu.memory_space<vmem>> -> memref<64x128xf32, #tpu.memory_space<vmem>>
        %dma_wait3A_148 = arith.constant 0 : i32
        %dma_wait3A_149 = tpu.memref_slice %arg7[%scan3A_109, %dma_wait3A_148] : memref<40x128xi32, #tpu.memory_space<vmem>> -> memref<1x64xi32, #tpu.memory_space<vmem>>
        %dma_wait3A_150 = tpu.memref_squeeze %dma_wait3A_149 : memref<1x64xi32, #tpu.memory_space<vmem>> -> memref<64xi32, #tpu.memory_space<vmem>>
        %dma_wait3A_151 = arith.constant 0 : i32
        %dma_wait3A_152 = arith.constant 0 : i32
        %dma_wait3A_153 = tpu.memref_slice %arg2[%dma_wait3A_151, %dma_wait3A_152] : memref<10000x128xf32, #tpu.memory_space<hbm>> -> memref<10000x128xf32, #tpu.memory_space<hbm>>
        tpu.wait_indirect_dma semaphore(%arg13 : memref<!tpu.dma_semaphore, #tpu.memory_space<semaphore_mem>>) src(%dma_wait3A_153 : memref<10000x128xf32, #tpu.memory_space<hbm>>) dst(%dma_wait3A_147 : memref<64x128xf32, #tpu.memory_space<vmem>>)
        %dma_wait3A_154 = arith.constant 192 : i32
        %dma_wait3A_155 = arith.constant 0 : i32
        %dma_wait3A_156 = tpu.memref_slice %arg9[%dma_wait3A_154, %dma_wait3A_155] : memref<256x128xf32, #tpu.memory_space<vmem>> -> memref<64x128xf32, #tpu.memory_space<vmem>>
        %dma_wait3A_157 = arith.constant 64 : i32
        %dma_wait3A_158 = tpu.memref_slice %arg7[%scan3A_109, %dma_wait3A_157] : memref<40x128xi32, #tpu.memory_space<vmem>> -> memref<1x64xi32, #tpu.memory_space<vmem>>
        %dma_wait3A_159 = tpu.memref_squeeze %dma_wait3A_158 : memref<1x64xi32, #tpu.memory_space<vmem>> -> memref<64xi32, #tpu.memory_space<vmem>>
        %dma_wait3A_160 = arith.constant 0 : i32
        %dma_wait3A_161 = arith.constant 0 : i32
        %dma_wait3A_162 = tpu.memref_slice %arg2[%dma_wait3A_160, %dma_wait3A_161] : memref<10000x128xf32, #tpu.memory_space<hbm>> -> memref<10000x128xf32, #tpu.memory_space<hbm>>
        tpu.wait_indirect_dma semaphore(%arg14 : memref<!tpu.dma_semaphore, #tpu.memory_space<semaphore_mem>>) src(%dma_wait3A_162 : memref<10000x128xf32, #tpu.memory_space<hbm>>) dst(%dma_wait3A_156 : memref<64x128xf32, #tpu.memory_space<vmem>>)
        "tpu.region"() ({
          %run_scoped3A = tpu.sem_alloc : memref<!tpu.dma_semaphore, #tpu.memory_space<semaphore_mem>>
          %dma_start3A_170 = arith.constant 128 : i32
          %dma_start3A_171 = arith.constant 0 : i32
          %dma_start3A_172 = tpu.memref_slice %arg9[%dma_start3A_170, %dma_start3A_171] : memref<256x128xf32, #tpu.memory_space<vmem>> -> memref<128x128xf32, #tpu.memory_space<vmem>>
          %dma_start3A_173 = arith.constant 0 : i32
          %dma_start3A_174 = tpu.memref_slice %arg8[%scan3A_109, %dma_start3A_173] : memref<40x128xi32, #tpu.memory_space<vmem>> -> memref<1x128xi32, #tpu.memory_space<vmem>>
          %dma_start3A_175 = tpu.memref_squeeze %dma_start3A_174 : memref<1x128xi32, #tpu.memory_space<vmem>> -> memref<128xi32, #tpu.memory_space<vmem>>
          %dma_start3A_176 = arith.constant 0 : i32
          %dma_start3A_177 = arith.constant 0 : i32
          %dma_start3A_178 = tpu.memref_slice %arg10[%dma_start3A_176, %dma_start3A_177] : memref<10008x128xf32, #tpu.memory_space<vmem_shared>> -> memref<10008x128xf32, #tpu.memory_space<vmem_shared>>
          tpu.enqueue_indirect_dma source(%dma_start3A_172 : memref<128x128xf32, #tpu.memory_space<vmem>>) target(%dma_start3A_178 : memref<10008x128xf32, #tpu.memory_space<vmem_shared>>) offsets(%dma_start3A_175 : memref<128xi32, #tpu.memory_space<vmem>>) semaphore(%run_scoped3A : memref<!tpu.dma_semaphore, #tpu.memory_space<semaphore_mem>>) {add = true}
          %dma_wait3A_179 = arith.constant 128 : i32
          %dma_wait3A_180 = arith.constant 0 : i32
          %dma_wait3A_181 = tpu.memref_slice %arg9[%dma_wait3A_179, %dma_wait3A_180] : memref<256x128xf32, #tpu.memory_space<vmem>> -> memref<128x128xf32, #tpu.memory_space<vmem>>
          %dma_wait3A_182 = arith.constant 0 : i32
          %dma_wait3A_183 = tpu.memref_slice %arg8[%scan3A_109, %dma_wait3A_182] : memref<40x128xi32, #tpu.memory_space<vmem>> -> memref<1x128xi32, #tpu.memory_space<vmem>>
          %dma_wait3A_184 = tpu.memref_squeeze %dma_wait3A_183 : memref<1x128xi32, #tpu.memory_space<vmem>> -> memref<128xi32, #tpu.memory_space<vmem>>
          %dma_wait3A_185 = arith.constant 0 : i32
          %dma_wait3A_186 = arith.constant 0 : i32
          %dma_wait3A_187 = tpu.memref_slice %arg10[%dma_wait3A_185, %dma_wait3A_186] : memref<10008x128xf32, #tpu.memory_space<vmem_shared>> -> memref<10008x128xf32, #tpu.memory_space<vmem_shared>>
          tpu.wait_indirect_dma semaphore(%run_scoped3A : memref<!tpu.dma_semaphore, #tpu.memory_space<semaphore_mem>>) src(%dma_wait3A_181 : memref<128x128xf32, #tpu.memory_space<vmem>>) dst(%dma_wait3A_187 : memref<10008x128xf32, #tpu.memory_space<vmem_shared>>)
          tpu.yield
        }) : () -> ()
        %add3A_163 = arith.constant 2 : i32
        %add3A_164 = arith.addi %scan3A_109, %add3A_163 : i32
        %lt3A_165 = arith.constant 40 : i32
        %lt3A_166 = arith.cmpi slt, %add3A_164, %lt3A_165 : i32
        %convert_element_type3A_167 = arith.extui %lt3A_166 : i1 to i32
        %cond3A_168 = arith.constant 0 : i32
        %cond3A_169 = arith.cmpi ne, %convert_element_type3A_167, %cond3A_168 : i32
        scf.if %cond3A_169 {
          %add3A_170 = arith.constant 2 : i32
          %add3A_171 = arith.addi %scan3A_109, %add3A_170 : i32
          %dma_start3A_172 = arith.constant 128 : i32
          %dma_start3A_173 = arith.constant 0 : i32
          %dma_start3A_174 = tpu.memref_slice %arg9[%dma_start3A_172, %dma_start3A_173] : memref<256x128xf32, #tpu.memory_space<vmem>> -> memref<64x128xf32, #tpu.memory_space<vmem>>
          %dma_start3A_175 = arith.constant 0 : i32
          %dma_start3A_176 = tpu.memref_slice %arg7[%add3A_171, %dma_start3A_175] : memref<40x128xi32, #tpu.memory_space<vmem>> -> memref<1x64xi32, #tpu.memory_space<vmem>>
          %dma_start3A_177 = tpu.memref_squeeze %dma_start3A_176 : memref<1x64xi32, #tpu.memory_space<vmem>> -> memref<64xi32, #tpu.memory_space<vmem>>
          %dma_start3A_178 = arith.constant 0 : i32
          %dma_start3A_179 = arith.constant 0 : i32
          %dma_start3A_180 = tpu.memref_slice %arg2[%dma_start3A_178, %dma_start3A_179] : memref<10000x128xf32, #tpu.memory_space<hbm>> -> memref<10000x128xf32, #tpu.memory_space<hbm>>
          tpu.enqueue_indirect_dma source(%dma_start3A_180 : memref<10000x128xf32, #tpu.memory_space<hbm>>) target(%dma_start3A_174 : memref<64x128xf32, #tpu.memory_space<vmem>>) offsets(%dma_start3A_177 : memref<64xi32, #tpu.memory_space<vmem>>) semaphore(%arg13 : memref<!tpu.dma_semaphore, #tpu.memory_space<semaphore_mem>>)
          %dma_start3A_181 = arith.constant 192 : i32
          %dma_start3A_182 = arith.constant 0 : i32
          %dma_start3A_183 = tpu.memref_slice %arg9[%dma_start3A_181, %dma_start3A_182] : memref<256x128xf32, #tpu.memory_space<vmem>> -> memref<64x128xf32, #tpu.memory_space<vmem>>
          %dma_start3A_184 = arith.constant 64 : i32
          %dma_start3A_185 = tpu.memref_slice %arg7[%add3A_171, %dma_start3A_184] : memref<40x128xi32, #tpu.memory_space<vmem>> -> memref<1x64xi32, #tpu.memory_space<vmem>>
          %dma_start3A_186 = tpu.memref_squeeze %dma_start3A_185 : memref<1x64xi32, #tpu.memory_space<vmem>> -> memref<64xi32, #tpu.memory_space<vmem>>
          %dma_start3A_187 = arith.constant 0 : i32
          %dma_start3A_188 = arith.constant 0 : i32
          %dma_start3A_189 = tpu.memref_slice %arg2[%dma_start3A_187, %dma_start3A_188] : memref<10000x128xf32, #tpu.memory_space<hbm>> -> memref<10000x128xf32, #tpu.memory_space<hbm>>
          tpu.enqueue_indirect_dma source(%dma_start3A_189 : memref<10000x128xf32, #tpu.memory_space<hbm>>) target(%dma_start3A_183 : memref<64x128xf32, #tpu.memory_space<vmem>>) offsets(%dma_start3A_186 : memref<64xi32, #tpu.memory_space<vmem>>) semaphore(%arg14 : memref<!tpu.dma_semaphore, #tpu.memory_space<semaphore_mem>>)
        } else {
        }
      } else {
      }
    }
    %scan3A_52 = arith.constant 40 : i32
    %mul3A_53 = arith.constant 128 : i32
    %mul3A_54 = arith.muli %add3A, %mul3A_53 : i32
    "tpu.region"() ({
      %run_scoped3A = tpu.sem_alloc : memref<!tpu.dma_semaphore, #tpu.memory_space<semaphore_mem>>
      %dma_start3A_109 = arith.constant 0 : i32
      %dma_start3A_110 = arith.constant 0 : i32
      %dma_start3A_111 = tpu.memref_slice %arg7[%dma_start3A_109, %dma_start3A_110] : memref<40x128xi32, #tpu.memory_space<vmem>> -> memref<39x128xi32, #tpu.memory_space<vmem>>
      %dma_start3A_112 = arith.constant 40 : i32
      %dma_start3A_113 = tpu.memref_slice %arg3[%dma_start3A_112, %mul3A_54] : memref<79x4096xi32, #tpu.memory_space<hbm>> -> memref<39x128xi32, #tpu.memory_space<hbm>>
      %dma_start3A_114 = arith.constant 0 : i32
      %dma_start3A_115 = arith.constant 0 : i32
      %dma_start3A_116 = tpu.memref_slice %arg7[%dma_start3A_114, %dma_start3A_115] : memref<40x128xi32, #tpu.memory_space<vmem>> -> memref<39x128xi32, #tpu.memory_space<vmem>>
      %dma_start3A_117 = arith.constant 40 : i32
      %dma_start3A_118 = tpu.memref_slice %arg3[%dma_start3A_117, %mul3A_54] : memref<79x4096xi32, #tpu.memory_space<hbm>> -> memref<39x128xi32, #tpu.memory_space<hbm>>
      tpu.enqueue_dma source(%dma_start3A_118 : memref<39x128xi32, #tpu.memory_space<hbm>>) target(%dma_start3A_116 : memref<39x128xi32, #tpu.memory_space<vmem>>) target_semaphore(%run_scoped3A : memref<!tpu.dma_semaphore, #tpu.memory_space<semaphore_mem>>)
      %dma_wait3A = arith.constant 0 : i32
      %dma_wait3A_119 = arith.constant 0 : i32
      %dma_wait3A_120 = tpu.memref_slice %arg7[%dma_wait3A, %dma_wait3A_119] : memref<40x128xi32, #tpu.memory_space<vmem>> -> memref<39x128xi32, #tpu.memory_space<vmem>>
      %dma_wait3A_121 = arith.constant 40 : i32
      %dma_wait3A_122 = tpu.memref_slice %arg3[%dma_wait3A_121, %mul3A_54] : memref<79x4096xi32, #tpu.memory_space<hbm>> -> memref<39x128xi32, #tpu.memory_space<hbm>>
      %dma_wait3A_123 = arith.constant 0 : i32
      %dma_wait3A_124 = arith.constant 0 : i32
      %dma_wait3A_125 = tpu.memref_slice %arg7[%dma_wait3A_123, %dma_wait3A_124] : memref<40x128xi32, #tpu.memory_space<vmem>> -> memref<39x128xi32, #tpu.memory_space<vmem>>
      %dma_wait3A_126 = arith.constant 40 : i32
      %dma_wait3A_127 = tpu.memref_slice %arg3[%dma_wait3A_126, %mul3A_54] : memref<79x4096xi32, #tpu.memory_space<hbm>> -> memref<39x128xi32, #tpu.memory_space<hbm>>
      tpu.wait_dma2 semaphore(%run_scoped3A : memref<!tpu.dma_semaphore, #tpu.memory_space<semaphore_mem>>) src(%dma_wait3A_127 : memref<39x128xi32, #tpu.memory_space<hbm>>) dst(%dma_wait3A_125 : memref<39x128xi32, #tpu.memory_space<vmem>>)
      tpu.yield
    }) : () -> ()
    %mul3A_55 = arith.constant 128 : i32
    %mul3A_56 = arith.muli %add3A, %mul3A_55 : i32
    "tpu.region"() ({
      %run_scoped3A = tpu.sem_alloc : memref<!tpu.dma_semaphore, #tpu.memory_space<semaphore_mem>>
      %dma_start3A_109 = arith.constant 0 : i32
      %dma_start3A_110 = arith.constant 0 : i32
      %dma_start3A_111 = tpu.memref_slice %arg8[%dma_start3A_109, %dma_start3A_110] : memref<40x128xi32, #tpu.memory_space<vmem>> -> memref<39x128xi32, #tpu.memory_space<vmem>>
      %dma_start3A_112 = arith.constant 40 : i32
      %dma_start3A_113 = tpu.memref_slice %arg4[%dma_start3A_112, %mul3A_56] : memref<79x4096xi32, #tpu.memory_space<hbm>> -> memref<39x128xi32, #tpu.memory_space<hbm>>
      %dma_start3A_114 = arith.constant 0 : i32
      %dma_start3A_115 = arith.constant 0 : i32
      %dma_start3A_116 = tpu.memref_slice %arg8[%dma_start3A_114, %dma_start3A_115] : memref<40x128xi32, #tpu.memory_space<vmem>> -> memref<39x128xi32, #tpu.memory_space<vmem>>
      %dma_start3A_117 = arith.constant 40 : i32
      %dma_start3A_118 = tpu.memref_slice %arg4[%dma_start3A_117, %mul3A_56] : memref<79x4096xi32, #tpu.memory_space<hbm>> -> memref<39x128xi32, #tpu.memory_space<hbm>>
      tpu.enqueue_dma source(%dma_start3A_118 : memref<39x128xi32, #tpu.memory_space<hbm>>) target(%dma_start3A_116 : memref<39x128xi32, #tpu.memory_space<vmem>>) target_semaphore(%run_scoped3A : memref<!tpu.dma_semaphore, #tpu.memory_space<semaphore_mem>>)
      %dma_wait3A = arith.constant 0 : i32
      %dma_wait3A_119 = arith.constant 0 : i32
      %dma_wait3A_120 = tpu.memref_slice %arg8[%dma_wait3A, %dma_wait3A_119] : memref<40x128xi32, #tpu.memory_space<vmem>> -> memref<39x128xi32, #tpu.memory_space<vmem>>
      %dma_wait3A_121 = arith.constant 40 : i32
      %dma_wait3A_122 = tpu.memref_slice %arg4[%dma_wait3A_121, %mul3A_56] : memref<79x4096xi32, #tpu.memory_space<hbm>> -> memref<39x128xi32, #tpu.memory_space<hbm>>
      %dma_wait3A_123 = arith.constant 0 : i32
      %dma_wait3A_124 = arith.constant 0 : i32
      %dma_wait3A_125 = tpu.memref_slice %arg8[%dma_wait3A_123, %dma_wait3A_124] : memref<40x128xi32, #tpu.memory_space<vmem>> -> memref<39x128xi32, #tpu.memory_space<vmem>>
      %dma_wait3A_126 = arith.constant 40 : i32
      %dma_wait3A_127 = tpu.memref_slice %arg4[%dma_wait3A_126, %mul3A_56] : memref<79x4096xi32, #tpu.memory_space<hbm>> -> memref<39x128xi32, #tpu.memory_space<hbm>>
      tpu.wait_dma2 semaphore(%run_scoped3A : memref<!tpu.dma_semaphore, #tpu.memory_space<semaphore_mem>>) src(%dma_wait3A_127 : memref<39x128xi32, #tpu.memory_space<hbm>>) dst(%dma_wait3A_125 : memref<39x128xi32, #tpu.memory_space<vmem>>)
      tpu.yield
    }) : () -> ()
    %dma_start3A_57 = arith.constant 0 : i32
    %dma_start3A_58 = arith.constant 0 : i32
    %dma_start3A_59 = arith.constant 0 : i32
    %dma_start3A_60 = tpu.memref_slice %arg9[%dma_start3A_58, %dma_start3A_59] : memref<256x128xf32, #tpu.memory_space<vmem>> -> memref<64x128xf32, #tpu.memory_space<vmem>>
    %dma_start3A_61 = arith.constant 0 : i32
    %dma_start3A_62 = tpu.memref_slice %arg7[%dma_start3A_57, %dma_start3A_61] : memref<40x128xi32, #tpu.memory_space<vmem>> -> memref<1x64xi32, #tpu.memory_space<vmem>>
    %dma_start3A_63 = tpu.memref_squeeze %dma_start3A_62 : memref<1x64xi32, #tpu.memory_space<vmem>> -> memref<64xi32, #tpu.memory_space<vmem>>
    %dma_start3A_64 = arith.constant 0 : i32
    %dma_start3A_65 = arith.constant 0 : i32
    %dma_start3A_66 = tpu.memref_slice %arg2[%dma_start3A_64, %dma_start3A_65] : memref<10000x128xf32, #tpu.memory_space<hbm>> -> memref<10000x128xf32, #tpu.memory_space<hbm>>
    tpu.enqueue_indirect_dma source(%dma_start3A_66 : memref<10000x128xf32, #tpu.memory_space<hbm>>) target(%dma_start3A_60 : memref<64x128xf32, #tpu.memory_space<vmem>>) offsets(%dma_start3A_63 : memref<64xi32, #tpu.memory_space<vmem>>) semaphore(%arg11 : memref<!tpu.dma_semaphore, #tpu.memory_space<semaphore_mem>>)
    %dma_start3A_67 = arith.constant 0 : i32
    %dma_start3A_68 = arith.constant 64 : i32
    %dma_start3A_69 = arith.constant 0 : i32
    %dma_start3A_70 = tpu.memref_slice %arg9[%dma_start3A_68, %dma_start3A_69] : memref<256x128xf32, #tpu.memory_space<vmem>> -> memref<64x128xf32, #tpu.memory_space<vmem>>
    %dma_start3A_71 = arith.constant 64 : i32
    %dma_start3A_72 = tpu.memref_slice %arg7[%dma_start3A_67, %dma_start3A_71] : memref<40x128xi32, #tpu.memory_space<vmem>> -> memref<1x64xi32, #tpu.memory_space<vmem>>
    %dma_start3A_73 = tpu.memref_squeeze %dma_start3A_72 : memref<1x64xi32, #tpu.memory_space<vmem>> -> memref<64xi32, #tpu.memory_space<vmem>>
    %dma_start3A_74 = arith.constant 0 : i32
    %dma_start3A_75 = arith.constant 0 : i32
    %dma_start3A_76 = tpu.memref_slice %arg2[%dma_start3A_74, %dma_start3A_75] : memref<10000x128xf32, #tpu.memory_space<hbm>> -> memref<10000x128xf32, #tpu.memory_space<hbm>>
    tpu.enqueue_indirect_dma source(%dma_start3A_76 : memref<10000x128xf32, #tpu.memory_space<hbm>>) target(%dma_start3A_70 : memref<64x128xf32, #tpu.memory_space<vmem>>) offsets(%dma_start3A_73 : memref<64xi32, #tpu.memory_space<vmem>>) semaphore(%arg12 : memref<!tpu.dma_semaphore, #tpu.memory_space<semaphore_mem>>)
    %dma_start3A_77 = arith.constant 1 : i32
    %dma_start3A_78 = arith.constant 128 : i32
    %dma_start3A_79 = arith.constant 0 : i32
    %dma_start3A_80 = tpu.memref_slice %arg9[%dma_start3A_78, %dma_start3A_79] : memref<256x128xf32, #tpu.memory_space<vmem>> -> memref<64x128xf32, #tpu.memory_space<vmem>>
    %dma_start3A_81 = arith.constant 0 : i32
    %dma_start3A_82 = tpu.memref_slice %arg7[%dma_start3A_77, %dma_start3A_81] : memref<40x128xi32, #tpu.memory_space<vmem>> -> memref<1x64xi32, #tpu.memory_space<vmem>>
    %dma_start3A_83 = tpu.memref_squeeze %dma_start3A_82 : memref<1x64xi32, #tpu.memory_space<vmem>> -> memref<64xi32, #tpu.memory_space<vmem>>
    %dma_start3A_84 = arith.constant 0 : i32
    %dma_start3A_85 = arith.constant 0 : i32
    %dma_start3A_86 = tpu.memref_slice %arg2[%dma_start3A_84, %dma_start3A_85] : memref<10000x128xf32, #tpu.memory_space<hbm>> -> memref<10000x128xf32, #tpu.memory_space<hbm>>
    tpu.enqueue_indirect_dma source(%dma_start3A_86 : memref<10000x128xf32, #tpu.memory_space<hbm>>) target(%dma_start3A_80 : memref<64x128xf32, #tpu.memory_space<vmem>>) offsets(%dma_start3A_83 : memref<64xi32, #tpu.memory_space<vmem>>) semaphore(%arg13 : memref<!tpu.dma_semaphore, #tpu.memory_space<semaphore_mem>>)
    %dma_start3A_87 = arith.constant 1 : i32
    %dma_start3A_88 = arith.constant 192 : i32
    %dma_start3A_89 = arith.constant 0 : i32
    %dma_start3A_90 = tpu.memref_slice %arg9[%dma_start3A_88, %dma_start3A_89] : memref<256x128xf32, #tpu.memory_space<vmem>> -> memref<64x128xf32, #tpu.memory_space<vmem>>
    %dma_start3A_91 = arith.constant 64 : i32
    %dma_start3A_92 = tpu.memref_slice %arg7[%dma_start3A_87, %dma_start3A_91] : memref<40x128xi32, #tpu.memory_space<vmem>> -> memref<1x64xi32, #tpu.memory_space<vmem>>
    %dma_start3A_93 = tpu.memref_squeeze %dma_start3A_92 : memref<1x64xi32, #tpu.memory_space<vmem>> -> memref<64xi32, #tpu.memory_space<vmem>>
    %dma_start3A_94 = arith.constant 0 : i32
    %dma_start3A_95 = arith.constant 0 : i32
    %dma_start3A_96 = tpu.memref_slice %arg2[%dma_start3A_94, %dma_start3A_95] : memref<10000x128xf32, #tpu.memory_space<hbm>> -> memref<10000x128xf32, #tpu.memory_space<hbm>>
    tpu.enqueue_indirect_dma source(%dma_start3A_96 : memref<10000x128xf32, #tpu.memory_space<hbm>>) target(%dma_start3A_90 : memref<64x128xf32, #tpu.memory_space<vmem>>) offsets(%dma_start3A_93 : memref<64xi32, #tpu.memory_space<vmem>>) semaphore(%arg14 : memref<!tpu.dma_semaphore, #tpu.memory_space<semaphore_mem>>)
    %scan3A_97 = arith.constant 0 : i32
    %scan3A_98 = arith.constant 0 : i32
    %scan3A_99 = arith.constant 39 : i32
    %scan3A_100 = arith.addi %scan3A_98, %scan3A_99 : i32
    %scan3A_101 = arith.constant 1 : i32
    scf.for %scan3A_109 = %scan3A_98 to %scan3A_100 step %scan3A_101  : i32 {
      %jit3A = arith.constant 2 : i32
      %eq3A_110 = arith.constant 0 : i32
      %eq3A_111 = arith.cmpi eq, %jit3A, %eq3A_110 : i32
      %jit3A_112 = arith.constant 1 : i32
      %select_n3A = arith.select %eq3A_111, %jit3A_112, %jit3A : i32
      %rem3A = arith.remsi %scan3A_109, %select_n3A : i32
      %ne3A = arith.constant 0 : i32
      %ne3A_113 = arith.cmpi ne, %rem3A, %ne3A : i32
      %lt3A = arith.constant 0 : i32
      %lt3A_114 = arith.cmpi slt, %rem3A, %lt3A : i32
      %lt3A_115 = arith.constant 0 : i32
      %lt3A_116 = arith.cmpi slt, %select_n3A, %lt3A_115 : i32
      %ne3A_117 = arith.xori %lt3A_114, %lt3A_116 : i1
      %and3A = arith.andi %ne3A_117, %ne3A_113 : i1
      %add3A_118 = arith.addi %rem3A, %select_n3A : i32
      %select_n3A_119 = arith.select %and3A, %add3A_118, %rem3A : i32
      %eq3A_120 = arith.constant 0 : i32
      %eq3A_121 = arith.cmpi eq, %select_n3A_119, %eq3A_120 : i32
      %convert_element_type3A_122 = arith.extui %eq3A_121 : i1 to i32
      %cond3A_123 = arith.constant 0 : i32
      %cond3A_124 = arith.cmpi ne, %convert_element_type3A_122, %cond3A_123 : i32
      scf.if %cond3A_124 {
        %dma_wait3A = arith.constant 0 : i32
        %dma_wait3A_146 = arith.constant 0 : i32
        %dma_wait3A_147 = tpu.memref_slice %arg9[%dma_wait3A, %dma_wait3A_146] : memref<256x128xf32, #tpu.memory_space<vmem>> -> memref<64x128xf32, #tpu.memory_space<vmem>>
        %dma_wait3A_148 = arith.constant 0 : i32
        %dma_wait3A_149 = tpu.memref_slice %arg7[%scan3A_109, %dma_wait3A_148] : memref<40x128xi32, #tpu.memory_space<vmem>> -> memref<1x64xi32, #tpu.memory_space<vmem>>
        %dma_wait3A_150 = tpu.memref_squeeze %dma_wait3A_149 : memref<1x64xi32, #tpu.memory_space<vmem>> -> memref<64xi32, #tpu.memory_space<vmem>>
        %dma_wait3A_151 = arith.constant 0 : i32
        %dma_wait3A_152 = arith.constant 0 : i32
        %dma_wait3A_153 = tpu.memref_slice %arg2[%dma_wait3A_151, %dma_wait3A_152] : memref<10000x128xf32, #tpu.memory_space<hbm>> -> memref<10000x128xf32, #tpu.memory_space<hbm>>
        tpu.wait_indirect_dma semaphore(%arg11 : memref<!tpu.dma_semaphore, #tpu.memory_space<semaphore_mem>>) src(%dma_wait3A_153 : memref<10000x128xf32, #tpu.memory_space<hbm>>) dst(%dma_wait3A_147 : memref<64x128xf32, #tpu.memory_space<vmem>>)
        %dma_wait3A_154 = arith.constant 64 : i32
        %dma_wait3A_155 = arith.constant 0 : i32
        %dma_wait3A_156 = tpu.memref_slice %arg9[%dma_wait3A_154, %dma_wait3A_155] : memref<256x128xf32, #tpu.memory_space<vmem>> -> memref<64x128xf32, #tpu.memory_space<vmem>>
        %dma_wait3A_157 = arith.constant 64 : i32
        %dma_wait3A_158 = tpu.memref_slice %arg7[%scan3A_109, %dma_wait3A_157] : memref<40x128xi32, #tpu.memory_space<vmem>> -> memref<1x64xi32, #tpu.memory_space<vmem>>
        %dma_wait3A_159 = tpu.memref_squeeze %dma_wait3A_158 : memref<1x64xi32, #tpu.memory_space<vmem>> -> memref<64xi32, #tpu.memory_space<vmem>>
        %dma_wait3A_160 = arith.constant 0 : i32
        %dma_wait3A_161 = arith.constant 0 : i32
        %dma_wait3A_162 = tpu.memref_slice %arg2[%dma_wait3A_160, %dma_wait3A_161] : memref<10000x128xf32, #tpu.memory_space<hbm>> -> memref<10000x128xf32, #tpu.memory_space<hbm>>
        tpu.wait_indirect_dma semaphore(%arg12 : memref<!tpu.dma_semaphore, #tpu.memory_space<semaphore_mem>>) src(%dma_wait3A_162 : memref<10000x128xf32, #tpu.memory_space<hbm>>) dst(%dma_wait3A_156 : memref<64x128xf32, #tpu.memory_space<vmem>>)
        "tpu.region"() ({
          %run_scoped3A = tpu.sem_alloc : memref<!tpu.dma_semaphore, #tpu.memory_space<semaphore_mem>>
          %dma_start3A_170 = arith.constant 0 : i32
          %dma_start3A_171 = arith.constant 0 : i32
          %dma_start3A_172 = tpu.memref_slice %arg9[%dma_start3A_170, %dma_start3A_171] : memref<256x128xf32, #tpu.memory_space<vmem>> -> memref<128x128xf32, #tpu.memory_space<vmem>>
          %dma_start3A_173 = arith.constant 0 : i32
          %dma_start3A_174 = tpu.memref_slice %arg8[%scan3A_109, %dma_start3A_173] : memref<40x128xi32, #tpu.memory_space<vmem>> -> memref<1x128xi32, #tpu.memory_space<vmem>>
          %dma_start3A_175 = tpu.memref_squeeze %dma_start3A_174 : memref<1x128xi32, #tpu.memory_space<vmem>> -> memref<128xi32, #tpu.memory_space<vmem>>
          %dma_start3A_176 = arith.constant 0 : i32
          %dma_start3A_177 = arith.constant 0 : i32
          %dma_start3A_178 = tpu.memref_slice %arg10[%dma_start3A_176, %dma_start3A_177] : memref<10008x128xf32, #tpu.memory_space<vmem_shared>> -> memref<10008x128xf32, #tpu.memory_space<vmem_shared>>
          tpu.enqueue_indirect_dma source(%dma_start3A_172 : memref<128x128xf32, #tpu.memory_space<vmem>>) target(%dma_start3A_178 : memref<10008x128xf32, #tpu.memory_space<vmem_shared>>) offsets(%dma_start3A_175 : memref<128xi32, #tpu.memory_space<vmem>>) semaphore(%run_scoped3A : memref<!tpu.dma_semaphore, #tpu.memory_space<semaphore_mem>>) {add = true}
          %dma_wait3A_179 = arith.constant 0 : i32
          %dma_wait3A_180 = arith.constant 0 : i32
          %dma_wait3A_181 = tpu.memref_slice %arg9[%dma_wait3A_179, %dma_wait3A_180] : memref<256x128xf32, #tpu.memory_space<vmem>> -> memref<128x128xf32, #tpu.memory_space<vmem>>
          %dma_wait3A_182 = arith.constant 0 : i32
          %dma_wait3A_183 = tpu.memref_slice %arg8[%scan3A_109, %dma_wait3A_182] : memref<40x128xi32, #tpu.memory_space<vmem>> -> memref<1x128xi32, #tpu.memory_space<vmem>>
          %dma_wait3A_184 = tpu.memref_squeeze %dma_wait3A_183 : memref<1x128xi32, #tpu.memory_space<vmem>> -> memref<128xi32, #tpu.memory_space<vmem>>
          %dma_wait3A_185 = arith.constant 0 : i32
          %dma_wait3A_186 = arith.constant 0 : i32
          %dma_wait3A_187 = tpu.memref_slice %arg10[%dma_wait3A_185, %dma_wait3A_186] : memref<10008x128xf32, #tpu.memory_space<vmem_shared>> -> memref<10008x128xf32, #tpu.memory_space<vmem_shared>>
          tpu.wait_indirect_dma semaphore(%run_scoped3A : memref<!tpu.dma_semaphore, #tpu.memory_space<semaphore_mem>>) src(%dma_wait3A_181 : memref<128x128xf32, #tpu.memory_space<vmem>>) dst(%dma_wait3A_187 : memref<10008x128xf32, #tpu.memory_space<vmem_shared>>)
          tpu.yield
        }) : () -> ()
        %add3A_163 = arith.constant 2 : i32
        %add3A_164 = arith.addi %scan3A_109, %add3A_163 : i32
        %lt3A_165 = arith.constant 39 : i32
        %lt3A_166 = arith.cmpi slt, %add3A_164, %lt3A_165 : i32
        %convert_element_type3A_167 = arith.extui %lt3A_166 : i1 to i32
        %cond3A_168 = arith.constant 0 : i32
        %cond3A_169 = arith.cmpi ne, %convert_element_type3A_167, %cond3A_168 : i32
        scf.if %cond3A_169 {
          %add3A_170 = arith.constant 2 : i32
          %add3A_171 = arith.addi %scan3A_109, %add3A_170 : i32
          %dma_start3A_172 = arith.constant 0 : i32
          %dma_start3A_173 = arith.constant 0 : i32
          %dma_start3A_174 = tpu.memref_slice %arg9[%dma_start3A_172, %dma_start3A_173] : memref<256x128xf32, #tpu.memory_space<vmem>> -> memref<64x128xf32, #tpu.memory_space<vmem>>
          %dma_start3A_175 = arith.constant 0 : i32
          %dma_start3A_176 = tpu.memref_slice %arg7[%add3A_171, %dma_start3A_175] : memref<40x128xi32, #tpu.memory_space<vmem>> -> memref<1x64xi32, #tpu.memory_space<vmem>>
          %dma_start3A_177 = tpu.memref_squeeze %dma_start3A_176 : memref<1x64xi32, #tpu.memory_space<vmem>> -> memref<64xi32, #tpu.memory_space<vmem>>
          %dma_start3A_178 = arith.constant 0 : i32
          %dma_start3A_179 = arith.constant 0 : i32
          %dma_start3A_180 = tpu.memref_slice %arg2[%dma_start3A_178, %dma_start3A_179] : memref<10000x128xf32, #tpu.memory_space<hbm>> -> memref<10000x128xf32, #tpu.memory_space<hbm>>
          tpu.enqueue_indirect_dma source(%dma_start3A_180 : memref<10000x128xf32, #tpu.memory_space<hbm>>) target(%dma_start3A_174 : memref<64x128xf32, #tpu.memory_space<vmem>>) offsets(%dma_start3A_177 : memref<64xi32, #tpu.memory_space<vmem>>) semaphore(%arg11 : memref<!tpu.dma_semaphore, #tpu.memory_space<semaphore_mem>>)
          %dma_start3A_181 = arith.constant 64 : i32
          %dma_start3A_182 = arith.constant 0 : i32
          %dma_start3A_183 = tpu.memref_slice %arg9[%dma_start3A_181, %dma_start3A_182] : memref<256x128xf32, #tpu.memory_space<vmem>> -> memref<64x128xf32, #tpu.memory_space<vmem>>
          %dma_start3A_184 = arith.constant 64 : i32
          %dma_start3A_185 = tpu.memref_slice %arg7[%add3A_171, %dma_start3A_184] : memref<40x128xi32, #tpu.memory_space<vmem>> -> memref<1x64xi32, #tpu.memory_space<vmem>>
          %dma_start3A_186 = tpu.memref_squeeze %dma_start3A_185 : memref<1x64xi32, #tpu.memory_space<vmem>> -> memref<64xi32, #tpu.memory_space<vmem>>
          %dma_start3A_187 = arith.constant 0 : i32
          %dma_start3A_188 = arith.constant 0 : i32
          %dma_start3A_189 = tpu.memref_slice %arg2[%dma_start3A_187, %dma_start3A_188] : memref<10000x128xf32, #tpu.memory_space<hbm>> -> memref<10000x128xf32, #tpu.memory_space<hbm>>
          tpu.enqueue_indirect_dma source(%dma_start3A_189 : memref<10000x128xf32, #tpu.memory_space<hbm>>) target(%dma_start3A_183 : memref<64x128xf32, #tpu.memory_space<vmem>>) offsets(%dma_start3A_186 : memref<64xi32, #tpu.memory_space<vmem>>) semaphore(%arg12 : memref<!tpu.dma_semaphore, #tpu.memory_space<semaphore_mem>>)
        } else {
        }
      } else {
      }
      %jit3A_125 = arith.constant 2 : i32
      %eq3A_126 = arith.constant 0 : i32
      %eq3A_127 = arith.cmpi eq, %jit3A_125, %eq3A_126 : i32
      %jit3A_128 = arith.constant 1 : i32
      %select_n3A_129 = arith.select %eq3A_127, %jit3A_128, %jit3A_125 : i32
      %rem3A_130 = arith.remsi %scan3A_109, %select_n3A_129 : i32
      %ne3A_131 = arith.constant 0 : i32
      %ne3A_132 = arith.cmpi ne, %rem3A_130, %ne3A_131 : i32
      %lt3A_133 = arith.constant 0 : i32
      %lt3A_134 = arith.cmpi slt, %rem3A_130, %lt3A_133 : i32
      %lt3A_135 = arith.constant 0 : i32
      %lt3A_136 = arith.cmpi slt, %select_n3A_129, %lt3A_135 : i32
      %ne3A_137 = arith.xori %lt3A_134, %lt3A_136 : i1
      %and3A_138 = arith.andi %ne3A_137, %ne3A_132 : i1
      %add3A_139 = arith.addi %rem3A_130, %select_n3A_129 : i32
      %select_n3A_140 = arith.select %and3A_138, %add3A_139, %rem3A_130 : i32
      %eq3A_141 = arith.constant 1 : i32
      %eq3A_142 = arith.cmpi eq, %select_n3A_140, %eq3A_141 : i32
      %convert_element_type3A_143 = arith.extui %eq3A_142 : i1 to i32
      %cond3A_144 = arith.constant 0 : i32
      %cond3A_145 = arith.cmpi ne, %convert_element_type3A_143, %cond3A_144 : i32
      scf.if %cond3A_145 {
        %dma_wait3A = arith.constant 128 : i32
        %dma_wait3A_146 = arith.constant 0 : i32
        %dma_wait3A_147 = tpu.memref_slice %arg9[%dma_wait3A, %dma_wait3A_146] : memref<256x128xf32, #tpu.memory_space<vmem>> -> memref<64x128xf32, #tpu.memory_space<vmem>>
        %dma_wait3A_148 = arith.constant 0 : i32
        %dma_wait3A_149 = tpu.memref_slice %arg7[%scan3A_109, %dma_wait3A_148] : memref<40x128xi32, #tpu.memory_space<vmem>> -> memref<1x64xi32, #tpu.memory_space<vmem>>
        %dma_wait3A_150 = tpu.memref_squeeze %dma_wait3A_149 : memref<1x64xi32, #tpu.memory_space<vmem>> -> memref<64xi32, #tpu.memory_space<vmem>>
        %dma_wait3A_151 = arith.constant 0 : i32
        %dma_wait3A_152 = arith.constant 0 : i32
        %dma_wait3A_153 = tpu.memref_slice %arg2[%dma_wait3A_151, %dma_wait3A_152] : memref<10000x128xf32, #tpu.memory_space<hbm>> -> memref<10000x128xf32, #tpu.memory_space<hbm>>
        tpu.wait_indirect_dma semaphore(%arg13 : memref<!tpu.dma_semaphore, #tpu.memory_space<semaphore_mem>>) src(%dma_wait3A_153 : memref<10000x128xf32, #tpu.memory_space<hbm>>) dst(%dma_wait3A_147 : memref<64x128xf32, #tpu.memory_space<vmem>>)
        %dma_wait3A_154 = arith.constant 192 : i32
        %dma_wait3A_155 = arith.constant 0 : i32
        %dma_wait3A_156 = tpu.memref_slice %arg9[%dma_wait3A_154, %dma_wait3A_155] : memref<256x128xf32, #tpu.memory_space<vmem>> -> memref<64x128xf32, #tpu.memory_space<vmem>>
        %dma_wait3A_157 = arith.constant 64 : i32
        %dma_wait3A_158 = tpu.memref_slice %arg7[%scan3A_109, %dma_wait3A_157] : memref<40x128xi32, #tpu.memory_space<vmem>> -> memref<1x64xi32, #tpu.memory_space<vmem>>
        %dma_wait3A_159 = tpu.memref_squeeze %dma_wait3A_158 : memref<1x64xi32, #tpu.memory_space<vmem>> -> memref<64xi32, #tpu.memory_space<vmem>>
        %dma_wait3A_160 = arith.constant 0 : i32
        %dma_wait3A_161 = arith.constant 0 : i32
        %dma_wait3A_162 = tpu.memref_slice %arg2[%dma_wait3A_160, %dma_wait3A_161] : memref<10000x128xf32, #tpu.memory_space<hbm>> -> memref<10000x128xf32, #tpu.memory_space<hbm>>
        tpu.wait_indirect_dma semaphore(%arg14 : memref<!tpu.dma_semaphore, #tpu.memory_space<semaphore_mem>>) src(%dma_wait3A_162 : memref<10000x128xf32, #tpu.memory_space<hbm>>) dst(%dma_wait3A_156 : memref<64x128xf32, #tpu.memory_space<vmem>>)
        "tpu.region"() ({
          %run_scoped3A = tpu.sem_alloc : memref<!tpu.dma_semaphore, #tpu.memory_space<semaphore_mem>>
          %dma_start3A_170 = arith.constant 128 : i32
          %dma_start3A_171 = arith.constant 0 : i32
          %dma_start3A_172 = tpu.memref_slice %arg9[%dma_start3A_170, %dma_start3A_171] : memref<256x128xf32, #tpu.memory_space<vmem>> -> memref<128x128xf32, #tpu.memory_space<vmem>>
          %dma_start3A_173 = arith.constant 0 : i32
          %dma_start3A_174 = tpu.memref_slice %arg8[%scan3A_109, %dma_start3A_173] : memref<40x128xi32, #tpu.memory_space<vmem>> -> memref<1x128xi32, #tpu.memory_space<vmem>>
          %dma_start3A_175 = tpu.memref_squeeze %dma_start3A_174 : memref<1x128xi32, #tpu.memory_space<vmem>> -> memref<128xi32, #tpu.memory_space<vmem>>
          %dma_start3A_176 = arith.constant 0 : i32
          %dma_start3A_177 = arith.constant 0 : i32
          %dma_start3A_178 = tpu.memref_slice %arg10[%dma_start3A_176, %dma_start3A_177] : memref<10008x128xf32, #tpu.memory_space<vmem_shared>> -> memref<10008x128xf32, #tpu.memory_space<vmem_shared>>
          tpu.enqueue_indirect_dma source(%dma_start3A_172 : memref<128x128xf32, #tpu.memory_space<vmem>>) target(%dma_start3A_178 : memref<10008x128xf32, #tpu.memory_space<vmem_shared>>) offsets(%dma_start3A_175 : memref<128xi32, #tpu.memory_space<vmem>>) semaphore(%run_scoped3A : memref<!tpu.dma_semaphore, #tpu.memory_space<semaphore_mem>>) {add = true}
          %dma_wait3A_179 = arith.constant 128 : i32
          %dma_wait3A_180 = arith.constant 0 : i32
          %dma_wait3A_181 = tpu.memref_slice %arg9[%dma_wait3A_179, %dma_wait3A_180] : memref<256x128xf32, #tpu.memory_space<vmem>> -> memref<128x128xf32, #tpu.memory_space<vmem>>
          %dma_wait3A_182 = arith.constant 0 : i32
          %dma_wait3A_183 = tpu.memref_slice %arg8[%scan3A_109, %dma_wait3A_182] : memref<40x128xi32, #tpu.memory_space<vmem>> -> memref<1x128xi32, #tpu.memory_space<vmem>>
          %dma_wait3A_184 = tpu.memref_squeeze %dma_wait3A_183 : memref<1x128xi32, #tpu.memory_space<vmem>> -> memref<128xi32, #tpu.memory_space<vmem>>
          %dma_wait3A_185 = arith.constant 0 : i32
          %dma_wait3A_186 = arith.constant 0 : i32
          %dma_wait3A_187 = tpu.memref_slice %arg10[%dma_wait3A_185, %dma_wait3A_186] : memref<10008x128xf32, #tpu.memory_space<vmem_shared>> -> memref<10008x128xf32, #tpu.memory_space<vmem_shared>>
          tpu.wait_indirect_dma semaphore(%run_scoped3A : memref<!tpu.dma_semaphore, #tpu.memory_space<semaphore_mem>>) src(%dma_wait3A_181 : memref<128x128xf32, #tpu.memory_space<vmem>>) dst(%dma_wait3A_187 : memref<10008x128xf32, #tpu.memory_space<vmem_shared>>)
          tpu.yield
        }) : () -> ()
        %add3A_163 = arith.constant 2 : i32
        %add3A_164 = arith.addi %scan3A_109, %add3A_163 : i32
        %lt3A_165 = arith.constant 39 : i32
        %lt3A_166 = arith.cmpi slt, %add3A_164, %lt3A_165 : i32
        %convert_element_type3A_167 = arith.extui %lt3A_166 : i1 to i32
        %cond3A_168 = arith.constant 0 : i32
        %cond3A_169 = arith.cmpi ne, %convert_element_type3A_167, %cond3A_168 : i32
        scf.if %cond3A_169 {
          %add3A_170 = arith.constant 2 : i32
          %add3A_171 = arith.addi %scan3A_109, %add3A_170 : i32
          %dma_start3A_172 = arith.constant 128 : i32
          %dma_start3A_173 = arith.constant 0 : i32
          %dma_start3A_174 = tpu.memref_slice %arg9[%dma_start3A_172, %dma_start3A_173] : memref<256x128xf32, #tpu.memory_space<vmem>> -> memref<64x128xf32, #tpu.memory_space<vmem>>
          %dma_start3A_175 = arith.constant 0 : i32
          %dma_start3A_176 = tpu.memref_slice %arg7[%add3A_171, %dma_start3A_175] : memref<40x128xi32, #tpu.memory_space<vmem>> -> memref<1x64xi32, #tpu.memory_space<vmem>>
          %dma_start3A_177 = tpu.memref_squeeze %dma_start3A_176 : memref<1x64xi32, #tpu.memory_space<vmem>> -> memref<64xi32, #tpu.memory_space<vmem>>
          %dma_start3A_178 = arith.constant 0 : i32
          %dma_start3A_179 = arith.constant 0 : i32
          %dma_start3A_180 = tpu.memref_slice %arg2[%dma_start3A_178, %dma_start3A_179] : memref<10000x128xf32, #tpu.memory_space<hbm>> -> memref<10000x128xf32, #tpu.memory_space<hbm>>
          tpu.enqueue_indirect_dma source(%dma_start3A_180 : memref<10000x128xf32, #tpu.memory_space<hbm>>) target(%dma_start3A_174 : memref<64x128xf32, #tpu.memory_space<vmem>>) offsets(%dma_start3A_177 : memref<64xi32, #tpu.memory_space<vmem>>) semaphore(%arg13 : memref<!tpu.dma_semaphore, #tpu.memory_space<semaphore_mem>>)
          %dma_start3A_181 = arith.constant 192 : i32
          %dma_start3A_182 = arith.constant 0 : i32
          %dma_start3A_183 = tpu.memref_slice %arg9[%dma_start3A_181, %dma_start3A_182] : memref<256x128xf32, #tpu.memory_space<vmem>> -> memref<64x128xf32, #tpu.memory_space<vmem>>
          %dma_start3A_184 = arith.constant 64 : i32
          %dma_start3A_185 = tpu.memref_slice %arg7[%add3A_171, %dma_start3A_184] : memref<40x128xi32, #tpu.memory_space<vmem>> -> memref<1x64xi32, #tpu.memory_space<vmem>>
          %dma_start3A_186 = tpu.memref_squeeze %dma_start3A_185 : memref<1x64xi32, #tpu.memory_space<vmem>> -> memref<64xi32, #tpu.memory_space<vmem>>
          %dma_start3A_187 = arith.constant 0 : i32
          %dma_start3A_188 = arith.constant 0 : i32
          %dma_start3A_189 = tpu.memref_slice %arg2[%dma_start3A_187, %dma_start3A_188] : memref<10000x128xf32, #tpu.memory_space<hbm>> -> memref<10000x128xf32, #tpu.memory_space<hbm>>
          tpu.enqueue_indirect_dma source(%dma_start3A_189 : memref<10000x128xf32, #tpu.memory_space<hbm>>) target(%dma_start3A_183 : memref<64x128xf32, #tpu.memory_space<vmem>>) offsets(%dma_start3A_186 : memref<64xi32, #tpu.memory_space<vmem>>) semaphore(%arg14 : memref<!tpu.dma_semaphore, #tpu.memory_space<semaphore_mem>>)
        } else {
        }
      } else {
      }
    }
    %scan3A_102 = arith.constant 39 : i32
    %barrier3A_103 = arith.constant 0 : index
    tpu.barrier barrier_id(%barrier3A_103)
    "tpu.region"() ({
      %run_scoped3A = tpu.sem_alloc : memref<!tpu.dma_semaphore, #tpu.memory_space<semaphore_mem>>
      %dma_start3A_109 = arith.constant 0 : i32
      %dma_start3A_110 = tpu.memref_slice %arg6[%arg0, %mul3A_2, %dma_start3A_109] : memref<2x10000x128xf32, #tpu.memory_space<hbm>> -> memref<1x624x128xf32, #tpu.memory_space<hbm>>
      %dma_start3A_111 = tpu.memref_squeeze %dma_start3A_110 : memref<1x624x128xf32, #tpu.memory_space<hbm>> -> memref<624x128xf32, #tpu.memory_space<hbm>>
      %dma_start3A_112 = arith.constant 0 : i32
      %dma_start3A_113 = tpu.memref_slice %arg10[%mul3A_2, %dma_start3A_112] : memref<10008x128xf32, #tpu.memory_space<vmem_shared>> -> memref<624x128xf32, #tpu.memory_space<vmem_shared>>
      tpu.enqueue_dma source(%dma_start3A_113 : memref<624x128xf32, #tpu.memory_space<vmem_shared>>) target(%dma_start3A_111 : memref<624x128xf32, #tpu.memory_space<hbm>>) target_semaphore(%run_scoped3A : memref<!tpu.dma_semaphore, #tpu.memory_space<semaphore_mem>>)
      %dma_wait3A = arith.constant 0 : i32
      %dma_wait3A_114 = tpu.memref_slice %arg6[%arg0, %mul3A_2, %dma_wait3A] : memref<2x10000x128xf32, #tpu.memory_space<hbm>> -> memref<1x624x128xf32, #tpu.memory_space<hbm>>
      %dma_wait3A_115 = tpu.memref_squeeze %dma_wait3A_114 : memref<1x624x128xf32, #tpu.memory_space<hbm>> -> memref<624x128xf32, #tpu.memory_space<hbm>>
      %dma_wait3A_116 = arith.constant 0 : i32
      %dma_wait3A_117 = tpu.memref_slice %arg10[%mul3A_2, %dma_wait3A_116] : memref<10008x128xf32, #tpu.memory_space<vmem_shared>> -> memref<624x128xf32, #tpu.memory_space<vmem_shared>>
      tpu.wait_dma2 semaphore(%run_scoped3A : memref<!tpu.dma_semaphore, #tpu.memory_space<semaphore_mem>>) src(%dma_wait3A_117 : memref<624x128xf32, #tpu.memory_space<vmem_shared>>) dst(%dma_wait3A_115 : memref<624x128xf32, #tpu.memory_space<hbm>>)
      tpu.yield
    }) : () -> ()
    %eq3A_104 = arith.constant 0 : i32
    %eq3A_105 = arith.cmpi eq, %arg1, %eq3A_104 : i32
    %convert_element_type3A_106 = arith.extui %eq3A_105 : i1 to i32
    %cond3A_107 = arith.constant 0 : i32
    %cond3A_108 = arith.cmpi ne, %convert_element_type3A_106, %cond3A_107 : i32
    scf.if %cond3A_108 {
      "tpu.region"() ({
        %run_scoped3A = tpu.sem_alloc : memref<!tpu.dma_semaphore, #tpu.memory_space<semaphore_mem>>
        %dma_start3A_109 = arith.constant 9984 : i32
        %dma_start3A_110 = arith.constant 0 : i32
        %dma_start3A_111 = tpu.memref_slice %arg6[%arg0, %dma_start3A_109, %dma_start3A_110] : memref<2x10000x128xf32, #tpu.memory_space<hbm>> -> memref<1x16x128xf32, #tpu.memory_space<hbm>>
        %dma_start3A_112 = tpu.memref_squeeze %dma_start3A_111 : memref<1x16x128xf32, #tpu.memory_space<hbm>> -> memref<16x128xf32, #tpu.memory_space<hbm>>
        %dma_start3A_113 = arith.constant 9984 : i32
        %dma_start3A_114 = arith.constant 0 : i32
        %dma_start3A_115 = tpu.memref_slice %arg10[%dma_start3A_113, %dma_start3A_114] : memref<10008x128xf32, #tpu.memory_space<vmem_shared>> -> memref<16x128xf32, #tpu.memory_space<vmem_shared>>
        tpu.enqueue_dma source(%dma_start3A_115 : memref<16x128xf32, #tpu.memory_space<vmem_shared>>) target(%dma_start3A_112 : memref<16x128xf32, #tpu.memory_space<hbm>>) target_semaphore(%run_scoped3A : memref<!tpu.dma_semaphore, #tpu.memory_space<semaphore_mem>>)
        %dma_wait3A = arith.constant 9984 : i32
        %dma_wait3A_116 = arith.constant 0 : i32
        %dma_wait3A_117 = tpu.memref_slice %arg6[%arg0, %dma_wait3A, %dma_wait3A_116] : memref<2x10000x128xf32, #tpu.memory_space<hbm>> -> memref<1x16x128xf32, #tpu.memory_space<hbm>>
        %dma_wait3A_118 = tpu.memref_squeeze %dma_wait3A_117 : memref<1x16x128xf32, #tpu.memory_space<hbm>> -> memref<16x128xf32, #tpu.memory_space<hbm>>
        %dma_wait3A_119 = arith.constant 9984 : i32
        %dma_wait3A_120 = arith.constant 0 : i32
        %dma_wait3A_121 = tpu.memref_slice %arg10[%dma_wait3A_119, %dma_wait3A_120] : memref<10008x128xf32, #tpu.memory_space<vmem_shared>> -> memref<16x128xf32, #tpu.memory_space<vmem_shared>>
        tpu.wait_dma2 semaphore(%run_scoped3A : memref<!tpu.dma_semaphore, #tpu.memory_space<semaphore_mem>>) src(%dma_wait3A_121 : memref<16x128xf32, #tpu.memory_space<vmem_shared>>) dst(%dma_wait3A_118 : memref<16x128xf32, #tpu.memory_space<hbm>>)
        tpu.yield
      }) : () -> ()
    } else {
    }
    return
  }
}

#map = affine_map<(d0, d1) -> (0, 0)>
#map1 = affine_map<(d0, d1) -> (0, 0, 0)>
module attributes {stable_mosaic.version = 14 : i64} {
  func.func @_segsum_sc(%arg0: i32, %arg1: i32, %arg2: memref<10000x128xf32, #tpu.memory_space<hbm>>, %arg3: memref<79x4096xi32, #tpu.memory_space<hbm>>, %arg4: memref<79x4096xi32, #tpu.memory_space<hbm>>, %arg5: memref<10000x128xf32, #tpu.memory_space<hbm>>, %arg6: memref<2x10000x128xf32, #tpu.memory_space<hbm>>, %arg7: memref<40x128xi32, #tpu.memory_space<vmem>>, %arg8: memref<40x128xi32, #tpu.memory_space<vmem>>, %arg9: memref<256x128xf32, #tpu.memory_space<vmem>>, %arg10: memref<10008x128xf32, #tpu.memory_space<vmem_shared>>, %arg11: memref<!tpu.dma_semaphore, #tpu.memory_space<semaphore_mem>>, %arg12: memref<!tpu.dma_semaphore, #tpu.memory_space<semaphore_mem>>, %arg13: memref<!tpu.dma_semaphore, #tpu.memory_space<semaphore_mem>>, %arg14: memref<!tpu.dma_semaphore, #tpu.memory_space<semaphore_mem>>) attributes {dimension_semantics = [#tpu.dimension_semantics<core_parallel>, #tpu.dimension_semantics<subcore_parallel>], iteration_bounds = array<i64: 2, 16>, scalar_prefetch = 0 : i64, scratch_operands = 8 : i64, tpu.core_type = #tpu.core_type<sc_vector_subcore>, window_params = [{transform_indices = #map}, {transform_indices = #map}, {transform_indices = #map}, {transform_indices = #map}, {transform_indices = #map1}]} {
    %mul3A = arith.constant 2 : i32
    %mul3A_0 = arith.muli %arg1, %mul3A : i32
    %add3A = arith.addi %mul3A_0, %arg0 : i32
    %mul3A_1 = arith.constant 624 : i32
    %mul3A_2 = arith.muli %arg1, %mul3A_1 : i32
    "tpu.region"() ({
      %run_scoped3A = tpu.sem_alloc : memref<!tpu.dma_semaphore, #tpu.memory_space<semaphore_mem>>
      %dma_start3A_109 = arith.constant 0 : i32
      %dma_start3A_110 = tpu.memref_slice %arg10[%mul3A_2, %dma_start3A_109] : memref<10008x128xf32, #tpu.memory_space<vmem_shared>> -> memref<624x128xf32, #tpu.memory_space<vmem_shared>>
      %dma_start3A_111 = arith.constant 0 : i32
      %dma_start3A_112 = tpu.memref_slice %arg5[%mul3A_2, %dma_start3A_111] : memref<10000x128xf32, #tpu.memory_space<hbm>> -> memref<624x128xf32, #tpu.memory_space<hbm>>
      tpu.enqueue_dma source(%dma_start3A_112 : memref<624x128xf32, #tpu.memory_space<hbm>>) target(%dma_start3A_110 : memref<624x128xf32, #tpu.memory_space<vmem_shared>>) target_semaphore(%run_scoped3A : memref<!tpu.dma_semaphore, #tpu.memory_space<semaphore_mem>>)
      %dma_wait3A = arith.constant 0 : i32
      %dma_wait3A_113 = tpu.memref_slice %arg10[%mul3A_2, %dma_wait3A] : memref<10008x128xf32, #tpu.memory_space<vmem_shared>> -> memref<624x128xf32, #tpu.memory_space<vmem_shared>>
      %dma_wait3A_114 = arith.constant 0 : i32
      %dma_wait3A_115 = tpu.memref_slice %arg5[%mul3A_2, %dma_wait3A_114] : memref<10000x128xf32, #tpu.memory_space<hbm>> -> memref<624x128xf32, #tpu.memory_space<hbm>>
      tpu.wait_dma2 semaphore(%run_scoped3A : memref<!tpu.dma_semaphore, #tpu.memory_space<semaphore_mem>>) src(%dma_wait3A_115 : memref<624x128xf32, #tpu.memory_space<hbm>>) dst(%dma_wait3A_113 : memref<624x128xf32, #tpu.memory_space<vmem_shared>>)
      tpu.yield
    }) : () -> ()
    %eq3A = arith.constant 0 : i32
    %eq3A_3 = arith.cmpi eq, %arg1, %eq3A : i32
    %convert_element_type3A = arith.extui %eq3A_3 : i1 to i32
    %cond3A = arith.constant 0 : i32
    %cond3A_4 = arith.cmpi ne, %convert_element_type3A, %cond3A : i32
    scf.if %cond3A_4 {
      "tpu.region"() ({
        %run_scoped3A = tpu.sem_alloc : memref<!tpu.dma_semaphore, #tpu.memory_space<semaphore_mem>>
        %dma_start3A_109 = arith.constant 9984 : i32
        %dma_start3A_110 = arith.constant 0 : i32
        %dma_start3A_111 = tpu.memref_slice %arg10[%dma_start3A_109, %dma_start3A_110] : memref<10008x128xf32, #tpu.memory_space<vmem_shared>> -> memref<16x128xf32, #tpu.memory_space<vmem_shared>>
        %dma_start3A_112 = arith.constant 9984 : i32
        %dma_start3A_113 = arith.constant 0 : i32
        %dma_start3A_114 = tpu.memref_slice %arg5[%dma_start3A_112, %dma_start3A_113] : memref<10000x128xf32, #tpu.memory_space<hbm>> -> memref<16x128xf32, #tpu.memory_space<hbm>>
        tpu.enqueue_dma source(%dma_start3A_114 : memref<16x128xf32, #tpu.memory_space<hbm>>) target(%dma_start3A_111 : memref<16x128xf32, #tpu.memory_space<vmem_shared>>) target_semaphore(%run_scoped3A : memref<!tpu.dma_semaphore, #tpu.memory_space<semaphore_mem>>)
        %dma_wait3A = arith.constant 9984 : i32
        %dma_wait3A_115 = arith.constant 0 : i32
        %dma_wait3A_116 = tpu.memref_slice %arg10[%dma_wait3A, %dma_wait3A_115] : memref<10008x128xf32, #tpu.memory_space<vmem_shared>> -> memref<16x128xf32, #tpu.memory_space<vmem_shared>>
        %dma_wait3A_117 = arith.constant 9984 : i32
        %dma_wait3A_118 = arith.constant 0 : i32
        %dma_wait3A_119 = tpu.memref_slice %arg5[%dma_wait3A_117, %dma_wait3A_118] : memref<10000x128xf32, #tpu.memory_space<hbm>> -> memref<16x128xf32, #tpu.memory_space<hbm>>
        tpu.wait_dma2 semaphore(%run_scoped3A : memref<!tpu.dma_semaphore, #tpu.memory_space<semaphore_mem>>) src(%dma_wait3A_119 : memref<16x128xf32, #tpu.memory_space<hbm>>) dst(%dma_wait3A_116 : memref<16x128xf32, #tpu.memory_space<vmem_shared>>)
        tpu.yield
      }) : () -> ()
    } else {
    }
    %barrier3A = arith.constant 0 : index
    tpu.barrier barrier_id(%barrier3A)
    %mul3A_5 = arith.constant 128 : i32
    %mul3A_6 = arith.muli %add3A, %mul3A_5 : i32
    "tpu.region"() ({
      %run_scoped3A = tpu.sem_alloc : memref<!tpu.dma_semaphore, #tpu.memory_space<semaphore_mem>>
      %dma_start3A_109 = arith.constant 0 : i32
      %dma_start3A_110 = arith.constant 0 : i32
      %dma_start3A_111 = tpu.memref_slice %arg7[%dma_start3A_109, %dma_start3A_110] : memref<40x128xi32, #tpu.memory_space<vmem>> -> memref<40x128xi32, #tpu.memory_space<vmem>>
      %dma_start3A_112 = arith.constant 0 : i32
      %dma_start3A_113 = tpu.memref_slice %arg3[%dma_start3A_112, %mul3A_6] : memref<79x4096xi32, #tpu.memory_space<hbm>> -> memref<40x128xi32, #tpu.memory_space<hbm>>
      %dma_start3A_114 = arith.constant 0 : i32
      %dma_start3A_115 = arith.constant 0 : i32
      %dma_start3A_116 = tpu.memref_slice %arg7[%dma_start3A_114, %dma_start3A_115] : memref<40x128xi32, #tpu.memory_space<vmem>> -> memref<40x128xi32, #tpu.memory_space<vmem>>
      %dma_start3A_117 = arith.constant 0 : i32
      %dma_start3A_118 = tpu.memref_slice %arg3[%dma_start3A_117, %mul3A_6] : memref<79x4096xi32, #tpu.memory_space<hbm>> -> memref<40x128xi32, #tpu.memory_space<hbm>>
      tpu.enqueue_dma source(%dma_start3A_118 : memref<40x128xi32, #tpu.memory_space<hbm>>) target(%dma_start3A_116 : memref<40x128xi32, #tpu.memory_space<vmem>>) target_semaphore(%run_scoped3A : memref<!tpu.dma_semaphore, #tpu.memory_space<semaphore_mem>>)
      %dma_wait3A = arith.constant 0 : i32
      %dma_wait3A_119 = arith.constant 0 : i32
      %dma_wait3A_120 = tpu.memref_slice %arg7[%dma_wait3A, %dma_wait3A_119] : memref<40x128xi32, #tpu.memory_space<vmem>> -> memref<40x128xi32, #tpu.memory_space<vmem>>
      %dma_wait3A_121 = arith.constant 0 : i32
      %dma_wait3A_122 = tpu.memref_slice %arg3[%dma_wait3A_121, %mul3A_6] : memref<79x4096xi32, #tpu.memory_space<hbm>> -> memref<40x128xi32, #tpu.memory_space<hbm>>
      %dma_wait3A_123 = arith.constant 0 : i32
      %dma_wait3A_124 = arith.constant 0 : i32
      %dma_wait3A_125 = tpu.memref_slice %arg7[%dma_wait3A_123, %dma_wait3A_124] : memref<40x128xi32, #tpu.memory_space<vmem>> -> memref<40x128xi32, #tpu.memory_space<vmem>>
      %dma_wait3A_126 = arith.constant 0 : i32
      %dma_wait3A_127 = tpu.memref_slice %arg3[%dma_wait3A_126, %mul3A_6] : memref<79x4096xi32, #tpu.memory_space<hbm>> -> memref<40x128xi32, #tpu.memory_space<hbm>>
      tpu.wait_dma2 semaphore(%run_scoped3A : memref<!tpu.dma_semaphore, #tpu.memory_space<semaphore_mem>>) src(%dma_wait3A_127 : memref<40x128xi32, #tpu.memory_space<hbm>>) dst(%dma_wait3A_125 : memref<40x128xi32, #tpu.memory_space<vmem>>)
      tpu.yield
    }) : () -> ()
    %mul3A_7 = arith.constant 128 : i32
    %mul3A_8 = arith.muli %add3A, %mul3A_7 : i32
    "tpu.region"() ({
      %run_scoped3A = tpu.sem_alloc : memref<!tpu.dma_semaphore, #tpu.memory_space<semaphore_mem>>
      %dma_start3A_109 = arith.constant 0 : i32
      %dma_start3A_110 = arith.constant 0 : i32
      %dma_start3A_111 = tpu.memref_slice %arg8[%dma_start3A_109, %dma_start3A_110] : memref<40x128xi32, #tpu.memory_space<vmem>> -> memref<40x128xi32, #tpu.memory_space<vmem>>
      %dma_start3A_112 = arith.constant 0 : i32
      %dma_start3A_113 = tpu.memref_slice %arg4[%dma_start3A_112, %mul3A_8] : memref<79x4096xi32, #tpu.memory_space<hbm>> -> memref<40x128xi32, #tpu.memory_space<hbm>>
      %dma_start3A_114 = arith.constant 0 : i32
      %dma_start3A_115 = arith.constant 0 : i32
      %dma_start3A_116 = tpu.memref_slice %arg8[%dma_start3A_114, %dma_start3A_115] : memref<40x128xi32, #tpu.memory_space<vmem>> -> memref<40x128xi32, #tpu.memory_space<vmem>>
      %dma_start3A_117 = arith.constant 0 : i32
      %dma_start3A_118 = tpu.memref_slice %arg4[%dma_start3A_117, %mul3A_8] : memref<79x4096xi32, #tpu.memory_space<hbm>> -> memref<40x128xi32, #tpu.memory_space<hbm>>
      tpu.enqueue_dma source(%dma_start3A_118 : memref<40x128xi32, #tpu.memory_space<hbm>>) target(%dma_start3A_116 : memref<40x128xi32, #tpu.memory_space<vmem>>) target_semaphore(%run_scoped3A : memref<!tpu.dma_semaphore, #tpu.memory_space<semaphore_mem>>)
      %dma_wait3A = arith.constant 0 : i32
      %dma_wait3A_119 = arith.constant 0 : i32
      %dma_wait3A_120 = tpu.memref_slice %arg8[%dma_wait3A, %dma_wait3A_119] : memref<40x128xi32, #tpu.memory_space<vmem>> -> memref<40x128xi32, #tpu.memory_space<vmem>>
      %dma_wait3A_121 = arith.constant 0 : i32
      %dma_wait3A_122 = tpu.memref_slice %arg4[%dma_wait3A_121, %mul3A_8] : memref<79x4096xi32, #tpu.memory_space<hbm>> -> memref<40x128xi32, #tpu.memory_space<hbm>>
      %dma_wait3A_123 = arith.constant 0 : i32
      %dma_wait3A_124 = arith.constant 0 : i32
      %dma_wait3A_125 = tpu.memref_slice %arg8[%dma_wait3A_123, %dma_wait3A_124] : memref<40x128xi32, #tpu.memory_space<vmem>> -> memref<40x128xi32, #tpu.memory_space<vmem>>
      %dma_wait3A_126 = arith.constant 0 : i32
      %dma_wait3A_127 = tpu.memref_slice %arg4[%dma_wait3A_126, %mul3A_8] : memref<79x4096xi32, #tpu.memory_space<hbm>> -> memref<40x128xi32, #tpu.memory_space<hbm>>
      tpu.wait_dma2 semaphore(%run_scoped3A : memref<!tpu.dma_semaphore, #tpu.memory_space<semaphore_mem>>) src(%dma_wait3A_127 : memref<40x128xi32, #tpu.memory_space<hbm>>) dst(%dma_wait3A_125 : memref<40x128xi32, #tpu.memory_space<vmem>>)
      tpu.yield
    }) : () -> ()
    %dma_start3A = arith.constant 0 : i32
    %dma_start3A_9 = arith.constant 0 : i32
    %dma_start3A_10 = arith.constant 0 : i32
    %dma_start3A_11 = tpu.memref_slice %arg9[%dma_start3A_9, %dma_start3A_10] : memref<256x128xf32, #tpu.memory_space<vmem>> -> memref<64x128xf32, #tpu.memory_space<vmem>>
    %dma_start3A_12 = arith.constant 0 : i32
    %dma_start3A_13 = tpu.memref_slice %arg7[%dma_start3A, %dma_start3A_12] : memref<40x128xi32, #tpu.memory_space<vmem>> -> memref<1x64xi32, #tpu.memory_space<vmem>>
    %dma_start3A_14 = tpu.memref_squeeze %dma_start3A_13 : memref<1x64xi32, #tpu.memory_space<vmem>> -> memref<64xi32, #tpu.memory_space<vmem>>
    %dma_start3A_15 = arith.constant 0 : i32
    %dma_start3A_16 = arith.constant 0 : i32
    %dma_start3A_17 = tpu.memref_slice %arg2[%dma_start3A_15, %dma_start3A_16] : memref<10000x128xf32, #tpu.memory_space<hbm>> -> memref<10000x128xf32, #tpu.memory_space<hbm>>
    tpu.enqueue_indirect_dma source(%dma_start3A_17 : memref<10000x128xf32, #tpu.memory_space<hbm>>) target(%dma_start3A_11 : memref<64x128xf32, #tpu.memory_space<vmem>>) offsets(%dma_start3A_14 : memref<64xi32, #tpu.memory_space<vmem>>) semaphore(%arg11 : memref<!tpu.dma_semaphore, #tpu.memory_space<semaphore_mem>>)
    %dma_start3A_18 = arith.constant 0 : i32
    %dma_start3A_19 = arith.constant 64 : i32
    %dma_start3A_20 = arith.constant 0 : i32
    %dma_start3A_21 = tpu.memref_slice %arg9[%dma_start3A_19, %dma_start3A_20] : memref<256x128xf32, #tpu.memory_space<vmem>> -> memref<64x128xf32, #tpu.memory_space<vmem>>
    %dma_start3A_22 = arith.constant 64 : i32
    %dma_start3A_23 = tpu.memref_slice %arg7[%dma_start3A_18, %dma_start3A_22] : memref<40x128xi32, #tpu.memory_space<vmem>> -> memref<1x64xi32, #tpu.memory_space<vmem>>
    %dma_start3A_24 = tpu.memref_squeeze %dma_start3A_23 : memref<1x64xi32, #tpu.memory_space<vmem>> -> memref<64xi32, #tpu.memory_space<vmem>>
    %dma_start3A_25 = arith.constant 0 : i32
    %dma_start3A_26 = arith.constant 0 : i32
    %dma_start3A_27 = tpu.memref_slice %arg2[%dma_start3A_25, %dma_start3A_26] : memref<10000x128xf32, #tpu.memory_space<hbm>> -> memref<10000x128xf32, #tpu.memory_space<hbm>>
    tpu.enqueue_indirect_dma source(%dma_start3A_27 : memref<10000x128xf32, #tpu.memory_space<hbm>>) target(%dma_start3A_21 : memref<64x128xf32, #tpu.memory_space<vmem>>) offsets(%dma_start3A_24 : memref<64xi32, #tpu.memory_space<vmem>>) semaphore(%arg12 : memref<!tpu.dma_semaphore, #tpu.memory_space<semaphore_mem>>)
    %dma_start3A_28 = arith.constant 1 : i32
    %dma_start3A_29 = arith.constant 128 : i32
    %dma_start3A_30 = arith.constant 0 : i32
    %dma_start3A_31 = tpu.memref_slice %arg9[%dma_start3A_29, %dma_start3A_30] : memref<256x128xf32, #tpu.memory_space<vmem>> -> memref<64x128xf32, #tpu.memory_space<vmem>>
    %dma_start3A_32 = arith.constant 0 : i32
    %dma_start3A_33 = tpu.memref_slice %arg7[%dma_start3A_28, %dma_start3A_32] : memref<40x128xi32, #tpu.memory_space<vmem>> -> memref<1x64xi32, #tpu.memory_space<vmem>>
    %dma_start3A_34 = tpu.memref_squeeze %dma_start3A_33 : memref<1x64xi32, #tpu.memory_space<vmem>> -> memref<64xi32, #tpu.memory_space<vmem>>
    %dma_start3A_35 = arith.constant 0 : i32
    %dma_start3A_36 = arith.constant 0 : i32
    %dma_start3A_37 = tpu.memref_slice %arg2[%dma_start3A_35, %dma_start3A_36] : memref<10000x128xf32, #tpu.memory_space<hbm>> -> memref<10000x128xf32, #tpu.memory_space<hbm>>
    tpu.enqueue_indirect_dma source(%dma_start3A_37 : memref<10000x128xf32, #tpu.memory_space<hbm>>) target(%dma_start3A_31 : memref<64x128xf32, #tpu.memory_space<vmem>>) offsets(%dma_start3A_34 : memref<64xi32, #tpu.memory_space<vmem>>) semaphore(%arg13 : memref<!tpu.dma_semaphore, #tpu.memory_space<semaphore_mem>>)
    %dma_start3A_38 = arith.constant 1 : i32
    %dma_start3A_39 = arith.constant 192 : i32
    %dma_start3A_40 = arith.constant 0 : i32
    %dma_start3A_41 = tpu.memref_slice %arg9[%dma_start3A_39, %dma_start3A_40] : memref<256x128xf32, #tpu.memory_space<vmem>> -> memref<64x128xf32, #tpu.memory_space<vmem>>
    %dma_start3A_42 = arith.constant 64 : i32
    %dma_start3A_43 = tpu.memref_slice %arg7[%dma_start3A_38, %dma_start3A_42] : memref<40x128xi32, #tpu.memory_space<vmem>> -> memref<1x64xi32, #tpu.memory_space<vmem>>
    %dma_start3A_44 = tpu.memref_squeeze %dma_start3A_43 : memref<1x64xi32, #tpu.memory_space<vmem>> -> memref<64xi32, #tpu.memory_space<vmem>>
    %dma_start3A_45 = arith.constant 0 : i32
    %dma_start3A_46 = arith.constant 0 : i32
    %dma_start3A_47 = tpu.memref_slice %arg2[%dma_start3A_45, %dma_start3A_46] : memref<10000x128xf32, #tpu.memory_space<hbm>> -> memref<10000x128xf32, #tpu.memory_space<hbm>>
    tpu.enqueue_indirect_dma source(%dma_start3A_47 : memref<10000x128xf32, #tpu.memory_space<hbm>>) target(%dma_start3A_41 : memref<64x128xf32, #tpu.memory_space<vmem>>) offsets(%dma_start3A_44 : memref<64xi32, #tpu.memory_space<vmem>>) semaphore(%arg14 : memref<!tpu.dma_semaphore, #tpu.memory_space<semaphore_mem>>)
    %scan3A = arith.constant 0 : i32
    %scan3A_48 = arith.constant 0 : i32
    %scan3A_49 = arith.constant 40 : i32
    %scan3A_50 = arith.addi %scan3A_48, %scan3A_49 : i32
    %scan3A_51 = arith.constant 1 : i32
    scf.for %scan3A_109 = %scan3A_48 to %scan3A_50 step %scan3A_51  : i32 {
      %jit3A = arith.constant 2 : i32
      %eq3A_110 = arith.constant 0 : i32
      %eq3A_111 = arith.cmpi eq, %jit3A, %eq3A_110 : i32
      %jit3A_112 = arith.constant 1 : i32
      %select_n3A = arith.select %eq3A_111, %jit3A_112, %jit3A : i32
      %rem3A = arith.remsi %scan3A_109, %select_n3A : i32
      %ne3A = arith.constant 0 : i32
      %ne3A_113 = arith.cmpi ne, %rem3A, %ne3A : i32
      %lt3A = arith.constant 0 : i32
      %lt3A_114 = arith.cmpi slt, %rem3A, %lt3A : i32
      %lt3A_115 = arith.constant 0 : i32
      %lt3A_116 = arith.cmpi slt, %select_n3A, %lt3A_115 : i32
      %ne3A_117 = arith.xori %lt3A_114, %lt3A_116 : i1
      %and3A = arith.andi %ne3A_117, %ne3A_113 : i1
      %add3A_118 = arith.addi %rem3A, %select_n3A : i32
      %select_n3A_119 = arith.select %and3A, %add3A_118, %rem3A : i32
      %eq3A_120 = arith.constant 0 : i32
      %eq3A_121 = arith.cmpi eq, %select_n3A_119, %eq3A_120 : i32
      %convert_element_type3A_122 = arith.extui %eq3A_121 : i1 to i32
      %cond3A_123 = arith.constant 0 : i32
      %cond3A_124 = arith.cmpi ne, %convert_element_type3A_122, %cond3A_123 : i32
      scf.if %cond3A_124 {
        %dma_wait3A = arith.constant 0 : i32
        %dma_wait3A_146 = arith.constant 0 : i32
        %dma_wait3A_147 = tpu.memref_slice %arg9[%dma_wait3A, %dma_wait3A_146] : memref<256x128xf32, #tpu.memory_space<vmem>> -> memref<64x128xf32, #tpu.memory_space<vmem>>
        %dma_wait3A_148 = arith.constant 0 : i32
        %dma_wait3A_149 = tpu.memref_slice %arg7[%scan3A_109, %dma_wait3A_148] : memref<40x128xi32, #tpu.memory_space<vmem>> -> memref<1x64xi32, #tpu.memory_space<vmem>>
        %dma_wait3A_150 = tpu.memref_squeeze %dma_wait3A_149 : memref<1x64xi32, #tpu.memory_space<vmem>> -> memref<64xi32, #tpu.memory_space<vmem>>
        %dma_wait3A_151 = arith.constant 0 : i32
        %dma_wait3A_152 = arith.constant 0 : i32
        %dma_wait3A_153 = tpu.memref_slice %arg2[%dma_wait3A_151, %dma_wait3A_152] : memref<10000x128xf32, #tpu.memory_space<hbm>> -> memref<10000x128xf32, #tpu.memory_space<hbm>>
        tpu.wait_indirect_dma semaphore(%arg11 : memref<!tpu.dma_semaphore, #tpu.memory_space<semaphore_mem>>) src(%dma_wait3A_153 : memref<10000x128xf32, #tpu.memory_space<hbm>>) dst(%dma_wait3A_147 : memref<64x128xf32, #tpu.memory_space<vmem>>)
        %dma_wait3A_154 = arith.constant 64 : i32
        %dma_wait3A_155 = arith.constant 0 : i32
        %dma_wait3A_156 = tpu.memref_slice %arg9[%dma_wait3A_154, %dma_wait3A_155] : memref<256x128xf32, #tpu.memory_space<vmem>> -> memref<64x128xf32, #tpu.memory_space<vmem>>
        %dma_wait3A_157 = arith.constant 64 : i32
        %dma_wait3A_158 = tpu.memref_slice %arg7[%scan3A_109, %dma_wait3A_157] : memref<40x128xi32, #tpu.memory_space<vmem>> -> memref<1x64xi32, #tpu.memory_space<vmem>>
        %dma_wait3A_159 = tpu.memref_squeeze %dma_wait3A_158 : memref<1x64xi32, #tpu.memory_space<vmem>> -> memref<64xi32, #tpu.memory_space<vmem>>
        %dma_wait3A_160 = arith.constant 0 : i32
        %dma_wait3A_161 = arith.constant 0 : i32
        %dma_wait3A_162 = tpu.memref_slice %arg2[%dma_wait3A_160, %dma_wait3A_161] : memref<10000x128xf32, #tpu.memory_space<hbm>> -> memref<10000x128xf32, #tpu.memory_space<hbm>>
        tpu.wait_indirect_dma semaphore(%arg12 : memref<!tpu.dma_semaphore, #tpu.memory_space<semaphore_mem>>) src(%dma_wait3A_162 : memref<10000x128xf32, #tpu.memory_space<hbm>>) dst(%dma_wait3A_156 : memref<64x128xf32, #tpu.memory_space<vmem>>)
        "tpu.region"() ({
          %run_scoped3A = tpu.sem_alloc : memref<!tpu.dma_semaphore, #tpu.memory_space<semaphore_mem>>
          %dma_start3A_170 = arith.constant 0 : i32
          %dma_start3A_171 = arith.constant 0 : i32
          %dma_start3A_172 = tpu.memref_slice %arg9[%dma_start3A_170, %dma_start3A_171] : memref<256x128xf32, #tpu.memory_space<vmem>> -> memref<128x128xf32, #tpu.memory_space<vmem>>
          %dma_start3A_173 = arith.constant 0 : i32
          %dma_start3A_174 = tpu.memref_slice %arg8[%scan3A_109, %dma_start3A_173] : memref<40x128xi32, #tpu.memory_space<vmem>> -> memref<1x128xi32, #tpu.memory_space<vmem>>
          %dma_start3A_175 = tpu.memref_squeeze %dma_start3A_174 : memref<1x128xi32, #tpu.memory_space<vmem>> -> memref<128xi32, #tpu.memory_space<vmem>>
          %dma_start3A_176 = arith.constant 0 : i32
          %dma_start3A_177 = arith.constant 0 : i32
          %dma_start3A_178 = tpu.memref_slice %arg10[%dma_start3A_176, %dma_start3A_177] : memref<10008x128xf32, #tpu.memory_space<vmem_shared>> -> memref<10008x128xf32, #tpu.memory_space<vmem_shared>>
          tpu.enqueue_indirect_dma source(%dma_start3A_172 : memref<128x128xf32, #tpu.memory_space<vmem>>) target(%dma_start3A_178 : memref<10008x128xf32, #tpu.memory_space<vmem_shared>>) offsets(%dma_start3A_175 : memref<128xi32, #tpu.memory_space<vmem>>) semaphore(%run_scoped3A : memref<!tpu.dma_semaphore, #tpu.memory_space<semaphore_mem>>) {add = true}
          %dma_wait3A_179 = arith.constant 0 : i32
          %dma_wait3A_180 = arith.constant 0 : i32
          %dma_wait3A_181 = tpu.memref_slice %arg9[%dma_wait3A_179, %dma_wait3A_180] : memref<256x128xf32, #tpu.memory_space<vmem>> -> memref<128x128xf32, #tpu.memory_space<vmem>>
          %dma_wait3A_182 = arith.constant 0 : i32
          %dma_wait3A_183 = tpu.memref_slice %arg8[%scan3A_109, %dma_wait3A_182] : memref<40x128xi32, #tpu.memory_space<vmem>> -> memref<1x128xi32, #tpu.memory_space<vmem>>
          %dma_wait3A_184 = tpu.memref_squeeze %dma_wait3A_183 : memref<1x128xi32, #tpu.memory_space<vmem>> -> memref<128xi32, #tpu.memory_space<vmem>>
          %dma_wait3A_185 = arith.constant 0 : i32
          %dma_wait3A_186 = arith.constant 0 : i32
          %dma_wait3A_187 = tpu.memref_slice %arg10[%dma_wait3A_185, %dma_wait3A_186] : memref<10008x128xf32, #tpu.memory_space<vmem_shared>> -> memref<10008x128xf32, #tpu.memory_space<vmem_shared>>
          tpu.wait_indirect_dma semaphore(%run_scoped3A : memref<!tpu.dma_semaphore, #tpu.memory_space<semaphore_mem>>) src(%dma_wait3A_181 : memref<128x128xf32, #tpu.memory_space<vmem>>) dst(%dma_wait3A_187 : memref<10008x128xf32, #tpu.memory_space<vmem_shared>>)
          tpu.yield
        }) : () -> ()
        %add3A_163 = arith.constant 2 : i32
        %add3A_164 = arith.addi %scan3A_109, %add3A_163 : i32
        %lt3A_165 = arith.constant 40 : i32
        %lt3A_166 = arith.cmpi slt, %add3A_164, %lt3A_165 : i32
        %convert_element_type3A_167 = arith.extui %lt3A_166 : i1 to i32
        %cond3A_168 = arith.constant 0 : i32
        %cond3A_169 = arith.cmpi ne, %convert_element_type3A_167, %cond3A_168 : i32
        scf.if %cond3A_169 {
          %add3A_170 = arith.constant 2 : i32
          %add3A_171 = arith.addi %scan3A_109, %add3A_170 : i32
          %dma_start3A_172 = arith.constant 0 : i32
          %dma_start3A_173 = arith.constant 0 : i32
          %dma_start3A_174 = tpu.memref_slice %arg9[%dma_start3A_172, %dma_start3A_173] : memref<256x128xf32, #tpu.memory_space<vmem>> -> memref<64x128xf32, #tpu.memory_space<vmem>>
          %dma_start3A_175 = arith.constant 0 : i32
          %dma_start3A_176 = tpu.memref_slice %arg7[%add3A_171, %dma_start3A_175] : memref<40x128xi32, #tpu.memory_space<vmem>> -> memref<1x64xi32, #tpu.memory_space<vmem>>
          %dma_start3A_177 = tpu.memref_squeeze %dma_start3A_176 : memref<1x64xi32, #tpu.memory_space<vmem>> -> memref<64xi32, #tpu.memory_space<vmem>>
          %dma_start3A_178 = arith.constant 0 : i32
          %dma_start3A_179 = arith.constant 0 : i32
          %dma_start3A_180 = tpu.memref_slice %arg2[%dma_start3A_178, %dma_start3A_179] : memref<10000x128xf32, #tpu.memory_space<hbm>> -> memref<10000x128xf32, #tpu.memory_space<hbm>>
          tpu.enqueue_indirect_dma source(%dma_start3A_180 : memref<10000x128xf32, #tpu.memory_space<hbm>>) target(%dma_start3A_174 : memref<64x128xf32, #tpu.memory_space<vmem>>) offsets(%dma_start3A_177 : memref<64xi32, #tpu.memory_space<vmem>>) semaphore(%arg11 : memref<!tpu.dma_semaphore, #tpu.memory_space<semaphore_mem>>)
          %dma_start3A_181 = arith.constant 64 : i32
          %dma_start3A_182 = arith.constant 0 : i32
          %dma_start3A_183 = tpu.memref_slice %arg9[%dma_start3A_181, %dma_start3A_182] : memref<256x128xf32, #tpu.memory_space<vmem>> -> memref<64x128xf32, #tpu.memory_space<vmem>>
          %dma_start3A_184 = arith.constant 64 : i32
          %dma_start3A_185 = tpu.memref_slice %arg7[%add3A_171, %dma_start3A_184] : memref<40x128xi32, #tpu.memory_space<vmem>> -> memref<1x64xi32, #tpu.memory_space<vmem>>
          %dma_start3A_186 = tpu.memref_squeeze %dma_start3A_185 : memref<1x64xi32, #tpu.memory_space<vmem>> -> memref<64xi32, #tpu.memory_space<vmem>>
          %dma_start3A_187 = arith.constant 0 : i32
          %dma_start3A_188 = arith.constant 0 : i32
          %dma_start3A_189 = tpu.memref_slice %arg2[%dma_start3A_187, %dma_start3A_188] : memref<10000x128xf32, #tpu.memory_space<hbm>> -> memref<10000x128xf32, #tpu.memory_space<hbm>>
          tpu.enqueue_indirect_dma source(%dma_start3A_189 : memref<10000x128xf32, #tpu.memory_space<hbm>>) target(%dma_start3A_183 : memref<64x128xf32, #tpu.memory_space<vmem>>) offsets(%dma_start3A_186 : memref<64xi32, #tpu.memory_space<vmem>>) semaphore(%arg12 : memref<!tpu.dma_semaphore, #tpu.memory_space<semaphore_mem>>)
        } else {
        }
      } else {
      }
      %jit3A_125 = arith.constant 2 : i32
      %eq3A_126 = arith.constant 0 : i32
      %eq3A_127 = arith.cmpi eq, %jit3A_125, %eq3A_126 : i32
      %jit3A_128 = arith.constant 1 : i32
      %select_n3A_129 = arith.select %eq3A_127, %jit3A_128, %jit3A_125 : i32
      %rem3A_130 = arith.remsi %scan3A_109, %select_n3A_129 : i32
      %ne3A_131 = arith.constant 0 : i32
      %ne3A_132 = arith.cmpi ne, %rem3A_130, %ne3A_131 : i32
      %lt3A_133 = arith.constant 0 : i32
      %lt3A_134 = arith.cmpi slt, %rem3A_130, %lt3A_133 : i32
      %lt3A_135 = arith.constant 0 : i32
      %lt3A_136 = arith.cmpi slt, %select_n3A_129, %lt3A_135 : i32
      %ne3A_137 = arith.xori %lt3A_134, %lt3A_136 : i1
      %and3A_138 = arith.andi %ne3A_137, %ne3A_132 : i1
      %add3A_139 = arith.addi %rem3A_130, %select_n3A_129 : i32
      %select_n3A_140 = arith.select %and3A_138, %add3A_139, %rem3A_130 : i32
      %eq3A_141 = arith.constant 1 : i32
      %eq3A_142 = arith.cmpi eq, %select_n3A_140, %eq3A_141 : i32
      %convert_element_type3A_143 = arith.extui %eq3A_142 : i1 to i32
      %cond3A_144 = arith.constant 0 : i32
      %cond3A_145 = arith.cmpi ne, %convert_element_type3A_143, %cond3A_144 : i32
      scf.if %cond3A_145 {
        %dma_wait3A = arith.constant 128 : i32
        %dma_wait3A_146 = arith.constant 0 : i32
        %dma_wait3A_147 = tpu.memref_slice %arg9[%dma_wait3A, %dma_wait3A_146] : memref<256x128xf32, #tpu.memory_space<vmem>> -> memref<64x128xf32, #tpu.memory_space<vmem>>
        %dma_wait3A_148 = arith.constant 0 : i32
        %dma_wait3A_149 = tpu.memref_slice %arg7[%scan3A_109, %dma_wait3A_148] : memref<40x128xi32, #tpu.memory_space<vmem>> -> memref<1x64xi32, #tpu.memory_space<vmem>>
        %dma_wait3A_150 = tpu.memref_squeeze %dma_wait3A_149 : memref<1x64xi32, #tpu.memory_space<vmem>> -> memref<64xi32, #tpu.memory_space<vmem>>
        %dma_wait3A_151 = arith.constant 0 : i32
        %dma_wait3A_152 = arith.constant 0 : i32
        %dma_wait3A_153 = tpu.memref_slice %arg2[%dma_wait3A_151, %dma_wait3A_152] : memref<10000x128xf32, #tpu.memory_space<hbm>> -> memref<10000x128xf32, #tpu.memory_space<hbm>>
        tpu.wait_indirect_dma semaphore(%arg13 : memref<!tpu.dma_semaphore, #tpu.memory_space<semaphore_mem>>) src(%dma_wait3A_153 : memref<10000x128xf32, #tpu.memory_space<hbm>>) dst(%dma_wait3A_147 : memref<64x128xf32, #tpu.memory_space<vmem>>)
        %dma_wait3A_154 = arith.constant 192 : i32
        %dma_wait3A_155 = arith.constant 0 : i32
        %dma_wait3A_156 = tpu.memref_slice %arg9[%dma_wait3A_154, %dma_wait3A_155] : memref<256x128xf32, #tpu.memory_space<vmem>> -> memref<64x128xf32, #tpu.memory_space<vmem>>
        %dma_wait3A_157 = arith.constant 64 : i32
        %dma_wait3A_158 = tpu.memref_slice %arg7[%scan3A_109, %dma_wait3A_157] : memref<40x128xi32, #tpu.memory_space<vmem>> -> memref<1x64xi32, #tpu.memory_space<vmem>>
        %dma_wait3A_159 = tpu.memref_squeeze %dma_wait3A_158 : memref<1x64xi32, #tpu.memory_space<vmem>> -> memref<64xi32, #tpu.memory_space<vmem>>
        %dma_wait3A_160 = arith.constant 0 : i32
        %dma_wait3A_161 = arith.constant 0 : i32
        %dma_wait3A_162 = tpu.memref_slice %arg2[%dma_wait3A_160, %dma_wait3A_161] : memref<10000x128xf32, #tpu.memory_space<hbm>> -> memref<10000x128xf32, #tpu.memory_space<hbm>>
        tpu.wait_indirect_dma semaphore(%arg14 : memref<!tpu.dma_semaphore, #tpu.memory_space<semaphore_mem>>) src(%dma_wait3A_162 : memref<10000x128xf32, #tpu.memory_space<hbm>>) dst(%dma_wait3A_156 : memref<64x128xf32, #tpu.memory_space<vmem>>)
        "tpu.region"() ({
          %run_scoped3A = tpu.sem_alloc : memref<!tpu.dma_semaphore, #tpu.memory_space<semaphore_mem>>
          %dma_start3A_170 = arith.constant 128 : i32
          %dma_start3A_171 = arith.constant 0 : i32
          %dma_start3A_172 = tpu.memref_slice %arg9[%dma_start3A_170, %dma_start3A_171] : memref<256x128xf32, #tpu.memory_space<vmem>> -> memref<128x128xf32, #tpu.memory_space<vmem>>
          %dma_start3A_173 = arith.constant 0 : i32
          %dma_start3A_174 = tpu.memref_slice %arg8[%scan3A_109, %dma_start3A_173] : memref<40x128xi32, #tpu.memory_space<vmem>> -> memref<1x128xi32, #tpu.memory_space<vmem>>
          %dma_start3A_175 = tpu.memref_squeeze %dma_start3A_174 : memref<1x128xi32, #tpu.memory_space<vmem>> -> memref<128xi32, #tpu.memory_space<vmem>>
          %dma_start3A_176 = arith.constant 0 : i32
          %dma_start3A_177 = arith.constant 0 : i32
          %dma_start3A_178 = tpu.memref_slice %arg10[%dma_start3A_176, %dma_start3A_177] : memref<10008x128xf32, #tpu.memory_space<vmem_shared>> -> memref<10008x128xf32, #tpu.memory_space<vmem_shared>>
          tpu.enqueue_indirect_dma source(%dma_start3A_172 : memref<128x128xf32, #tpu.memory_space<vmem>>) target(%dma_start3A_178 : memref<10008x128xf32, #tpu.memory_space<vmem_shared>>) offsets(%dma_start3A_175 : memref<128xi32, #tpu.memory_space<vmem>>) semaphore(%run_scoped3A : memref<!tpu.dma_semaphore, #tpu.memory_space<semaphore_mem>>) {add = true}
          %dma_wait3A_179 = arith.constant 128 : i32
          %dma_wait3A_180 = arith.constant 0 : i32
          %dma_wait3A_181 = tpu.memref_slice %arg9[%dma_wait3A_179, %dma_wait3A_180] : memref<256x128xf32, #tpu.memory_space<vmem>> -> memref<128x128xf32, #tpu.memory_space<vmem>>
          %dma_wait3A_182 = arith.constant 0 : i32
          %dma_wait3A_183 = tpu.memref_slice %arg8[%scan3A_109, %dma_wait3A_182] : memref<40x128xi32, #tpu.memory_space<vmem>> -> memref<1x128xi32, #tpu.memory_space<vmem>>
          %dma_wait3A_184 = tpu.memref_squeeze %dma_wait3A_183 : memref<1x128xi32, #tpu.memory_space<vmem>> -> memref<128xi32, #tpu.memory_space<vmem>>
          %dma_wait3A_185 = arith.constant 0 : i32
          %dma_wait3A_186 = arith.constant 0 : i32
          %dma_wait3A_187 = tpu.memref_slice %arg10[%dma_wait3A_185, %dma_wait3A_186] : memref<10008x128xf32, #tpu.memory_space<vmem_shared>> -> memref<10008x128xf32, #tpu.memory_space<vmem_shared>>
          tpu.wait_indirect_dma semaphore(%run_scoped3A : memref<!tpu.dma_semaphore, #tpu.memory_space<semaphore_mem>>) src(%dma_wait3A_181 : memref<128x128xf32, #tpu.memory_space<vmem>>) dst(%dma_wait3A_187 : memref<10008x128xf32, #tpu.memory_space<vmem_shared>>)
          tpu.yield
        }) : () -> ()
        %add3A_163 = arith.constant 2 : i32
        %add3A_164 = arith.addi %scan3A_109, %add3A_163 : i32
        %lt3A_165 = arith.constant 40 : i32
        %lt3A_166 = arith.cmpi slt, %add3A_164, %lt3A_165 : i32
        %convert_element_type3A_167 = arith.extui %lt3A_166 : i1 to i32
        %cond3A_168 = arith.constant 0 : i32
        %cond3A_169 = arith.cmpi ne, %convert_element_type3A_167, %cond3A_168 : i32
        scf.if %cond3A_169 {
          %add3A_170 = arith.constant 2 : i32
          %add3A_171 = arith.addi %scan3A_109, %add3A_170 : i32
          %dma_start3A_172 = arith.constant 128 : i32
          %dma_start3A_173 = arith.constant 0 : i32
          %dma_start3A_174 = tpu.memref_slice %arg9[%dma_start3A_172, %dma_start3A_173] : memref<256x128xf32, #tpu.memory_space<vmem>> -> memref<64x128xf32, #tpu.memory_space<vmem>>
          %dma_start3A_175 = arith.constant 0 : i32
          %dma_start3A_176 = tpu.memref_slice %arg7[%add3A_171, %dma_start3A_175] : memref<40x128xi32, #tpu.memory_space<vmem>> -> memref<1x64xi32, #tpu.memory_space<vmem>>
          %dma_start3A_177 = tpu.memref_squeeze %dma_start3A_176 : memref<1x64xi32, #tpu.memory_space<vmem>> -> memref<64xi32, #tpu.memory_space<vmem>>
          %dma_start3A_178 = arith.constant 0 : i32
          %dma_start3A_179 = arith.constant 0 : i32
          %dma_start3A_180 = tpu.memref_slice %arg2[%dma_start3A_178, %dma_start3A_179] : memref<10000x128xf32, #tpu.memory_space<hbm>> -> memref<10000x128xf32, #tpu.memory_space<hbm>>
          tpu.enqueue_indirect_dma source(%dma_start3A_180 : memref<10000x128xf32, #tpu.memory_space<hbm>>) target(%dma_start3A_174 : memref<64x128xf32, #tpu.memory_space<vmem>>) offsets(%dma_start3A_177 : memref<64xi32, #tpu.memory_space<vmem>>) semaphore(%arg13 : memref<!tpu.dma_semaphore, #tpu.memory_space<semaphore_mem>>)
          %dma_start3A_181 = arith.constant 192 : i32
          %dma_start3A_182 = arith.constant 0 : i32
          %dma_start3A_183 = tpu.memref_slice %arg9[%dma_start3A_181, %dma_start3A_182] : memref<256x128xf32, #tpu.memory_space<vmem>> -> memref<64x128xf32, #tpu.memory_space<vmem>>
          %dma_start3A_184 = arith.constant 64 : i32
          %dma_start3A_185 = tpu.memref_slice %arg7[%add3A_171, %dma_start3A_184] : memref<40x128xi32, #tpu.memory_space<vmem>> -> memref<1x64xi32, #tpu.memory_space<vmem>>
          %dma_start3A_186 = tpu.memref_squeeze %dma_start3A_185 : memref<1x64xi32, #tpu.memory_space<vmem>> -> memref<64xi32, #tpu.memory_space<vmem>>
          %dma_start3A_187 = arith.constant 0 : i32
          %dma_start3A_188 = arith.constant 0 : i32
          %dma_start3A_189 = tpu.memref_slice %arg2[%dma_start3A_187, %dma_start3A_188] : memref<10000x128xf32, #tpu.memory_space<hbm>> -> memref<10000x128xf32, #tpu.memory_space<hbm>>
          tpu.enqueue_indirect_dma source(%dma_start3A_189 : memref<10000x128xf32, #tpu.memory_space<hbm>>) target(%dma_start3A_183 : memref<64x128xf32, #tpu.memory_space<vmem>>) offsets(%dma_start3A_186 : memref<64xi32, #tpu.memory_space<vmem>>) semaphore(%arg14 : memref<!tpu.dma_semaphore, #tpu.memory_space<semaphore_mem>>)
        } else {
        }
      } else {
      }
    }
    %scan3A_52 = arith.constant 40 : i32
    %mul3A_53 = arith.constant 128 : i32
    %mul3A_54 = arith.muli %add3A, %mul3A_53 : i32
    "tpu.region"() ({
      %run_scoped3A = tpu.sem_alloc : memref<!tpu.dma_semaphore, #tpu.memory_space<semaphore_mem>>
      %dma_start3A_109 = arith.constant 0 : i32
      %dma_start3A_110 = arith.constant 0 : i32
      %dma_start3A_111 = tpu.memref_slice %arg7[%dma_start3A_109, %dma_start3A_110] : memref<40x128xi32, #tpu.memory_space<vmem>> -> memref<39x128xi32, #tpu.memory_space<vmem>>
      %dma_start3A_112 = arith.constant 40 : i32
      %dma_start3A_113 = tpu.memref_slice %arg3[%dma_start3A_112, %mul3A_54] : memref<79x4096xi32, #tpu.memory_space<hbm>> -> memref<39x128xi32, #tpu.memory_space<hbm>>
      %dma_start3A_114 = arith.constant 0 : i32
      %dma_start3A_115 = arith.constant 0 : i32
      %dma_start3A_116 = tpu.memref_slice %arg7[%dma_start3A_114, %dma_start3A_115] : memref<40x128xi32, #tpu.memory_space<vmem>> -> memref<39x128xi32, #tpu.memory_space<vmem>>
      %dma_start3A_117 = arith.constant 40 : i32
      %dma_start3A_118 = tpu.memref_slice %arg3[%dma_start3A_117, %mul3A_54] : memref<79x4096xi32, #tpu.memory_space<hbm>> -> memref<39x128xi32, #tpu.memory_space<hbm>>
      tpu.enqueue_dma source(%dma_start3A_118 : memref<39x128xi32, #tpu.memory_space<hbm>>) target(%dma_start3A_116 : memref<39x128xi32, #tpu.memory_space<vmem>>) target_semaphore(%run_scoped3A : memref<!tpu.dma_semaphore, #tpu.memory_space<semaphore_mem>>)
      %dma_wait3A = arith.constant 0 : i32
      %dma_wait3A_119 = arith.constant 0 : i32
      %dma_wait3A_120 = tpu.memref_slice %arg7[%dma_wait3A, %dma_wait3A_119] : memref<40x128xi32, #tpu.memory_space<vmem>> -> memref<39x128xi32, #tpu.memory_space<vmem>>
      %dma_wait3A_121 = arith.constant 40 : i32
      %dma_wait3A_122 = tpu.memref_slice %arg3[%dma_wait3A_121, %mul3A_54] : memref<79x4096xi32, #tpu.memory_space<hbm>> -> memref<39x128xi32, #tpu.memory_space<hbm>>
      %dma_wait3A_123 = arith.constant 0 : i32
      %dma_wait3A_124 = arith.constant 0 : i32
      %dma_wait3A_125 = tpu.memref_slice %arg7[%dma_wait3A_123, %dma_wait3A_124] : memref<40x128xi32, #tpu.memory_space<vmem>> -> memref<39x128xi32, #tpu.memory_space<vmem>>
      %dma_wait3A_126 = arith.constant 40 : i32
      %dma_wait3A_127 = tpu.memref_slice %arg3[%dma_wait3A_126, %mul3A_54] : memref<79x4096xi32, #tpu.memory_space<hbm>> -> memref<39x128xi32, #tpu.memory_space<hbm>>
      tpu.wait_dma2 semaphore(%run_scoped3A : memref<!tpu.dma_semaphore, #tpu.memory_space<semaphore_mem>>) src(%dma_wait3A_127 : memref<39x128xi32, #tpu.memory_space<hbm>>) dst(%dma_wait3A_125 : memref<39x128xi32, #tpu.memory_space<vmem>>)
      tpu.yield
    }) : () -> ()
    %mul3A_55 = arith.constant 128 : i32
    %mul3A_56 = arith.muli %add3A, %mul3A_55 : i32
    "tpu.region"() ({
      %run_scoped3A = tpu.sem_alloc : memref<!tpu.dma_semaphore, #tpu.memory_space<semaphore_mem>>
      %dma_start3A_109 = arith.constant 0 : i32
      %dma_start3A_110 = arith.constant 0 : i32
      %dma_start3A_111 = tpu.memref_slice %arg8[%dma_start3A_109, %dma_start3A_110] : memref<40x128xi32, #tpu.memory_space<vmem>> -> memref<39x128xi32, #tpu.memory_space<vmem>>
      %dma_start3A_112 = arith.constant 40 : i32
      %dma_start3A_113 = tpu.memref_slice %arg4[%dma_start3A_112, %mul3A_56] : memref<79x4096xi32, #tpu.memory_space<hbm>> -> memref<39x128xi32, #tpu.memory_space<hbm>>
      %dma_start3A_114 = arith.constant 0 : i32
      %dma_start3A_115 = arith.constant 0 : i32
      %dma_start3A_116 = tpu.memref_slice %arg8[%dma_start3A_114, %dma_start3A_115] : memref<40x128xi32, #tpu.memory_space<vmem>> -> memref<39x128xi32, #tpu.memory_space<vmem>>
      %dma_start3A_117 = arith.constant 40 : i32
      %dma_start3A_118 = tpu.memref_slice %arg4[%dma_start3A_117, %mul3A_56] : memref<79x4096xi32, #tpu.memory_space<hbm>> -> memref<39x128xi32, #tpu.memory_space<hbm>>
      tpu.enqueue_dma source(%dma_start3A_118 : memref<39x128xi32, #tpu.memory_space<hbm>>) target(%dma_start3A_116 : memref<39x128xi32, #tpu.memory_space<vmem>>) target_semaphore(%run_scoped3A : memref<!tpu.dma_semaphore, #tpu.memory_space<semaphore_mem>>)
      %dma_wait3A = arith.constant 0 : i32
      %dma_wait3A_119 = arith.constant 0 : i32
      %dma_wait3A_120 = tpu.memref_slice %arg8[%dma_wait3A, %dma_wait3A_119] : memref<40x128xi32, #tpu.memory_space<vmem>> -> memref<39x128xi32, #tpu.memory_space<vmem>>
      %dma_wait3A_121 = arith.constant 40 : i32
      %dma_wait3A_122 = tpu.memref_slice %arg4[%dma_wait3A_121, %mul3A_56] : memref<79x4096xi32, #tpu.memory_space<hbm>> -> memref<39x128xi32, #tpu.memory_space<hbm>>
      %dma_wait3A_123 = arith.constant 0 : i32
      %dma_wait3A_124 = arith.constant 0 : i32
      %dma_wait3A_125 = tpu.memref_slice %arg8[%dma_wait3A_123, %dma_wait3A_124] : memref<40x128xi32, #tpu.memory_space<vmem>> -> memref<39x128xi32, #tpu.memory_space<vmem>>
      %dma_wait3A_126 = arith.constant 40 : i32
      %dma_wait3A_127 = tpu.memref_slice %arg4[%dma_wait3A_126, %mul3A_56] : memref<79x4096xi32, #tpu.memory_space<hbm>> -> memref<39x128xi32, #tpu.memory_space<hbm>>
      tpu.wait_dma2 semaphore(%run_scoped3A : memref<!tpu.dma_semaphore, #tpu.memory_space<semaphore_mem>>) src(%dma_wait3A_127 : memref<39x128xi32, #tpu.memory_space<hbm>>) dst(%dma_wait3A_125 : memref<39x128xi32, #tpu.memory_space<vmem>>)
      tpu.yield
    }) : () -> ()
    %dma_start3A_57 = arith.constant 0 : i32
    %dma_start3A_58 = arith.constant 0 : i32
    %dma_start3A_59 = arith.constant 0 : i32
    %dma_start3A_60 = tpu.memref_slice %arg9[%dma_start3A_58, %dma_start3A_59] : memref<256x128xf32, #tpu.memory_space<vmem>> -> memref<64x128xf32, #tpu.memory_space<vmem>>
    %dma_start3A_61 = arith.constant 0 : i32
    %dma_start3A_62 = tpu.memref_slice %arg7[%dma_start3A_57, %dma_start3A_61] : memref<40x128xi32, #tpu.memory_space<vmem>> -> memref<1x64xi32, #tpu.memory_space<vmem>>
    %dma_start3A_63 = tpu.memref_squeeze %dma_start3A_62 : memref<1x64xi32, #tpu.memory_space<vmem>> -> memref<64xi32, #tpu.memory_space<vmem>>
    %dma_start3A_64 = arith.constant 0 : i32
    %dma_start3A_65 = arith.constant 0 : i32
    %dma_start3A_66 = tpu.memref_slice %arg2[%dma_start3A_64, %dma_start3A_65] : memref<10000x128xf32, #tpu.memory_space<hbm>> -> memref<10000x128xf32, #tpu.memory_space<hbm>>
    tpu.enqueue_indirect_dma source(%dma_start3A_66 : memref<10000x128xf32, #tpu.memory_space<hbm>>) target(%dma_start3A_60 : memref<64x128xf32, #tpu.memory_space<vmem>>) offsets(%dma_start3A_63 : memref<64xi32, #tpu.memory_space<vmem>>) semaphore(%arg11 : memref<!tpu.dma_semaphore, #tpu.memory_space<semaphore_mem>>)
    %dma_start3A_67 = arith.constant 0 : i32
    %dma_start3A_68 = arith.constant 64 : i32
    %dma_start3A_69 = arith.constant 0 : i32
    %dma_start3A_70 = tpu.memref_slice %arg9[%dma_start3A_68, %dma_start3A_69] : memref<256x128xf32, #tpu.memory_space<vmem>> -> memref<64x128xf32, #tpu.memory_space<vmem>>
    %dma_start3A_71 = arith.constant 64 : i32
    %dma_start3A_72 = tpu.memref_slice %arg7[%dma_start3A_67, %dma_start3A_71] : memref<40x128xi32, #tpu.memory_space<vmem>> -> memref<1x64xi32, #tpu.memory_space<vmem>>
    %dma_start3A_73 = tpu.memref_squeeze %dma_start3A_72 : memref<1x64xi32, #tpu.memory_space<vmem>> -> memref<64xi32, #tpu.memory_space<vmem>>
    %dma_start3A_74 = arith.constant 0 : i32
    %dma_start3A_75 = arith.constant 0 : i32
    %dma_start3A_76 = tpu.memref_slice %arg2[%dma_start3A_74, %dma_start3A_75] : memref<10000x128xf32, #tpu.memory_space<hbm>> -> memref<10000x128xf32, #tpu.memory_space<hbm>>
    tpu.enqueue_indirect_dma source(%dma_start3A_76 : memref<10000x128xf32, #tpu.memory_space<hbm>>) target(%dma_start3A_70 : memref<64x128xf32, #tpu.memory_space<vmem>>) offsets(%dma_start3A_73 : memref<64xi32, #tpu.memory_space<vmem>>) semaphore(%arg12 : memref<!tpu.dma_semaphore, #tpu.memory_space<semaphore_mem>>)
    %dma_start3A_77 = arith.constant 1 : i32
    %dma_start3A_78 = arith.constant 128 : i32
    %dma_start3A_79 = arith.constant 0 : i32
    %dma_start3A_80 = tpu.memref_slice %arg9[%dma_start3A_78, %dma_start3A_79] : memref<256x128xf32, #tpu.memory_space<vmem>> -> memref<64x128xf32, #tpu.memory_space<vmem>>
    %dma_start3A_81 = arith.constant 0 : i32
    %dma_start3A_82 = tpu.memref_slice %arg7[%dma_start3A_77, %dma_start3A_81] : memref<40x128xi32, #tpu.memory_space<vmem>> -> memref<1x64xi32, #tpu.memory_space<vmem>>
    %dma_start3A_83 = tpu.memref_squeeze %dma_start3A_82 : memref<1x64xi32, #tpu.memory_space<vmem>> -> memref<64xi32, #tpu.memory_space<vmem>>
    %dma_start3A_84 = arith.constant 0 : i32
    %dma_start3A_85 = arith.constant 0 : i32
    %dma_start3A_86 = tpu.memref_slice %arg2[%dma_start3A_84, %dma_start3A_85] : memref<10000x128xf32, #tpu.memory_space<hbm>> -> memref<10000x128xf32, #tpu.memory_space<hbm>>
    tpu.enqueue_indirect_dma source(%dma_start3A_86 : memref<10000x128xf32, #tpu.memory_space<hbm>>) target(%dma_start3A_80 : memref<64x128xf32, #tpu.memory_space<vmem>>) offsets(%dma_start3A_83 : memref<64xi32, #tpu.memory_space<vmem>>) semaphore(%arg13 : memref<!tpu.dma_semaphore, #tpu.memory_space<semaphore_mem>>)
    %dma_start3A_87 = arith.constant 1 : i32
    %dma_start3A_88 = arith.constant 192 : i32
    %dma_start3A_89 = arith.constant 0 : i32
    %dma_start3A_90 = tpu.memref_slice %arg9[%dma_start3A_88, %dma_start3A_89] : memref<256x128xf32, #tpu.memory_space<vmem>> -> memref<64x128xf32, #tpu.memory_space<vmem>>
    %dma_start3A_91 = arith.constant 64 : i32
    %dma_start3A_92 = tpu.memref_slice %arg7[%dma_start3A_87, %dma_start3A_91] : memref<40x128xi32, #tpu.memory_space<vmem>> -> memref<1x64xi32, #tpu.memory_space<vmem>>
    %dma_start3A_93 = tpu.memref_squeeze %dma_start3A_92 : memref<1x64xi32, #tpu.memory_space<vmem>> -> memref<64xi32, #tpu.memory_space<vmem>>
    %dma_start3A_94 = arith.constant 0 : i32
    %dma_start3A_95 = arith.constant 0 : i32
    %dma_start3A_96 = tpu.memref_slice %arg2[%dma_start3A_94, %dma_start3A_95] : memref<10000x128xf32, #tpu.memory_space<hbm>> -> memref<10000x128xf32, #tpu.memory_space<hbm>>
    tpu.enqueue_indirect_dma source(%dma_start3A_96 : memref<10000x128xf32, #tpu.memory_space<hbm>>) target(%dma_start3A_90 : memref<64x128xf32, #tpu.memory_space<vmem>>) offsets(%dma_start3A_93 : memref<64xi32, #tpu.memory_space<vmem>>) semaphore(%arg14 : memref<!tpu.dma_semaphore, #tpu.memory_space<semaphore_mem>>)
    %scan3A_97 = arith.constant 0 : i32
    %scan3A_98 = arith.constant 0 : i32
    %scan3A_99 = arith.constant 39 : i32
    %scan3A_100 = arith.addi %scan3A_98, %scan3A_99 : i32
    %scan3A_101 = arith.constant 1 : i32
    scf.for %scan3A_109 = %scan3A_98 to %scan3A_100 step %scan3A_101  : i32 {
      %jit3A = arith.constant 2 : i32
      %eq3A_110 = arith.constant 0 : i32
      %eq3A_111 = arith.cmpi eq, %jit3A, %eq3A_110 : i32
      %jit3A_112 = arith.constant 1 : i32
      %select_n3A = arith.select %eq3A_111, %jit3A_112, %jit3A : i32
      %rem3A = arith.remsi %scan3A_109, %select_n3A : i32
      %ne3A = arith.constant 0 : i32
      %ne3A_113 = arith.cmpi ne, %rem3A, %ne3A : i32
      %lt3A = arith.constant 0 : i32
      %lt3A_114 = arith.cmpi slt, %rem3A, %lt3A : i32
      %lt3A_115 = arith.constant 0 : i32
      %lt3A_116 = arith.cmpi slt, %select_n3A, %lt3A_115 : i32
      %ne3A_117 = arith.xori %lt3A_114, %lt3A_116 : i1
      %and3A = arith.andi %ne3A_117, %ne3A_113 : i1
      %add3A_118 = arith.addi %rem3A, %select_n3A : i32
      %select_n3A_119 = arith.select %and3A, %add3A_118, %rem3A : i32
      %eq3A_120 = arith.constant 0 : i32
      %eq3A_121 = arith.cmpi eq, %select_n3A_119, %eq3A_120 : i32
      %convert_element_type3A_122 = arith.extui %eq3A_121 : i1 to i32
      %cond3A_123 = arith.constant 0 : i32
      %cond3A_124 = arith.cmpi ne, %convert_element_type3A_122, %cond3A_123 : i32
      scf.if %cond3A_124 {
        %dma_wait3A = arith.constant 0 : i32
        %dma_wait3A_146 = arith.constant 0 : i32
        %dma_wait3A_147 = tpu.memref_slice %arg9[%dma_wait3A, %dma_wait3A_146] : memref<256x128xf32, #tpu.memory_space<vmem>> -> memref<64x128xf32, #tpu.memory_space<vmem>>
        %dma_wait3A_148 = arith.constant 0 : i32
        %dma_wait3A_149 = tpu.memref_slice %arg7[%scan3A_109, %dma_wait3A_148] : memref<40x128xi32, #tpu.memory_space<vmem>> -> memref<1x64xi32, #tpu.memory_space<vmem>>
        %dma_wait3A_150 = tpu.memref_squeeze %dma_wait3A_149 : memref<1x64xi32, #tpu.memory_space<vmem>> -> memref<64xi32, #tpu.memory_space<vmem>>
        %dma_wait3A_151 = arith.constant 0 : i32
        %dma_wait3A_152 = arith.constant 0 : i32
        %dma_wait3A_153 = tpu.memref_slice %arg2[%dma_wait3A_151, %dma_wait3A_152] : memref<10000x128xf32, #tpu.memory_space<hbm>> -> memref<10000x128xf32, #tpu.memory_space<hbm>>
        tpu.wait_indirect_dma semaphore(%arg11 : memref<!tpu.dma_semaphore, #tpu.memory_space<semaphore_mem>>) src(%dma_wait3A_153 : memref<10000x128xf32, #tpu.memory_space<hbm>>) dst(%dma_wait3A_147 : memref<64x128xf32, #tpu.memory_space<vmem>>)
        %dma_wait3A_154 = arith.constant 64 : i32
        %dma_wait3A_155 = arith.constant 0 : i32
        %dma_wait3A_156 = tpu.memref_slice %arg9[%dma_wait3A_154, %dma_wait3A_155] : memref<256x128xf32, #tpu.memory_space<vmem>> -> memref<64x128xf32, #tpu.memory_space<vmem>>
        %dma_wait3A_157 = arith.constant 64 : i32
        %dma_wait3A_158 = tpu.memref_slice %arg7[%scan3A_109, %dma_wait3A_157] : memref<40x128xi32, #tpu.memory_space<vmem>> -> memref<1x64xi32, #tpu.memory_space<vmem>>
        %dma_wait3A_159 = tpu.memref_squeeze %dma_wait3A_158 : memref<1x64xi32, #tpu.memory_space<vmem>> -> memref<64xi32, #tpu.memory_space<vmem>>
        %dma_wait3A_160 = arith.constant 0 : i32
        %dma_wait3A_161 = arith.constant 0 : i32
        %dma_wait3A_162 = tpu.memref_slice %arg2[%dma_wait3A_160, %dma_wait3A_161] : memref<10000x128xf32, #tpu.memory_space<hbm>> -> memref<10000x128xf32, #tpu.memory_space<hbm>>
        tpu.wait_indirect_dma semaphore(%arg12 : memref<!tpu.dma_semaphore, #tpu.memory_space<semaphore_mem>>) src(%dma_wait3A_162 : memref<10000x128xf32, #tpu.memory_space<hbm>>) dst(%dma_wait3A_156 : memref<64x128xf32, #tpu.memory_space<vmem>>)
        "tpu.region"() ({
          %run_scoped3A = tpu.sem_alloc : memref<!tpu.dma_semaphore, #tpu.memory_space<semaphore_mem>>
          %dma_start3A_170 = arith.constant 0 : i32
          %dma_start3A_171 = arith.constant 0 : i32
          %dma_start3A_172 = tpu.memref_slice %arg9[%dma_start3A_170, %dma_start3A_171] : memref<256x128xf32, #tpu.memory_space<vmem>> -> memref<128x128xf32, #tpu.memory_space<vmem>>
          %dma_start3A_173 = arith.constant 0 : i32
          %dma_start3A_174 = tpu.memref_slice %arg8[%scan3A_109, %dma_start3A_173] : memref<40x128xi32, #tpu.memory_space<vmem>> -> memref<1x128xi32, #tpu.memory_space<vmem>>
          %dma_start3A_175 = tpu.memref_squeeze %dma_start3A_174 : memref<1x128xi32, #tpu.memory_space<vmem>> -> memref<128xi32, #tpu.memory_space<vmem>>
          %dma_start3A_176 = arith.constant 0 : i32
          %dma_start3A_177 = arith.constant 0 : i32
          %dma_start3A_178 = tpu.memref_slice %arg10[%dma_start3A_176, %dma_start3A_177] : memref<10008x128xf32, #tpu.memory_space<vmem_shared>> -> memref<10008x128xf32, #tpu.memory_space<vmem_shared>>
          tpu.enqueue_indirect_dma source(%dma_start3A_172 : memref<128x128xf32, #tpu.memory_space<vmem>>) target(%dma_start3A_178 : memref<10008x128xf32, #tpu.memory_space<vmem_shared>>) offsets(%dma_start3A_175 : memref<128xi32, #tpu.memory_space<vmem>>) semaphore(%run_scoped3A : memref<!tpu.dma_semaphore, #tpu.memory_space<semaphore_mem>>) {add = true}
          %dma_wait3A_179 = arith.constant 0 : i32
          %dma_wait3A_180 = arith.constant 0 : i32
          %dma_wait3A_181 = tpu.memref_slice %arg9[%dma_wait3A_179, %dma_wait3A_180] : memref<256x128xf32, #tpu.memory_space<vmem>> -> memref<128x128xf32, #tpu.memory_space<vmem>>
          %dma_wait3A_182 = arith.constant 0 : i32
          %dma_wait3A_183 = tpu.memref_slice %arg8[%scan3A_109, %dma_wait3A_182] : memref<40x128xi32, #tpu.memory_space<vmem>> -> memref<1x128xi32, #tpu.memory_space<vmem>>
          %dma_wait3A_184 = tpu.memref_squeeze %dma_wait3A_183 : memref<1x128xi32, #tpu.memory_space<vmem>> -> memref<128xi32, #tpu.memory_space<vmem>>
          %dma_wait3A_185 = arith.constant 0 : i32
          %dma_wait3A_186 = arith.constant 0 : i32
          %dma_wait3A_187 = tpu.memref_slice %arg10[%dma_wait3A_185, %dma_wait3A_186] : memref<10008x128xf32, #tpu.memory_space<vmem_shared>> -> memref<10008x128xf32, #tpu.memory_space<vmem_shared>>
          tpu.wait_indirect_dma semaphore(%run_scoped3A : memref<!tpu.dma_semaphore, #tpu.memory_space<semaphore_mem>>) src(%dma_wait3A_181 : memref<128x128xf32, #tpu.memory_space<vmem>>) dst(%dma_wait3A_187 : memref<10008x128xf32, #tpu.memory_space<vmem_shared>>)
          tpu.yield
        }) : () -> ()
        %add3A_163 = arith.constant 2 : i32
        %add3A_164 = arith.addi %scan3A_109, %add3A_163 : i32
        %lt3A_165 = arith.constant 39 : i32
        %lt3A_166 = arith.cmpi slt, %add3A_164, %lt3A_165 : i32
        %convert_element_type3A_167 = arith.extui %lt3A_166 : i1 to i32
        %cond3A_168 = arith.constant 0 : i32
        %cond3A_169 = arith.cmpi ne, %convert_element_type3A_167, %cond3A_168 : i32
        scf.if %cond3A_169 {
          %add3A_170 = arith.constant 2 : i32
          %add3A_171 = arith.addi %scan3A_109, %add3A_170 : i32
          %dma_start3A_172 = arith.constant 0 : i32
          %dma_start3A_173 = arith.constant 0 : i32
          %dma_start3A_174 = tpu.memref_slice %arg9[%dma_start3A_172, %dma_start3A_173] : memref<256x128xf32, #tpu.memory_space<vmem>> -> memref<64x128xf32, #tpu.memory_space<vmem>>
          %dma_start3A_175 = arith.constant 0 : i32
          %dma_start3A_176 = tpu.memref_slice %arg7[%add3A_171, %dma_start3A_175] : memref<40x128xi32, #tpu.memory_space<vmem>> -> memref<1x64xi32, #tpu.memory_space<vmem>>
          %dma_start3A_177 = tpu.memref_squeeze %dma_start3A_176 : memref<1x64xi32, #tpu.memory_space<vmem>> -> memref<64xi32, #tpu.memory_space<vmem>>
          %dma_start3A_178 = arith.constant 0 : i32
          %dma_start3A_179 = arith.constant 0 : i32
          %dma_start3A_180 = tpu.memref_slice %arg2[%dma_start3A_178, %dma_start3A_179] : memref<10000x128xf32, #tpu.memory_space<hbm>> -> memref<10000x128xf32, #tpu.memory_space<hbm>>
          tpu.enqueue_indirect_dma source(%dma_start3A_180 : memref<10000x128xf32, #tpu.memory_space<hbm>>) target(%dma_start3A_174 : memref<64x128xf32, #tpu.memory_space<vmem>>) offsets(%dma_start3A_177 : memref<64xi32, #tpu.memory_space<vmem>>) semaphore(%arg11 : memref<!tpu.dma_semaphore, #tpu.memory_space<semaphore_mem>>)
          %dma_start3A_181 = arith.constant 64 : i32
          %dma_start3A_182 = arith.constant 0 : i32
          %dma_start3A_183 = tpu.memref_slice %arg9[%dma_start3A_181, %dma_start3A_182] : memref<256x128xf32, #tpu.memory_space<vmem>> -> memref<64x128xf32, #tpu.memory_space<vmem>>
          %dma_start3A_184 = arith.constant 64 : i32
          %dma_start3A_185 = tpu.memref_slice %arg7[%add3A_171, %dma_start3A_184] : memref<40x128xi32, #tpu.memory_space<vmem>> -> memref<1x64xi32, #tpu.memory_space<vmem>>
          %dma_start3A_186 = tpu.memref_squeeze %dma_start3A_185 : memref<1x64xi32, #tpu.memory_space<vmem>> -> memref<64xi32, #tpu.memory_space<vmem>>
          %dma_start3A_187 = arith.constant 0 : i32
          %dma_start3A_188 = arith.constant 0 : i32
          %dma_start3A_189 = tpu.memref_slice %arg2[%dma_start3A_187, %dma_start3A_188] : memref<10000x128xf32, #tpu.memory_space<hbm>> -> memref<10000x128xf32, #tpu.memory_space<hbm>>
          tpu.enqueue_indirect_dma source(%dma_start3A_189 : memref<10000x128xf32, #tpu.memory_space<hbm>>) target(%dma_start3A_183 : memref<64x128xf32, #tpu.memory_space<vmem>>) offsets(%dma_start3A_186 : memref<64xi32, #tpu.memory_space<vmem>>) semaphore(%arg12 : memref<!tpu.dma_semaphore, #tpu.memory_space<semaphore_mem>>)
        } else {
        }
      } else {
      }
      %jit3A_125 = arith.constant 2 : i32
      %eq3A_126 = arith.constant 0 : i32
      %eq3A_127 = arith.cmpi eq, %jit3A_125, %eq3A_126 : i32
      %jit3A_128 = arith.constant 1 : i32
      %select_n3A_129 = arith.select %eq3A_127, %jit3A_128, %jit3A_125 : i32
      %rem3A_130 = arith.remsi %scan3A_109, %select_n3A_129 : i32
      %ne3A_131 = arith.constant 0 : i32
      %ne3A_132 = arith.cmpi ne, %rem3A_130, %ne3A_131 : i32
      %lt3A_133 = arith.constant 0 : i32
      %lt3A_134 = arith.cmpi slt, %rem3A_130, %lt3A_133 : i32
      %lt3A_135 = arith.constant 0 : i32
      %lt3A_136 = arith.cmpi slt, %select_n3A_129, %lt3A_135 : i32
      %ne3A_137 = arith.xori %lt3A_134, %lt3A_136 : i1
      %and3A_138 = arith.andi %ne3A_137, %ne3A_132 : i1
      %add3A_139 = arith.addi %rem3A_130, %select_n3A_129 : i32
      %select_n3A_140 = arith.select %and3A_138, %add3A_139, %rem3A_130 : i32
      %eq3A_141 = arith.constant 1 : i32
      %eq3A_142 = arith.cmpi eq, %select_n3A_140, %eq3A_141 : i32
      %convert_element_type3A_143 = arith.extui %eq3A_142 : i1 to i32
      %cond3A_144 = arith.constant 0 : i32
      %cond3A_145 = arith.cmpi ne, %convert_element_type3A_143, %cond3A_144 : i32
      scf.if %cond3A_145 {
        %dma_wait3A = arith.constant 128 : i32
        %dma_wait3A_146 = arith.constant 0 : i32
        %dma_wait3A_147 = tpu.memref_slice %arg9[%dma_wait3A, %dma_wait3A_146] : memref<256x128xf32, #tpu.memory_space<vmem>> -> memref<64x128xf32, #tpu.memory_space<vmem>>
        %dma_wait3A_148 = arith.constant 0 : i32
        %dma_wait3A_149 = tpu.memref_slice %arg7[%scan3A_109, %dma_wait3A_148] : memref<40x128xi32, #tpu.memory_space<vmem>> -> memref<1x64xi32, #tpu.memory_space<vmem>>
        %dma_wait3A_150 = tpu.memref_squeeze %dma_wait3A_149 : memref<1x64xi32, #tpu.memory_space<vmem>> -> memref<64xi32, #tpu.memory_space<vmem>>
        %dma_wait3A_151 = arith.constant 0 : i32
        %dma_wait3A_152 = arith.constant 0 : i32
        %dma_wait3A_153 = tpu.memref_slice %arg2[%dma_wait3A_151, %dma_wait3A_152] : memref<10000x128xf32, #tpu.memory_space<hbm>> -> memref<10000x128xf32, #tpu.memory_space<hbm>>
        tpu.wait_indirect_dma semaphore(%arg13 : memref<!tpu.dma_semaphore, #tpu.memory_space<semaphore_mem>>) src(%dma_wait3A_153 : memref<10000x128xf32, #tpu.memory_space<hbm>>) dst(%dma_wait3A_147 : memref<64x128xf32, #tpu.memory_space<vmem>>)
        %dma_wait3A_154 = arith.constant 192 : i32
        %dma_wait3A_155 = arith.constant 0 : i32
        %dma_wait3A_156 = tpu.memref_slice %arg9[%dma_wait3A_154, %dma_wait3A_155] : memref<256x128xf32, #tpu.memory_space<vmem>> -> memref<64x128xf32, #tpu.memory_space<vmem>>
        %dma_wait3A_157 = arith.constant 64 : i32
        %dma_wait3A_158 = tpu.memref_slice %arg7[%scan3A_109, %dma_wait3A_157] : memref<40x128xi32, #tpu.memory_space<vmem>> -> memref<1x64xi32, #tpu.memory_space<vmem>>
        %dma_wait3A_159 = tpu.memref_squeeze %dma_wait3A_158 : memref<1x64xi32, #tpu.memory_space<vmem>> -> memref<64xi32, #tpu.memory_space<vmem>>
        %dma_wait3A_160 = arith.constant 0 : i32
        %dma_wait3A_161 = arith.constant 0 : i32
        %dma_wait3A_162 = tpu.memref_slice %arg2[%dma_wait3A_160, %dma_wait3A_161] : memref<10000x128xf32, #tpu.memory_space<hbm>> -> memref<10000x128xf32, #tpu.memory_space<hbm>>
        tpu.wait_indirect_dma semaphore(%arg14 : memref<!tpu.dma_semaphore, #tpu.memory_space<semaphore_mem>>) src(%dma_wait3A_162 : memref<10000x128xf32, #tpu.memory_space<hbm>>) dst(%dma_wait3A_156 : memref<64x128xf32, #tpu.memory_space<vmem>>)
        "tpu.region"() ({
          %run_scoped3A = tpu.sem_alloc : memref<!tpu.dma_semaphore, #tpu.memory_space<semaphore_mem>>
          %dma_start3A_170 = arith.constant 128 : i32
          %dma_start3A_171 = arith.constant 0 : i32
          %dma_start3A_172 = tpu.memref_slice %arg9[%dma_start3A_170, %dma_start3A_171] : memref<256x128xf32, #tpu.memory_space<vmem>> -> memref<128x128xf32, #tpu.memory_space<vmem>>
          %dma_start3A_173 = arith.constant 0 : i32
          %dma_start3A_174 = tpu.memref_slice %arg8[%scan3A_109, %dma_start3A_173] : memref<40x128xi32, #tpu.memory_space<vmem>> -> memref<1x128xi32, #tpu.memory_space<vmem>>
          %dma_start3A_175 = tpu.memref_squeeze %dma_start3A_174 : memref<1x128xi32, #tpu.memory_space<vmem>> -> memref<128xi32, #tpu.memory_space<vmem>>
          %dma_start3A_176 = arith.constant 0 : i32
          %dma_start3A_177 = arith.constant 0 : i32
          %dma_start3A_178 = tpu.memref_slice %arg10[%dma_start3A_176, %dma_start3A_177] : memref<10008x128xf32, #tpu.memory_space<vmem_shared>> -> memref<10008x128xf32, #tpu.memory_space<vmem_shared>>
          tpu.enqueue_indirect_dma source(%dma_start3A_172 : memref<128x128xf32, #tpu.memory_space<vmem>>) target(%dma_start3A_178 : memref<10008x128xf32, #tpu.memory_space<vmem_shared>>) offsets(%dma_start3A_175 : memref<128xi32, #tpu.memory_space<vmem>>) semaphore(%run_scoped3A : memref<!tpu.dma_semaphore, #tpu.memory_space<semaphore_mem>>) {add = true}
          %dma_wait3A_179 = arith.constant 128 : i32
          %dma_wait3A_180 = arith.constant 0 : i32
          %dma_wait3A_181 = tpu.memref_slice %arg9[%dma_wait3A_179, %dma_wait3A_180] : memref<256x128xf32, #tpu.memory_space<vmem>> -> memref<128x128xf32, #tpu.memory_space<vmem>>
          %dma_wait3A_182 = arith.constant 0 : i32
          %dma_wait3A_183 = tpu.memref_slice %arg8[%scan3A_109, %dma_wait3A_182] : memref<40x128xi32, #tpu.memory_space<vmem>> -> memref<1x128xi32, #tpu.memory_space<vmem>>
          %dma_wait3A_184 = tpu.memref_squeeze %dma_wait3A_183 : memref<1x128xi32, #tpu.memory_space<vmem>> -> memref<128xi32, #tpu.memory_space<vmem>>
          %dma_wait3A_185 = arith.constant 0 : i32
          %dma_wait3A_186 = arith.constant 0 : i32
          %dma_wait3A_187 = tpu.memref_slice %arg10[%dma_wait3A_185, %dma_wait3A_186] : memref<10008x128xf32, #tpu.memory_space<vmem_shared>> -> memref<10008x128xf32, #tpu.memory_space<vmem_shared>>
          tpu.wait_indirect_dma semaphore(%run_scoped3A : memref<!tpu.dma_semaphore, #tpu.memory_space<semaphore_mem>>) src(%dma_wait3A_181 : memref<128x128xf32, #tpu.memory_space<vmem>>) dst(%dma_wait3A_187 : memref<10008x128xf32, #tpu.memory_space<vmem_shared>>)
          tpu.yield
        }) : () -> ()
        %add3A_163 = arith.constant 2 : i32
        %add3A_164 = arith.addi %scan3A_109, %add3A_163 : i32
        %lt3A_165 = arith.constant 39 : i32
        %lt3A_166 = arith.cmpi slt, %add3A_164, %lt3A_165 : i32
        %convert_element_type3A_167 = arith.extui %lt3A_166 : i1 to i32
        %cond3A_168 = arith.constant 0 : i32
        %cond3A_169 = arith.cmpi ne, %convert_element_type3A_167, %cond3A_168 : i32
        scf.if %cond3A_169 {
          %add3A_170 = arith.constant 2 : i32
          %add3A_171 = arith.addi %scan3A_109, %add3A_170 : i32
          %dma_start3A_172 = arith.constant 128 : i32
          %dma_start3A_173 = arith.constant 0 : i32
          %dma_start3A_174 = tpu.memref_slice %arg9[%dma_start3A_172, %dma_start3A_173] : memref<256x128xf32, #tpu.memory_space<vmem>> -> memref<64x128xf32, #tpu.memory_space<vmem>>
          %dma_start3A_175 = arith.constant 0 : i32
          %dma_start3A_176 = tpu.memref_slice %arg7[%add3A_171, %dma_start3A_175] : memref<40x128xi32, #tpu.memory_space<vmem>> -> memref<1x64xi32, #tpu.memory_space<vmem>>
          %dma_start3A_177 = tpu.memref_squeeze %dma_start3A_176 : memref<1x64xi32, #tpu.memory_space<vmem>> -> memref<64xi32, #tpu.memory_space<vmem>>
          %dma_start3A_178 = arith.constant 0 : i32
          %dma_start3A_179 = arith.constant 0 : i32
          %dma_start3A_180 = tpu.memref_slice %arg2[%dma_start3A_178, %dma_start3A_179] : memref<10000x128xf32, #tpu.memory_space<hbm>> -> memref<10000x128xf32, #tpu.memory_space<hbm>>
          tpu.enqueue_indirect_dma source(%dma_start3A_180 : memref<10000x128xf32, #tpu.memory_space<hbm>>) target(%dma_start3A_174 : memref<64x128xf32, #tpu.memory_space<vmem>>) offsets(%dma_start3A_177 : memref<64xi32, #tpu.memory_space<vmem>>) semaphore(%arg13 : memref<!tpu.dma_semaphore, #tpu.memory_space<semaphore_mem>>)
          %dma_start3A_181 = arith.constant 192 : i32
          %dma_start3A_182 = arith.constant 0 : i32
          %dma_start3A_183 = tpu.memref_slice %arg9[%dma_start3A_181, %dma_start3A_182] : memref<256x128xf32, #tpu.memory_space<vmem>> -> memref<64x128xf32, #tpu.memory_space<vmem>>
          %dma_start3A_184 = arith.constant 64 : i32
          %dma_start3A_185 = tpu.memref_slice %arg7[%add3A_171, %dma_start3A_184] : memref<40x128xi32, #tpu.memory_space<vmem>> -> memref<1x64xi32, #tpu.memory_space<vmem>>
          %dma_start3A_186 = tpu.memref_squeeze %dma_start3A_185 : memref<1x64xi32, #tpu.memory_space<vmem>> -> memref<64xi32, #tpu.memory_space<vmem>>
          %dma_start3A_187 = arith.constant 0 : i32
          %dma_start3A_188 = arith.constant 0 : i32
          %dma_start3A_189 = tpu.memref_slice %arg2[%dma_start3A_187, %dma_start3A_188] : memref<10000x128xf32, #tpu.memory_space<hbm>> -> memref<10000x128xf32, #tpu.memory_space<hbm>>
          tpu.enqueue_indirect_dma source(%dma_start3A_189 : memref<10000x128xf32, #tpu.memory_space<hbm>>) target(%dma_start3A_183 : memref<64x128xf32, #tpu.memory_space<vmem>>) offsets(%dma_start3A_186 : memref<64xi32, #tpu.memory_space<vmem>>) semaphore(%arg14 : memref<!tpu.dma_semaphore, #tpu.memory_space<semaphore_mem>>)
        } else {
        }
      } else {
      }
    }
    %scan3A_102 = arith.constant 39 : i32
    %barrier3A_103 = arith.constant 0 : index
    tpu.barrier barrier_id(%barrier3A_103)
    "tpu.region"() ({
      %run_scoped3A = tpu.sem_alloc : memref<!tpu.dma_semaphore, #tpu.memory_space<semaphore_mem>>
      %dma_start3A_109 = arith.constant 0 : i32
      %dma_start3A_110 = tpu.memref_slice %arg6[%arg0, %mul3A_2, %dma_start3A_109] : memref<2x10000x128xf32, #tpu.memory_space<hbm>> -> memref<1x624x128xf32, #tpu.memory_space<hbm>>
      %dma_start3A_111 = tpu.memref_squeeze %dma_start3A_110 : memref<1x624x128xf32, #tpu.memory_space<hbm>> -> memref<624x128xf32, #tpu.memory_space<hbm>>
      %dma_start3A_112 = arith.constant 0 : i32
      %dma_start3A_113 = tpu.memref_slice %arg10[%mul3A_2, %dma_start3A_112] : memref<10008x128xf32, #tpu.memory_space<vmem_shared>> -> memref<624x128xf32, #tpu.memory_space<vmem_shared>>
      tpu.enqueue_dma source(%dma_start3A_113 : memref<624x128xf32, #tpu.memory_space<vmem_shared>>) target(%dma_start3A_111 : memref<624x128xf32, #tpu.memory_space<hbm>>) target_semaphore(%run_scoped3A : memref<!tpu.dma_semaphore, #tpu.memory_space<semaphore_mem>>)
      %dma_wait3A = arith.constant 0 : i32
      %dma_wait3A_114 = tpu.memref_slice %arg6[%arg0, %mul3A_2, %dma_wait3A] : memref<2x10000x128xf32, #tpu.memory_space<hbm>> -> memref<1x624x128xf32, #tpu.memory_space<hbm>>
      %dma_wait3A_115 = tpu.memref_squeeze %dma_wait3A_114 : memref<1x624x128xf32, #tpu.memory_space<hbm>> -> memref<624x128xf32, #tpu.memory_space<hbm>>
      %dma_wait3A_116 = arith.constant 0 : i32
      %dma_wait3A_117 = tpu.memref_slice %arg10[%mul3A_2, %dma_wait3A_116] : memref<10008x128xf32, #tpu.memory_space<vmem_shared>> -> memref<624x128xf32, #tpu.memory_space<vmem_shared>>
      tpu.wait_dma2 semaphore(%run_scoped3A : memref<!tpu.dma_semaphore, #tpu.memory_space<semaphore_mem>>) src(%dma_wait3A_117 : memref<624x128xf32, #tpu.memory_space<vmem_shared>>) dst(%dma_wait3A_115 : memref<624x128xf32, #tpu.memory_space<hbm>>)
      tpu.yield
    }) : () -> ()
    %eq3A_104 = arith.constant 0 : i32
    %eq3A_105 = arith.cmpi eq, %arg1, %eq3A_104 : i32
    %convert_element_type3A_106 = arith.extui %eq3A_105 : i1 to i32
    %cond3A_107 = arith.constant 0 : i32
    %cond3A_108 = arith.cmpi ne, %convert_element_type3A_106, %cond3A_107 : i32
    scf.if %cond3A_108 {
      "tpu.region"() ({
        %run_scoped3A = tpu.sem_alloc : memref<!tpu.dma_semaphore, #tpu.memory_space<semaphore_mem>>
        %dma_start3A_109 = arith.constant 9984 : i32
        %dma_start3A_110 = arith.constant 0 : i32
        %dma_start3A_111 = tpu.memref_slice %arg6[%arg0, %dma_start3A_109, %dma_start3A_110] : memref<2x10000x128xf32, #tpu.memory_space<hbm>> -> memref<1x16x128xf32, #tpu.memory_space<hbm>>
        %dma_start3A_112 = tpu.memref_squeeze %dma_start3A_111 : memref<1x16x128xf32, #tpu.memory_space<hbm>> -> memref<16x128xf32, #tpu.memory_space<hbm>>
        %dma_start3A_113 = arith.constant 9984 : i32
        %dma_start3A_114 = arith.constant 0 : i32
        %dma_start3A_115 = tpu.memref_slice %arg10[%dma_start3A_113, %dma_start3A_114] : memref<10008x128xf32, #tpu.memory_space<vmem_shared>> -> memref<16x128xf32, #tpu.memory_space<vmem_shared>>
        tpu.enqueue_dma source(%dma_start3A_115 : memref<16x128xf32, #tpu.memory_space<vmem_shared>>) target(%dma_start3A_112 : memref<16x128xf32, #tpu.memory_space<hbm>>) target_semaphore(%run_scoped3A : memref<!tpu.dma_semaphore, #tpu.memory_space<semaphore_mem>>)
        %dma_wait3A = arith.constant 9984 : i32
        %dma_wait3A_116 = arith.constant 0 : i32
        %dma_wait3A_117 = tpu.memref_slice %arg6[%arg0, %dma_wait3A, %dma_wait3A_116] : memref<2x10000x128xf32, #tpu.memory_space<hbm>> -> memref<1x16x128xf32, #tpu.memory_space<hbm>>
        %dma_wait3A_118 = tpu.memref_squeeze %dma_wait3A_117 : memref<1x16x128xf32, #tpu.memory_space<hbm>> -> memref<16x128xf32, #tpu.memory_space<hbm>>
        %dma_wait3A_119 = arith.constant 9984 : i32
        %dma_wait3A_120 = arith.constant 0 : i32
        %dma_wait3A_121 = tpu.memref_slice %arg10[%dma_wait3A_119, %dma_wait3A_120] : memref<10008x128xf32, #tpu.memory_space<vmem_shared>> -> memref<16x128xf32, #tpu.memory_space<vmem_shared>>
        tpu.wait_dma2 semaphore(%run_scoped3A : memref<!tpu.dma_semaphore, #tpu.memory_space<semaphore_mem>>) src(%dma_wait3A_121 : memref<16x128xf32, #tpu.memory_space<vmem_shared>>) dst(%dma_wait3A_118 : memref<16x128xf32, #tpu.memory_space<hbm>>)
        tpu.yield
      }) : () -> ()
    } else {
    }
    return
  }
}

module attributes {stable_mosaic.version = 14 : i64} {
  func.func @_k0_body(%arg0: i32, %arg1: memref<1x1xf32, #tpu.memory_space<smem>>, %arg2: memref<1000x128xf32, #tpu.memory_space<vmem>>, %arg3: memref<128x128xf32, #tpu.memory_space<vmem>>, %arg4: memref<128x128xf32, #tpu.memory_space<vmem>>, %arg5: memref<128x128xf32, #tpu.memory_space<vmem>>, %arg6: memref<1000x128xf32, #tpu.memory_space<vmem>>, %arg7: memref<1000x128xf32, #tpu.memory_space<vmem>>, %arg8: memref<1000x128xf32, #tpu.memory_space<vmem>>, %arg9: memref<1000x128xf32, #tpu.memory_space<vmem>>) attributes {dimension_semantics = [#tpu.dimension_semantics<arbitrary>], iteration_bounds = array<i64: 10>, scalar_prefetch = 0 : i64, scratch_operands = 0 : i64, tpu.core_type = #tpu.core_type<tc>, window_params = [{transform_indices = @transform_0, window_bounds = array<i64: 1, 1>}, {transform_indices = @transform_1, window_bounds = array<i64: 1000, 128>}, {pipeline_mode = #tpu.pipeline_mode<synchronous>, transform_indices = @transform_2, window_bounds = array<i64: 128, 128>}, {pipeline_mode = #tpu.pipeline_mode<synchronous>, transform_indices = @transform_3, window_bounds = array<i64: 128, 128>}, {pipeline_mode = #tpu.pipeline_mode<synchronous>, transform_indices = @transform_4, window_bounds = array<i64: 128, 128>}, {transform_indices = @transform_5, window_bounds = array<i64: 1000, 128>}, {transform_indices = @transform_6, window_bounds = array<i64: 1000, 128>}, {transform_indices = @transform_7, window_bounds = array<i64: 1000, 128>}, {transform_indices = @transform_8, window_bounds = array<i64: 1000, 128>}]} {
    %get3A = arith.constant 0 : index
    %get3A_0 = arith.constant 0 : index
    %get3A_1 = vector.load %arg2[%get3A, %get3A_0] : memref<1000x128xf32, #tpu.memory_space<vmem>>, vector<1000x128xf32>
    %get3A_2 = arith.constant 0 : index
    %get3A_3 = arith.constant 0 : index
    %get3A_4 = vector.load %arg4[%get3A_2, %get3A_3] : memref<128x128xf32, #tpu.memory_space<vmem>>, vector<128x128xf32>
    %dot_general3A = arith.constant dense<0.000000e+00> : vector<1000x128xf32>
    %dot_general3A_5 = tpu.matmul %get3A_1, %get3A_4, %dot_general3A {dimension_numbers = #tpu.dot_dimension_numbers<[1], [1], [0], [0], [0, 0, 1, 0], [], []>, transpose_lhs_hint = false} : vector<1000x128xf32>, vector<128x128xf32>, vector<1000x128xf32> -> vector<1000x128xf32>
    %get3A_6 = arith.constant 0 : index
    %get3A_7 = arith.constant 0 : index
    %get3A_8 = vector.load %arg3[%get3A_6, %get3A_7] : memref<128x128xf32, #tpu.memory_space<vmem>>, vector<128x128xf32>
    %dot_general3A_9 = arith.constant dense<0.000000e+00> : vector<1000x128xf32>
    %dot_general3A_10 = tpu.matmul %get3A_1, %get3A_8, %dot_general3A_9 {dimension_numbers = #tpu.dot_dimension_numbers<[1], [1], [0], [0], [0, 0, 1, 0], [], []>, transpose_lhs_hint = false} : vector<1000x128xf32>, vector<128x128xf32>, vector<1000x128xf32> -> vector<1000x128xf32>
    %swap3A = arith.constant 0 : index
    %swap3A_11 = arith.constant 0 : index
    %swap3A_12 = vector.load %arg6[%swap3A, %swap3A_11] : memref<1000x128xf32, #tpu.memory_space<vmem>>, vector<1000x128xf32>
    tpu.vector_store %arg6[%swap3A, %swap3A_11], %dot_general3A_10 {strides = array<i32>} : memref<1000x128xf32, #tpu.memory_space<vmem>>, vector<1000x128xf32>,
    %swap3A_13 = arith.constant 0 : index
    %swap3A_14 = arith.constant 0 : index
    %swap3A_15 = vector.load %arg7[%swap3A_13, %swap3A_14] : memref<1000x128xf32, #tpu.memory_space<vmem>>, vector<1000x128xf32>
    tpu.vector_store %arg7[%swap3A_13, %swap3A_14], %dot_general3A_5 {strides = array<i32>} : memref<1000x128xf32, #tpu.memory_space<vmem>>, vector<1000x128xf32>,
    %get3A_16 = arith.constant 0 : index
    %get3A_17 = arith.constant 0 : index
    %get3A_18 = memref.load %arg1[%get3A_16, %get3A_17] : memref<1x1xf32, #tpu.memory_space<smem>>
    %mul3A = vector.broadcast %get3A_18 : f32 to vector<1000x128xf32>
    %mul3A_19 = arith.mulf %mul3A, %dot_general3A_5 : vector<1000x128xf32>
    %swap3A_20 = arith.constant 0 : index
    %swap3A_21 = arith.constant 0 : index
    %swap3A_22 = vector.load %arg8[%swap3A_20, %swap3A_21] : memref<1000x128xf32, #tpu.memory_space<vmem>>, vector<1000x128xf32>
    tpu.vector_store %arg8[%swap3A_20, %swap3A_21], %mul3A_19 {strides = array<i32>} : memref<1000x128xf32, #tpu.memory_space<vmem>>, vector<1000x128xf32>,
    %get3A_23 = arith.constant 0 : index
    %get3A_24 = arith.constant 0 : index
    %get3A_25 = vector.load %arg5[%get3A_23, %get3A_24] : memref<128x128xf32, #tpu.memory_space<vmem>>, vector<128x128xf32>
    %dot_general3A_26 = arith.constant dense<0.000000e+00> : vector<1000x128xf32>
    %dot_general3A_27 = tpu.matmul %dot_general3A_5, %get3A_25, %dot_general3A_26 {dimension_numbers = #tpu.dot_dimension_numbers<[1], [1], [0], [0], [0, 0, 1, 0], [], []>, transpose_lhs_hint = false} : vector<1000x128xf32>, vector<128x128xf32>, vector<1000x128xf32> -> vector<1000x128xf32>
    %swap3A_28 = arith.constant 0 : index
    %swap3A_29 = arith.constant 0 : index
    %swap3A_30 = vector.load %arg9[%swap3A_28, %swap3A_29] : memref<1000x128xf32, #tpu.memory_space<vmem>>, vector<1000x128xf32>
    tpu.vector_store %arg9[%swap3A_28, %swap3A_29], %dot_general3A_27 {strides = array<i32>} : memref<1000x128xf32, #tpu.memory_space<vmem>>, vector<1000x128xf32>,
    return
  }
  func.func @transform_0(%arg0: i32) -> (i32, i32) {
    %c0_i32 = arith.constant 0 : i32
    %c0_i32_0 = arith.constant 0 : i32
    %c0_i32_1 = arith.constant 0 : i32
    return %c0_i32, %c0_i32_0 : i32, i32
  }
  func.func @transform_1(%arg0: i32) -> (i32, i32) {
    %c0_i32 = arith.constant 0 : i32
    %c0_i32_0 = arith.constant 0 : i32
    return %arg0, %c0_i32 : i32, i32
  }
  func.func @transform_2(%arg0: i32) -> (i32, i32) {
    %c0_i32 = arith.constant 0 : i32
    %c0_i32_0 = arith.constant 0 : i32
    %c0_i32_1 = arith.constant 0 : i32
    return %c0_i32, %c0_i32_0 : i32, i32
  }
  func.func @transform_3(%arg0: i32) -> (i32, i32) {
    %c0_i32 = arith.constant 0 : i32
    %c0_i32_0 = arith.constant 0 : i32
    %c0_i32_1 = arith.constant 0 : i32
    return %c0_i32, %c0_i32_0 : i32, i32
  }
  func.func @transform_4(%arg0: i32) -> (i32, i32) {
    %c0_i32 = arith.constant 0 : i32
    %c0_i32_0 = arith.constant 0 : i32
    %c0_i32_1 = arith.constant 0 : i32
    return %c0_i32, %c0_i32_0 : i32, i32
  }
  func.func @transform_5(%arg0: i32) -> (i32, i32) {
    %c0_i32 = arith.constant 0 : i32
    %c0_i32_0 = arith.constant 0 : i32
    return %arg0, %c0_i32 : i32, i32
  }
  func.func @transform_6(%arg0: i32) -> (i32, i32) {
    %c0_i32 = arith.constant 0 : i32
    %c0_i32_0 = arith.constant 0 : i32
    return %arg0, %c0_i32 : i32, i32
  }
  func.func @transform_7(%arg0: i32) -> (i32, i32) {
    %c0_i32 = arith.constant 0 : i32
    %c0_i32_0 = arith.constant 0 : i32
    return %arg0, %c0_i32 : i32, i32
  }
  func.func @transform_8(%arg0: i32) -> (i32, i32) {
    %c0_i32 = arith.constant 0 : i32
    %c0_i32_0 = arith.constant 0 : i32
    return %arg0, %c0_i32 : i32, i32
  }
}

module attributes {stable_mosaic.version = 14 : i64} {
  func.func @_kupd_body(%arg0: i32, %arg1: memref<1000x128xf32, #tpu.memory_space<vmem>>, %arg2: memref<2x1000x128xf32, #tpu.memory_space<vmem>>, %arg3: memref<1000x128xf32, #tpu.memory_space<vmem>>, %arg4: memref<128x128xf32, #tpu.memory_space<vmem>>, %arg5: memref<1000x128xf32, #tpu.memory_space<vmem>>, %arg6: memref<1000x128xf32, #tpu.memory_space<vmem>>) attributes {dimension_semantics = [#tpu.dimension_semantics<arbitrary>], iteration_bounds = array<i64: 10>, scalar_prefetch = 0 : i64, scratch_operands = 0 : i64, tpu.core_type = #tpu.core_type<tc>, window_params = [{transform_indices = @transform_0, window_bounds = array<i64: 1000, 128>}, {transform_indices = @transform_1, window_bounds = array<i64: 2, 1000, 128>}, {transform_indices = @transform_2, window_bounds = array<i64: 1000, 128>}, {pipeline_mode = #tpu.pipeline_mode<synchronous>, transform_indices = @transform_3, window_bounds = array<i64: 128, 128>}, {transform_indices = @transform_4, window_bounds = array<i64: 1000, 128>}, {transform_indices = @transform_5, window_bounds = array<i64: 1000, 128>}]} {
    %get3A = arith.constant 0 : index
    %get3A_0 = arith.constant 0 : index
    %get3A_1 = arith.constant 0 : index
    %get3A_2 = vector.load %arg2[%get3A, %get3A_0, %get3A_1] : memref<2x1000x128xf32, #tpu.memory_space<vmem>>, vector<1x1000x128xf32>
    %get3A_3 = vector.shape_cast %get3A_2 : vector<1x1000x128xf32> to vector<1000x128xf32>
    %get3A_4 = arith.constant 1 : index
    %get3A_5 = arith.constant 0 : index
    %get3A_6 = arith.constant 0 : index
    %get3A_7 = vector.load %arg2[%get3A_4, %get3A_5, %get3A_6] : memref<2x1000x128xf32, #tpu.memory_space<vmem>>, vector<1x1000x128xf32>
    %get3A_8 = vector.shape_cast %get3A_7 : vector<1x1000x128xf32> to vector<1000x128xf32>
    %add3A = arith.addf %get3A_3, %get3A_8 : vector<1000x128xf32>
    %get3A_9 = arith.constant 0 : index
    %get3A_10 = arith.constant 0 : index
    %get3A_11 = vector.load %arg1[%get3A_9, %get3A_10] : memref<1000x128xf32, #tpu.memory_space<vmem>>, vector<1000x128xf32>
    %get3A_12 = arith.constant 0 : index
    %get3A_13 = arith.constant 0 : index
    %get3A_14 = vector.load %arg3[%get3A_12, %get3A_13] : memref<1000x128xf32, #tpu.memory_space<vmem>>, vector<1000x128xf32>
    %add3A_15 = arith.addf %add3A, %get3A_14 : vector<1000x128xf32>
    %max3A = arith.constant 0.000000e+00 : f32
    %max3A_16 = vector.broadcast %max3A : f32 to vector<1000x128xf32>
    %max3A_17 = arith.maximumf %add3A_15, %max3A_16 : vector<1000x128xf32>
    %add3A_18 = arith.addf %get3A_11, %max3A_17 : vector<1000x128xf32>
    %swap3A = arith.constant 0 : index
    %swap3A_19 = arith.constant 0 : index
    %swap3A_20 = vector.load %arg5[%swap3A, %swap3A_19] : memref<1000x128xf32, #tpu.memory_space<vmem>>, vector<1000x128xf32>
    tpu.vector_store %arg5[%swap3A, %swap3A_19], %add3A_18 {strides = array<i32>} : memref<1000x128xf32, #tpu.memory_space<vmem>>, vector<1000x128xf32>,
    %get3A_21 = arith.constant 0 : index
    %get3A_22 = arith.constant 0 : index
    %get3A_23 = vector.load %arg4[%get3A_21, %get3A_22] : memref<128x128xf32, #tpu.memory_space<vmem>>, vector<128x128xf32>
    %dot_general3A = arith.constant dense<0.000000e+00> : vector<1000x128xf32>
    %dot_general3A_24 = tpu.matmul %add3A_18, %get3A_23, %dot_general3A {dimension_numbers = #tpu.dot_dimension_numbers<[1], [1], [0], [0], [0, 0, 1, 0], [], []>, transpose_lhs_hint = false} : vector<1000x128xf32>, vector<128x128xf32>, vector<1000x128xf32> -> vector<1000x128xf32>
    %swap3A_25 = arith.constant 0 : index
    %swap3A_26 = arith.constant 0 : index
    %swap3A_27 = vector.load %arg6[%swap3A_25, %swap3A_26] : memref<1000x128xf32, #tpu.memory_space<vmem>>, vector<1000x128xf32>
    tpu.vector_store %arg6[%swap3A_25, %swap3A_26], %dot_general3A_24 {strides = array<i32>} : memref<1000x128xf32, #tpu.memory_space<vmem>>, vector<1000x128xf32>,
    return
  }
  func.func @transform_0(%arg0: i32) -> (i32, i32) {
    %c0_i32 = arith.constant 0 : i32
    %c0_i32_0 = arith.constant 0 : i32
    return %arg0, %c0_i32 : i32, i32
  }
  func.func @transform_1(%arg0: i32) -> (i32, i32, i32) {
    %c0_i32 = arith.constant 0 : i32
    %c0_i32_0 = arith.constant 0 : i32
    %c0_i32_1 = arith.constant 0 : i32
    return %c0_i32, %arg0, %c0_i32_0 : i32, i32, i32
  }
  func.func @transform_2(%arg0: i32) -> (i32, i32) {
    %c0_i32 = arith.constant 0 : i32
    %c0_i32_0 = arith.constant 0 : i32
    return %arg0, %c0_i32 : i32, i32
  }
  func.func @transform_3(%arg0: i32) -> (i32, i32) {
    %c0_i32 = arith.constant 0 : i32
    %c0_i32_0 = arith.constant 0 : i32
    %c0_i32_1 = arith.constant 0 : i32
    return %c0_i32, %c0_i32_0 : i32, i32
  }
  func.func @transform_4(%arg0: i32) -> (i32, i32) {
    %c0_i32 = arith.constant 0 : i32
    %c0_i32_0 = arith.constant 0 : i32
    return %arg0, %c0_i32 : i32, i32
  }
  func.func @transform_5(%arg0: i32) -> (i32, i32) {
    %c0_i32 = arith.constant 0 : i32
    %c0_i32_0 = arith.constant 0 : i32
    return %arg0, %c0_i32 : i32, i32
  }
}

module attributes {stable_mosaic.version = 14 : i64} {
  func.func @_kupd_body(%arg0: i32, %arg1: memref<1000x128xf32, #tpu.memory_space<vmem>>, %arg2: memref<2x1000x128xf32, #tpu.memory_space<vmem>>, %arg3: memref<1000x128xf32, #tpu.memory_space<vmem>>, %arg4: memref<128x128xf32, #tpu.memory_space<vmem>>, %arg5: memref<1000x128xf32, #tpu.memory_space<vmem>>, %arg6: memref<1000x128xf32, #tpu.memory_space<vmem>>) attributes {dimension_semantics = [#tpu.dimension_semantics<arbitrary>], iteration_bounds = array<i64: 10>, scalar_prefetch = 0 : i64, scratch_operands = 0 : i64, tpu.core_type = #tpu.core_type<tc>, window_params = [{transform_indices = @transform_0, window_bounds = array<i64: 1000, 128>}, {transform_indices = @transform_1, window_bounds = array<i64: 2, 1000, 128>}, {transform_indices = @transform_2, window_bounds = array<i64: 1000, 128>}, {pipeline_mode = #tpu.pipeline_mode<synchronous>, transform_indices = @transform_3, window_bounds = array<i64: 128, 128>}, {transform_indices = @transform_4, window_bounds = array<i64: 1000, 128>}, {transform_indices = @transform_5, window_bounds = array<i64: 1000, 128>}]} {
    %get3A = arith.constant 0 : index
    %get3A_0 = arith.constant 0 : index
    %get3A_1 = arith.constant 0 : index
    %get3A_2 = vector.load %arg2[%get3A, %get3A_0, %get3A_1] : memref<2x1000x128xf32, #tpu.memory_space<vmem>>, vector<1x1000x128xf32>
    %get3A_3 = vector.shape_cast %get3A_2 : vector<1x1000x128xf32> to vector<1000x128xf32>
    %get3A_4 = arith.constant 1 : index
    %get3A_5 = arith.constant 0 : index
    %get3A_6 = arith.constant 0 : index
    %get3A_7 = vector.load %arg2[%get3A_4, %get3A_5, %get3A_6] : memref<2x1000x128xf32, #tpu.memory_space<vmem>>, vector<1x1000x128xf32>
    %get3A_8 = vector.shape_cast %get3A_7 : vector<1x1000x128xf32> to vector<1000x128xf32>
    %add3A = arith.addf %get3A_3, %get3A_8 : vector<1000x128xf32>
    %get3A_9 = arith.constant 0 : index
    %get3A_10 = arith.constant 0 : index
    %get3A_11 = vector.load %arg1[%get3A_9, %get3A_10] : memref<1000x128xf32, #tpu.memory_space<vmem>>, vector<1000x128xf32>
    %get3A_12 = arith.constant 0 : index
    %get3A_13 = arith.constant 0 : index
    %get3A_14 = vector.load %arg3[%get3A_12, %get3A_13] : memref<1000x128xf32, #tpu.memory_space<vmem>>, vector<1000x128xf32>
    %add3A_15 = arith.addf %add3A, %get3A_14 : vector<1000x128xf32>
    %max3A = arith.constant 0.000000e+00 : f32
    %max3A_16 = vector.broadcast %max3A : f32 to vector<1000x128xf32>
    %max3A_17 = arith.maximumf %add3A_15, %max3A_16 : vector<1000x128xf32>
    %add3A_18 = arith.addf %get3A_11, %max3A_17 : vector<1000x128xf32>
    %swap3A = arith.constant 0 : index
    %swap3A_19 = arith.constant 0 : index
    %swap3A_20 = vector.load %arg5[%swap3A, %swap3A_19] : memref<1000x128xf32, #tpu.memory_space<vmem>>, vector<1000x128xf32>
    tpu.vector_store %arg5[%swap3A, %swap3A_19], %add3A_18 {strides = array<i32>} : memref<1000x128xf32, #tpu.memory_space<vmem>>, vector<1000x128xf32>,
    %get3A_21 = arith.constant 0 : index
    %get3A_22 = arith.constant 0 : index
    %get3A_23 = vector.load %arg4[%get3A_21, %get3A_22] : memref<128x128xf32, #tpu.memory_space<vmem>>, vector<128x128xf32>
    %dot_general3A = arith.constant dense<0.000000e+00> : vector<1000x128xf32>
    %dot_general3A_24 = tpu.matmul %add3A_18, %get3A_23, %dot_general3A {dimension_numbers = #tpu.dot_dimension_numbers<[1], [1], [0], [0], [0, 0, 1, 0], [], []>, transpose_lhs_hint = false} : vector<1000x128xf32>, vector<128x128xf32>, vector<1000x128xf32> -> vector<1000x128xf32>
    %swap3A_25 = arith.constant 0 : index
    %swap3A_26 = arith.constant 0 : index
    %swap3A_27 = vector.load %arg6[%swap3A_25, %swap3A_26] : memref<1000x128xf32, #tpu.memory_space<vmem>>, vector<1000x128xf32>
    tpu.vector_store %arg6[%swap3A_25, %swap3A_26], %dot_general3A_24 {strides = array<i32>} : memref<1000x128xf32, #tpu.memory_space<vmem>>, vector<1000x128xf32>,
    return
  }
  func.func @transform_0(%arg0: i32) -> (i32, i32) {
    %c0_i32 = arith.constant 0 : i32
    %c0_i32_0 = arith.constant 0 : i32
    return %arg0, %c0_i32 : i32, i32
  }
  func.func @transform_1(%arg0: i32) -> (i32, i32, i32) {
    %c0_i32 = arith.constant 0 : i32
    %c0_i32_0 = arith.constant 0 : i32
    %c0_i32_1 = arith.constant 0 : i32
    return %c0_i32, %arg0, %c0_i32_0 : i32, i32, i32
  }
  func.func @transform_2(%arg0: i32) -> (i32, i32) {
    %c0_i32 = arith.constant 0 : i32
    %c0_i32_0 = arith.constant 0 : i32
    return %arg0, %c0_i32 : i32, i32
  }
  func.func @transform_3(%arg0: i32) -> (i32, i32) {
    %c0_i32 = arith.constant 0 : i32
    %c0_i32_0 = arith.constant 0 : i32
    %c0_i32_1 = arith.constant 0 : i32
    return %c0_i32, %c0_i32_0 : i32, i32
  }
  func.func @transform_4(%arg0: i32) -> (i32, i32) {
    %c0_i32 = arith.constant 0 : i32
    %c0_i32_0 = arith.constant 0 : i32
    return %arg0, %c0_i32 : i32, i32
  }
  func.func @transform_5(%arg0: i32) -> (i32, i32) {
    %c0_i32 = arith.constant 0 : i32
    %c0_i32_0 = arith.constant 0 : i32
    return %arg0, %c0_i32 : i32, i32
  }
}

module attributes {stable_mosaic.version = 14 : i64} {
  func.func @_kout_body(%arg0: i32, %arg1: memref<1000x128xf32, #tpu.memory_space<vmem>>, %arg2: memref<2x1000x128xf32, #tpu.memory_space<vmem>>, %arg3: memref<1000x128xf32, #tpu.memory_space<vmem>>, %arg4: memref<128x128xf32, #tpu.memory_space<vmem>>, %arg5: memref<1x128xf32, #tpu.memory_space<vmem>>, %arg6: memref<1000x128xf32, #tpu.memory_space<vmem>>) attributes {dimension_semantics = [#tpu.dimension_semantics<arbitrary>], iteration_bounds = array<i64: 10>, scalar_prefetch = 0 : i64, scratch_operands = 0 : i64, tpu.core_type = #tpu.core_type<tc>, window_params = [{transform_indices = @transform_0, window_bounds = array<i64: 1000, 128>}, {transform_indices = @transform_1, window_bounds = array<i64: 2, 1000, 128>}, {transform_indices = @transform_2, window_bounds = array<i64: 1000, 128>}, {pipeline_mode = #tpu.pipeline_mode<synchronous>, transform_indices = @transform_3, window_bounds = array<i64: 128, 128>}, {pipeline_mode = #tpu.pipeline_mode<synchronous>, transform_indices = @transform_4, window_bounds = array<i64: 1, 128>}, {transform_indices = @transform_5, window_bounds = array<i64: 1000, 128>}]} {
    %get3A = arith.constant 0 : index
    %get3A_0 = arith.constant 0 : index
    %get3A_1 = arith.constant 0 : index
    %get3A_2 = vector.load %arg2[%get3A, %get3A_0, %get3A_1] : memref<2x1000x128xf32, #tpu.memory_space<vmem>>, vector<1x1000x128xf32>
    %get3A_3 = vector.shape_cast %get3A_2 : vector<1x1000x128xf32> to vector<1000x128xf32>
    %get3A_4 = arith.constant 1 : index
    %get3A_5 = arith.constant 0 : index
    %get3A_6 = arith.constant 0 : index
    %get3A_7 = vector.load %arg2[%get3A_4, %get3A_5, %get3A_6] : memref<2x1000x128xf32, #tpu.memory_space<vmem>>, vector<1x1000x128xf32>
    %get3A_8 = vector.shape_cast %get3A_7 : vector<1x1000x128xf32> to vector<1000x128xf32>
    %add3A = arith.addf %get3A_3, %get3A_8 : vector<1000x128xf32>
    %get3A_9 = arith.constant 0 : index
    %get3A_10 = arith.constant 0 : index
    %get3A_11 = vector.load %arg1[%get3A_9, %get3A_10] : memref<1000x128xf32, #tpu.memory_space<vmem>>, vector<1000x128xf32>
    %get3A_12 = arith.constant 0 : index
    %get3A_13 = arith.constant 0 : index
    %get3A_14 = vector.load %arg3[%get3A_12, %get3A_13] : memref<1000x128xf32, #tpu.memory_space<vmem>>, vector<1000x128xf32>
    %add3A_15 = arith.addf %add3A, %get3A_14 : vector<1000x128xf32>
    %max3A = arith.constant 0.000000e+00 : f32
    %max3A_16 = vector.broadcast %max3A : f32 to vector<1000x128xf32>
    %max3A_17 = arith.maximumf %add3A_15, %max3A_16 : vector<1000x128xf32>
    %add3A_18 = arith.addf %get3A_11, %max3A_17 : vector<1000x128xf32>
    %get3A_19 = arith.constant 0 : index
    %get3A_20 = arith.constant 0 : index
    %get3A_21 = vector.load %arg4[%get3A_19, %get3A_20] : memref<128x128xf32, #tpu.memory_space<vmem>>, vector<128x128xf32>
    %dot_general3A = arith.constant dense<0.000000e+00> : vector<1000x128xf32>
    %dot_general3A_22 = tpu.matmul %add3A_18, %get3A_21, %dot_general3A {dimension_numbers = #tpu.dot_dimension_numbers<[1], [1], [0], [0], [0, 0, 1, 0], [], []>, transpose_lhs_hint = false} : vector<1000x128xf32>, vector<128x128xf32>, vector<1000x128xf32> -> vector<1000x128xf32>
    %get3A_23 = arith.constant 0 : index
    %get3A_24 = arith.constant 0 : index
    %get3A_25 = vector.load %arg5[%get3A_23, %get3A_24] : memref<1x128xf32, #tpu.memory_space<vmem>>, vector<1x128xf32>
    %add3A_26 = vector.broadcast %get3A_25 : vector<1x128xf32> to vector<1000x128xf32>
    %add3A_27 = arith.addf %dot_general3A_22, %add3A_26 : vector<1000x128xf32>
    %swap3A = arith.constant 0 : index
    %swap3A_28 = arith.constant 0 : index
    %swap3A_29 = vector.load %arg6[%swap3A, %swap3A_28] : memref<1000x128xf32, #tpu.memory_space<vmem>>, vector<1000x128xf32>
    tpu.vector_store %arg6[%swap3A, %swap3A_28], %add3A_27 {strides = array<i32>} : memref<1000x128xf32, #tpu.memory_space<vmem>>, vector<1000x128xf32>,
    return
  }
  func.func @transform_0(%arg0: i32) -> (i32, i32) {
    %c0_i32 = arith.constant 0 : i32
    %c0_i32_0 = arith.constant 0 : i32
    return %arg0, %c0_i32 : i32, i32
  }
  func.func @transform_1(%arg0: i32) -> (i32, i32, i32) {
    %c0_i32 = arith.constant 0 : i32
    %c0_i32_0 = arith.constant 0 : i32
    %c0_i32_1 = arith.constant 0 : i32
    return %c0_i32, %arg0, %c0_i32_0 : i32, i32, i32
  }
  func.func @transform_2(%arg0: i32) -> (i32, i32) {
    %c0_i32 = arith.constant 0 : i32
    %c0_i32_0 = arith.constant 0 : i32
    return %arg0, %c0_i32 : i32, i32
  }
  func.func @transform_3(%arg0: i32) -> (i32, i32) {
    %c0_i32 = arith.constant 0 : i32
    %c0_i32_0 = arith.constant 0 : i32
    %c0_i32_1 = arith.constant 0 : i32
    return %c0_i32, %c0_i32_0 : i32, i32
  }
  func.func @transform_4(%arg0: i32) -> (i32, i32) {
    %c0_i32 = arith.constant 0 : i32
    %c0_i32_0 = arith.constant 0 : i32
    %c0_i32_1 = arith.constant 0 : i32
    return %c0_i32, %c0_i32_0 : i32, i32
  }
  func.func @transform_5(%arg0: i32) -> (i32, i32) {
    %c0_i32 = arith.constant 0 : i32
    %c0_i32_0 = arith.constant 0 : i32
    return %arg0, %c0_i32 : i32, i32
  }
}

</mosaic_0001>

<sc_bundles>
// kernel: kernel.11.cloned.1.call-start
scs
__scs_entry_jumppad:
0x0: {  	(pc) =	sbr.rel $0x88, $3  }
0x1: {  	(tag) =	ssettag $0x0;
	lr =	simm.s32 $0x1  }
0x2: {  	[smem:$0x3F98] =	sst lr;
	_ =	strace $0xD0000000  }
0x3: {  	_ = 	snop  }
0x4: {  	_ = 	snop  }
0x5: {  	_ = 	snop  }
0x6: {  	_ = 	snop  }
0x7: {  	_ = 	snop  }
__scs_overlays_trampoline_lowered:
0x8: {  	[smem:$0x3FA7] =	sst s0  }
0x9: {  	[smem:$0x3FA8] =	sst s1  }
0xa: {  	[smem:$0x3FA9] =	sst s2  }
0xb: {  	[smem:$0x3FAA] =	sst s3  }
0xc: {  	[smem:$0x3FAB] =	sst s4  }
0xd: {  	[smem:$0x3FAC] =	sst s5  }
0xe: {  	[smem:$0x3FAD] =	sst s6  }
0xf: {  	[smem:$0x3FAE] =	sst s7  }
0x10: {  	[smem:$0x3FAF] =	sst s8  }
0x11: {  	[smem:$0x3FB0] =	sst s9;
	s0 =	simm.s32 @!p0 $0x0  }
0x12: {  	s1 =	sld [smem:$0x3F96];
	s0 =	simm.s32 @p0 $0x1  }
0x13: {  	[smem:$0x3FB1] =	sst s0;
	s0 =	simm.s32 @!p1 $0x0  }
0x14: {  	s2 =	sld [smem:$0x3F95];
	s0 =	simm.s32 @p1 $0x1  }
0x15: {  	[smem:$0x3FB2] =	sst s0;
	s0 =	simm.s32 @!p2 $0x0  }
0x16: {  	s3 =	sld [smem:$0x3FDB];
	s0 =	simm.s32 @p2 $0x1  }
0x17: {  	s4 =	simm.s32 $0x1BF5;
	[smem:$0x3FB4] =	sst s0  }
0x18: {  	s0 =	sld [smem:$0x3F97];
	_ =	swait.ge [sflag:s4], $0x0  }
0x19: {  	s7 =	sld [smem:$0x3F98]  }
0x1a: {  	s8 =	sadd.s32 $0xFFFFE003, lr  }
0x1b: {  	s9 =	sadd.s32 $0xFFFFFEF7, lr;
	s5 =	simm.s32 $0xFFFFFFFF;
	p2 =	slt.u32 s8, $0xFFFFF086  }
0x1c: {  	p1 =	slt.u32 s9, $0xF7A;
	s5 =	simm.s32 @!p2 $0x0  }
0x1d: {  	s5 =	simm.s32 @p1 $0x1;
	p0 =	seq.s32 s7, s2  }
0x1e: {  	s7 =	smul.u32 @!p0 $0xF7A, s2;
	p2 =	seq.s32 @!p0 s5, $0x0  }
0x1f: {  	s9 =	smul.u32 $0xF7A, s1;
	s8 =	simm.s32 @!p0 $0x1BF5;
	p2 =	por !p2, p0  }
0x20: {  	[sflag:s8] =	ssyncset.s32 @!p0 $0xFFFFF086;
	s6 =	sadd.s32 @!p0 s3, s7;
	s7 =	simm.s32 @!p0 $0x108  }
0x21: {  	s3 =	sadd.s32 s3, s9;
	s6 =	sadd.s32 @!p0 $0x88, s6;
	s7 =	simm.s32 @p2 $0x1082  }
0x22: {  	[simem:s7], [sflag:s8] =	dma.local @!p0 [hbm:s6], $0xF7A  }
0x23: {  	s9 =	sor.u32 $0xD0000000, s2;
	s6 =	simm.s32 $0x108;
	_ =	swait.ge @!p0 [sflag:s8], $0x0  }
0x24: {  	s3 =	sadd.s32 $0x88, s3;
	s6 =	simm.s32 @!p1 $0x1082;
	[sflag:s4] =	ssyncset.s32 $0xFFFFF086  }
0x25: {  	[simem:s6], [sflag:s4] =	dma.local [hbm:s3], $0xF7A  }
0x26: {  	[smem:$0x3F98] =	sst s1;
	(tag) =	ssettag s2;
	_ =	strace s9  }
0x27: {  	s1 =	sld [smem:$0x3FA8]  }
0x28: {  	s2 =	sld [smem:$0x3FA9]  }
0x29: {  	s4 =	sld [smem:$0x3FAB]  }
0x2a: {  	p0 =	seq.s32 s5, $0x0;
	s5 =	sld [smem:$0x3FAC]  }
0x2b: {  	s6 =	sld [smem:$0x3FAD]  }
0x2c: {  	s7 =	sld [smem:$0x3FAE]  }
0x2d: {  	s3 =	simm.s32 $0x108;
	s8 =	sld [smem:$0x3FAF]  }
0x2e: {  	s3 =	simm.s32 @!p0 $0x1082;
	s9 =	sld [smem:$0x3FB0]  }
0x2f: {  	lr =	sadd.s32 s0, s3;
	s0 =	sld [smem:$0x3FA7]  }
0x30: {  	s3 =	sld [smem:$0x3FAA]  }
0x31: {  	[smem:$0x3FB3] =	sst s10  }
0x32: {  	s10 =	sld [smem:$0x3FB1];
	_ =	sdelay $0x3  }
0x33: {  	p0 =	seq.s32 s10, $0x1;
	s10 =	sld [smem:$0x3FB3];
	_ =	sdelay $0x3  }
0x34: {  	[smem:$0x3FB3] =	sst s10  }
0x35: {  	s10 =	sld [smem:$0x3FB2];
	_ =	sdelay $0x3  }
0x36: {  	p1 =	seq.s32 s10, $0x1;
	s10 =	sld [smem:$0x3FB3];
	_ =	sdelay $0x3  }
0x37: {  	[smem:$0x3FB3] =	sst s10  }
0x38: {  	s10 =	sld [smem:$0x3FB4]  }
0x39: {  	_ = 	snop;
	(pc) =	sbr.ind lr, $3  }
0x3a: {  	_ = 	snop  }
0x3b: {  	_ = 	snop  }
0x3c: {  	p2 =	seq.s32 s10, $0x1;
	s10 =	sld [smem:$0x3FB3]  }
0x3d: {  	_ =	shalt  }
0x3e: {  	_ =	shalt  }
0x3f: {  	_ =	shalt  }
0x40: {  	_ =	shalt  }
0x41: {  	_ =	shalt  }
0x42: {  	_ =	shalt  }
0x43: {  	_ =	shalt  }
0x44: {  	_ =	shalt  }
0x45: {  	_ =	shalt  }
0x46: {  	_ =	shalt  }
0x47: {  	_ =	shalt  }
0x48: {  	_ =	shalt  }
0x49: {  	_ =	shalt  }
0x4a: {  	_ =	shalt  }
0x4b: {  	_ =	shalt  }
0x4c: {  	_ =	shalt  }
0x4d: {  	_ =	shalt  }
0x4e: {  	_ =	shalt  }
0x4f: {  	_ =	shalt  }
0x50: {  	_ =	shalt  }
0x51: {  	_ =	shalt  }
0x52: {  	_ =	shalt  }
0x53: {  	_ =	shalt  }
0x54: {  	_ =	shalt  }
0x55: {  	_ =	shalt  }
0x56: {  	_ =	shalt  }
0x57: {  	_ =	shalt  }
0x58: {  	_ =	shalt  }
0x59: {  	_ =	shalt  }
0x5a: {  	_ =	shalt  }
0x5b: {  	_ =	shalt  }
0x5c: {  	_ =	shalt  }
0x5d: {  	_ =	shalt  }
0x5e: {  	_ =	shalt  }
0x5f: {  	_ =	shalt  }
0x60: {  	_ =	shalt  }
0x61: {  	_ =	shalt  }
0x62: {  	_ =	shalt  }
0x63: {  	_ =	shalt  }
0x64: {  	_ =	shalt  }
0x65: {  	_ =	shalt  }
0x66: {  	_ =	shalt  }
0x67: {  	_ =	shalt  }
0x68: {  	_ =	shalt  }
0x69: {  	_ =	shalt  }
0x6a: {  	_ =	shalt  }
0x6b: {  	_ =	shalt  }
0x6c: {  	_ =	shalt  }
0x6d: {  	_ =	shalt  }
0x6e: {  	_ =	shalt  }
0x6f: {  	_ =	shalt  }
0x70: {  	_ =	shalt  }
0x71: {  	_ =	shalt  }
0x72: {  	_ =	shalt  }
0x73: {  	_ =	shalt  }
0x74: {  	_ =	shalt  }
0x75: {  	_ =	shalt  }
0x76: {  	_ =	shalt  }
0x77: {  	_ =	shalt  }
0x78: {  	_ =	shalt  }
0x79: {  	_ =	shalt  }
0x7a: {  	_ =	shalt  }
0x7b: {  	_ =	shalt  }
0x7c: {  	_ =	shalt  }
0x7d: {  	_ =	shalt  }
0x7e: {  	_ =	shalt  }
0x7f: {  	_ =	shalt  }
0x80: {  	_ =	shalt  }
0x81: {  	_ =	shalt  }
0x82: {  	_ =	shalt  }
0x83: {  	_ =	shalt  }
0x84: {  	_ =	shalt  }
0x85: {  	_ =	shalt  }
0x86: {  	_ =	shalt  }
0x87: {  	_ =	shalt  }
.Lfunc_end0:
.L_simem_size_0:
called_computation_lowered:
.L_overlay_start_0:
0x88: {  	s2 =	sld [smem:$0x3FD9]  }
0x89: {  	s3 =	sld [smem:$0x3FFE];
	_ =	sdelay $0x1  }
0x8a: {  	s1 =	srdreg.scid  }
0x8b: {  	s0 =	sand.u32 $0x1, s1  }
0x8c: {  	s17 =	sshll.u32 s0, $0xA;
	s2 =	sadd.s32 s3, s2  }
0x8d: {  	s2 =	sadd.s32 s2, s17  }
0x8e: {  	[smem:$0x3FBF] =	sst s2  }
0x8f: {  	_ = 	snop  }
0x90: {  	s2 =	sld [smem:$0x3FD0];
	(tm) =	ssettm $0x1  }
0x91: {  	s18 =	sld [smem:$0x3FFB];
	_ =	sdelay $0x3  }
0x92: {  	_ =	strace s18  }
0x93: {  	s3 =	sld [smem:$0x3FFC];
	_ =	sdelay $0x3  }
0x94: {  	_ =	strace s3  }
0x95: {  	s3 =	sld [smem:$0x3FFD];
	_ =	sdelay $0x3  }
0x96: {  	_ =	strace s3  }
0x97: {  	_ =	strace $0x8FFFFFFF  }
0x98: {  	s19 =	sld [smem:$0x3FDB];
	_ =	sdelay $0x1  }
0x99: {  	s4 =	simm.s32 $_scs_section_size  }
0x9a: {  	s5 =	simm.s32 $_size__tile_overlayer_lowered;
	s6 =	simm.s32 $_tile_overlayer_lowered  }
0x9b: {  	s22 =	simm.s32 $0x1BFF;
	s21 =	sshll.u32 s6, $0x1;
	s3 =	sadd.s32 s4, s19  }
0x9c: {  	s7 =	simm.s32 $0x0;
	s20 =	sshll.u32 s5, $0x1;
	s5 =	sadd.s32 s21, s3  }
0x9d: {  	[timem:s7], [sflag:s22] =	dma.local [hbm:s5], s20  }
0x9e: {  	_ =	swait.ge [sflag:s22], s20  }
0x9f: {  	s4 =	ssub.s32 $0x0, s20;
	[sflag:s22] =	ssyncset.done $0x0  }
0xa0: {  	[sflag:s22] =	ssyncadd.s32 s4;
	_ =	sdelay $0x1  }
0xa1: {  	s23 =	simm.s32 $0x1B8B  }
0xa2: {  	_ =	swait.ge [sflag:s23], $0x1  }
0xa3: {  	[sflag:s23] =	ssyncset.done $0x0  }
0xa4: {  	s25 =	simm.s32 $0x1B8E;
	s24 =	sld [smem:$0x3FFE];
	[sflag:s23] =	ssyncadd.s32 $0xFFFFFFFF  }
0xa5: {  	s26 =	simm.s32 $execute0_lowered;
	[smem:$0x3FD2] =	sst s25  }
0xa6: {  	s5 =	sshll.u32 s26, $0x1;
	_ =	strace $0x80000046;
	[dreg:$0x1] =	wrdreg $0xFFFFFFFF  }
0xa7: {  	s28 =	simm.s32 $_size_execute0_lowered;
	s3 =	sadd.s32 s3, s5;
	[dreg:$0x0] =	wrdreg $0x0  }
0xa8: {  	s5 =	sshll.u32 s28, $0x1;
	[dreg:$0x2] =	wrdreg s3  }
0xa9: {  	[dreg:$0x3] =	wrdreg s5  }
0xaa: {  	[dreg:$0x4] =	wrdreg $0xC0  }
0xab: {  	_ =	task [dreg:s7], $0x5FFFF  }
0xac: {  	[dreg:$0x1] =	wrdreg $0xFFFFFFFF  }
0xad: {  	[dreg:$0x0] =	wrdreg $0x60  }
0xae: {  	[dreg:$0x2] =	wrdreg s24  }
0xaf: {  	[dreg:$0x3] =	wrdreg s2  }
0xb0: {  	[dreg:$0x4] =	wrdreg $0xA8000  }
0xb1: {  	[dreg:$0x5] =	wrdreg $0x9  }
0xb2: {  	_ =	task.clear_ibuf [dreg:s7], $0x6FFFF;
	_ =	strace $0x90000046  }
0xb3: {  	s29 =	simm.s32 $0x9;
	_ =	strace $0x80000048  }
0xb4: {  	_ =	swait.ge [sflag:s29], $0x1  }
0xb5: {  	[sflag:s29] =	ssyncadd.s32 $0xFFFFFFFF  }
0xb6: {  	_ =	strace $0x90000048  }
0xb7: {  	_ =	sfence  }
0xb8: {  	s30 =	sld [smem:$0x0];
	_ =	sdelay $0x2  }
0xb9: {  	s31 =	sshll.u32 s1, $0xD;
	s1 =	sshrl.u32 s1, $0x2  }
0xba: {  	s3 =	sand.u32 $0x4000, s31;
	s1 =	sadd.s32 s1, s30  }
0xbb: {  	s0 =	sor.u32 s3, s0;
	s1 =	sshll.u32 s1, $0x11  }
0xbc: {  	s0 =	sor.u32 s1, s0  }
0xbd: {  	s0 =	sadd.s32 $0x8F2B, s0  }
0xbe: {  	[sflag:s0] =	ssyncadd.remote.s32 $0x1  }
0xbf: {  	_ =	sfence.sel $0xFFFF  }
0xc0: {  	[dreg:$0x0] =	wrdreg $0xFFFFFFFF;
	(pc) =	sbr.abs _section_cstart, $3  }
0xc1: {  	[dreg:$0x1] =	wrdreg $0xFFFFFFFF  }
0xc2: {  	_ =	task.clear_ibuf [dreg:s7], $0x2FFFF;
	_ =	strace $0x9FFFFFFF  }
0xc3: {  	(tm) =	ssettm $0x7FFFFFFF  }
tec
execute0_lowered:
.L_overlay_start_1:
0x0: {  	(tag) =	ssettag $0x1  }
0x1: {  	s0 =	rddreg [dreg:$0x0]  }
0x2: {  	s9 =	rddreg [dreg:$0x1]  }
0x3: {  	s1 =	rddreg [dreg:$0x2];
	s2 =	simm.s32 $0x0;
	s14 =	stileid.u32  }
0x4: {  	s4 =	srdreg.scid;
	s29 =	simm.s32 $0x3;
	s30 =	simm.s32 $0x4  }
0x5: {  	s31 =	simm.s32 $0x0;
	[smem:$0x7FF] =	sst s2;
	s10 =	smul.u32 $0x13800, s14  }
0x6: {  	s3 =	sadd.s32 $0xC200, s0;
	s11 =	sadd.s32 $0x2200, s0;
	s7 =	sand.u32 $0x1, s4  }
0x7: {  	s6 =	smul.u32 $0x4E000, s14;
	s12 =	sadd.s32 $0x5A600, s0;
	s21 =	sshll.u32 s14, $0x6  }
0x8: {  	s16 =	sadd.s32 $0x138000, s1;
	s23 =	sshll.u32 s14, $0x8;
	p0 =	sne.s32 s14, $0x0  }
0x9: {  	_ =	strace $0x80000047;
	s5 =	ssub.s32 $0x2, s7;
	s17 =	sshll.u32 s7, $0x7  }
0xa: {  	s25 =	smul.u32 $0x138800, s7;
	s16 =	sshrl.u32 @!p0 s16, $0x3;
	s19 =	sshrl.u32 s10, $0x3  }
0xb: {  	s8 =	sshrl.u32 s5, $0x1;
	s20 =	sshrl.u32 s6, $0x2;
	s24 =	sor.u32 s17, s23  }
0xc: {  	s23 =	simm.s32 $0x6800;
	s4 =	sadd.s32 s19, s0;
	s13 =	ssub.s32 s5, s8  }
0xd: {  	s15 =	sadd.s32 s20, s1;
	s5 =	sor.u32 $0x1C05, s21;
	s0 =	sadd.s32 $0x5A400, s0  }
0xe: {  	s26 =	sadd.s32 s9, s24;
	s8 =	sadd.s32 s11, s24;
	s18 =	sadd.s32 s10, s25  }
0xf: {  	s17 =	sshrl.u32 s25, $0x3;
	s19 =	simm.s32 $0x40;
	s20 =	simm.s32 $0x2800  }
0x10: {  	s21 =	simm.s32 $0x4800;
	s25 =	simm.s32 $0x8800;
	[dreg:$0x5] =	wrdreg s0  }
0x11: {  	s22 =	sadd.s32 $0x33400, s4;
	[dreg:$0x6] =	wrdreg s26;
	s0 =	sor.u32 $0x5000, s24  }
.Ltmp0:
0x12: {  	s28 =	sshrl.u32 s18, $0x3;
	s17 =	sadd.s32 s12, s17;
	(pc) =	sbr.rel .LBB2_1-.Ltmp0, $4  }
0x13: {  	s13 =	smax.u32 s13, $0x1;
	s14 =	sshrl.u32 s15, $0x3;
	s15 =	simm.s32 $0x5  }
0x14: {  	s18 =	simm.s32 $0x8000;
	s24 =	simm.s32 $0xC0;
	[dreg:$0x4] =	wrdreg s22  }
0x15: {  	s9 =	sadd.s32 s9, s0;
	s10 =	sadd.s32 s11, s0;
	s11 =	sadd.s32 s12, s28  }
0x16: {  	s12 =	sadd.s32 $0x27000, s17;
	s17 =	simm.s32 $0x400;
	s22 =	simm.s32 $0x80  }
.LBB2_9:
0x17: {  	[bflag:$0x0] =	sbarrier.arrive $0xFFFF  }
0x18: {  	[hbm:s11], [sflag:s5] =	dma.local [spmem:s14], $0x2700  }
0x19: {  	s31 =	sadd.s32 $0x1, s31;
	_ =	swait.ge [sflag:s15], $0x2700  }
0x1a: {  	p1 =	sne.s32 s31, s13;
	[sflag:s15] =	ssyncset.done $0x0  }
.Ltmp1:
0x1b: {  	s0 =	simm.s32 @!p0 $0x5;
	[sflag:s15] =	ssyncadd.s32 $0xFFFFD900;
	(pc) =	sbr.rel @!p1 .LBB2_10-.Ltmp1, $4  }
0x1c: {  	[hbm:s12], [sflag:s5] =	dma.local @!p0 [spmem:s16], $0x100  }
0x1d: {  	_ =	swait.ge @!p0 [sflag:s0], $0x100  }
0x1e: {  	[sflag:s0] =	ssyncset.done @!p0 $0x0  }
0x1f: {  	[sflag:s0] =	ssyncadd.s32 @!p0 $0xFFFFFF00  }
.LBB2_1:
0x20: {  	s0 =	rddreg [dreg:$0x4]  }
0x21: {  	[spmem:s14], [sflag:s5] =	dma.local [hbm:s0], $0x2700  }
0x22: {  	_ =	swait.ge [sflag:s15], $0x2700  }
0x23: {  	[sflag:s15] =	ssyncset.done $0x0  }
0x24: {  	s0 =	rddreg [dreg:$0x5];
	[sflag:s15] =	ssyncadd.s32 $0xFFFFD900  }
0x25: {  	[spmem:s16], [sflag:s5] =	dma.local @!p0 [hbm:s0], $0x100  }
0x26: {  	s0 =	simm.s32 @!p0 $0x5  }
0x27: {  	_ =	swait.ge @!p0 [sflag:s0], $0x100  }
0x28: {  	[sflag:s0] =	ssyncset.done @!p0 $0x0  }
0x29: {  	[sflag:s0] =	ssyncadd.s32 @!p0 $0xFFFFFF00  }
0x2a: {  	[bflag:$0x0] =	sbarrier.arrive $0xFFFF  }
0x2b: {  	s2 =	simm.s32 $0x0;
	s26 =	rddreg [dreg:$0x6]  }
0x2c: {  	[tilespmem:s2], [sflag:$0x5] =	stream.strided.gather [hbm4b:s26+s17], $0x1400, s18, s17, $0x38;
	[tilespmem:$0x1E0C0] =	vst v63  }
0x2d: {  	_ =	swait.ge [sflag:s15], $0x1400  }
0x2e: {  	[sflag:s15] =	ssyncset.done $0x0  }
0x2f: {  	s0 =	simm.s32 $0x1400;
	[sflag:s15] =	ssyncadd.s32 $0xFFFFEC00  }
0x30: {  	[tilespmem:s0], [sflag:$0x5] =	stream.strided.gather [hbm4b:s8+s17], $0x1400, s18, s17, $0x38;
	[tilespmem:$0x1E0C0] =	vst v63  }
0x31: {  	_ =	swait.ge [sflag:s15], $0x1400  }
0x32: {  	[sflag:s15] =	ssyncset.done $0x0  }
0x33: {  	[sflag:s15] =	ssyncadd.s32 $0xFFFFEC00  }
0x34: {  	[tilespmem:s20], [sflag:$0x1] =	stream.indirect.gather [hbm4b:s3+s19], $0x80, s2, s19, $0xb8;
	[tilespmem:$0x1E0C0] =	vst v63  }
0x35: {  	_ = 	snop  }
0x36: {  	[tilespmem:s21], [sflag:$0x2] =	stream.indirect.gather [hbm4b:s3+s19], $0x80, s19, s19, $0xb8;
	[tilespmem:$0x1E0C0] =	vst v63  }
.Ltmp2:
0x37: {  	_ = 	snop;
	(pc) =	sbr.rel .LBB2_2-.Ltmp2, $4  }
0x38: {  	_ = 	snop  }
0x39: {  	[tilespmem:s23], [sflag:$0x3] =	stream.indirect.gather [hbm4b:s3+s19], $0x80, s22, s19, $0xb8;
	[tilespmem:$0x1E0C0] =	vst v63  }
0x3a: {  	s28 =	simm.s32 $0x0;
	s26 =	simm.s32 $0x140  }
0x3b: {  	[tilespmem:s25], [sflag:$0x4] =	stream.indirect.gather [hbm4b:s3+s19], $0x80, s24, s19, $0xb8;
	[tilespmem:$0x1E0C0] =	vst v63  }
.LBB2_4:
0x3c: {  	s28 =	sadd.s32 $0x1, s28  }
0x3d: {  	p1 =	sne.s32 s28, $0x28  }
.Ltmp3:
0x3e: {  	_ = 	snop;
	(pc) =	sbr.rel @!p1 .LBB2_5-.Ltmp3, $2  }
0x3f: {  	_ =	sdelay $0x2  }
0x40: {  	s0 =	sadd.s32 $0x80, s0;
	s26 =	sadd.s32 $0x80, s26  }
.LBB2_2:
0x41: {  	s2 =	sand.u32 $0x1, s28  }
0x42: {  	p1 =	seq.s32 s2, $0x1  }
0x43: {  	s4 =	simm.s32 @!p1 $0x1  }
0x44: {  	_ =	swait.ge @!p1 [sflag:s4], $0x2000  }
0x45: {  	[sflag:s4] =	ssyncset.done @!p1 $0x0  }
0x46: {  	[sflag:s4] =	ssyncadd.s32 @!p1 $0xFFFFE000;
	s4 =	simm.s32 @!p1 $0x2  }
0x47: {  	_ =	swait.ge @!p1 [sflag:s4], $0x2000  }
0x48: {  	[sflag:s4] =	ssyncset.done @!p1 $0x0  }
0x49: {  	s6 =	simm.s32 @!p1 $0x2800;
	[sflag:s4] =	ssyncadd.s32 @!p1 $0xFFFFE000;
	s4 =	simm.s32 @!p1 $0x80  }
0x4a: {  	[spmem:s1] =	stream.indirect.scatter.add.f32 @!p1 [tilespmem:s6], [sflag:$0x5], $0x80, s0, s4, $0xb8;
	[tilespmem:$0x1E0C0] =	vst v63  }
0x4b: {  	p2 =	sgt.u32 @!p1 s28, $0x25;
	s4 =	simm.s32 @!p1 $0x5  }
0x4c: {  	p2 =	por p2, p1;
	_ =	swait.ge @!p1 [sflag:s4], $0x4000  }
0x4d: {  	s7 =	simm.s32 @!p2 $0x2800;
	[sflag:s4] =	ssyncset.done @!p1 $0x0  }
0x4e: {  	s6 =	simm.s32 @!p2 $0x40;
	[sflag:s4] =	ssyncadd.s32 @!p1 $0xFFFFC000;
	s4 =	sadd.s32 @!p2 $0xFFFFFFC0, s26  }
0x4f: {  	[tilespmem:s7], [sflag:$0x1] =	stream.indirect.gather @!p2 [hbm4b:s3+s6], $0x80, s4, s6, $0xb8;
	[tilespmem:$0x1E0C0] =	vst v63  }
0x50: {  	s4 =	simm.s32 @!p2 $0x4800  }
0x51: {  	[tilespmem:s4], [sflag:$0x2] =	stream.indirect.gather @!p2 [hbm4b:s3+s6], $0x80, s26, s6, $0xb8;
	[tilespmem:$0x1E0C0] =	vst v63  }
0x52: {  	p2 =	seq.s32 @!p1 s2, $0x0  }
0x53: {  	p1 =	por p1, !p2  }
.Ltmp4:
0x54: {  	_ = 	snop;
	(pc) =	sbr.rel @!p1 .LBB2_4-.Ltmp4, $1  }
0x55: {  	_ =	sdelay $0x3  }
0x56: {  	_ =	swait.ge [sflag:s29], $0x2000  }
0x57: {  	[sflag:s29] =	ssyncset.done $0x0  }
0x58: {  	[sflag:s29] =	ssyncadd.s32 $0xFFFFE000  }
0x59: {  	_ =	swait.ge [sflag:s30], $0x2000  }
0x5a: {  	[sflag:s30] =	ssyncset.done $0x0  }
0x5b: {  	[sflag:s30] =	ssyncadd.s32 $0xFFFFE000  }
0x5c: {  	[spmem:s1] =	stream.indirect.scatter.add.f32 [tilespmem:s23], [sflag:$0x5], $0x80, s0, s22, $0xb8;
	[tilespmem:$0x1E0C0] =	vst v63  }
0x5d: {  	p1 =	sgt.u32 s28, $0x25;
	_ =	swait.ge [sflag:s15], $0x4000  }
.Ltmp5:
0x5e: {  	s2 =	sadd.s32 @!p1 $0xFFFFFFC0, s26;
	[sflag:s15] =	ssyncset.done $0x0;
	(pc) =	sbr.rel .LBB2_4-.Ltmp5, $4  }
0x5f: {  	s4 =	simm.s32 @!p1 $0x40;
	s6 =	simm.s32 @!p1 $0x6800;
	[sflag:s15] =	ssyncadd.s32 $0xFFFFC000  }
0x60: {  	[tilespmem:s6], [sflag:$0x3] =	stream.indirect.gather @!p1 [hbm4b:s3+s4], $0x80, s2, s4, $0xb8;
	[tilespmem:$0x1E0C0] =	vst v63  }
0x61: {  	s2 =	simm.s32 @!p1 $0x8800  }
0x62: {  	[tilespmem:s2], [sflag:$0x4] =	stream.indirect.gather @!p1 [hbm4b:s3+s4], $0x80, s26, s4, $0xb8;
	[tilespmem:$0x1E0C0] =	vst v63  }
.LBB2_5:
0x63: {  	s0 =	simm.s32 $0x0  }
0x64: {  	[tilespmem:s0], [sflag:$0x5] =	stream.strided.gather [hbm4b:s9+s17], $0x1000, s18, s17, $0x38;
	[tilespmem:$0x1E0C0] =	vst v63  }
0x65: {  	s2 =	sadd.s32 $0x4000, s9;
	s4 =	simm.s32 $0x1000  }
0x66: {  	[tilespmem:s4], [sflag:$0x5] =	stream.linear.gather [hbm4b:s2+s0], $0x380, $0x38;
	[tilespmem:$0x1E0C0] =	vst v63  }
0x67: {  	_ =	swait.ge [sflag:s15], $0x1380  }
0x68: {  	[sflag:s15] =	ssyncset.done $0x0  }
0x69: {  	s26 =	simm.s32 $0x1400;
	[sflag:s15] =	ssyncadd.s32 $0xFFFFEC80  }
0x6a: {  	[tilespmem:s26], [sflag:$0x5] =	stream.strided.gather [hbm4b:s10+s17], $0x1000, s18, s17, $0x38;
	[tilespmem:$0x1E0C0] =	vst v63  }
0x6b: {  	s6 =	sadd.s32 $0x4000, s10;
	s7 =	simm.s32 $0x2400  }
0x6c: {  	[tilespmem:s7], [sflag:$0x5] =	stream.linear.gather [hbm4b:s6+s0], $0x380, $0x38;
	[tilespmem:$0x1E0C0] =	vst v63  }
0x6d: {  	_ =	swait.ge [sflag:s15], $0x1380  }
0x6e: {  	[sflag:s15] =	ssyncset.done $0x0  }
0x6f: {  	[sflag:s15] =	ssyncadd.s32 $0xFFFFEC80  }
0x70: {  	[tilespmem:s20], [sflag:$0x1] =	stream.indirect.gather [hbm4b:s3+s19], $0x80, s0, s19, $0xb8;
	[tilespmem:$0x1E0C0] =	vst v63  }
0x71: {  	_ = 	snop  }
0x72: {  	[tilespmem:s21], [sflag:$0x2] =	stream.indirect.gather [hbm4b:s3+s19], $0x80, s19, s19, $0xb8;
	[tilespmem:$0x1E0C0] =	vst v63  }
.Ltmp6:
0x73: {  	_ = 	snop;
	(pc) =	sbr.rel .LBB2_6-.Ltmp6, $4  }
0x74: {  	_ = 	snop  }
0x75: {  	[tilespmem:s23], [sflag:$0x3] =	stream.indirect.gather [hbm4b:s3+s19], $0x80, s22, s19, $0xb8;
	[tilespmem:$0x1E0C0] =	vst v63  }
0x76: {  	s28 =	simm.s32 $0x140  }
0x77: {  	[tilespmem:s25], [sflag:$0x4] =	stream.indirect.gather [hbm4b:s3+s19], $0x80, s24, s19, $0xb8;
	[tilespmem:$0x1E0C0] =	vst v63  }
.LBB2_8:
0x78: {  	s0 =	sadd.s32 $0x1, s0  }
0x79: {  	p1 =	sne.s32 s0, $0x27  }
.Ltmp7:
0x7a: {  	_ = 	snop;
	(pc) =	sbr.rel @!p1 .LBB2_9-.Ltmp7, $2  }
0x7b: {  	_ =	sdelay $0x2  }
0x7c: {  	s26 =	sadd.s32 $0x80, s26;
	s28 =	sadd.s32 $0x80, s28  }
.LBB2_6:
0x7d: {  	s2 =	sand.u32 $0x1, s0  }
0x7e: {  	p1 =	seq.s32 s2, $0x1  }
0x7f: {  	s4 =	simm.s32 @!p1 $0x1  }
0x80: {  	_ =	swait.ge @!p1 [sflag:s4], $0x2000  }
0x81: {  	[sflag:s4] =	ssyncset.done @!p1 $0x0  }
0x82: {  	[sflag:s4] =	ssyncadd.s32 @!p1 $0xFFFFE000;
	s4 =	simm.s32 @!p1 $0x2  }
0x83: {  	_ =	swait.ge @!p1 [sflag:s4], $0x2000  }
0x84: {  	[sflag:s4] =	ssyncset.done @!p1 $0x0  }
0x85: {  	s6 =	simm.s32 @!p1 $0x2800;
	[sflag:s4] =	ssyncadd.s32 @!p1 $0xFFFFE000;
	s4 =	simm.s32 @!p1 $0x80  }
0x86: {  	[spmem:s1] =	stream.indirect.scatter.add.f32 @!p1 [tilespmem:s6], [sflag:$0x5], $0x80, s26, s4, $0xb8;
	[tilespmem:$0x1E0C0] =	vst v63  }
0x87: {  	p2 =	sgt.u32 @!p1 s0, $0x24;
	s4 =	simm.s32 @!p1 $0x5  }
0x88: {  	p2 =	por p2, p1;
	_ =	swait.ge @!p1 [sflag:s4], $0x4000  }
0x89: {  	s7 =	simm.s32 @!p2 $0x2800;
	[sflag:s4] =	ssyncset.done @!p1 $0x0  }
0x8a: {  	s6 =	simm.s32 @!p2 $0x40;
	[sflag:s4] =	ssyncadd.s32 @!p1 $0xFFFFC000;
	s4 =	sadd.s32 @!p2 $0xFFFFFFC0, s28  }
0x8b: {  	[tilespmem:s7], [sflag:$0x1] =	stream.indirect.gather @!p2 [hbm4b:s3+s6], $0x80, s4, s6, $0xb8;
	[tilespmem:$0x1E0C0] =	vst v63  }
0x8c: {  	s4 =	simm.s32 @!p2 $0x4800  }
0x8d: {  	[tilespmem:s4], [sflag:$0x2] =	stream.indirect.gather @!p2 [hbm4b:s3+s6], $0x80, s28, s6, $0xb8;
	[tilespmem:$0x1E0C0] =	vst v63  }
0x8e: {  	p2 =	seq.s32 @!p1 s2, $0x0  }
0x8f: {  	p1 =	por p1, !p2  }
.Ltmp8:
0x90: {  	_ = 	snop;
	(pc) =	sbr.rel @!p1 .LBB2_8-.Ltmp8, $1  }
0x91: {  	_ =	sdelay $0x3  }
0x92: {  	_ =	swait.ge [sflag:s29], $0x2000  }
0x93: {  	[sflag:s29] =	ssyncset.done $0x0  }
0x94: {  	[sflag:s29] =	ssyncadd.s32 $0xFFFFE000  }
0x95: {  	_ =	swait.ge [sflag:s30], $0x2000  }
0x96: {  	[sflag:s30] =	ssyncset.done $0x0  }
0x97: {  	[sflag:s30] =	ssyncadd.s32 $0xFFFFE000  }
0x98: {  	[spmem:s1] =	stream.indirect.scatter.add.f32 [tilespmem:s23], [sflag:$0x5], $0x80, s26, s22, $0xb8;
	[tilespmem:$0x1E0C0] =	vst v63  }
0x99: {  	p1 =	sgt.u32 s0, $0x24;
	_ =	swait.ge [sflag:s15], $0x4000  }
.Ltmp9:
0x9a: {  	s2 =	sadd.s32 @!p1 $0xFFFFFFC0, s28;
	[sflag:s15] =	ssyncset.done $0x0;
	(pc) =	sbr.rel .LBB2_8-.Ltmp9, $4  }
0x9b: {  	s4 =	simm.s32 @!p1 $0x40;
	s6 =	simm.s32 @!p1 $0x6800;
	[sflag:s15] =	ssyncadd.s32 $0xFFFFC000  }
0x9c: {  	[tilespmem:s6], [sflag:$0x3] =	stream.indirect.gather @!p1 [hbm4b:s3+s4], $0x80, s2, s4, $0xb8;
	[tilespmem:$0x1E0C0] =	vst v63  }
0x9d: {  	s2 =	simm.s32 @!p1 $0x8800  }
0x9e: {  	[tilespmem:s2], [sflag:$0x4] =	stream.indirect.gather @!p1 [hbm4b:s3+s4], $0x80, s28, s4, $0xb8;
	[tilespmem:$0x1E0C0] =	vst v63  }
.LBB2_10:
0x9f: {  	_ =	sfence.sel $0x180000  }
0xa0: {  	[bflag:$0x0] =	sbarrier.arrive $0xFFFF  }
0xa1: {  	_ =	strace $0x90000047  }
0xa2: {  	[bflag:$0x2] =	sbarrier.arrive $0xFFFF  }
0xa3: {  	s0 =	rddreg [dreg:$0x3]  }
0xa4: {  	s0 =	sadd.s32 @!p0 $0x100000, s0  }
0xa5: {  	[sflag:s0] =	ssyncadd.tile.s32 @!p0 $0x1;
	_ =	shalt  }
.Lfunc_end2:
_tile_overlayer_lowered:
.L_overlay_start_2:
0xa6: {  	(tag) =	ssettag $0x2  }
0xa7: {  	s0 =	rddreg [dreg:$0x0];
	s2 =	stileid.u32  }
0xa8: {  	s1 =	rddreg [dreg:$0x1];
	p0 =	sne.s32 s2, $0x0  }
0xa9: {  	s3 =	rddreg [dreg:$0x2];
	[bflag:$0x3] =	sbarrier.arrive $0xFFFF;
	s2 =	simm.s32 @!p0 $0x1C05  }
0xaa: {  	[timem:s3], [sflag:s2] =	dma.local @!p0 [hbm:s0], s1  }
0xab: {  	s0 =	simm.s32 @!p0 $0x5  }
0xac: {  	_ =	swait.ge @!p0 [sflag:s0], s1  }
0xad: {  	s1 =	ssub.s32 @!p0 $0x0, s1;
	[sflag:s0] =	ssyncset.done @!p0 $0x0  }
0xae: {  	[sflag:s0] =	ssyncadd.s32 @!p0 s1  }
0xaf: {  	[bflag:$0x3] =	sbarrier.arrive $0xFFFF  }
0xb0: {  	_ =	shalt  }

// kernel: kernel.14.cloned.1.call-start
scs
__scs_entry_jumppad:
0x0: {  	(pc) =	sbr.rel $0x88, $3  }
0x1: {  	(tag) =	ssettag $0x0;
	lr =	simm.s32 $0x1  }
0x2: {  	[smem:$0x3F98] =	sst lr;
	_ =	strace $0xD0000000  }
0x3: {  	_ = 	snop  }
0x4: {  	_ = 	snop  }
0x5: {  	_ = 	snop  }
0x6: {  	_ = 	snop  }
0x7: {  	_ = 	snop  }
__scs_overlays_trampoline_lowered:
0x8: {  	[smem:$0x3FA7] =	sst s0  }
0x9: {  	[smem:$0x3FA8] =	sst s1  }
0xa: {  	[smem:$0x3FA9] =	sst s2  }
0xb: {  	[smem:$0x3FAA] =	sst s3  }
0xc: {  	[smem:$0x3FAB] =	sst s4  }
0xd: {  	[smem:$0x3FAC] =	sst s5  }
0xe: {  	[smem:$0x3FAD] =	sst s6  }
0xf: {  	[smem:$0x3FAE] =	sst s7  }
0x10: {  	[smem:$0x3FAF] =	sst s8  }
0x11: {  	[smem:$0x3FB0] =	sst s9;
	s0 =	simm.s32 @!p0 $0x0  }
0x12: {  	s1 =	sld [smem:$0x3F96];
	s0 =	simm.s32 @p0 $0x1  }
0x13: {  	[smem:$0x3FB1] =	sst s0;
	s0 =	simm.s32 @!p1 $0x0  }
0x14: {  	s2 =	sld [smem:$0x3F95];
	s0 =	simm.s32 @p1 $0x1  }
0x15: {  	[smem:$0x3FB2] =	sst s0;
	s0 =	simm.s32 @!p2 $0x0  }
0x16: {  	s3 =	sld [smem:$0x3FDB];
	s0 =	simm.s32 @p2 $0x1  }
0x17: {  	s4 =	simm.s32 $0x1BF5;
	[smem:$0x3FB4] =	sst s0  }
0x18: {  	s0 =	sld [smem:$0x3F97];
	_ =	swait.ge [sflag:s4], $0x0  }
0x19: {  	s7 =	sld [smem:$0x3F98]  }
0x1a: {  	s8 =	sadd.s32 $0xFFFFE003, lr  }
0x1b: {  	s9 =	sadd.s32 $0xFFFFFEF7, lr;
	s5 =	simm.s32 $0xFFFFFFFF;
	p2 =	slt.u32 s8, $0xFFFFF086  }
0x1c: {  	p1 =	slt.u32 s9, $0xF7A;
	s5 =	simm.s32 @!p2 $0x0  }
0x1d: {  	s5 =	simm.s32 @p1 $0x1;
	p0 =	seq.s32 s7, s2  }
0x1e: {  	s7 =	smul.u32 @!p0 $0xF7A, s2;
	p2 =	seq.s32 @!p0 s5, $0x0  }
0x1f: {  	s9 =	smul.u32 $0xF7A, s1;
	s8 =	simm.s32 @!p0 $0x1BF5;
	p2 =	por !p2, p0  }
0x20: {  	[sflag:s8] =	ssyncset.s32 @!p0 $0xFFFFF086;
	s6 =	sadd.s32 @!p0 s3, s7;
	s7 =	simm.s32 @!p0 $0x108  }
0x21: {  	s3 =	sadd.s32 s3, s9;
	s6 =	sadd.s32 @!p0 $0x88, s6;
	s7 =	simm.s32 @p2 $0x1082  }
0x22: {  	[simem:s7], [sflag:s8] =	dma.local @!p0 [hbm:s6], $0xF7A  }
0x23: {  	s9 =	sor.u32 $0xD0000000, s2;
	s6 =	simm.s32 $0x108;
	_ =	swait.ge @!p0 [sflag:s8], $0x0  }
0x24: {  	s3 =	sadd.s32 $0x88, s3;
	s6 =	simm.s32 @!p1 $0x1082;
	[sflag:s4] =	ssyncset.s32 $0xFFFFF086  }
0x25: {  	[simem:s6], [sflag:s4] =	dma.local [hbm:s3], $0xF7A  }
0x26: {  	[smem:$0x3F98] =	sst s1;
	(tag) =	ssettag s2;
	_ =	strace s9  }
0x27: {  	s1 =	sld [smem:$0x3FA8]  }
0x28: {  	s2 =	sld [smem:$0x3FA9]  }
0x29: {  	s4 =	sld [smem:$0x3FAB]  }
0x2a: {  	p0 =	seq.s32 s5, $0x0;
	s5 =	sld [smem:$0x3FAC]  }
0x2b: {  	s6 =	sld [smem:$0x3FAD]  }
0x2c: {  	s7 =	sld [smem:$0x3FAE]  }
0x2d: {  	s3 =	simm.s32 $0x108;
	s8 =	sld [smem:$0x3FAF]  }
0x2e: {  	s3 =	simm.s32 @!p0 $0x1082;
	s9 =	sld [smem:$0x3FB0]  }
0x2f: {  	lr =	sadd.s32 s0, s3;
	s0 =	sld [smem:$0x3FA7]  }
0x30: {  	s3 =	sld [smem:$0x3FAA]  }
0x31: {  	[smem:$0x3FB3] =	sst s10  }
0x32: {  	s10 =	sld [smem:$0x3FB1];
	_ =	sdelay $0x3  }
0x33: {  	p0 =	seq.s32 s10, $0x1;
	s10 =	sld [smem:$0x3FB3];
	_ =	sdelay $0x3  }
0x34: {  	[smem:$0x3FB3] =	sst s10  }
0x35: {  	s10 =	sld [smem:$0x3FB2];
	_ =	sdelay $0x3  }
0x36: {  	p1 =	seq.s32 s10, $0x1;
	s10 =	sld [smem:$0x3FB3];
	_ =	sdelay $0x3  }
0x37: {  	[smem:$0x3FB3] =	sst s10  }
0x38: {  	s10 =	sld [smem:$0x3FB4]  }
0x39: {  	_ = 	snop;
	(pc) =	sbr.ind lr, $3  }
0x3a: {  	_ = 	snop  }
0x3b: {  	_ = 	snop  }
0x3c: {  	p2 =	seq.s32 s10, $0x1;
	s10 =	sld [smem:$0x3FB3]  }
0x3d: {  	_ =	shalt  }
0x3e: {  	_ =	shalt  }
0x3f: {  	_ =	shalt  }
0x40: {  	_ =	shalt  }
0x41: {  	_ =	shalt  }
0x42: {  	_ =	shalt  }
0x43: {  	_ =	shalt  }
0x44: {  	_ =	shalt  }
0x45: {  	_ =	shalt  }
0x46: {  	_ =	shalt  }
0x47: {  	_ =	shalt  }
0x48: {  	_ =	shalt  }
0x49: {  	_ =	shalt  }
0x4a: {  	_ =	shalt  }
0x4b: {  	_ =	shalt  }
0x4c: {  	_ =	shalt  }
0x4d: {  	_ =	shalt  }
0x4e: {  	_ =	shalt  }
0x4f: {  	_ =	shalt  }
0x50: {  	_ =	shalt  }
0x51: {  	_ =	shalt  }
0x52: {  	_ =	shalt  }
0x53: {  	_ =	shalt  }
0x54: {  	_ =	shalt  }
0x55: {  	_ =	shalt  }
0x56: {  	_ =	shalt  }
0x57: {  	_ =	shalt  }
0x58: {  	_ =	shalt  }
0x59: {  	_ =	shalt  }
0x5a: {  	_ =	shalt  }
0x5b: {  	_ =	shalt  }
0x5c: {  	_ =	shalt  }
0x5d: {  	_ =	shalt  }
0x5e: {  	_ =	shalt  }
0x5f: {  	_ =	shalt  }
0x60: {  	_ =	shalt  }
0x61: {  	_ =	shalt  }
0x62: {  	_ =	shalt  }
0x63: {  	_ =	shalt  }
0x64: {  	_ =	shalt  }
0x65: {  	_ =	shalt  }
0x66: {  	_ =	shalt  }
0x67: {  	_ =	shalt  }
0x68: {  	_ =	shalt  }
0x69: {  	_ =	shalt  }
0x6a: {  	_ =	shalt  }
0x6b: {  	_ =	shalt  }
0x6c: {  	_ =	shalt  }
0x6d: {  	_ =	shalt  }
0x6e: {  	_ =	shalt  }
0x6f: {  	_ =	shalt  }
0x70: {  	_ =	shalt  }
0x71: {  	_ =	shalt  }
0x72: {  	_ =	shalt  }
0x73: {  	_ =	shalt  }
0x74: {  	_ =	shalt  }
0x75: {  	_ =	shalt  }
0x76: {  	_ =	shalt  }
0x77: {  	_ =	shalt  }
0x78: {  	_ =	shalt  }
0x79: {  	_ =	shalt  }
0x7a: {  	_ =	shalt  }
0x7b: {  	_ =	shalt  }
0x7c: {  	_ =	shalt  }
0x7d: {  	_ =	shalt  }
0x7e: {  	_ =	shalt  }
0x7f: {  	_ =	shalt  }
0x80: {  	_ =	shalt  }
0x81: {  	_ =	shalt  }
0x82: {  	_ =	shalt  }
0x83: {  	_ =	shalt  }
0x84: {  	_ =	shalt  }
0x85: {  	_ =	shalt  }
0x86: {  	_ =	shalt  }
0x87: {  	_ =	shalt  }
.Lfunc_end0:
.L_simem_size_0:
called_computation.1_lowered:
.L_overlay_start_0:
0x88: {  	s2 =	sld [smem:$0x3FD9]  }
0x89: {  	s3 =	sld [smem:$0x3FFE];
	_ =	sdelay $0x1  }
0x8a: {  	s1 =	srdreg.scid  }
0x8b: {  	s0 =	sand.u32 $0x1, s1  }
0x8c: {  	s17 =	sshll.u32 s0, $0xA;
	s2 =	sadd.s32 s3, s2  }
0x8d: {  	s2 =	sadd.s32 s2, s17  }
0x8e: {  	[smem:$0x3FBF] =	sst s2  }
0x8f: {  	_ = 	snop  }
0x90: {  	s2 =	sld [smem:$0x3FD0];
	(tm) =	ssettm $0x1  }
0x91: {  	s18 =	sld [smem:$0x3FFB];
	_ =	sdelay $0x3  }
0x92: {  	_ =	strace s18  }
0x93: {  	s3 =	sld [smem:$0x3FFC];
	_ =	sdelay $0x3  }
0x94: {  	_ =	strace s3  }
0x95: {  	s3 =	sld [smem:$0x3FFD];
	_ =	sdelay $0x3  }
0x96: {  	_ =	strace s3  }
0x97: {  	_ =	strace $0x8FFFFFFF  }
0x98: {  	s19 =	sld [smem:$0x3FDB];
	_ =	sdelay $0x1  }
0x99: {  	s4 =	simm.s32 $_scs_section_size  }
0x9a: {  	s5 =	simm.s32 $_size__tile_overlayer_lowered;
	s6 =	simm.s32 $_tile_overlayer_lowered  }
0x9b: {  	s22 =	simm.s32 $0x1BFF;
	s21 =	sshll.u32 s6, $0x1;
	s3 =	sadd.s32 s4, s19  }
0x9c: {  	s7 =	simm.s32 $0x0;
	s20 =	sshll.u32 s5, $0x1;
	s5 =	sadd.s32 s21, s3  }
0x9d: {  	[timem:s7], [sflag:s22] =	dma.local [hbm:s5], s20  }
0x9e: {  	_ =	swait.ge [sflag:s22], s20  }
0x9f: {  	s4 =	ssub.s32 $0x0, s20;
	[sflag:s22] =	ssyncset.done $0x0  }
0xa0: {  	[sflag:s22] =	ssyncadd.s32 s4;
	_ =	sdelay $0x1  }
0xa1: {  	s23 =	simm.s32 $0x1B8B  }
0xa2: {  	_ =	swait.ge [sflag:s23], $0x1  }
0xa3: {  	[sflag:s23] =	ssyncset.done $0x0  }
0xa4: {  	s25 =	simm.s32 $0x1B8E;
	s24 =	sld [smem:$0x3FFE];
	[sflag:s23] =	ssyncadd.s32 $0xFFFFFFFF  }
0xa5: {  	s26 =	simm.s32 $execute0_lowered;
	[smem:$0x3FD2] =	sst s25  }
0xa6: {  	s5 =	sshll.u32 s26, $0x1;
	_ =	strace $0x80000049;
	[dreg:$0x1] =	wrdreg $0xFFFFFFFF  }
0xa7: {  	s28 =	simm.s32 $_size_execute0_lowered;
	s3 =	sadd.s32 s3, s5;
	[dreg:$0x0] =	wrdreg $0x0  }
0xa8: {  	s5 =	sshll.u32 s28, $0x1;
	[dreg:$0x2] =	wrdreg s3  }
0xa9: {  	[dreg:$0x3] =	wrdreg s5  }
0xaa: {  	[dreg:$0x4] =	wrdreg $0xC0  }
0xab: {  	_ =	task [dreg:s7], $0x5FFFF  }
0xac: {  	[dreg:$0x1] =	wrdreg $0xFFFFFFFF  }
0xad: {  	[dreg:$0x0] =	wrdreg $0x60  }
0xae: {  	[dreg:$0x2] =	wrdreg s24  }
0xaf: {  	[dreg:$0x3] =	wrdreg s2  }
0xb0: {  	[dreg:$0x4] =	wrdreg $0xA8000  }
0xb1: {  	[dreg:$0x5] =	wrdreg $0x9  }
0xb2: {  	_ =	task.clear_ibuf [dreg:s7], $0x6FFFF;
	_ =	strace $0x90000049  }
0xb3: {  	s29 =	simm.s32 $0x9;
	_ =	strace $0x8000004B  }
0xb4: {  	_ =	swait.ge [sflag:s29], $0x1  }
0xb5: {  	[sflag:s29] =	ssyncadd.s32 $0xFFFFFFFF  }
0xb6: {  	_ =	strace $0x9000004B  }
0xb7: {  	_ =	sfence  }
0xb8: {  	s30 =	sld [smem:$0x0];
	_ =	sdelay $0x2  }
0xb9: {  	s31 =	sshll.u32 s1, $0xD;
	s1 =	sshrl.u32 s1, $0x2  }
0xba: {  	s3 =	sand.u32 $0x4000, s31;
	s1 =	sadd.s32 s1, s30  }
0xbb: {  	s0 =	sor.u32 s3, s0;
	s1 =	sshll.u32 s1, $0x11  }
0xbc: {  	s0 =	sor.u32 s1, s0  }
0xbd: {  	s0 =	sadd.s32 $0x8F2B, s0  }
0xbe: {  	[sflag:s0] =	ssyncadd.remote.s32 $0x1  }
0xbf: {  	_ =	sfence.sel $0xFFFF  }
0xc0: {  	[dreg:$0x0] =	wrdreg $0xFFFFFFFF;
	(pc) =	sbr.abs _section_cstart, $3  }
0xc1: {  	[dreg:$0x1] =	wrdreg $0xFFFFFFFF  }
0xc2: {  	_ =	task.clear_ibuf [dreg:s7], $0x2FFFF;
	_ =	strace $0x9FFFFFFF  }
0xc3: {  	(tm) =	ssettm $0x7FFFFFFF  }
tec
execute0_lowered:
.L_overlay_start_1:
0x0: {  	(tag) =	ssettag $0x1  }
0x1: {  	s0 =	rddreg [dreg:$0x0]  }
0x2: {  	s9 =	rddreg [dreg:$0x1]  }
0x3: {  	s1 =	rddreg [dreg:$0x2];
	s2 =	simm.s32 $0x0;
	s14 =	stileid.u32  }
0x4: {  	s4 =	srdreg.scid;
	s29 =	simm.s32 $0x3;
	s30 =	simm.s32 $0x4  }
0x5: {  	s31 =	simm.s32 $0x0;
	[smem:$0x7FF] =	sst s2;
	s10 =	smul.u32 $0x13800, s14  }
0x6: {  	s3 =	sadd.s32 $0xC200, s0;
	s11 =	sadd.s32 $0x2200, s0;
	s7 =	sand.u32 $0x1, s4  }
0x7: {  	s6 =	smul.u32 $0x4E000, s14;
	s12 =	sadd.s32 $0x5A600, s0;
	s21 =	sshll.u32 s14, $0x6  }
0x8: {  	s16 =	sadd.s32 $0x138000, s1;
	s23 =	sshll.u32 s14, $0x8;
	p0 =	sne.s32 s14, $0x0  }
0x9: {  	_ =	strace $0x8000004A;
	s5 =	ssub.s32 $0x2, s7;
	s17 =	sshll.u32 s7, $0x7  }
0xa: {  	s25 =	smul.u32 $0x138800, s7;
	s16 =	sshrl.u32 @!p0 s16, $0x3;
	s19 =	sshrl.u32 s10, $0x3  }
0xb: {  	s8 =	sshrl.u32 s5, $0x1;
	s20 =	sshrl.u32 s6, $0x2;
	s24 =	sor.u32 s17, s23  }
0xc: {  	s23 =	simm.s32 $0x6800;
	s4 =	sadd.s32 s19, s0;
	s13 =	ssub.s32 s5, s8  }
0xd: {  	s15 =	sadd.s32 s20, s1;
	s5 =	sor.u32 $0x1C05, s21;
	s0 =	sadd.s32 $0x5A400, s0  }
0xe: {  	s26 =	sadd.s32 s9, s24;
	s8 =	sadd.s32 s11, s24;
	s18 =	sadd.s32 s10, s25  }
0xf: {  	s17 =	sshrl.u32 s25, $0x3;
	s19 =	simm.s32 $0x40;
	s20 =	simm.s32 $0x2800  }
0x10: {  	s21 =	simm.s32 $0x4800;
	s25 =	simm.s32 $0x8800;
	[dreg:$0x5] =	wrdreg s0  }
0x11: {  	s22 =	sadd.s32 $0x33400, s4;
	[dreg:$0x6] =	wrdreg s26;
	s0 =	sor.u32 $0x5000, s24  }
.Ltmp0:
0x12: {  	s28 =	sshrl.u32 s18, $0x3;
	s17 =	sadd.s32 s12, s17;
	(pc) =	sbr.rel .LBB2_1-.Ltmp0, $4  }
0x13: {  	s13 =	smax.u32 s13, $0x1;
	s14 =	sshrl.u32 s15, $0x3;
	s15 =	simm.s32 $0x5  }
0x14: {  	s18 =	simm.s32 $0x8000;
	s24 =	simm.s32 $0xC0;
	[dreg:$0x4] =	wrdreg s22  }
0x15: {  	s9 =	sadd.s32 s9, s0;
	s10 =	sadd.s32 s11, s0;
	s11 =	sadd.s32 s12, s28  }
0x16: {  	s12 =	sadd.s32 $0x27000, s17;
	s17 =	simm.s32 $0x400;
	s22 =	simm.s32 $0x80  }
.LBB2_9:
0x17: {  	[bflag:$0x0] =	sbarrier.arrive $0xFFFF  }
0x18: {  	[hbm:s11], [sflag:s5] =	dma.local [spmem:s14], $0x2700  }
0x19: {  	s31 =	sadd.s32 $0x1, s31;
	_ =	swait.ge [sflag:s15], $0x2700  }
0x1a: {  	p1 =	sne.s32 s31, s13;
	[sflag:s15] =	ssyncset.done $0x0  }
.Ltmp1:
0x1b: {  	s0 =	simm.s32 @!p0 $0x5;
	[sflag:s15] =	ssyncadd.s32 $0xFFFFD900;
	(pc) =	sbr.rel @!p1 .LBB2_10-.Ltmp1, $4  }
0x1c: {  	[hbm:s12], [sflag:s5] =	dma.local @!p0 [spmem:s16], $0x100  }
0x1d: {  	_ =	swait.ge @!p0 [sflag:s0], $0x100  }
0x1e: {  	[sflag:s0] =	ssyncset.done @!p0 $0x0  }
0x1f: {  	[sflag:s0] =	ssyncadd.s32 @!p0 $0xFFFFFF00  }
.LBB2_1:
0x20: {  	s0 =	rddreg [dreg:$0x4]  }
0x21: {  	[spmem:s14], [sflag:s5] =	dma.local [hbm:s0], $0x2700  }
0x22: {  	_ =	swait.ge [sflag:s15], $0x2700  }
0x23: {  	[sflag:s15] =	ssyncset.done $0x0  }
0x24: {  	s0 =	rddreg [dreg:$0x5];
	[sflag:s15] =	ssyncadd.s32 $0xFFFFD900  }
0x25: {  	[spmem:s16], [sflag:s5] =	dma.local @!p0 [hbm:s0], $0x100  }
0x26: {  	s0 =	simm.s32 @!p0 $0x5  }
0x27: {  	_ =	swait.ge @!p0 [sflag:s0], $0x100  }
0x28: {  	[sflag:s0] =	ssyncset.done @!p0 $0x0  }
0x29: {  	[sflag:s0] =	ssyncadd.s32 @!p0 $0xFFFFFF00  }
0x2a: {  	[bflag:$0x0] =	sbarrier.arrive $0xFFFF  }
0x2b: {  	s2 =	simm.s32 $0x0;
	s26 =	rddreg [dreg:$0x6]  }
0x2c: {  	[tilespmem:s2], [sflag:$0x5] =	stream.strided.gather [hbm4b:s26+s17], $0x1400, s18, s17, $0x38;
	[tilespmem:$0x1E0C0] =	vst v63  }
0x2d: {  	_ =	swait.ge [sflag:s15], $0x1400  }
0x2e: {  	[sflag:s15] =	ssyncset.done $0x0  }
0x2f: {  	s0 =	simm.s32 $0x1400;
	[sflag:s15] =	ssyncadd.s32 $0xFFFFEC00  }
0x30: {  	[tilespmem:s0], [sflag:$0x5] =	stream.strided.gather [hbm4b:s8+s17], $0x1400, s18, s17, $0x38;
	[tilespmem:$0x1E0C0] =	vst v63  }
0x31: {  	_ =	swait.ge [sflag:s15], $0x1400  }
0x32: {  	[sflag:s15] =	ssyncset.done $0x0  }
0x33: {  	[sflag:s15] =	ssyncadd.s32 $0xFFFFEC00  }
0x34: {  	[tilespmem:s20], [sflag:$0x1] =	stream.indirect.gather [hbm4b:s3+s19], $0x80, s2, s19, $0xb8;
	[tilespmem:$0x1E0C0] =	vst v63  }
0x35: {  	_ = 	snop  }
0x36: {  	[tilespmem:s21], [sflag:$0x2] =	stream.indirect.gather [hbm4b:s3+s19], $0x80, s19, s19, $0xb8;
	[tilespmem:$0x1E0C0] =	vst v63  }
.Ltmp2:
0x37: {  	_ = 	snop;
	(pc) =	sbr.rel .LBB2_2-.Ltmp2, $4  }
0x38: {  	_ = 	snop  }
0x39: {  	[tilespmem:s23], [sflag:$0x3] =	stream.indirect.gather [hbm4b:s3+s19], $0x80, s22, s19, $0xb8;
	[tilespmem:$0x1E0C0] =	vst v63  }
0x3a: {  	s28 =	simm.s32 $0x0;
	s26 =	simm.s32 $0x140  }
0x3b: {  	[tilespmem:s25], [sflag:$0x4] =	stream.indirect.gather [hbm4b:s3+s19], $0x80, s24, s19, $0xb8;
	[tilespmem:$0x1E0C0] =	vst v63  }
.LBB2_4:
0x3c: {  	s28 =	sadd.s32 $0x1, s28  }
0x3d: {  	p1 =	sne.s32 s28, $0x28  }
.Ltmp3:
0x3e: {  	_ = 	snop;
	(pc) =	sbr.rel @!p1 .LBB2_5-.Ltmp3, $2  }
0x3f: {  	_ =	sdelay $0x2  }
0x40: {  	s0 =	sadd.s32 $0x80, s0;
	s26 =	sadd.s32 $0x80, s26  }
.LBB2_2:
0x41: {  	s2 =	sand.u32 $0x1, s28  }
0x42: {  	p1 =	seq.s32 s2, $0x1  }
0x43: {  	s4 =	simm.s32 @!p1 $0x1  }
0x44: {  	_ =	swait.ge @!p1 [sflag:s4], $0x2000  }
0x45: {  	[sflag:s4] =	ssyncset.done @!p1 $0x0  }
0x46: {  	[sflag:s4] =	ssyncadd.s32 @!p1 $0xFFFFE000;
	s4 =	simm.s32 @!p1 $0x2  }
0x47: {  	_ =	swait.ge @!p1 [sflag:s4], $0x2000  }
0x48: {  	[sflag:s4] =	ssyncset.done @!p1 $0x0  }
0x49: {  	s6 =	simm.s32 @!p1 $0x2800;
	[sflag:s4] =	ssyncadd.s32 @!p1 $0xFFFFE000;
	s4 =	simm.s32 @!p1 $0x80  }
0x4a: {  	[spmem:s1] =	stream.indirect.scatter.add.f32 @!p1 [tilespmem:s6], [sflag:$0x5], $0x80, s0, s4, $0xb8;
	[tilespmem:$0x1E0C0] =	vst v63  }
0x4b: {  	p2 =	sgt.u32 @!p1 s28, $0x25;
	s4 =	simm.s32 @!p1 $0x5  }
0x4c: {  	p2 =	por p2, p1;
	_ =	swait.ge @!p1 [sflag:s4], $0x4000  }
0x4d: {  	s7 =	simm.s32 @!p2 $0x2800;
	[sflag:s4] =	ssyncset.done @!p1 $0x0  }
0x4e: {  	s6 =	simm.s32 @!p2 $0x40;
	[sflag:s4] =	ssyncadd.s32 @!p1 $0xFFFFC000;
	s4 =	sadd.s32 @!p2 $0xFFFFFFC0, s26  }
0x4f: {  	[tilespmem:s7], [sflag:$0x1] =	stream.indirect.gather @!p2 [hbm4b:s3+s6], $0x80, s4, s6, $0xb8;
	[tilespmem:$0x1E0C0] =	vst v63  }
0x50: {  	s4 =	simm.s32 @!p2 $0x4800  }
0x51: {  	[tilespmem:s4], [sflag:$0x2] =	stream.indirect.gather @!p2 [hbm4b:s3+s6], $0x80, s26, s6, $0xb8;
	[tilespmem:$0x1E0C0] =	vst v63  }
0x52: {  	p2 =	seq.s32 @!p1 s2, $0x0  }
0x53: {  	p1 =	por p1, !p2  }
.Ltmp4:
0x54: {  	_ = 	snop;
	(pc) =	sbr.rel @!p1 .LBB2_4-.Ltmp4, $1  }
0x55: {  	_ =	sdelay $0x3  }
0x56: {  	_ =	swait.ge [sflag:s29], $0x2000  }
0x57: {  	[sflag:s29] =	ssyncset.done $0x0  }
0x58: {  	[sflag:s29] =	ssyncadd.s32 $0xFFFFE000  }
0x59: {  	_ =	swait.ge [sflag:s30], $0x2000  }
0x5a: {  	[sflag:s30] =	ssyncset.done $0x0  }
0x5b: {  	[sflag:s30] =	ssyncadd.s32 $0xFFFFE000  }
0x5c: {  	[spmem:s1] =	stream.indirect.scatter.add.f32 [tilespmem:s23], [sflag:$0x5], $0x80, s0, s22, $0xb8;
	[tilespmem:$0x1E0C0] =	vst v63  }
0x5d: {  	p1 =	sgt.u32 s28, $0x25;
	_ =	swait.ge [sflag:s15], $0x4000  }
.Ltmp5:
0x5e: {  	s2 =	sadd.s32 @!p1 $0xFFFFFFC0, s26;
	[sflag:s15] =	ssyncset.done $0x0;
	(pc) =	sbr.rel .LBB2_4-.Ltmp5, $4  }
0x5f: {  	s4 =	simm.s32 @!p1 $0x40;
	s6 =	simm.s32 @!p1 $0x6800;
	[sflag:s15] =	ssyncadd.s32 $0xFFFFC000  }
0x60: {  	[tilespmem:s6], [sflag:$0x3] =	stream.indirect.gather @!p1 [hbm4b:s3+s4], $0x80, s2, s4, $0xb8;
	[tilespmem:$0x1E0C0] =	vst v63  }
0x61: {  	s2 =	simm.s32 @!p1 $0x8800  }
0x62: {  	[tilespmem:s2], [sflag:$0x4] =	stream.indirect.gather @!p1 [hbm4b:s3+s4], $0x80, s26, s4, $0xb8;
	[tilespmem:$0x1E0C0] =	vst v63  }
.LBB2_5:
0x63: {  	s0 =	simm.s32 $0x0  }
0x64: {  	[tilespmem:s0], [sflag:$0x5] =	stream.strided.gather [hbm4b:s9+s17], $0x1000, s18, s17, $0x38;
	[tilespmem:$0x1E0C0] =	vst v63  }
0x65: {  	s2 =	sadd.s32 $0x4000, s9;
	s4 =	simm.s32 $0x1000  }
0x66: {  	[tilespmem:s4], [sflag:$0x5] =	stream.linear.gather [hbm4b:s2+s0], $0x380, $0x38;
	[tilespmem:$0x1E0C0] =	vst v63  }
0x67: {  	_ =	swait.ge [sflag:s15], $0x1380  }
0x68: {  	[sflag:s15] =	ssyncset.done $0x0  }
0x69: {  	s26 =	simm.s32 $0x1400;
	[sflag:s15] =	ssyncadd.s32 $0xFFFFEC80  }
0x6a: {  	[tilespmem:s26], [sflag:$0x5] =	stream.strided.gather [hbm4b:s10+s17], $0x1000, s18, s17, $0x38;
	[tilespmem:$0x1E0C0] =	vst v63  }
0x6b: {  	s6 =	sadd.s32 $0x4000, s10;
	s7 =	simm.s32 $0x2400  }
0x6c: {  	[tilespmem:s7], [sflag:$0x5] =	stream.linear.gather [hbm4b:s6+s0], $0x380, $0x38;
	[tilespmem:$0x1E0C0] =	vst v63  }
0x6d: {  	_ =	swait.ge [sflag:s15], $0x1380  }
0x6e: {  	[sflag:s15] =	ssyncset.done $0x0  }
0x6f: {  	[sflag:s15] =	ssyncadd.s32 $0xFFFFEC80  }
0x70: {  	[tilespmem:s20], [sflag:$0x1] =	stream.indirect.gather [hbm4b:s3+s19], $0x80, s0, s19, $0xb8;
	[tilespmem:$0x1E0C0] =	vst v63  }
0x71: {  	_ = 	snop  }
0x72: {  	[tilespmem:s21], [sflag:$0x2] =	stream.indirect.gather [hbm4b:s3+s19], $0x80, s19, s19, $0xb8;
	[tilespmem:$0x1E0C0] =	vst v63  }
.Ltmp6:
0x73: {  	_ = 	snop;
	(pc) =	sbr.rel .LBB2_6-.Ltmp6, $4  }
0x74: {  	_ = 	snop  }
0x75: {  	[tilespmem:s23], [sflag:$0x3] =	stream.indirect.gather [hbm4b:s3+s19], $0x80, s22, s19, $0xb8;
	[tilespmem:$0x1E0C0] =	vst v63  }
0x76: {  	s28 =	simm.s32 $0x140  }
0x77: {  	[tilespmem:s25], [sflag:$0x4] =	stream.indirect.gather [hbm4b:s3+s19], $0x80, s24, s19, $0xb8;
	[tilespmem:$0x1E0C0] =	vst v63  }
.LBB2_8:
0x78: {  	s0 =	sadd.s32 $0x1, s0  }
0x79: {  	p1 =	sne.s32 s0, $0x27  }
.Ltmp7:
0x7a: {  	_ = 	snop;
	(pc) =	sbr.rel @!p1 .LBB2_9-.Ltmp7, $2  }
0x7b: {  	_ =	sdelay $0x2  }
0x7c: {  	s26 =	sadd.s32 $0x80, s26;
	s28 =	sadd.s32 $0x80, s28  }
.LBB2_6:
0x7d: {  	s2 =	sand.u32 $0x1, s0  }
0x7e: {  	p1 =	seq.s32 s2, $0x1  }
0x7f: {  	s4 =	simm.s32 @!p1 $0x1  }
0x80: {  	_ =	swait.ge @!p1 [sflag:s4], $0x2000  }
0x81: {  	[sflag:s4] =	ssyncset.done @!p1 $0x0  }
0x82: {  	[sflag:s4] =	ssyncadd.s32 @!p1 $0xFFFFE000;
	s4 =	simm.s32 @!p1 $0x2  }
0x83: {  	_ =	swait.ge @!p1 [sflag:s4], $0x2000  }
0x84: {  	[sflag:s4] =	ssyncset.done @!p1 $0x0  }
0x85: {  	s6 =	simm.s32 @!p1 $0x2800;
	[sflag:s4] =	ssyncadd.s32 @!p1 $0xFFFFE000;
	s4 =	simm.s32 @!p1 $0x80  }
0x86: {  	[spmem:s1] =	stream.indirect.scatter.add.f32 @!p1 [tilespmem:s6], [sflag:$0x5], $0x80, s26, s4, $0xb8;
	[tilespmem:$0x1E0C0] =	vst v63  }
0x87: {  	p2 =	sgt.u32 @!p1 s0, $0x24;
	s4 =	simm.s32 @!p1 $0x5  }
0x88: {  	p2 =	por p2, p1;
	_ =	swait.ge @!p1 [sflag:s4], $0x4000  }
0x89: {  	s7 =	simm.s32 @!p2 $0x2800;
	[sflag:s4] =	ssyncset.done @!p1 $0x0  }
0x8a: {  	s6 =	simm.s32 @!p2 $0x40;
	[sflag:s4] =	ssyncadd.s32 @!p1 $0xFFFFC000;
	s4 =	sadd.s32 @!p2 $0xFFFFFFC0, s28  }
0x8b: {  	[tilespmem:s7], [sflag:$0x1] =	stream.indirect.gather @!p2 [hbm4b:s3+s6], $0x80, s4, s6, $0xb8;
	[tilespmem:$0x1E0C0] =	vst v63  }
0x8c: {  	s4 =	simm.s32 @!p2 $0x4800  }
0x8d: {  	[tilespmem:s4], [sflag:$0x2] =	stream.indirect.gather @!p2 [hbm4b:s3+s6], $0x80, s28, s6, $0xb8;
	[tilespmem:$0x1E0C0] =	vst v63  }
0x8e: {  	p2 =	seq.s32 @!p1 s2, $0x0  }
0x8f: {  	p1 =	por p1, !p2  }
.Ltmp8:
0x90: {  	_ = 	snop;
	(pc) =	sbr.rel @!p1 .LBB2_8-.Ltmp8, $1  }
0x91: {  	_ =	sdelay $0x3  }
0x92: {  	_ =	swait.ge [sflag:s29], $0x2000  }
0x93: {  	[sflag:s29] =	ssyncset.done $0x0  }
0x94: {  	[sflag:s29] =	ssyncadd.s32 $0xFFFFE000  }
0x95: {  	_ =	swait.ge [sflag:s30], $0x2000  }
0x96: {  	[sflag:s30] =	ssyncset.done $0x0  }
0x97: {  	[sflag:s30] =	ssyncadd.s32 $0xFFFFE000  }
0x98: {  	[spmem:s1] =	stream.indirect.scatter.add.f32 [tilespmem:s23], [sflag:$0x5], $0x80, s26, s22, $0xb8;
	[tilespmem:$0x1E0C0] =	vst v63  }
0x99: {  	p1 =	sgt.u32 s0, $0x24;
	_ =	swait.ge [sflag:s15], $0x4000  }
.Ltmp9:
0x9a: {  	s2 =	sadd.s32 @!p1 $0xFFFFFFC0, s28;
	[sflag:s15] =	ssyncset.done $0x0;
	(pc) =	sbr.rel .LBB2_8-.Ltmp9, $4  }
0x9b: {  	s4 =	simm.s32 @!p1 $0x40;
	s6 =	simm.s32 @!p1 $0x6800;
	[sflag:s15] =	ssyncadd.s32 $0xFFFFC000  }
0x9c: {  	[tilespmem:s6], [sflag:$0x3] =	stream.indirect.gather @!p1 [hbm4b:s3+s4], $0x80, s2, s4, $0xb8;
	[tilespmem:$0x1E0C0] =	vst v63  }
0x9d: {  	s2 =	simm.s32 @!p1 $0x8800  }
0x9e: {  	[tilespmem:s2], [sflag:$0x4] =	stream.indirect.gather @!p1 [hbm4b:s3+s4], $0x80, s28, s4, $0xb8;
	[tilespmem:$0x1E0C0] =	vst v63  }
.LBB2_10:
0x9f: {  	_ =	sfence.sel $0x180000  }
0xa0: {  	[bflag:$0x0] =	sbarrier.arrive $0xFFFF  }
0xa1: {  	_ =	strace $0x9000004A  }
0xa2: {  	[bflag:$0x2] =	sbarrier.arrive $0xFFFF  }
0xa3: {  	s0 =	rddreg [dreg:$0x3]  }
0xa4: {  	s0 =	sadd.s32 @!p0 $0x100000, s0  }
0xa5: {  	[sflag:s0] =	ssyncadd.tile.s32 @!p0 $0x1;
	_ =	shalt  }
.Lfunc_end2:
_tile_overlayer_lowered:
.L_overlay_start_2:
0xa6: {  	(tag) =	ssettag $0x2  }
0xa7: {  	s0 =	rddreg [dreg:$0x0];
	s2 =	stileid.u32  }
0xa8: {  	s1 =	rddreg [dreg:$0x1];
	p0 =	sne.s32 s2, $0x0  }
0xa9: {  	s3 =	rddreg [dreg:$0x2];
	[bflag:$0x3] =	sbarrier.arrive $0xFFFF;
	s2 =	simm.s32 @!p0 $0x1C05  }
0xaa: {  	[timem:s3], [sflag:s2] =	dma.local @!p0 [hbm:s0], s1  }
0xab: {  	s0 =	simm.s32 @!p0 $0x5  }
0xac: {  	_ =	swait.ge @!p0 [sflag:s0], s1  }
0xad: {  	s1 =	ssub.s32 @!p0 $0x0, s1;
	[sflag:s0] =	ssyncset.done @!p0 $0x0  }
0xae: {  	[sflag:s0] =	ssyncadd.s32 @!p0 s1  }
0xaf: {  	[bflag:$0x3] =	sbarrier.arrive $0xFFFF  }
0xb0: {  	_ =	shalt  }

// kernel: kernel.17.cloned.1.call-start
scs
__scs_entry_jumppad:
0x0: {  	(pc) =	sbr.rel $0x88, $3  }
0x1: {  	(tag) =	ssettag $0x0;
	lr =	simm.s32 $0x1  }
0x2: {  	[smem:$0x3F98] =	sst lr;
	_ =	strace $0xD0000000  }
0x3: {  	_ = 	snop  }
0x4: {  	_ = 	snop  }
0x5: {  	_ = 	snop  }
0x6: {  	_ = 	snop  }
0x7: {  	_ = 	snop  }
__scs_overlays_trampoline_lowered:
0x8: {  	[smem:$0x3FA7] =	sst s0  }
0x9: {  	[smem:$0x3FA8] =	sst s1  }
0xa: {  	[smem:$0x3FA9] =	sst s2  }
0xb: {  	[smem:$0x3FAA] =	sst s3  }
0xc: {  	[smem:$0x3FAB] =	sst s4  }
0xd: {  	[smem:$0x3FAC] =	sst s5  }
0xe: {  	[smem:$0x3FAD] =	sst s6  }
0xf: {  	[smem:$0x3FAE] =	sst s7  }
0x10: {  	[smem:$0x3FAF] =	sst s8  }
0x11: {  	[smem:$0x3FB0] =	sst s9;
	s0 =	simm.s32 @!p0 $0x0  }
0x12: {  	s1 =	sld [smem:$0x3F96];
	s0 =	simm.s32 @p0 $0x1  }
0x13: {  	[smem:$0x3FB1] =	sst s0;
	s0 =	simm.s32 @!p1 $0x0  }
0x14: {  	s2 =	sld [smem:$0x3F95];
	s0 =	simm.s32 @p1 $0x1  }
0x15: {  	[smem:$0x3FB2] =	sst s0;
	s0 =	simm.s32 @!p2 $0x0  }
0x16: {  	s3 =	sld [smem:$0x3FDB];
	s0 =	simm.s32 @p2 $0x1  }
0x17: {  	s4 =	simm.s32 $0x1BF5;
	[smem:$0x3FB4] =	sst s0  }
0x18: {  	s0 =	sld [smem:$0x3F97];
	_ =	swait.ge [sflag:s4], $0x0  }
0x19: {  	s7 =	sld [smem:$0x3F98]  }
0x1a: {  	s8 =	sadd.s32 $0xFFFFE003, lr  }
0x1b: {  	s9 =	sadd.s32 $0xFFFFFEF7, lr;
	s5 =	simm.s32 $0xFFFFFFFF;
	p2 =	slt.u32 s8, $0xFFFFF086  }
0x1c: {  	p1 =	slt.u32 s9, $0xF7A;
	s5 =	simm.s32 @!p2 $0x0  }
0x1d: {  	s5 =	simm.s32 @p1 $0x1;
	p0 =	seq.s32 s7, s2  }
0x1e: {  	s7 =	smul.u32 @!p0 $0xF7A, s2;
	p2 =	seq.s32 @!p0 s5, $0x0  }
0x1f: {  	s9 =	smul.u32 $0xF7A, s1;
	s8 =	simm.s32 @!p0 $0x1BF5;
	p2 =	por !p2, p0  }
0x20: {  	[sflag:s8] =	ssyncset.s32 @!p0 $0xFFFFF086;
	s6 =	sadd.s32 @!p0 s3, s7;
	s7 =	simm.s32 @!p0 $0x108  }
0x21: {  	s3 =	sadd.s32 s3, s9;
	s6 =	sadd.s32 @!p0 $0x88, s6;
	s7 =	simm.s32 @p2 $0x1082  }
0x22: {  	[simem:s7], [sflag:s8] =	dma.local @!p0 [hbm:s6], $0xF7A  }
0x23: {  	s9 =	sor.u32 $0xD0000000, s2;
	s6 =	simm.s32 $0x108;
	_ =	swait.ge @!p0 [sflag:s8], $0x0  }
0x24: {  	s3 =	sadd.s32 $0x88, s3;
	s6 =	simm.s32 @!p1 $0x1082;
	[sflag:s4] =	ssyncset.s32 $0xFFFFF086  }
0x25: {  	[simem:s6], [sflag:s4] =	dma.local [hbm:s3], $0xF7A  }
0x26: {  	[smem:$0x3F98] =	sst s1;
	(tag) =	ssettag s2;
	_ =	strace s9  }
0x27: {  	s1 =	sld [smem:$0x3FA8]  }
0x28: {  	s2 =	sld [smem:$0x3FA9]  }
0x29: {  	s4 =	sld [smem:$0x3FAB]  }
0x2a: {  	p0 =	seq.s32 s5, $0x0;
	s5 =	sld [smem:$0x3FAC]  }
0x2b: {  	s6 =	sld [smem:$0x3FAD]  }
0x2c: {  	s7 =	sld [smem:$0x3FAE]  }
0x2d: {  	s3 =	simm.s32 $0x108;
	s8 =	sld [smem:$0x3FAF]  }
0x2e: {  	s3 =	simm.s32 @!p0 $0x1082;
	s9 =	sld [smem:$0x3FB0]  }
0x2f: {  	lr =	sadd.s32 s0, s3;
	s0 =	sld [smem:$0x3FA7]  }
0x30: {  	s3 =	sld [smem:$0x3FAA]  }
0x31: {  	[smem:$0x3FB3] =	sst s10  }
0x32: {  	s10 =	sld [smem:$0x3FB1];
	_ =	sdelay $0x3  }
0x33: {  	p0 =	seq.s32 s10, $0x1;
	s10 =	sld [smem:$0x3FB3];
	_ =	sdelay $0x3  }
0x34: {  	[smem:$0x3FB3] =	sst s10  }
0x35: {  	s10 =	sld [smem:$0x3FB2];
	_ =	sdelay $0x3  }
0x36: {  	p1 =	seq.s32 s10, $0x1;
	s10 =	sld [smem:$0x3FB3];
	_ =	sdelay $0x3  }
0x37: {  	[smem:$0x3FB3] =	sst s10  }
0x38: {  	s10 =	sld [smem:$0x3FB4]  }
0x39: {  	_ = 	snop;
	(pc) =	sbr.ind lr, $3  }
0x3a: {  	_ = 	snop  }
0x3b: {  	_ = 	snop  }
0x3c: {  	p2 =	seq.s32 s10, $0x1;
	s10 =	sld [smem:$0x3FB3]  }
0x3d: {  	_ =	shalt  }
0x3e: {  	_ =	shalt  }
0x3f: {  	_ =	shalt  }
0x40: {  	_ =	shalt  }
0x41: {  	_ =	shalt  }
0x42: {  	_ =	shalt  }
0x43: {  	_ =	shalt  }
0x44: {  	_ =	shalt  }
0x45: {  	_ =	shalt  }
0x46: {  	_ =	shalt  }
0x47: {  	_ =	shalt  }
0x48: {  	_ =	shalt  }
0x49: {  	_ =	shalt  }
0x4a: {  	_ =	shalt  }
0x4b: {  	_ =	shalt  }
0x4c: {  	_ =	shalt  }
0x4d: {  	_ =	shalt  }
0x4e: {  	_ =	shalt  }
0x4f: {  	_ =	shalt  }
0x50: {  	_ =	shalt  }
0x51: {  	_ =	shalt  }
0x52: {  	_ =	shalt  }
0x53: {  	_ =	shalt  }
0x54: {  	_ =	shalt  }
0x55: {  	_ =	shalt  }
0x56: {  	_ =	shalt  }
0x57: {  	_ =	shalt  }
0x58: {  	_ =	shalt  }
0x59: {  	_ =	shalt  }
0x5a: {  	_ =	shalt  }
0x5b: {  	_ =	shalt  }
0x5c: {  	_ =	shalt  }
0x5d: {  	_ =	shalt  }
0x5e: {  	_ =	shalt  }
0x5f: {  	_ =	shalt  }
0x60: {  	_ =	shalt  }
0x61: {  	_ =	shalt  }
0x62: {  	_ =	shalt  }
0x63: {  	_ =	shalt  }
0x64: {  	_ =	shalt  }
0x65: {  	_ =	shalt  }
0x66: {  	_ =	shalt  }
0x67: {  	_ =	shalt  }
0x68: {  	_ =	shalt  }
0x69: {  	_ =	shalt  }
0x6a: {  	_ =	shalt  }
0x6b: {  	_ =	shalt  }
0x6c: {  	_ =	shalt  }
0x6d: {  	_ =	shalt  }
0x6e: {  	_ =	shalt  }
0x6f: {  	_ =	shalt  }
0x70: {  	_ =	shalt  }
0x71: {  	_ =	shalt  }
0x72: {  	_ =	shalt  }
0x73: {  	_ =	shalt  }
0x74: {  	_ =	shalt  }
0x75: {  	_ =	shalt  }
0x76: {  	_ =	shalt  }
0x77: {  	_ =	shalt  }
0x78: {  	_ =	shalt  }
0x79: {  	_ =	shalt  }
0x7a: {  	_ =	shalt  }
0x7b: {  	_ =	shalt  }
0x7c: {  	_ =	shalt  }
0x7d: {  	_ =	shalt  }
0x7e: {  	_ =	shalt  }
0x7f: {  	_ =	shalt  }
0x80: {  	_ =	shalt  }
0x81: {  	_ =	shalt  }
0x82: {  	_ =	shalt  }
0x83: {  	_ =	shalt  }
0x84: {  	_ =	shalt  }
0x85: {  	_ =	shalt  }
0x86: {  	_ =	shalt  }
0x87: {  	_ =	shalt  }
.Lfunc_end0:
.L_simem_size_0:
called_computation.2_lowered:
.L_overlay_start_0:
0x88: {  	s2 =	sld [smem:$0x3FD9]  }
0x89: {  	s3 =	sld [smem:$0x3FFE];
	_ =	sdelay $0x1  }
0x8a: {  	s1 =	srdreg.scid  }
0x8b: {  	s0 =	sand.u32 $0x1, s1  }
0x8c: {  	s17 =	sshll.u32 s0, $0xA;
	s2 =	sadd.s32 s3, s2  }
0x8d: {  	s2 =	sadd.s32 s2, s17  }
0x8e: {  	[smem:$0x3FBF] =	sst s2  }
0x8f: {  	_ = 	snop  }
0x90: {  	s2 =	sld [smem:$0x3FD0];
	(tm) =	ssettm $0x1  }
0x91: {  	s18 =	sld [smem:$0x3FFB];
	_ =	sdelay $0x3  }
0x92: {  	_ =	strace s18  }
0x93: {  	s3 =	sld [smem:$0x3FFC];
	_ =	sdelay $0x3  }
0x94: {  	_ =	strace s3  }
0x95: {  	s3 =	sld [smem:$0x3FFD];
	_ =	sdelay $0x3  }
0x96: {  	_ =	strace s3  }
0x97: {  	_ =	strace $0x8FFFFFFF  }
0x98: {  	s19 =	sld [smem:$0x3FDB];
	_ =	sdelay $0x1  }
0x99: {  	s4 =	simm.s32 $_scs_section_size  }
0x9a: {  	s5 =	simm.s32 $_size__tile_overlayer_lowered;
	s6 =	simm.s32 $_tile_overlayer_lowered  }
0x9b: {  	s22 =	simm.s32 $0x1BFF;
	s21 =	sshll.u32 s6, $0x1;
	s3 =	sadd.s32 s4, s19  }
0x9c: {  	s7 =	simm.s32 $0x0;
	s20 =	sshll.u32 s5, $0x1;
	s5 =	sadd.s32 s21, s3  }
0x9d: {  	[timem:s7], [sflag:s22] =	dma.local [hbm:s5], s20  }
0x9e: {  	_ =	swait.ge [sflag:s22], s20  }
0x9f: {  	s4 =	ssub.s32 $0x0, s20;
	[sflag:s22] =	ssyncset.done $0x0  }
0xa0: {  	[sflag:s22] =	ssyncadd.s32 s4;
	_ =	sdelay $0x1  }
0xa1: {  	s23 =	simm.s32 $0x1B8B  }
0xa2: {  	_ =	swait.ge [sflag:s23], $0x1  }
0xa3: {  	[sflag:s23] =	ssyncset.done $0x0  }
0xa4: {  	s25 =	simm.s32 $0x1B8E;
	s24 =	sld [smem:$0x3FFE];
	[sflag:s23] =	ssyncadd.s32 $0xFFFFFFFF  }
0xa5: {  	s26 =	simm.s32 $execute0_lowered;
	[smem:$0x3FD2] =	sst s25  }
0xa6: {  	s5 =	sshll.u32 s26, $0x1;
	_ =	strace $0x8000004C;
	[dreg:$0x1] =	wrdreg $0xFFFFFFFF  }
0xa7: {  	s28 =	simm.s32 $_size_execute0_lowered;
	s3 =	sadd.s32 s3, s5;
	[dreg:$0x0] =	wrdreg $0x0  }
0xa8: {  	s5 =	sshll.u32 s28, $0x1;
	[dreg:$0x2] =	wrdreg s3  }
0xa9: {  	[dreg:$0x3] =	wrdreg s5  }
0xaa: {  	[dreg:$0x4] =	wrdreg $0xC0  }
0xab: {  	_ =	task [dreg:s7], $0x5FFFF  }
0xac: {  	[dreg:$0x1] =	wrdreg $0xFFFFFFFF  }
0xad: {  	[dreg:$0x0] =	wrdreg $0x60  }
0xae: {  	[dreg:$0x2] =	wrdreg s24  }
0xaf: {  	[dreg:$0x3] =	wrdreg s2  }
0xb0: {  	[dreg:$0x4] =	wrdreg $0xA8000  }
0xb1: {  	[dreg:$0x5] =	wrdreg $0x9  }
0xb2: {  	_ =	task.clear_ibuf [dreg:s7], $0x6FFFF;
	_ =	strace $0x9000004C  }
0xb3: {  	s29 =	simm.s32 $0x9;
	_ =	strace $0x8000004E  }
0xb4: {  	_ =	swait.ge [sflag:s29], $0x1  }
0xb5: {  	[sflag:s29] =	ssyncadd.s32 $0xFFFFFFFF  }
0xb6: {  	_ =	strace $0x9000004E  }
0xb7: {  	_ =	sfence  }
0xb8: {  	s30 =	sld [smem:$0x0];
	_ =	sdelay $0x2  }
0xb9: {  	s31 =	sshll.u32 s1, $0xD;
	s1 =	sshrl.u32 s1, $0x2  }
0xba: {  	s3 =	sand.u32 $0x4000, s31;
	s1 =	sadd.s32 s1, s30  }
0xbb: {  	s0 =	sor.u32 s3, s0;
	s1 =	sshll.u32 s1, $0x11  }
0xbc: {  	s0 =	sor.u32 s1, s0  }
0xbd: {  	s0 =	sadd.s32 $0x8F2B, s0  }
0xbe: {  	[sflag:s0] =	ssyncadd.remote.s32 $0x1  }
0xbf: {  	_ =	sfence.sel $0xFFFF  }
0xc0: {  	[dreg:$0x0] =	wrdreg $0xFFFFFFFF;
	(pc) =	sbr.abs _section_cstart, $3  }
0xc1: {  	[dreg:$0x1] =	wrdreg $0xFFFFFFFF  }
0xc2: {  	_ =	task.clear_ibuf [dreg:s7], $0x2FFFF;
	_ =	strace $0x9FFFFFFF  }
0xc3: {  	(tm) =	ssettm $0x7FFFFFFF  }
tec
execute0_lowered:
.L_overlay_start_1:
0x0: {  	(tag) =	ssettag $0x1  }
0x1: {  	s0 =	rddreg [dreg:$0x0]  }
0x2: {  	s9 =	rddreg [dreg:$0x1]  }
0x3: {  	s1 =	rddreg [dreg:$0x2];
	s2 =	simm.s32 $0x0;
	s14 =	stileid.u32  }
0x4: {  	s4 =	srdreg.scid;
	s29 =	simm.s32 $0x3;
	s30 =	simm.s32 $0x4  }
0x5: {  	s31 =	simm.s32 $0x0;
	[smem:$0x7FF] =	sst s2;
	s10 =	smul.u32 $0x13800, s14  }
0x6: {  	s3 =	sadd.s32 $0xC200, s0;
	s11 =	sadd.s32 $0x2200, s0;
	s7 =	sand.u32 $0x1, s4  }
0x7: {  	s6 =	smul.u32 $0x4E000, s14;
	s12 =	sadd.s32 $0x5A600, s0;
	s21 =	sshll.u32 s14, $0x6  }
0x8: {  	s16 =	sadd.s32 $0x138000, s1;
	s23 =	sshll.u32 s14, $0x8;
	p0 =	sne.s32 s14, $0x0  }
0x9: {  	_ =	strace $0x8000004D;
	s5 =	ssub.s32 $0x2, s7;
	s17 =	sshll.u32 s7, $0x7  }
0xa: {  	s25 =	smul.u32 $0x138800, s7;
	s16 =	sshrl.u32 @!p0 s16, $0x3;
	s19 =	sshrl.u32 s10, $0x3  }
0xb: {  	s8 =	sshrl.u32 s5, $0x1;
	s20 =	sshrl.u32 s6, $0x2;
	s24 =	sor.u32 s17, s23  }
0xc: {  	s23 =	simm.s32 $0x6800;
	s4 =	sadd.s32 s19, s0;
	s13 =	ssub.s32 s5, s8  }
0xd: {  	s15 =	sadd.s32 s20, s1;
	s5 =	sor.u32 $0x1C05, s21;
	s0 =	sadd.s32 $0x5A400, s0  }
0xe: {  	s26 =	sadd.s32 s9, s24;
	s8 =	sadd.s32 s11, s24;
	s18 =	sadd.s32 s10, s25  }
0xf: {  	s17 =	sshrl.u32 s25, $0x3;
	s19 =	simm.s32 $0x40;
	s20 =	simm.s32 $0x2800  }
0x10: {  	s21 =	simm.s32 $0x4800;
	s25 =	simm.s32 $0x8800;
	[dreg:$0x5] =	wrdreg s0  }
0x11: {  	s22 =	sadd.s32 $0x33400, s4;
	[dreg:$0x6] =	wrdreg s26;
	s0 =	sor.u32 $0x5000, s24  }
.Ltmp0:
0x12: {  	s28 =	sshrl.u32 s18, $0x3;
	s17 =	sadd.s32 s12, s17;
	(pc) =	sbr.rel .LBB2_1-.Ltmp0, $4  }
0x13: {  	s13 =	smax.u32 s13, $0x1;
	s14 =	sshrl.u32 s15, $0x3;
	s15 =	simm.s32 $0x5  }
0x14: {  	s18 =	simm.s32 $0x8000;
	s24 =	simm.s32 $0xC0;
	[dreg:$0x4] =	wrdreg s22  }
0x15: {  	s9 =	sadd.s32 s9, s0;
	s10 =	sadd.s32 s11, s0;
	s11 =	sadd.s32 s12, s28  }
0x16: {  	s12 =	sadd.s32 $0x27000, s17;
	s17 =	simm.s32 $0x400;
	s22 =	simm.s32 $0x80  }
.LBB2_9:
0x17: {  	[bflag:$0x0] =	sbarrier.arrive $0xFFFF  }
0x18: {  	[hbm:s11], [sflag:s5] =	dma.local [spmem:s14], $0x2700  }
0x19: {  	s31 =	sadd.s32 $0x1, s31;
	_ =	swait.ge [sflag:s15], $0x2700  }
0x1a: {  	p1 =	sne.s32 s31, s13;
	[sflag:s15] =	ssyncset.done $0x0  }
.Ltmp1:
0x1b: {  	s0 =	simm.s32 @!p0 $0x5;
	[sflag:s15] =	ssyncadd.s32 $0xFFFFD900;
	(pc) =	sbr.rel @!p1 .LBB2_10-.Ltmp1, $4  }
0x1c: {  	[hbm:s12], [sflag:s5] =	dma.local @!p0 [spmem:s16], $0x100  }
0x1d: {  	_ =	swait.ge @!p0 [sflag:s0], $0x100  }
0x1e: {  	[sflag:s0] =	ssyncset.done @!p0 $0x0  }
0x1f: {  	[sflag:s0] =	ssyncadd.s32 @!p0 $0xFFFFFF00  }
.LBB2_1:
0x20: {  	s0 =	rddreg [dreg:$0x4]  }
0x21: {  	[spmem:s14], [sflag:s5] =	dma.local [hbm:s0], $0x2700  }
0x22: {  	_ =	swait.ge [sflag:s15], $0x2700  }
0x23: {  	[sflag:s15] =	ssyncset.done $0x0  }
0x24: {  	s0 =	rddreg [dreg:$0x5];
	[sflag:s15] =	ssyncadd.s32 $0xFFFFD900  }
0x25: {  	[spmem:s16], [sflag:s5] =	dma.local @!p0 [hbm:s0], $0x100  }
0x26: {  	s0 =	simm.s32 @!p0 $0x5  }
0x27: {  	_ =	swait.ge @!p0 [sflag:s0], $0x100  }
0x28: {  	[sflag:s0] =	ssyncset.done @!p0 $0x0  }
0x29: {  	[sflag:s0] =	ssyncadd.s32 @!p0 $0xFFFFFF00  }
0x2a: {  	[bflag:$0x0] =	sbarrier.arrive $0xFFFF  }
0x2b: {  	s2 =	simm.s32 $0x0;
	s26 =	rddreg [dreg:$0x6]  }
0x2c: {  	[tilespmem:s2], [sflag:$0x5] =	stream.strided.gather [hbm4b:s26+s17], $0x1400, s18, s17, $0x38;
	[tilespmem:$0x1E0C0] =	vst v63  }
0x2d: {  	_ =	swait.ge [sflag:s15], $0x1400  }
0x2e: {  	[sflag:s15] =	ssyncset.done $0x0  }
0x2f: {  	s0 =	simm.s32 $0x1400;
	[sflag:s15] =	ssyncadd.s32 $0xFFFFEC00  }
0x30: {  	[tilespmem:s0], [sflag:$0x5] =	stream.strided.gather [hbm4b:s8+s17], $0x1400, s18, s17, $0x38;
	[tilespmem:$0x1E0C0] =	vst v63  }
0x31: {  	_ =	swait.ge [sflag:s15], $0x1400  }
0x32: {  	[sflag:s15] =	ssyncset.done $0x0  }
0x33: {  	[sflag:s15] =	ssyncadd.s32 $0xFFFFEC00  }
0x34: {  	[tilespmem:s20], [sflag:$0x1] =	stream.indirect.gather [hbm4b:s3+s19], $0x80, s2, s19, $0xb8;
	[tilespmem:$0x1E0C0] =	vst v63  }
0x35: {  	_ = 	snop  }
0x36: {  	[tilespmem:s21], [sflag:$0x2] =	stream.indirect.gather [hbm4b:s3+s19], $0x80, s19, s19, $0xb8;
	[tilespmem:$0x1E0C0] =	vst v63  }
.Ltmp2:
0x37: {  	_ = 	snop;
	(pc) =	sbr.rel .LBB2_2-.Ltmp2, $4  }
0x38: {  	_ = 	snop  }
0x39: {  	[tilespmem:s23], [sflag:$0x3] =	stream.indirect.gather [hbm4b:s3+s19], $0x80, s22, s19, $0xb8;
	[tilespmem:$0x1E0C0] =	vst v63  }
0x3a: {  	s28 =	simm.s32 $0x0;
	s26 =	simm.s32 $0x140  }
0x3b: {  	[tilespmem:s25], [sflag:$0x4] =	stream.indirect.gather [hbm4b:s3+s19], $0x80, s24, s19, $0xb8;
	[tilespmem:$0x1E0C0] =	vst v63  }
.LBB2_4:
0x3c: {  	s28 =	sadd.s32 $0x1, s28  }
0x3d: {  	p1 =	sne.s32 s28, $0x28  }
.Ltmp3:
0x3e: {  	_ = 	snop;
	(pc) =	sbr.rel @!p1 .LBB2_5-.Ltmp3, $2  }
0x3f: {  	_ =	sdelay $0x2  }
0x40: {  	s0 =	sadd.s32 $0x80, s0;
	s26 =	sadd.s32 $0x80, s26  }
.LBB2_2:
0x41: {  	s2 =	sand.u32 $0x1, s28  }
0x42: {  	p1 =	seq.s32 s2, $0x1  }
0x43: {  	s4 =	simm.s32 @!p1 $0x1  }
0x44: {  	_ =	swait.ge @!p1 [sflag:s4], $0x2000  }
0x45: {  	[sflag:s4] =	ssyncset.done @!p1 $0x0  }
0x46: {  	[sflag:s4] =	ssyncadd.s32 @!p1 $0xFFFFE000;
	s4 =	simm.s32 @!p1 $0x2  }
0x47: {  	_ =	swait.ge @!p1 [sflag:s4], $0x2000  }
0x48: {  	[sflag:s4] =	ssyncset.done @!p1 $0x0  }
0x49: {  	s6 =	simm.s32 @!p1 $0x2800;
	[sflag:s4] =	ssyncadd.s32 @!p1 $0xFFFFE000;
	s4 =	simm.s32 @!p1 $0x80  }
0x4a: {  	[spmem:s1] =	stream.indirect.scatter.add.f32 @!p1 [tilespmem:s6], [sflag:$0x5], $0x80, s0, s4, $0xb8;
	[tilespmem:$0x1E0C0] =	vst v63  }
0x4b: {  	p2 =	sgt.u32 @!p1 s28, $0x25;
	s4 =	simm.s32 @!p1 $0x5  }
0x4c: {  	p2 =	por p2, p1;
	_ =	swait.ge @!p1 [sflag:s4], $0x4000  }
0x4d: {  	s7 =	simm.s32 @!p2 $0x2800;
	[sflag:s4] =	ssyncset.done @!p1 $0x0  }
0x4e: {  	s6 =	simm.s32 @!p2 $0x40;
	[sflag:s4] =	ssyncadd.s32 @!p1 $0xFFFFC000;
	s4 =	sadd.s32 @!p2 $0xFFFFFFC0, s26  }
0x4f: {  	[tilespmem:s7], [sflag:$0x1] =	stream.indirect.gather @!p2 [hbm4b:s3+s6], $0x80, s4, s6, $0xb8;
	[tilespmem:$0x1E0C0] =	vst v63  }
0x50: {  	s4 =	simm.s32 @!p2 $0x4800  }
0x51: {  	[tilespmem:s4], [sflag:$0x2] =	stream.indirect.gather @!p2 [hbm4b:s3+s6], $0x80, s26, s6, $0xb8;
	[tilespmem:$0x1E0C0] =	vst v63  }
0x52: {  	p2 =	seq.s32 @!p1 s2, $0x0  }
0x53: {  	p1 =	por p1, !p2  }
.Ltmp4:
0x54: {  	_ = 	snop;
	(pc) =	sbr.rel @!p1 .LBB2_4-.Ltmp4, $1  }
0x55: {  	_ =	sdelay $0x3  }
0x56: {  	_ =	swait.ge [sflag:s29], $0x2000  }
0x57: {  	[sflag:s29] =	ssyncset.done $0x0  }
0x58: {  	[sflag:s29] =	ssyncadd.s32 $0xFFFFE000  }
0x59: {  	_ =	swait.ge [sflag:s30], $0x2000  }
0x5a: {  	[sflag:s30] =	ssyncset.done $0x0  }
0x5b: {  	[sflag:s30] =	ssyncadd.s32 $0xFFFFE000  }
0x5c: {  	[spmem:s1] =	stream.indirect.scatter.add.f32 [tilespmem:s23], [sflag:$0x5], $0x80, s0, s22, $0xb8;
	[tilespmem:$0x1E0C0] =	vst v63  }
0x5d: {  	p1 =	sgt.u32 s28, $0x25;
	_ =	swait.ge [sflag:s15], $0x4000  }
.Ltmp5:
0x5e: {  	s2 =	sadd.s32 @!p1 $0xFFFFFFC0, s26;
	[sflag:s15] =	ssyncset.done $0x0;
	(pc) =	sbr.rel .LBB2_4-.Ltmp5, $4  }
0x5f: {  	s4 =	simm.s32 @!p1 $0x40;
	s6 =	simm.s32 @!p1 $0x6800;
	[sflag:s15] =	ssyncadd.s32 $0xFFFFC000  }
0x60: {  	[tilespmem:s6], [sflag:$0x3] =	stream.indirect.gather @!p1 [hbm4b:s3+s4], $0x80, s2, s4, $0xb8;
	[tilespmem:$0x1E0C0] =	vst v63  }
0x61: {  	s2 =	simm.s32 @!p1 $0x8800  }
0x62: {  	[tilespmem:s2], [sflag:$0x4] =	stream.indirect.gather @!p1 [hbm4b:s3+s4], $0x80, s26, s4, $0xb8;
	[tilespmem:$0x1E0C0] =	vst v63  }
.LBB2_5:
0x63: {  	s0 =	simm.s32 $0x0  }
0x64: {  	[tilespmem:s0], [sflag:$0x5] =	stream.strided.gather [hbm4b:s9+s17], $0x1000, s18, s17, $0x38;
	[tilespmem:$0x1E0C0] =	vst v63  }
0x65: {  	s2 =	sadd.s32 $0x4000, s9;
	s4 =	simm.s32 $0x1000  }
0x66: {  	[tilespmem:s4], [sflag:$0x5] =	stream.linear.gather [hbm4b:s2+s0], $0x380, $0x38;
	[tilespmem:$0x1E0C0] =	vst v63  }
0x67: {  	_ =	swait.ge [sflag:s15], $0x1380  }
0x68: {  	[sflag:s15] =	ssyncset.done $0x0  }
0x69: {  	s26 =	simm.s32 $0x1400;
	[sflag:s15] =	ssyncadd.s32 $0xFFFFEC80  }
0x6a: {  	[tilespmem:s26], [sflag:$0x5] =	stream.strided.gather [hbm4b:s10+s17], $0x1000, s18, s17, $0x38;
	[tilespmem:$0x1E0C0] =	vst v63  }
0x6b: {  	s6 =	sadd.s32 $0x4000, s10;
	s7 =	simm.s32 $0x2400  }
0x6c: {  	[tilespmem:s7], [sflag:$0x5] =	stream.linear.gather [hbm4b:s6+s0], $0x380, $0x38;
	[tilespmem:$0x1E0C0] =	vst v63  }
0x6d: {  	_ =	swait.ge [sflag:s15], $0x1380  }
0x6e: {  	[sflag:s15] =	ssyncset.done $0x0  }
0x6f: {  	[sflag:s15] =	ssyncadd.s32 $0xFFFFEC80  }
0x70: {  	[tilespmem:s20], [sflag:$0x1] =	stream.indirect.gather [hbm4b:s3+s19], $0x80, s0, s19, $0xb8;
	[tilespmem:$0x1E0C0] =	vst v63  }
0x71: {  	_ = 	snop  }
0x72: {  	[tilespmem:s21], [sflag:$0x2] =	stream.indirect.gather [hbm4b:s3+s19], $0x80, s19, s19, $0xb8;
	[tilespmem:$0x1E0C0] =	vst v63  }
.Ltmp6:
0x73: {  	_ = 	snop;
	(pc) =	sbr.rel .LBB2_6-.Ltmp6, $4  }
0x74: {  	_ = 	snop  }
0x75: {  	[tilespmem:s23], [sflag:$0x3] =	stream.indirect.gather [hbm4b:s3+s19], $0x80, s22, s19, $0xb8;
	[tilespmem:$0x1E0C0] =	vst v63  }
0x76: {  	s28 =	simm.s32 $0x140  }
0x77: {  	[tilespmem:s25], [sflag:$0x4] =	stream.indirect.gather [hbm4b:s3+s19], $0x80, s24, s19, $0xb8;
	[tilespmem:$0x1E0C0] =	vst v63  }
.LBB2_8:
0x78: {  	s0 =	sadd.s32 $0x1, s0  }
0x79: {  	p1 =	sne.s32 s0, $0x27  }
.Ltmp7:
0x7a: {  	_ = 	snop;
	(pc) =	sbr.rel @!p1 .LBB2_9-.Ltmp7, $2  }
0x7b: {  	_ =	sdelay $0x2  }
0x7c: {  	s26 =	sadd.s32 $0x80, s26;
	s28 =	sadd.s32 $0x80, s28  }
.LBB2_6:
0x7d: {  	s2 =	sand.u32 $0x1, s0  }
0x7e: {  	p1 =	seq.s32 s2, $0x1  }
0x7f: {  	s4 =	simm.s32 @!p1 $0x1  }
0x80: {  	_ =	swait.ge @!p1 [sflag:s4], $0x2000  }
0x81: {  	[sflag:s4] =	ssyncset.done @!p1 $0x0  }
0x82: {  	[sflag:s4] =	ssyncadd.s32 @!p1 $0xFFFFE000;
	s4 =	simm.s32 @!p1 $0x2  }
0x83: {  	_ =	swait.ge @!p1 [sflag:s4], $0x2000  }
0x84: {  	[sflag:s4] =	ssyncset.done @!p1 $0x0  }
0x85: {  	s6 =	simm.s32 @!p1 $0x2800;
	[sflag:s4] =	ssyncadd.s32 @!p1 $0xFFFFE000;
	s4 =	simm.s32 @!p1 $0x80  }
0x86: {  	[spmem:s1] =	stream.indirect.scatter.add.f32 @!p1 [tilespmem:s6], [sflag:$0x5], $0x80, s26, s4, $0xb8;
	[tilespmem:$0x1E0C0] =	vst v63  }
0x87: {  	p2 =	sgt.u32 @!p1 s0, $0x24;
	s4 =	simm.s32 @!p1 $0x5  }
0x88: {  	p2 =	por p2, p1;
	_ =	swait.ge @!p1 [sflag:s4], $0x4000  }
0x89: {  	s7 =	simm.s32 @!p2 $0x2800;
	[sflag:s4] =	ssyncset.done @!p1 $0x0  }
0x8a: {  	s6 =	simm.s32 @!p2 $0x40;
	[sflag:s4] =	ssyncadd.s32 @!p1 $0xFFFFC000;
	s4 =	sadd.s32 @!p2 $0xFFFFFFC0, s28  }
0x8b: {  	[tilespmem:s7], [sflag:$0x1] =	stream.indirect.gather @!p2 [hbm4b:s3+s6], $0x80, s4, s6, $0xb8;
	[tilespmem:$0x1E0C0] =	vst v63  }
0x8c: {  	s4 =	simm.s32 @!p2 $0x4800  }
0x8d: {  	[tilespmem:s4], [sflag:$0x2] =	stream.indirect.gather @!p2 [hbm4b:s3+s6], $0x80, s28, s6, $0xb8;
	[tilespmem:$0x1E0C0] =	vst v63  }
0x8e: {  	p2 =	seq.s32 @!p1 s2, $0x0  }
0x8f: {  	p1 =	por p1, !p2  }
.Ltmp8:
0x90: {  	_ = 	snop;
	(pc) =	sbr.rel @!p1 .LBB2_8-.Ltmp8, $1  }
0x91: {  	_ =	sdelay $0x3  }
0x92: {  	_ =	swait.ge [sflag:s29], $0x2000  }
0x93: {  	[sflag:s29] =	ssyncset.done $0x0  }
0x94: {  	[sflag:s29] =	ssyncadd.s32 $0xFFFFE000  }
0x95: {  	_ =	swait.ge [sflag:s30], $0x2000  }
0x96: {  	[sflag:s30] =	ssyncset.done $0x0  }
0x97: {  	[sflag:s30] =	ssyncadd.s32 $0xFFFFE000  }
0x98: {  	[spmem:s1] =	stream.indirect.scatter.add.f32 [tilespmem:s23], [sflag:$0x5], $0x80, s26, s22, $0xb8;
	[tilespmem:$0x1E0C0] =	vst v63  }
0x99: {  	p1 =	sgt.u32 s0, $0x24;
	_ =	swait.ge [sflag:s15], $0x4000  }
.Ltmp9:
0x9a: {  	s2 =	sadd.s32 @!p1 $0xFFFFFFC0, s28;
	[sflag:s15] =	ssyncset.done $0x0;
	(pc) =	sbr.rel .LBB2_8-.Ltmp9, $4  }
0x9b: {  	s4 =	simm.s32 @!p1 $0x40;
	s6 =	simm.s32 @!p1 $0x6800;
	[sflag:s15] =	ssyncadd.s32 $0xFFFFC000  }
0x9c: {  	[tilespmem:s6], [sflag:$0x3] =	stream.indirect.gather @!p1 [hbm4b:s3+s4], $0x80, s2, s4, $0xb8;
	[tilespmem:$0x1E0C0] =	vst v63  }
0x9d: {  	s2 =	simm.s32 @!p1 $0x8800  }
0x9e: {  	[tilespmem:s2], [sflag:$0x4] =	stream.indirect.gather @!p1 [hbm4b:s3+s4], $0x80, s28, s4, $0xb8;
	[tilespmem:$0x1E0C0] =	vst v63  }
.LBB2_10:
0x9f: {  	_ =	sfence.sel $0x180000  }
0xa0: {  	[bflag:$0x0] =	sbarrier.arrive $0xFFFF  }
0xa1: {  	_ =	strace $0x9000004D  }
0xa2: {  	[bflag:$0x2] =	sbarrier.arrive $0xFFFF  }
0xa3: {  	s0 =	rddreg [dreg:$0x3]  }
0xa4: {  	s0 =	sadd.s32 @!p0 $0x100000, s0  }
0xa5: {  	[sflag:s0] =	ssyncadd.tile.s32 @!p0 $0x1;
	_ =	shalt  }
.Lfunc_end2:
_tile_overlayer_lowered:
.L_overlay_start_2:
0xa6: {  	(tag) =	ssettag $0x2  }
0xa7: {  	s0 =	rddreg [dreg:$0x0];
	s2 =	stileid.u32  }
0xa8: {  	s1 =	rddreg [dreg:$0x1];
	p0 =	sne.s32 s2, $0x0  }
0xa9: {  	s3 =	rddreg [dreg:$0x2];
	[bflag:$0x3] =	sbarrier.arrive $0xFFFF;
	s2 =	simm.s32 @!p0 $0x1C05  }
0xaa: {  	[timem:s3], [sflag:s2] =	dma.local @!p0 [hbm:s0], s1  }
0xab: {  	s0 =	simm.s32 @!p0 $0x5  }
0xac: {  	_ =	swait.ge @!p0 [sflag:s0], s1  }
0xad: {  	s1 =	ssub.s32 @!p0 $0x0, s1;
	[sflag:s0] =	ssyncset.done @!p0 $0x0  }
0xae: {  	[sflag:s0] =	ssyncadd.s32 @!p0 s1  }
0xaf: {  	[bflag:$0x3] =	sbarrier.arrive $0xFFFF  }
0xb0: {  	_ =	shalt  }

// kernel: kernel.20.cloned.1.call-start
scs
__scs_entry_jumppad:
0x0: {  	(pc) =	sbr.rel $0x88, $3  }
0x1: {  	(tag) =	ssettag $0x0;
	lr =	simm.s32 $0x1  }
0x2: {  	[smem:$0x3F98] =	sst lr;
	_ =	strace $0xD0000000  }
0x3: {  	_ = 	snop  }
0x4: {  	_ = 	snop  }
0x5: {  	_ = 	snop  }
0x6: {  	_ = 	snop  }
0x7: {  	_ = 	snop  }
__scs_overlays_trampoline_lowered:
0x8: {  	[smem:$0x3FA7] =	sst s0  }
0x9: {  	[smem:$0x3FA8] =	sst s1  }
0xa: {  	[smem:$0x3FA9] =	sst s2  }
0xb: {  	[smem:$0x3FAA] =	sst s3  }
0xc: {  	[smem:$0x3FAB] =	sst s4  }
0xd: {  	[smem:$0x3FAC] =	sst s5  }
0xe: {  	[smem:$0x3FAD] =	sst s6  }
0xf: {  	[smem:$0x3FAE] =	sst s7  }
0x10: {  	[smem:$0x3FAF] =	sst s8  }
0x11: {  	[smem:$0x3FB0] =	sst s9;
	s0 =	simm.s32 @!p0 $0x0  }
0x12: {  	s1 =	sld [smem:$0x3F96];
	s0 =	simm.s32 @p0 $0x1  }
0x13: {  	[smem:$0x3FB1] =	sst s0;
	s0 =	simm.s32 @!p1 $0x0  }
0x14: {  	s2 =	sld [smem:$0x3F95];
	s0 =	simm.s32 @p1 $0x1  }
0x15: {  	[smem:$0x3FB2] =	sst s0;
	s0 =	simm.s32 @!p2 $0x0  }
0x16: {  	s3 =	sld [smem:$0x3FDB];
	s0 =	simm.s32 @p2 $0x1  }
0x17: {  	s4 =	simm.s32 $0x1BF5;
	[smem:$0x3FB4] =	sst s0  }
0x18: {  	s0 =	sld [smem:$0x3F97];
	_ =	swait.ge [sflag:s4], $0x0  }
0x19: {  	s7 =	sld [smem:$0x3F98]  }
0x1a: {  	s8 =	sadd.s32 $0xFFFFE003, lr  }
0x1b: {  	s9 =	sadd.s32 $0xFFFFFEF7, lr;
	s5 =	simm.s32 $0xFFFFFFFF;
	p2 =	slt.u32 s8, $0xFFFFF086  }
0x1c: {  	p1 =	slt.u32 s9, $0xF7A;
	s5 =	simm.s32 @!p2 $0x0  }
0x1d: {  	s5 =	simm.s32 @p1 $0x1;
	p0 =	seq.s32 s7, s2  }
0x1e: {  	s7 =	smul.u32 @!p0 $0xF7A, s2;
	p2 =	seq.s32 @!p0 s5, $0x0  }
0x1f: {  	s9 =	smul.u32 $0xF7A, s1;
	s8 =	simm.s32 @!p0 $0x1BF5;
	p2 =	por !p2, p0  }
0x20: {  	[sflag:s8] =	ssyncset.s32 @!p0 $0xFFFFF086;
	s6 =	sadd.s32 @!p0 s3, s7;
	s7 =	simm.s32 @!p0 $0x108  }
0x21: {  	s3 =	sadd.s32 s3, s9;
	s6 =	sadd.s32 @!p0 $0x88, s6;
	s7 =	simm.s32 @p2 $0x1082  }
0x22: {  	[simem:s7], [sflag:s8] =	dma.local @!p0 [hbm:s6], $0xF7A  }
0x23: {  	s9 =	sor.u32 $0xD0000000, s2;
	s6 =	simm.s32 $0x108;
	_ =	swait.ge @!p0 [sflag:s8], $0x0  }
0x24: {  	s3 =	sadd.s32 $0x88, s3;
	s6 =	simm.s32 @!p1 $0x1082;
	[sflag:s4] =	ssyncset.s32 $0xFFFFF086  }
0x25: {  	[simem:s6], [sflag:s4] =	dma.local [hbm:s3], $0xF7A  }
0x26: {  	[smem:$0x3F98] =	sst s1;
	(tag) =	ssettag s2;
	_ =	strace s9  }
0x27: {  	s1 =	sld [smem:$0x3FA8]  }
0x28: {  	s2 =	sld [smem:$0x3FA9]  }
0x29: {  	s4 =	sld [smem:$0x3FAB]  }
0x2a: {  	p0 =	seq.s32 s5, $0x0;
	s5 =	sld [smem:$0x3FAC]  }
0x2b: {  	s6 =	sld [smem:$0x3FAD]  }
0x2c: {  	s7 =	sld [smem:$0x3FAE]  }
0x2d: {  	s3 =	simm.s32 $0x108;
	s8 =	sld [smem:$0x3FAF]  }
0x2e: {  	s3 =	simm.s32 @!p0 $0x1082;
	s9 =	sld [smem:$0x3FB0]  }
0x2f: {  	lr =	sadd.s32 s0, s3;
	s0 =	sld [smem:$0x3FA7]  }
0x30: {  	s3 =	sld [smem:$0x3FAA]  }
0x31: {  	[smem:$0x3FB3] =	sst s10  }
0x32: {  	s10 =	sld [smem:$0x3FB1];
	_ =	sdelay $0x3  }
0x33: {  	p0 =	seq.s32 s10, $0x1;
	s10 =	sld [smem:$0x3FB3];
	_ =	sdelay $0x3  }
0x34: {  	[smem:$0x3FB3] =	sst s10  }
0x35: {  	s10 =	sld [smem:$0x3FB2];
	_ =	sdelay $0x3  }
0x36: {  	p1 =	seq.s32 s10, $0x1;
	s10 =	sld [smem:$0x3FB3];
	_ =	sdelay $0x3  }
0x37: {  	[smem:$0x3FB3] =	sst s10  }
0x38: {  	s10 =	sld [smem:$0x3FB4]  }
0x39: {  	_ = 	snop;
	(pc) =	sbr.ind lr, $3  }
0x3a: {  	_ = 	snop  }
0x3b: {  	_ = 	snop  }
0x3c: {  	p2 =	seq.s32 s10, $0x1;
	s10 =	sld [smem:$0x3FB3]  }
0x3d: {  	_ =	shalt  }
0x3e: {  	_ =	shalt  }
0x3f: {  	_ =	shalt  }
0x40: {  	_ =	shalt  }
0x41: {  	_ =	shalt  }
0x42: {  	_ =	shalt  }
0x43: {  	_ =	shalt  }
0x44: {  	_ =	shalt  }
0x45: {  	_ =	shalt  }
0x46: {  	_ =	shalt  }
0x47: {  	_ =	shalt  }
0x48: {  	_ =	shalt  }
0x49: {  	_ =	shalt  }
0x4a: {  	_ =	shalt  }
0x4b: {  	_ =	shalt  }
0x4c: {  	_ =	shalt  }
0x4d: {  	_ =	shalt  }
0x4e: {  	_ =	shalt  }
0x4f: {  	_ =	shalt  }
0x50: {  	_ =	shalt  }
0x51: {  	_ =	shalt  }
0x52: {  	_ =	shalt  }
0x53: {  	_ =	shalt  }
0x54: {  	_ =	shalt  }
0x55: {  	_ =	shalt  }
0x56: {  	_ =	shalt  }
0x57: {  	_ =	shalt  }
0x58: {  	_ =	shalt  }
0x59: {  	_ =	shalt  }
0x5a: {  	_ =	shalt  }
0x5b: {  	_ =	shalt  }
0x5c: {  	_ =	shalt  }
0x5d: {  	_ =	shalt  }
0x5e: {  	_ =	shalt  }
0x5f: {  	_ =	shalt  }
0x60: {  	_ =	shalt  }
0x61: {  	_ =	shalt  }
0x62: {  	_ =	shalt  }
0x63: {  	_ =	shalt  }
0x64: {  	_ =	shalt  }
0x65: {  	_ =	shalt  }
0x66: {  	_ =	shalt  }
0x67: {  	_ =	shalt  }
0x68: {  	_ =	shalt  }
0x69: {  	_ =	shalt  }
0x6a: {  	_ =	shalt  }
0x6b: {  	_ =	shalt  }
0x6c: {  	_ =	shalt  }
0x6d: {  	_ =	shalt  }
0x6e: {  	_ =	shalt  }
0x6f: {  	_ =	shalt  }
0x70: {  	_ =	shalt  }
0x71: {  	_ =	shalt  }
0x72: {  	_ =	shalt  }
0x73: {  	_ =	shalt  }
0x74: {  	_ =	shalt  }
0x75: {  	_ =	shalt  }
0x76: {  	_ =	shalt  }
0x77: {  	_ =	shalt  }
0x78: {  	_ =	shalt  }
0x79: {  	_ =	shalt  }
0x7a: {  	_ =	shalt  }
0x7b: {  	_ =	shalt  }
0x7c: {  	_ =	shalt  }
0x7d: {  	_ =	shalt  }
0x7e: {  	_ =	shalt  }
0x7f: {  	_ =	shalt  }
0x80: {  	_ =	shalt  }
0x81: {  	_ =	shalt  }
0x82: {  	_ =	shalt  }
0x83: {  	_ =	shalt  }
0x84: {  	_ =	shalt  }
0x85: {  	_ =	shalt  }
0x86: {  	_ =	shalt  }
0x87: {  	_ =	shalt  }
.Lfunc_end0:
.L_simem_size_0:
called_computation.3_lowered:
.L_overlay_start_0:
0x88: {  	s2 =	sld [smem:$0x3FD9]  }
0x89: {  	s3 =	sld [smem:$0x3FFE];
	_ =	sdelay $0x1  }
0x8a: {  	s1 =	srdreg.scid  }
0x8b: {  	s0 =	sand.u32 $0x1, s1  }
0x8c: {  	s17 =	sshll.u32 s0, $0xA;
	s2 =	sadd.s32 s3, s2  }
0x8d: {  	s2 =	sadd.s32 s2, s17  }
0x8e: {  	[smem:$0x3FBF] =	sst s2  }
0x8f: {  	_ = 	snop  }
0x90: {  	s2 =	sld [smem:$0x3FD0];
	(tm) =	ssettm $0x1  }
0x91: {  	s18 =	sld [smem:$0x3FFB];
	_ =	sdelay $0x3  }
0x92: {  	_ =	strace s18  }
0x93: {  	s3 =	sld [smem:$0x3FFC];
	_ =	sdelay $0x3  }
0x94: {  	_ =	strace s3  }
0x95: {  	s3 =	sld [smem:$0x3FFD];
	_ =	sdelay $0x3  }
0x96: {  	_ =	strace s3  }
0x97: {  	_ =	strace $0x8FFFFFFF  }
0x98: {  	s19 =	sld [smem:$0x3FDB];
	_ =	sdelay $0x1  }
0x99: {  	s4 =	simm.s32 $_scs_section_size  }
0x9a: {  	s5 =	simm.s32 $_size__tile_overlayer_lowered;
	s6 =	simm.s32 $_tile_overlayer_lowered  }
0x9b: {  	s22 =	simm.s32 $0x1BFF;
	s21 =	sshll.u32 s6, $0x1;
	s3 =	sadd.s32 s4, s19  }
0x9c: {  	s7 =	simm.s32 $0x0;
	s20 =	sshll.u32 s5, $0x1;
	s5 =	sadd.s32 s21, s3  }
0x9d: {  	[timem:s7], [sflag:s22] =	dma.local [hbm:s5], s20  }
0x9e: {  	_ =	swait.ge [sflag:s22], s20  }
0x9f: {  	s4 =	ssub.s32 $0x0, s20;
	[sflag:s22] =	ssyncset.done $0x0  }
0xa0: {  	[sflag:s22] =	ssyncadd.s32 s4;
	_ =	sdelay $0x1  }
0xa1: {  	s23 =	simm.s32 $0x1B8B  }
0xa2: {  	_ =	swait.ge [sflag:s23], $0x1  }
0xa3: {  	[sflag:s23] =	ssyncset.done $0x0  }
0xa4: {  	s25 =	simm.s32 $0x1B8E;
	s24 =	sld [smem:$0x3FFE];
	[sflag:s23] =	ssyncadd.s32 $0xFFFFFFFF  }
0xa5: {  	s26 =	simm.s32 $execute0_lowered;
	[smem:$0x3FD2] =	sst s25  }
0xa6: {  	s5 =	sshll.u32 s26, $0x1;
	_ =	strace $0x8000004F;
	[dreg:$0x1] =	wrdreg $0xFFFFFFFF  }
0xa7: {  	s28 =	simm.s32 $_size_execute0_lowered;
	s3 =	sadd.s32 s3, s5;
	[dreg:$0x0] =	wrdreg $0x0  }
0xa8: {  	s5 =	sshll.u32 s28, $0x1;
	[dreg:$0x2] =	wrdreg s3  }
0xa9: {  	[dreg:$0x3] =	wrdreg s5  }
0xaa: {  	[dreg:$0x4] =	wrdreg $0xC0  }
0xab: {  	_ =	task [dreg:s7], $0x5FFFF  }
0xac: {  	[dreg:$0x1] =	wrdreg $0xFFFFFFFF  }
0xad: {  	[dreg:$0x0] =	wrdreg $0x60  }
0xae: {  	[dreg:$0x2] =	wrdreg s24  }
0xaf: {  	[dreg:$0x3] =	wrdreg s2  }
0xb0: {  	[dreg:$0x4] =	wrdreg $0xA8000  }
0xb1: {  	[dreg:$0x5] =	wrdreg $0x9  }
0xb2: {  	_ =	task.clear_ibuf [dreg:s7], $0x6FFFF;
	_ =	strace $0x9000004F  }
0xb3: {  	s29 =	simm.s32 $0x9;
	_ =	strace $0x80000051  }
0xb4: {  	_ =	swait.ge [sflag:s29], $0x1  }
0xb5: {  	[sflag:s29] =	ssyncadd.s32 $0xFFFFFFFF  }
0xb6: {  	_ =	strace $0x90000051  }
0xb7: {  	_ =	sfence  }
0xb8: {  	s30 =	sld [smem:$0x0];
	_ =	sdelay $0x2  }
0xb9: {  	s31 =	sshll.u32 s1, $0xD;
	s1 =	sshrl.u32 s1, $0x2  }
0xba: {  	s3 =	sand.u32 $0x4000, s31;
	s1 =	sadd.s32 s1, s30  }
0xbb: {  	s0 =	sor.u32 s3, s0;
	s1 =	sshll.u32 s1, $0x11  }
0xbc: {  	s0 =	sor.u32 s1, s0  }
0xbd: {  	s0 =	sadd.s32 $0x8F2B, s0  }
0xbe: {  	[sflag:s0] =	ssyncadd.remote.s32 $0x1  }
0xbf: {  	_ =	sfence.sel $0xFFFF  }
0xc0: {  	[dreg:$0x0] =	wrdreg $0xFFFFFFFF;
	(pc) =	sbr.abs _section_cstart, $3  }
0xc1: {  	[dreg:$0x1] =	wrdreg $0xFFFFFFFF  }
0xc2: {  	_ =	task.clear_ibuf [dreg:s7], $0x2FFFF;
	_ =	strace $0x9FFFFFFF  }
0xc3: {  	(tm) =	ssettm $0x7FFFFFFF  }
tec
execute0_lowered:
.L_overlay_start_1:
0x0: {  	(tag) =	ssettag $0x1  }
0x1: {  	s0 =	rddreg [dreg:$0x0]  }
0x2: {  	s9 =	rddreg [dreg:$0x1]  }
0x3: {  	s1 =	rddreg [dreg:$0x2];
	s2 =	simm.s32 $0x0;
	s14 =	stileid.u32  }
0x4: {  	s4 =	srdreg.scid;
	s29 =	simm.s32 $0x3;
	s30 =	simm.s32 $0x4  }
0x5: {  	s31 =	simm.s32 $0x0;
	[smem:$0x7FF] =	sst s2;
	s10 =	smul.u32 $0x13800, s14  }
0x6: {  	s3 =	sadd.s32 $0xC200, s0;
	s11 =	sadd.s32 $0x2200, s0;
	s7 =	sand.u32 $0x1, s4  }
0x7: {  	s6 =	smul.u32 $0x4E000, s14;
	s12 =	sadd.s32 $0x5A600, s0;
	s21 =	sshll.u32 s14, $0x6  }
0x8: {  	s16 =	sadd.s32 $0x138000, s1;
	s23 =	sshll.u32 s14, $0x8;
	p0 =	sne.s32 s14, $0x0  }
0x9: {  	_ =	strace $0x80000050;
	s5 =	ssub.s32 $0x2, s7;
	s17 =	sshll.u32 s7, $0x7  }
0xa: {  	s25 =	smul.u32 $0x138800, s7;
	s16 =	sshrl.u32 @!p0 s16, $0x3;
	s19 =	sshrl.u32 s10, $0x3  }
0xb: {  	s8 =	sshrl.u32 s5, $0x1;
	s20 =	sshrl.u32 s6, $0x2;
	s24 =	sor.u32 s17, s23  }
0xc: {  	s23 =	simm.s32 $0x6800;
	s4 =	sadd.s32 s19, s0;
	s13 =	ssub.s32 s5, s8  }
0xd: {  	s15 =	sadd.s32 s20, s1;
	s5 =	sor.u32 $0x1C05, s21;
	s0 =	sadd.s32 $0x5A400, s0  }
0xe: {  	s26 =	sadd.s32 s9, s24;
	s8 =	sadd.s32 s11, s24;
	s18 =	sadd.s32 s10, s25  }
0xf: {  	s17 =	sshrl.u32 s25, $0x3;
	s19 =	simm.s32 $0x40;
	s20 =	simm.s32 $0x2800  }
0x10: {  	s21 =	simm.s32 $0x4800;
	s25 =	simm.s32 $0x8800;
	[dreg:$0x5] =	wrdreg s0  }
0x11: {  	s22 =	sadd.s32 $0x33400, s4;
	[dreg:$0x6] =	wrdreg s26;
	s0 =	sor.u32 $0x5000, s24  }
.Ltmp0:
0x12: {  	s28 =	sshrl.u32 s18, $0x3;
	s17 =	sadd.s32 s12, s17;
	(pc) =	sbr.rel .LBB2_1-.Ltmp0, $4  }
0x13: {  	s13 =	smax.u32 s13, $0x1;
	s14 =	sshrl.u32 s15, $0x3;
	s15 =	simm.s32 $0x5  }
0x14: {  	s18 =	simm.s32 $0x8000;
	s24 =	simm.s32 $0xC0;
	[dreg:$0x4] =	wrdreg s22  }
0x15: {  	s9 =	sadd.s32 s9, s0;
	s10 =	sadd.s32 s11, s0;
	s11 =	sadd.s32 s12, s28  }
0x16: {  	s12 =	sadd.s32 $0x27000, s17;
	s17 =	simm.s32 $0x400;
	s22 =	simm.s32 $0x80  }
.LBB2_9:
0x17: {  	[bflag:$0x0] =	sbarrier.arrive $0xFFFF  }
0x18: {  	[hbm:s11], [sflag:s5] =	dma.local [spmem:s14], $0x2700  }
0x19: {  	s31 =	sadd.s32 $0x1, s31;
	_ =	swait.ge [sflag:s15], $0x2700  }
0x1a: {  	p1 =	sne.s32 s31, s13;
	[sflag:s15] =	ssyncset.done $0x0  }
.Ltmp1:
0x1b: {  	s0 =	simm.s32 @!p0 $0x5;
	[sflag:s15] =	ssyncadd.s32 $0xFFFFD900;
	(pc) =	sbr.rel @!p1 .LBB2_10-.Ltmp1, $4  }
0x1c: {  	[hbm:s12], [sflag:s5] =	dma.local @!p0 [spmem:s16], $0x100  }
0x1d: {  	_ =	swait.ge @!p0 [sflag:s0], $0x100  }
0x1e: {  	[sflag:s0] =	ssyncset.done @!p0 $0x0  }
0x1f: {  	[sflag:s0] =	ssyncadd.s32 @!p0 $0xFFFFFF00  }
.LBB2_1:
0x20: {  	s0 =	rddreg [dreg:$0x4]  }
0x21: {  	[spmem:s14], [sflag:s5] =	dma.local [hbm:s0], $0x2700  }
0x22: {  	_ =	swait.ge [sflag:s15], $0x2700  }
0x23: {  	[sflag:s15] =	ssyncset.done $0x0  }
0x24: {  	s0 =	rddreg [dreg:$0x5];
	[sflag:s15] =	ssyncadd.s32 $0xFFFFD900  }
0x25: {  	[spmem:s16], [sflag:s5] =	dma.local @!p0 [hbm:s0], $0x100  }
0x26: {  	s0 =	simm.s32 @!p0 $0x5  }
0x27: {  	_ =	swait.ge @!p0 [sflag:s0], $0x100  }
0x28: {  	[sflag:s0] =	ssyncset.done @!p0 $0x0  }
0x29: {  	[sflag:s0] =	ssyncadd.s32 @!p0 $0xFFFFFF00  }
0x2a: {  	[bflag:$0x0] =	sbarrier.arrive $0xFFFF  }
0x2b: {  	s2 =	simm.s32 $0x0;
	s26 =	rddreg [dreg:$0x6]  }
0x2c: {  	[tilespmem:s2], [sflag:$0x5] =	stream.strided.gather [hbm4b:s26+s17], $0x1400, s18, s17, $0x38;
	[tilespmem:$0x1E0C0] =	vst v63  }
0x2d: {  	_ =	swait.ge [sflag:s15], $0x1400  }
0x2e: {  	[sflag:s15] =	ssyncset.done $0x0  }
0x2f: {  	s0 =	simm.s32 $0x1400;
	[sflag:s15] =	ssyncadd.s32 $0xFFFFEC00  }
0x30: {  	[tilespmem:s0], [sflag:$0x5] =	stream.strided.gather [hbm4b:s8+s17], $0x1400, s18, s17, $0x38;
	[tilespmem:$0x1E0C0] =	vst v63  }
0x31: {  	_ =	swait.ge [sflag:s15], $0x1400  }
0x32: {  	[sflag:s15] =	ssyncset.done $0x0  }
0x33: {  	[sflag:s15] =	ssyncadd.s32 $0xFFFFEC00  }
0x34: {  	[tilespmem:s20], [sflag:$0x1] =	stream.indirect.gather [hbm4b:s3+s19], $0x80, s2, s19, $0xb8;
	[tilespmem:$0x1E0C0] =	vst v63  }
0x35: {  	_ = 	snop  }
0x36: {  	[tilespmem:s21], [sflag:$0x2] =	stream.indirect.gather [hbm4b:s3+s19], $0x80, s19, s19, $0xb8;
	[tilespmem:$0x1E0C0] =	vst v63  }
.Ltmp2:
0x37: {  	_ = 	snop;
	(pc) =	sbr.rel .LBB2_2-.Ltmp2, $4  }
0x38: {  	_ = 	snop  }
0x39: {  	[tilespmem:s23], [sflag:$0x3] =	stream.indirect.gather [hbm4b:s3+s19], $0x80, s22, s19, $0xb8;
	[tilespmem:$0x1E0C0] =	vst v63  }
0x3a: {  	s28 =	simm.s32 $0x0;
	s26 =	simm.s32 $0x140  }
0x3b: {  	[tilespmem:s25], [sflag:$0x4] =	stream.indirect.gather [hbm4b:s3+s19], $0x80, s24, s19, $0xb8;
	[tilespmem:$0x1E0C0] =	vst v63  }
.LBB2_4:
0x3c: {  	s28 =	sadd.s32 $0x1, s28  }
0x3d: {  	p1 =	sne.s32 s28, $0x28  }
.Ltmp3:
0x3e: {  	_ = 	snop;
	(pc) =	sbr.rel @!p1 .LBB2_5-.Ltmp3, $2  }
0x3f: {  	_ =	sdelay $0x2  }
0x40: {  	s0 =	sadd.s32 $0x80, s0;
	s26 =	sadd.s32 $0x80, s26  }
.LBB2_2:
0x41: {  	s2 =	sand.u32 $0x1, s28  }
0x42: {  	p1 =	seq.s32 s2, $0x1  }
0x43: {  	s4 =	simm.s32 @!p1 $0x1  }
0x44: {  	_ =	swait.ge @!p1 [sflag:s4], $0x2000  }
0x45: {  	[sflag:s4] =	ssyncset.done @!p1 $0x0  }
0x46: {  	[sflag:s4] =	ssyncadd.s32 @!p1 $0xFFFFE000;
	s4 =	simm.s32 @!p1 $0x2  }
0x47: {  	_ =	swait.ge @!p1 [sflag:s4], $0x2000  }
0x48: {  	[sflag:s4] =	ssyncset.done @!p1 $0x0  }
0x49: {  	s6 =	simm.s32 @!p1 $0x2800;
	[sflag:s4] =	ssyncadd.s32 @!p1 $0xFFFFE000;
	s4 =	simm.s32 @!p1 $0x80  }
0x4a: {  	[spmem:s1] =	stream.indirect.scatter.add.f32 @!p1 [tilespmem:s6], [sflag:$0x5], $0x80, s0, s4, $0xb8;
	[tilespmem:$0x1E0C0] =	vst v63  }
0x4b: {  	p2 =	sgt.u32 @!p1 s28, $0x25;
	s4 =	simm.s32 @!p1 $0x5  }
0x4c: {  	p2 =	por p2, p1;
	_ =	swait.ge @!p1 [sflag:s4], $0x4000  }
0x4d: {  	s7 =	simm.s32 @!p2 $0x2800;
	[sflag:s4] =	ssyncset.done @!p1 $0x0  }
0x4e: {  	s6 =	simm.s32 @!p2 $0x40;
	[sflag:s4] =	ssyncadd.s32 @!p1 $0xFFFFC000;
	s4 =	sadd.s32 @!p2 $0xFFFFFFC0, s26  }
0x4f: {  	[tilespmem:s7], [sflag:$0x1] =	stream.indirect.gather @!p2 [hbm4b:s3+s6], $0x80, s4, s6, $0xb8;
	[tilespmem:$0x1E0C0] =	vst v63  }
0x50: {  	s4 =	simm.s32 @!p2 $0x4800  }
0x51: {  	[tilespmem:s4], [sflag:$0x2] =	stream.indirect.gather @!p2 [hbm4b:s3+s6], $0x80, s26, s6, $0xb8;
	[tilespmem:$0x1E0C0] =	vst v63  }
0x52: {  	p2 =	seq.s32 @!p1 s2, $0x0  }
0x53: {  	p1 =	por p1, !p2  }
.Ltmp4:
0x54: {  	_ = 	snop;
	(pc) =	sbr.rel @!p1 .LBB2_4-.Ltmp4, $1  }
0x55: {  	_ =	sdelay $0x3  }
0x56: {  	_ =	swait.ge [sflag:s29], $0x2000  }
0x57: {  	[sflag:s29] =	ssyncset.done $0x0  }
0x58: {  	[sflag:s29] =	ssyncadd.s32 $0xFFFFE000  }
0x59: {  	_ =	swait.ge [sflag:s30], $0x2000  }
0x5a: {  	[sflag:s30] =	ssyncset.done $0x0  }
0x5b: {  	[sflag:s30] =	ssyncadd.s32 $0xFFFFE000  }
0x5c: {  	[spmem:s1] =	stream.indirect.scatter.add.f32 [tilespmem:s23], [sflag:$0x5], $0x80, s0, s22, $0xb8;
	[tilespmem:$0x1E0C0] =	vst v63  }
0x5d: {  	p1 =	sgt.u32 s28, $0x25;
	_ =	swait.ge [sflag:s15], $0x4000  }
.Ltmp5:
0x5e: {  	s2 =	sadd.s32 @!p1 $0xFFFFFFC0, s26;
	[sflag:s15] =	ssyncset.done $0x0;
	(pc) =	sbr.rel .LBB2_4-.Ltmp5, $4  }
0x5f: {  	s4 =	simm.s32 @!p1 $0x40;
	s6 =	simm.s32 @!p1 $0x6800;
	[sflag:s15] =	ssyncadd.s32 $0xFFFFC000  }
0x60: {  	[tilespmem:s6], [sflag:$0x3] =	stream.indirect.gather @!p1 [hbm4b:s3+s4], $0x80, s2, s4, $0xb8;
	[tilespmem:$0x1E0C0] =	vst v63  }
0x61: {  	s2 =	simm.s32 @!p1 $0x8800  }
0x62: {  	[tilespmem:s2], [sflag:$0x4] =	stream.indirect.gather @!p1 [hbm4b:s3+s4], $0x80, s26, s4, $0xb8;
	[tilespmem:$0x1E0C0] =	vst v63  }
.LBB2_5:
0x63: {  	s0 =	simm.s32 $0x0  }
0x64: {  	[tilespmem:s0], [sflag:$0x5] =	stream.strided.gather [hbm4b:s9+s17], $0x1000, s18, s17, $0x38;
	[tilespmem:$0x1E0C0] =	vst v63  }
0x65: {  	s2 =	sadd.s32 $0x4000, s9;
	s4 =	simm.s32 $0x1000  }
0x66: {  	[tilespmem:s4], [sflag:$0x5] =	stream.linear.gather [hbm4b:s2+s0], $0x380, $0x38;
	[tilespmem:$0x1E0C0] =	vst v63  }
0x67: {  	_ =	swait.ge [sflag:s15], $0x1380  }
0x68: {  	[sflag:s15] =	ssyncset.done $0x0  }
0x69: {  	s26 =	simm.s32 $0x1400;
	[sflag:s15] =	ssyncadd.s32 $0xFFFFEC80  }
0x6a: {  	[tilespmem:s26], [sflag:$0x5] =	stream.strided.gather [hbm4b:s10+s17], $0x1000, s18, s17, $0x38;
	[tilespmem:$0x1E0C0] =	vst v63  }
0x6b: {  	s6 =	sadd.s32 $0x4000, s10;
	s7 =	simm.s32 $0x2400  }
0x6c: {  	[tilespmem:s7], [sflag:$0x5] =	stream.linear.gather [hbm4b:s6+s0], $0x380, $0x38;
	[tilespmem:$0x1E0C0] =	vst v63  }
0x6d: {  	_ =	swait.ge [sflag:s15], $0x1380  }
0x6e: {  	[sflag:s15] =	ssyncset.done $0x0  }
0x6f: {  	[sflag:s15] =	ssyncadd.s32 $0xFFFFEC80  }
0x70: {  	[tilespmem:s20], [sflag:$0x1] =	stream.indirect.gather [hbm4b:s3+s19], $0x80, s0, s19, $0xb8;
	[tilespmem:$0x1E0C0] =	vst v63  }
0x71: {  	_ = 	snop  }
0x72: {  	[tilespmem:s21], [sflag:$0x2] =	stream.indirect.gather [hbm4b:s3+s19], $0x80, s19, s19, $0xb8;
	[tilespmem:$0x1E0C0] =	vst v63  }
.Ltmp6:
0x73: {  	_ = 	snop;
	(pc) =	sbr.rel .LBB2_6-.Ltmp6, $4  }
0x74: {  	_ = 	snop  }
0x75: {  	[tilespmem:s23], [sflag:$0x3] =	stream.indirect.gather [hbm4b:s3+s19], $0x80, s22, s19, $0xb8;
	[tilespmem:$0x1E0C0] =	vst v63  }
0x76: {  	s28 =	simm.s32 $0x140  }
0x77: {  	[tilespmem:s25], [sflag:$0x4] =	stream.indirect.gather [hbm4b:s3+s19], $0x80, s24, s19, $0xb8;
	[tilespmem:$0x1E0C0] =	vst v63  }
.LBB2_8:
0x78: {  	s0 =	sadd.s32 $0x1, s0  }
0x79: {  	p1 =	sne.s32 s0, $0x27  }
.Ltmp7:
0x7a: {  	_ = 	snop;
	(pc) =	sbr.rel @!p1 .LBB2_9-.Ltmp7, $2  }
0x7b: {  	_ =	sdelay $0x2  }
0x7c: {  	s26 =	sadd.s32 $0x80, s26;
	s28 =	sadd.s32 $0x80, s28  }
.LBB2_6:
0x7d: {  	s2 =	sand.u32 $0x1, s0  }
0x7e: {  	p1 =	seq.s32 s2, $0x1  }
0x7f: {  	s4 =	simm.s32 @!p1 $0x1  }
0x80: {  	_ =	swait.ge @!p1 [sflag:s4], $0x2000  }
0x81: {  	[sflag:s4] =	ssyncset.done @!p1 $0x0  }
0x82: {  	[sflag:s4] =	ssyncadd.s32 @!p1 $0xFFFFE000;
	s4 =	simm.s32 @!p1 $0x2  }
0x83: {  	_ =	swait.ge @!p1 [sflag:s4], $0x2000  }
0x84: {  	[sflag:s4] =	ssyncset.done @!p1 $0x0  }
0x85: {  	s6 =	simm.s32 @!p1 $0x2800;
	[sflag:s4] =	ssyncadd.s32 @!p1 $0xFFFFE000;
	s4 =	simm.s32 @!p1 $0x80  }
0x86: {  	[spmem:s1] =	stream.indirect.scatter.add.f32 @!p1 [tilespmem:s6], [sflag:$0x5], $0x80, s26, s4, $0xb8;
	[tilespmem:$0x1E0C0] =	vst v63  }
0x87: {  	p2 =	sgt.u32 @!p1 s0, $0x24;
	s4 =	simm.s32 @!p1 $0x5  }
0x88: {  	p2 =	por p2, p1;
	_ =	swait.ge @!p1 [sflag:s4], $0x4000  }
0x89: {  	s7 =	simm.s32 @!p2 $0x2800;
	[sflag:s4] =	ssyncset.done @!p1 $0x0  }
0x8a: {  	s6 =	simm.s32 @!p2 $0x40;
	[sflag:s4] =	ssyncadd.s32 @!p1 $0xFFFFC000;
	s4 =	sadd.s32 @!p2 $0xFFFFFFC0, s28  }
0x8b: {  	[tilespmem:s7], [sflag:$0x1] =	stream.indirect.gather @!p2 [hbm4b:s3+s6], $0x80, s4, s6, $0xb8;
	[tilespmem:$0x1E0C0] =	vst v63  }
0x8c: {  	s4 =	simm.s32 @!p2 $0x4800  }
0x8d: {  	[tilespmem:s4], [sflag:$0x2] =	stream.indirect.gather @!p2 [hbm4b:s3+s6], $0x80, s28, s6, $0xb8;
	[tilespmem:$0x1E0C0] =	vst v63  }
0x8e: {  	p2 =	seq.s32 @!p1 s2, $0x0  }
0x8f: {  	p1 =	por p1, !p2  }
.Ltmp8:
0x90: {  	_ = 	snop;
	(pc) =	sbr.rel @!p1 .LBB2_8-.Ltmp8, $1  }
0x91: {  	_ =	sdelay $0x3  }
0x92: {  	_ =	swait.ge [sflag:s29], $0x2000  }
0x93: {  	[sflag:s29] =	ssyncset.done $0x0  }
0x94: {  	[sflag:s29] =	ssyncadd.s32 $0xFFFFE000  }
0x95: {  	_ =	swait.ge [sflag:s30], $0x2000  }
0x96: {  	[sflag:s30] =	ssyncset.done $0x0  }
0x97: {  	[sflag:s30] =	ssyncadd.s32 $0xFFFFE000  }
0x98: {  	[spmem:s1] =	stream.indirect.scatter.add.f32 [tilespmem:s23], [sflag:$0x5], $0x80, s26, s22, $0xb8;
	[tilespmem:$0x1E0C0] =	vst v63  }
0x99: {  	p1 =	sgt.u32 s0, $0x24;
	_ =	swait.ge [sflag:s15], $0x4000  }
.Ltmp9:
0x9a: {  	s2 =	sadd.s32 @!p1 $0xFFFFFFC0, s28;
	[sflag:s15] =	ssyncset.done $0x0;
	(pc) =	sbr.rel .LBB2_8-.Ltmp9, $4  }
0x9b: {  	s4 =	simm.s32 @!p1 $0x40;
	s6 =	simm.s32 @!p1 $0x6800;
	[sflag:s15] =	ssyncadd.s32 $0xFFFFC000  }
0x9c: {  	[tilespmem:s6], [sflag:$0x3] =	stream.indirect.gather @!p1 [hbm4b:s3+s4], $0x80, s2, s4, $0xb8;
	[tilespmem:$0x1E0C0] =	vst v63  }
0x9d: {  	s2 =	simm.s32 @!p1 $0x8800  }
0x9e: {  	[tilespmem:s2], [sflag:$0x4] =	stream.indirect.gather @!p1 [hbm4b:s3+s4], $0x80, s28, s4, $0xb8;
	[tilespmem:$0x1E0C0] =	vst v63  }
.LBB2_10:
0x9f: {  	_ =	sfence.sel $0x180000  }
0xa0: {  	[bflag:$0x0] =	sbarrier.arrive $0xFFFF  }
0xa1: {  	_ =	strace $0x90000050  }
0xa2: {  	[bflag:$0x2] =	sbarrier.arrive $0xFFFF  }
0xa3: {  	s0 =	rddreg [dreg:$0x3]  }
0xa4: {  	s0 =	sadd.s32 @!p0 $0x100000, s0  }
0xa5: {  	[sflag:s0] =	ssyncadd.tile.s32 @!p0 $0x1;
	_ =	shalt  }
.Lfunc_end2:
_tile_overlayer_lowered:
.L_overlay_start_2:
0xa6: {  	(tag) =	ssettag $0x2  }
0xa7: {  	s0 =	rddreg [dreg:$0x0];
	s2 =	stileid.u32  }
0xa8: {  	s1 =	rddreg [dreg:$0x1];
	p0 =	sne.s32 s2, $0x0  }
0xa9: {  	s3 =	rddreg [dreg:$0x2];
	[bflag:$0x3] =	sbarrier.arrive $0xFFFF;
	s2 =	simm.s32 @!p0 $0x1C05  }
0xaa: {  	[timem:s3], [sflag:s2] =	dma.local @!p0 [hbm:s0], s1  }
0xab: {  	s0 =	simm.s32 @!p0 $0x5  }
0xac: {  	_ =	swait.ge @!p0 [sflag:s0], s1  }
0xad: {  	s1 =	ssub.s32 @!p0 $0x0, s1;
	[sflag:s0] =	ssyncset.done @!p0 $0x0  }
0xae: {  	[sflag:s0] =	ssyncadd.s32 @!p0 s1  }
0xaf: {  	[bflag:$0x3] =	sbarrier.arrive $0xFFFF  }
0xb0: {  	_ =	shalt  }

</sc_bundles>
